<compile_context>
chip_gen: v7x
topology: tpu7x:2x2x1
jax: 0.10.2.dev20260603
libtpu: 0.0.44.dev20260713+nightly
codegen_flags: <defaults>
</compile_context>

<pallas_src>
import functools

import numpy as np
import jax
import jax.numpy as jnp
from jax import lax
from jax.experimental import pallas as pl
from jax.experimental.pallas import tpu as pltpu
from jax.experimental.pallas import tpu_sc as plsc


def _spiral_index_map(n_circle=3, n_sequence=8, steps=(1, 2, 3)):
    width = 2 * n_circle + 1
    ci = cj = n_circle
    circle_coords = {}
    for k in range(1, n_circle + 1):
        coords = []
        i, j = ci - k, cj
        coords.append((i, j))
        moves = ([(0, 1)] * k + [(1, 0)] * (2 * k) + [(0, -1)] * (2 * k)
                 + [(-1, 0)] * (2 * k) + [(0, 1)] * (k - 1))
        for di, dj in moves:
            i += di
            j += dj
            coords.append((i, j))
        for q, cd in enumerate(coords):
            circle_coords[(k, q)] = cd
    seq_len = 1 + sum(steps)
    idx = np.zeros((n_sequence, seq_len), dtype=np.int32)
    for c in range(n_sequence):
        idx[c, 0] = ci * width + cj
        off = 1
        for k in range(1, n_circle + 1):
            s = steps[k - 1]
            pos = list(range(s * c, s * c + s))
            if c % 2 == 1:
                pos = pos[::-1]
            for q in pos:
                i, j = circle_coords[(k, q)]
                idx[c, off] = i * width + j
                off += 1
    return idx.reshape(-1)


_IDX56 = _spiral_index_map()

_NC, _NS = 2, 16
_NW = _NC * _NS


@functools.cache
def _make_sc_scan(c_int, w, n_band, bs):
    n_seq = _IDX56.shape[0]
    assert c_int == _NW

    mesh = plsc.VectorSubcoreMesh(core_axis_name="c", subcore_axis_name="s",
                                  num_cores=_NC, num_subcores=_NS)

    nbuf = 4
    center = (w // 2) * w + (w // 2)
    seq_center = [s for s in range(n_seq) if int(_IDX56[s]) == center]
    seq_ring = [s for s in range(n_seq) if int(_IDX56[s]) != center]
    assert len(seq_ring) % nbuf == 0

    @functools.partial(
        pl.kernel,
        out_type=jax.ShapeDtypeStruct((c_int, 1, n_seq, n_band, bs),
                                      jnp.float32),
        mesh=mesh,
        scratch_types=(
            [pltpu.VMEM((n_band, bs), jnp.float32) for _ in range(nbuf + 1)]
            + [pltpu.SemaphoreType.DMA for _ in range(2 * nbuf + 2)]
        ),
        compiler_params=pltpu.CompilerParams(use_tc_tiling_on_sc=True),
    )
    def sc_scan(xt, out, *rest):
        buf = rest[:nbuf]
        cbuf = rest[nbuf]
        isem = rest[nbuf + 1:2 * nbuf + 1]
        csem_i, csem_o = rest[2 * nbuf + 1], rest[2 * nbuf + 2]
        osem = rest[2 * nbuf + 3:]
        wid = lax.axis_index("s") * _NC + lax.axis_index("c")

        def start_in(s, k):
            p = int(_IDX56[s])
            pltpu.async_copy(xt.at[wid, p // w, p % w], buf[k], isem[k])

        def wait_in(k):
            pltpu.make_async_copy(xt.at[wid, 0, 0], buf[k], isem[k]).wait()

        def start_out(s, k):
            pltpu.async_copy(buf[k], out.at[wid, 0, s], osem[k])

        def wait_out(k):
            pltpu.make_async_copy(buf[k], out.at[wid, 0, 0], osem[k]).wait()

        pltpu.async_copy(xt.at[wid, w // 2, w // 2], cbuf, csem_i)
        for k in range(nbuf):
            start_in(seq_ring[k], k)
        pltpu.make_async_copy(xt.at[wid, 0, 0], cbuf, csem_i).wait()
        for s in seq_center:
            pltpu.async_copy(cbuf, out.at[wid, 0, s], csem_o)

        nring = len(seq_ring)
        for g in range(0, nring, nbuf):
            for k in range(nbuf):
                wait_in(k)
                start_out(seq_ring[g + k], k)
            if g + nbuf < nring:
                for k in range(nbuf):
                    wait_out(k)
                    start_in(seq_ring[g + nbuf + k], k)
        for k in range(nbuf):
            wait_out(k)
        for s in seq_center:
            pltpu.make_async_copy(cbuf, out.at[wid, 0, 0], csem_o).wait()

    return sc_scan


def kernel(x):
    bs, c_int, w, w2, n_band = x.shape
    xt = jnp.transpose(x, (1, 2, 3, 4, 0))
    out_t = _make_sc_scan(c_int, w, n_band, bs)(xt)
    return jnp.transpose(out_t, (4, 0, 1, 2, 3))

# --- scband reference (transcript-rebuilt; emitter-appended) ---
"""Pipeline reference for scband-centralized-scan-88167088652524 (READ-ONLY COPY).

The authoritative reference and input builder live on the scoring server;
editing this copy changes nothing except your own understanding.
"""

import jax, jax.numpy as jnp
import numpy as np


def _build_index_map(n_circle=3, n_centralized_sequence=8, sequence_length=7, steps=(1, 2, 3)):
    width = 2 * n_circle + 1
    ci = cj = n_circle
    # centralized-space map: circle k, position q (clockwise starting directly above center)
    circle_coords = {}
    for k in range(1, n_circle + 1):
        coords = []
        i, j = ci - k, cj
        coords.append((i, j))
        moves = [(0, 1)] * k + [(1, 0)] * (2 * k) + [(0, -1)] * (2 * k) + [(-1, 0)] * (2 * k) + [(0, 1)] * (k - 1)
        for di, dj in moves:
            i += di
            j += dj
            coords.append((i, j))
        for q, cd in enumerate(coords):
            circle_coords[(k, q)] = cd
    # sequence-space map: sequence c walks outward, boustrophedon per circle
    idx = np.zeros((n_centralized_sequence, sequence_length), dtype=np.int32)
    center_flat = ci * width + cj
    for c in range(n_centralized_sequence):
        idx[c, 0] = center_flat
        off = 1
        for k in range(1, n_circle + 1):
            s = steps[k - 1]
            pos = list(range(s * c, s * c + s))
            if c % 2 == 1:
                pos = pos[::-1]
            for q in pos:
                i, j = circle_coords[(k, q)]
                idx[c, off] = i * width + j
                off += 1
    return idx.reshape(-1)


_IDX = _build_index_map()


def setup_inputs(seed: int = 0) -> dict:
    key = jax.random.key(seed)
    x = jax.random.normal(key, (128, 32, 7, 7, 200), dtype=jnp.float32)
    return {"x": x}


def reference(x):
    bs, c_int, w, _, n_band = x.shape
    idx = jnp.asarray(_IDX)
    flat = x.reshape(bs, c_int, w * w, n_band)
    gathered = jnp.take(flat, idx, axis=2)
    return gathered.reshape(bs, c_int, 1, idx.shape[0], n_band)

if __name__ == "__main__":
    import jax
    _d = setup_inputs()
    print(jax.jit(kernel)(*tuple(_d.values())))

</pallas_src>

<mosaic_0001>
#map = affine_map<(d0, d1) -> (0, 0, 0, 0, 0)>
module attributes {stable_mosaic.version = 14 : i64} {
  func.func @sc_scan(%arg0: i32, %arg1: i32, %arg2: memref<32x7x7x200x128xf32, #tpu.memory_space<hbm>>, %arg3: memref<32x1x56x200x128xf32, #tpu.memory_space<hbm>>, %arg4: memref<200x128xf32, #tpu.memory_space<vmem>>, %arg5: memref<200x128xf32, #tpu.memory_space<vmem>>, %arg6: memref<200x128xf32, #tpu.memory_space<vmem>>, %arg7: memref<200x128xf32, #tpu.memory_space<vmem>>, %arg8: memref<200x128xf32, #tpu.memory_space<vmem>>, %arg9: memref<!tpu.dma_semaphore, #tpu.memory_space<semaphore_mem>>, %arg10: memref<!tpu.dma_semaphore, #tpu.memory_space<semaphore_mem>>, %arg11: memref<!tpu.dma_semaphore, #tpu.memory_space<semaphore_mem>>, %arg12: memref<!tpu.dma_semaphore, #tpu.memory_space<semaphore_mem>>, %arg13: memref<!tpu.dma_semaphore, #tpu.memory_space<semaphore_mem>>, %arg14: memref<!tpu.dma_semaphore, #tpu.memory_space<semaphore_mem>>, %arg15: memref<!tpu.dma_semaphore, #tpu.memory_space<semaphore_mem>>, %arg16: memref<!tpu.dma_semaphore, #tpu.memory_space<semaphore_mem>>, %arg17: memref<!tpu.dma_semaphore, #tpu.memory_space<semaphore_mem>>, %arg18: memref<!tpu.dma_semaphore, #tpu.memory_space<semaphore_mem>>) attributes {dimension_semantics = [#tpu.dimension_semantics<core_parallel>, #tpu.dimension_semantics<subcore_parallel>], iteration_bounds = array<i64: 2, 16>, scalar_prefetch = 0 : i64, scratch_operands = 15 : i64, tpu.core_type = #tpu.core_type<sc_vector_subcore>, window_params = [{transform_indices = #map}, {transform_indices = #map}]} {
    %mul3A = arith.constant 2 : i32
    %mul3A_0 = arith.muli %arg1, %mul3A : i32
    %add3A = arith.addi %mul3A_0, %arg0 : i32
    %dma_start3A = arith.constant 3 : i32
    %dma_start3A_1 = arith.constant 3 : i32
    %dma_start3A_2 = arith.constant 0 : i32
    %dma_start3A_3 = arith.constant 0 : i32
    %dma_start3A_4 = tpu.memref_slice %arg2[%add3A, %dma_start3A, %dma_start3A_1, %dma_start3A_2, %dma_start3A_3] : memref<32x7x7x200x128xf32, #tpu.memory_space<hbm>> -> memref<1x1x1x200x128xf32, #tpu.memory_space<hbm>>
    %dma_start3A_5 = tpu.memref_squeeze %dma_start3A_4 : memref<1x1x1x200x128xf32, #tpu.memory_space<hbm>> -> memref<200x128xf32, #tpu.memory_space<hbm>>
    %dma_start3A_6 = arith.constant 0 : i32
    %dma_start3A_7 = arith.constant 0 : i32
    %dma_start3A_8 = tpu.memref_slice %arg2[%add3A, %dma_start3A, %dma_start3A_1, %dma_start3A_6, %dma_start3A_7] : memref<32x7x7x200x128xf32, #tpu.memory_space<hbm>> -> memref<1x1x1x200x128xf32, #tpu.memory_space<hbm>>
    %dma_start3A_9 = tpu.memref_squeeze %dma_start3A_8 : memref<1x1x1x200x128xf32, #tpu.memory_space<hbm>> -> memref<200x128xf32, #tpu.memory_space<hbm>>
    tpu.enqueue_dma source(%dma_start3A_9 : memref<200x128xf32, #tpu.memory_space<hbm>>) target(%arg8 : memref<200x128xf32, #tpu.memory_space<vmem>>) target_semaphore(%arg13 : memref<!tpu.dma_semaphore, #tpu.memory_space<semaphore_mem>>)
    %dma_start3A_10 = arith.constant 2 : i32
    %dma_start3A_11 = arith.constant 3 : i32
    %dma_start3A_12 = arith.constant 0 : i32
    %dma_start3A_13 = arith.constant 0 : i32
    %dma_start3A_14 = tpu.memref_slice %arg2[%add3A, %dma_start3A_10, %dma_start3A_11, %dma_start3A_12, %dma_start3A_13] : memref<32x7x7x200x128xf32, #tpu.memory_space<hbm>> -> memref<1x1x1x200x128xf32, #tpu.memory_space<hbm>>
    %dma_start3A_15 = tpu.memref_squeeze %dma_start3A_14 : memref<1x1x1x200x128xf32, #tpu.memory_space<hbm>> -> memref<200x128xf32, #tpu.memory_space<hbm>>
    %dma_start3A_16 = arith.constant 0 : i32
    %dma_start3A_17 = arith.constant 0 : i32
    %dma_start3A_18 = tpu.memref_slice %arg2[%add3A, %dma_start3A_10, %dma_start3A_11, %dma_start3A_16, %dma_start3A_17] : memref<32x7x7x200x128xf32, #tpu.memory_space<hbm>> -> memref<1x1x1x200x128xf32, #tpu.memory_space<hbm>>
    %dma_start3A_19 = tpu.memref_squeeze %dma_start3A_18 : memref<1x1x1x200x128xf32, #tpu.memory_space<hbm>> -> memref<200x128xf32, #tpu.memory_space<hbm>>
    tpu.enqueue_dma source(%dma_start3A_19 : memref<200x128xf32, #tpu.memory_space<hbm>>) target(%arg4 : memref<200x128xf32, #tpu.memory_space<vmem>>) target_semaphore(%arg9 : memref<!tpu.dma_semaphore, #tpu.memory_space<semaphore_mem>>)
    %dma_start3A_20 = arith.constant 1 : i32
    %dma_start3A_21 = arith.constant 3 : i32
    %dma_start3A_22 = arith.constant 0 : i32
    %dma_start3A_23 = arith.constant 0 : i32
    %dma_start3A_24 = tpu.memref_slice %arg2[%add3A, %dma_start3A_20, %dma_start3A_21, %dma_start3A_22, %dma_start3A_23] : memref<32x7x7x200x128xf32, #tpu.memory_space<hbm>> -> memref<1x1x1x200x128xf32, #tpu.memory_space<hbm>>
    %dma_start3A_25 = tpu.memref_squeeze %dma_start3A_24 : memref<1x1x1x200x128xf32, #tpu.memory_space<hbm>> -> memref<200x128xf32, #tpu.memory_space<hbm>>
    %dma_start3A_26 = arith.constant 0 : i32
    %dma_start3A_27 = arith.constant 0 : i32
    %dma_start3A_28 = tpu.memref_slice %arg2[%add3A, %dma_start3A_20, %dma_start3A_21, %dma_start3A_26, %dma_start3A_27] : memref<32x7x7x200x128xf32, #tpu.memory_space<hbm>> -> memref<1x1x1x200x128xf32, #tpu.memory_space<hbm>>
    %dma_start3A_29 = tpu.memref_squeeze %dma_start3A_28 : memref<1x1x1x200x128xf32, #tpu.memory_space<hbm>> -> memref<200x128xf32, #tpu.memory_space<hbm>>
    tpu.enqueue_dma source(%dma_start3A_29 : memref<200x128xf32, #tpu.memory_space<hbm>>) target(%arg5 : memref<200x128xf32, #tpu.memory_space<vmem>>) target_semaphore(%arg10 : memref<!tpu.dma_semaphore, #tpu.memory_space<semaphore_mem>>)
    %dma_start3A_30 = arith.constant 1 : i32
    %dma_start3A_31 = arith.constant 4 : i32
    %dma_start3A_32 = arith.constant 0 : i32
    %dma_start3A_33 = arith.constant 0 : i32
    %dma_start3A_34 = tpu.memref_slice %arg2[%add3A, %dma_start3A_30, %dma_start3A_31, %dma_start3A_32, %dma_start3A_33] : memref<32x7x7x200x128xf32, #tpu.memory_space<hbm>> -> memref<1x1x1x200x128xf32, #tpu.memory_space<hbm>>
    %dma_start3A_35 = tpu.memref_squeeze %dma_start3A_34 : memref<1x1x1x200x128xf32, #tpu.memory_space<hbm>> -> memref<200x128xf32, #tpu.memory_space<hbm>>
    %dma_start3A_36 = arith.constant 0 : i32
    %dma_start3A_37 = arith.constant 0 : i32
    %dma_start3A_38 = tpu.memref_slice %arg2[%add3A, %dma_start3A_30, %dma_start3A_31, %dma_start3A_36, %dma_start3A_37] : memref<32x7x7x200x128xf32, #tpu.memory_space<hbm>> -> memref<1x1x1x200x128xf32, #tpu.memory_space<hbm>>
    %dma_start3A_39 = tpu.memref_squeeze %dma_start3A_38 : memref<1x1x1x200x128xf32, #tpu.memory_space<hbm>> -> memref<200x128xf32, #tpu.memory_space<hbm>>
    tpu.enqueue_dma source(%dma_start3A_39 : memref<200x128xf32, #tpu.memory_space<hbm>>) target(%arg6 : memref<200x128xf32, #tpu.memory_space<vmem>>) target_semaphore(%arg11 : memref<!tpu.dma_semaphore, #tpu.memory_space<semaphore_mem>>)
    %dma_start3A_40 = arith.constant 0 : i32
    %dma_start3A_41 = arith.constant 3 : i32
    %dma_start3A_42 = arith.constant 0 : i32
    %dma_start3A_43 = arith.constant 0 : i32
    %dma_start3A_44 = tpu.memref_slice %arg2[%add3A, %dma_start3A_40, %dma_start3A_41, %dma_start3A_42, %dma_start3A_43] : memref<32x7x7x200x128xf32, #tpu.memory_space<hbm>> -> memref<1x1x1x200x128xf32, #tpu.memory_space<hbm>>
    %dma_start3A_45 = tpu.memref_squeeze %dma_start3A_44 : memref<1x1x1x200x128xf32, #tpu.memory_space<hbm>> -> memref<200x128xf32, #tpu.memory_space<hbm>>
    %dma_start3A_46 = arith.constant 0 : i32
    %dma_start3A_47 = arith.constant 0 : i32
    %dma_start3A_48 = tpu.memref_slice %arg2[%add3A, %dma_start3A_40, %dma_start3A_41, %dma_start3A_46, %dma_start3A_47] : memref<32x7x7x200x128xf32, #tpu.memory_space<hbm>> -> memref<1x1x1x200x128xf32, #tpu.memory_space<hbm>>
    %dma_start3A_49 = tpu.memref_squeeze %dma_start3A_48 : memref<1x1x1x200x128xf32, #tpu.memory_space<hbm>> -> memref<200x128xf32, #tpu.memory_space<hbm>>
    tpu.enqueue_dma source(%dma_start3A_49 : memref<200x128xf32, #tpu.memory_space<hbm>>) target(%arg7 : memref<200x128xf32, #tpu.memory_space<vmem>>) target_semaphore(%arg12 : memref<!tpu.dma_semaphore, #tpu.memory_space<semaphore_mem>>)
    %dma_wait3A = arith.constant 0 : i32
    %dma_wait3A_50 = arith.constant 0 : i32
    %dma_wait3A_51 = arith.constant 0 : i32
    %dma_wait3A_52 = arith.constant 0 : i32
    %dma_wait3A_53 = tpu.memref_slice %arg2[%add3A, %dma_wait3A, %dma_wait3A_50, %dma_wait3A_51, %dma_wait3A_52] : memref<32x7x7x200x128xf32, #tpu.memory_space<hbm>> -> memref<1x1x1x200x128xf32, #tpu.memory_space<hbm>>
    %dma_wait3A_54 = tpu.memref_squeeze %dma_wait3A_53 : memref<1x1x1x200x128xf32, #tpu.memory_space<hbm>> -> memref<200x128xf32, #tpu.memory_space<hbm>>
    %dma_wait3A_55 = arith.constant 0 : i32
    %dma_wait3A_56 = arith.constant 0 : i32
    %dma_wait3A_57 = tpu.memref_slice %arg2[%add3A, %dma_wait3A, %dma_wait3A_50, %dma_wait3A_55, %dma_wait3A_56] : memref<32x7x7x200x128xf32, #tpu.memory_space<hbm>> -> memref<1x1x1x200x128xf32, #tpu.memory_space<hbm>>
    %dma_wait3A_58 = tpu.memref_squeeze %dma_wait3A_57 : memref<1x1x1x200x128xf32, #tpu.memory_space<hbm>> -> memref<200x128xf32, #tpu.memory_space<hbm>>
    tpu.wait_dma2 semaphore(%arg13 : memref<!tpu.dma_semaphore, #tpu.memory_space<semaphore_mem>>) src(%dma_wait3A_58 : memref<200x128xf32, #tpu.memory_space<hbm>>) dst(%arg8 : memref<200x128xf32, #tpu.memory_space<vmem>>)
    %dma_start3A_59 = arith.constant 0 : i32
    %dma_start3A_60 = arith.constant 0 : i32
    %dma_start3A_61 = arith.constant 0 : i32
    %dma_start3A_62 = arith.constant 0 : i32
    %dma_start3A_63 = tpu.memref_slice %arg3[%add3A, %dma_start3A_59, %dma_start3A_60, %dma_start3A_61, %dma_start3A_62] : memref<32x1x56x200x128xf32, #tpu.memory_space<hbm>> -> memref<1x1x1x200x128xf32, #tpu.memory_space<hbm>>
    %dma_start3A_64 = tpu.memref_squeeze %dma_start3A_63 : memref<1x1x1x200x128xf32, #tpu.memory_space<hbm>> -> memref<200x128xf32, #tpu.memory_space<hbm>>
    %dma_start3A_65 = arith.constant 0 : i32
    %dma_start3A_66 = arith.constant 0 : i32
    %dma_start3A_67 = tpu.memref_slice %arg3[%add3A, %dma_start3A_59, %dma_start3A_60, %dma_start3A_65, %dma_start3A_66] : memref<32x1x56x200x128xf32, #tpu.memory_space<hbm>> -> memref<1x1x1x200x128xf32, #tpu.memory_space<hbm>>
    %dma_start3A_68 = tpu.memref_squeeze %dma_start3A_67 : memref<1x1x1x200x128xf32, #tpu.memory_space<hbm>> -> memref<200x128xf32, #tpu.memory_space<hbm>>
    tpu.enqueue_dma source(%arg8 : memref<200x128xf32, #tpu.memory_space<vmem>>) target(%dma_start3A_68 : memref<200x128xf32, #tpu.memory_space<hbm>>) target_semaphore(%arg14 : memref<!tpu.dma_semaphore, #tpu.memory_space<semaphore_mem>>)
    %dma_start3A_69 = arith.constant 0 : i32
    %dma_start3A_70 = arith.constant 7 : i32
    %dma_start3A_71 = arith.constant 0 : i32
    %dma_start3A_72 = arith.constant 0 : i32
    %dma_start3A_73 = tpu.memref_slice %arg3[%add3A, %dma_start3A_69, %dma_start3A_70, %dma_start3A_71, %dma_start3A_72] : memref<32x1x56x200x128xf32, #tpu.memory_space<hbm>> -> memref<1x1x1x200x128xf32, #tpu.memory_space<hbm>>
    %dma_start3A_74 = tpu.memref_squeeze %dma_start3A_73 : memref<1x1x1x200x128xf32, #tpu.memory_space<hbm>> -> memref<200x128xf32, #tpu.memory_space<hbm>>
    %dma_start3A_75 = arith.constant 0 : i32
    %dma_start3A_76 = arith.constant 0 : i32
    %dma_start3A_77 = tpu.memref_slice %arg3[%add3A, %dma_start3A_69, %dma_start3A_70, %dma_start3A_75, %dma_start3A_76] : memref<32x1x56x200x128xf32, #tpu.memory_space<hbm>> -> memref<1x1x1x200x128xf32, #tpu.memory_space<hbm>>
    %dma_start3A_78 = tpu.memref_squeeze %dma_start3A_77 : memref<1x1x1x200x128xf32, #tpu.memory_space<hbm>> -> memref<200x128xf32, #tpu.memory_space<hbm>>
    tpu.enqueue_dma source(%arg8 : memref<200x128xf32, #tpu.memory_space<vmem>>) target(%dma_start3A_78 : memref<200x128xf32, #tpu.memory_space<hbm>>) target_semaphore(%arg14 : memref<!tpu.dma_semaphore, #tpu.memory_space<semaphore_mem>>)
    %dma_start3A_79 = arith.constant 0 : i32
    %dma_start3A_80 = arith.constant 14 : i32
    %dma_start3A_81 = arith.constant 0 : i32
    %dma_start3A_82 = arith.constant 0 : i32
    %dma_start3A_83 = tpu.memref_slice %arg3[%add3A, %dma_start3A_79, %dma_start3A_80, %dma_start3A_81, %dma_start3A_82] : memref<32x1x56x200x128xf32, #tpu.memory_space<hbm>> -> memref<1x1x1x200x128xf32, #tpu.memory_space<hbm>>
    %dma_start3A_84 = tpu.memref_squeeze %dma_start3A_83 : memref<1x1x1x200x128xf32, #tpu.memory_space<hbm>> -> memref<200x128xf32, #tpu.memory_space<hbm>>
    %dma_start3A_85 = arith.constant 0 : i32
    %dma_start3A_86 = arith.constant 0 : i32
    %dma_start3A_87 = tpu.memref_slice %arg3[%add3A, %dma_start3A_79, %dma_start3A_80, %dma_start3A_85, %dma_start3A_86] : memref<32x1x56x200x128xf32, #tpu.memory_space<hbm>> -> memref<1x1x1x200x128xf32, #tpu.memory_space<hbm>>
    %dma_start3A_88 = tpu.memref_squeeze %dma_start3A_87 : memref<1x1x1x200x128xf32, #tpu.memory_space<hbm>> -> memref<200x128xf32, #tpu.memory_space<hbm>>
    tpu.enqueue_dma source(%arg8 : memref<200x128xf32, #tpu.memory_space<vmem>>) target(%dma_start3A_88 : memref<200x128xf32, #tpu.memory_space<hbm>>) target_semaphore(%arg14 : memref<!tpu.dma_semaphore, #tpu.memory_space<semaphore_mem>>)
    %dma_start3A_89 = arith.constant 0 : i32
    %dma_start3A_90 = arith.constant 21 : i32
    %dma_start3A_91 = arith.constant 0 : i32
    %dma_start3A_92 = arith.constant 0 : i32
    %dma_start3A_93 = tpu.memref_slice %arg3[%add3A, %dma_start3A_89, %dma_start3A_90, %dma_start3A_91, %dma_start3A_92] : memref<32x1x56x200x128xf32, #tpu.memory_space<hbm>> -> memref<1x1x1x200x128xf32, #tpu.memory_space<hbm>>
    %dma_start3A_94 = tpu.memref_squeeze %dma_start3A_93 : memref<1x1x1x200x128xf32, #tpu.memory_space<hbm>> -> memref<200x128xf32, #tpu.memory_space<hbm>>
    %dma_start3A_95 = arith.constant 0 : i32
    %dma_start3A_96 = arith.constant 0 : i32
    %dma_start3A_97 = tpu.memref_slice %arg3[%add3A, %dma_start3A_89, %dma_start3A_90, %dma_start3A_95, %dma_start3A_96] : memref<32x1x56x200x128xf32, #tpu.memory_space<hbm>> -> memref<1x1x1x200x128xf32, #tpu.memory_space<hbm>>
    %dma_start3A_98 = tpu.memref_squeeze %dma_start3A_97 : memref<1x1x1x200x128xf32, #tpu.memory_space<hbm>> -> memref<200x128xf32, #tpu.memory_space<hbm>>
    tpu.enqueue_dma source(%arg8 : memref<200x128xf32, #tpu.memory_space<vmem>>) target(%dma_start3A_98 : memref<200x128xf32, #tpu.memory_space<hbm>>) target_semaphore(%arg14 : memref<!tpu.dma_semaphore, #tpu.memory_space<semaphore_mem>>)
    %dma_start3A_99 = arith.constant 0 : i32
    %dma_start3A_100 = arith.constant 28 : i32
    %dma_start3A_101 = arith.constant 0 : i32
    %dma_start3A_102 = arith.constant 0 : i32
    %dma_start3A_103 = tpu.memref_slice %arg3[%add3A, %dma_start3A_99, %dma_start3A_100, %dma_start3A_101, %dma_start3A_102] : memref<32x1x56x200x128xf32, #tpu.memory_space<hbm>> -> memref<1x1x1x200x128xf32, #tpu.memory_space<hbm>>
    %dma_start3A_104 = tpu.memref_squeeze %dma_start3A_103 : memref<1x1x1x200x128xf32, #tpu.memory_space<hbm>> -> memref<200x128xf32, #tpu.memory_space<hbm>>
    %dma_start3A_105 = arith.constant 0 : i32
    %dma_start3A_106 = arith.constant 0 : i32
    %dma_start3A_107 = tpu.memref_slice %arg3[%add3A, %dma_start3A_99, %dma_start3A_100, %dma_start3A_105, %dma_start3A_106] : memref<32x1x56x200x128xf32, #tpu.memory_space<hbm>> -> memref<1x1x1x200x128xf32, #tpu.memory_space<hbm>>
    %dma_start3A_108 = tpu.memref_squeeze %dma_start3A_107 : memref<1x1x1x200x128xf32, #tpu.memory_space<hbm>> -> memref<200x128xf32, #tpu.memory_space<hbm>>
    tpu.enqueue_dma source(%arg8 : memref<200x128xf32, #tpu.memory_space<vmem>>) target(%dma_start3A_108 : memref<200x128xf32, #tpu.memory_space<hbm>>) target_semaphore(%arg14 : memref<!tpu.dma_semaphore, #tpu.memory_space<semaphore_mem>>)
    %dma_start3A_109 = arith.constant 0 : i32
    %dma_start3A_110 = arith.constant 35 : i32
    %dma_start3A_111 = arith.constant 0 : i32
    %dma_start3A_112 = arith.constant 0 : i32
    %dma_start3A_113 = tpu.memref_slice %arg3[%add3A, %dma_start3A_109, %dma_start3A_110, %dma_start3A_111, %dma_start3A_112] : memref<32x1x56x200x128xf32, #tpu.memory_space<hbm>> -> memref<1x1x1x200x128xf32, #tpu.memory_space<hbm>>
    %dma_start3A_114 = tpu.memref_squeeze %dma_start3A_113 : memref<1x1x1x200x128xf32, #tpu.memory_space<hbm>> -> memref<200x128xf32, #tpu.memory_space<hbm>>
    %dma_start3A_115 = arith.constant 0 : i32
    %dma_start3A_116 = arith.constant 0 : i32
    %dma_start3A_117 = tpu.memref_slice %arg3[%add3A, %dma_start3A_109, %dma_start3A_110, %dma_start3A_115, %dma_start3A_116] : memref<32x1x56x200x128xf32, #tpu.memory_space<hbm>> -> memref<1x1x1x200x128xf32, #tpu.memory_space<hbm>>
    %dma_start3A_118 = tpu.memref_squeeze %dma_start3A_117 : memref<1x1x1x200x128xf32, #tpu.memory_space<hbm>> -> memref<200x128xf32, #tpu.memory_space<hbm>>
    tpu.enqueue_dma source(%arg8 : memref<200x128xf32, #tpu.memory_space<vmem>>) target(%dma_start3A_118 : memref<200x128xf32, #tpu.memory_space<hbm>>) target_semaphore(%arg14 : memref<!tpu.dma_semaphore, #tpu.memory_space<semaphore_mem>>)
    %dma_start3A_119 = arith.constant 0 : i32
    %dma_start3A_120 = arith.constant 42 : i32
    %dma_start3A_121 = arith.constant 0 : i32
    %dma_start3A_122 = arith.constant 0 : i32
    %dma_start3A_123 = tpu.memref_slice %arg3[%add3A, %dma_start3A_119, %dma_start3A_120, %dma_start3A_121, %dma_start3A_122] : memref<32x1x56x200x128xf32, #tpu.memory_space<hbm>> -> memref<1x1x1x200x128xf32, #tpu.memory_space<hbm>>
    %dma_start3A_124 = tpu.memref_squeeze %dma_start3A_123 : memref<1x1x1x200x128xf32, #tpu.memory_space<hbm>> -> memref<200x128xf32, #tpu.memory_space<hbm>>
    %dma_start3A_125 = arith.constant 0 : i32
    %dma_start3A_126 = arith.constant 0 : i32
    %dma_start3A_127 = tpu.memref_slice %arg3[%add3A, %dma_start3A_119, %dma_start3A_120, %dma_start3A_125, %dma_start3A_126] : memref<32x1x56x200x128xf32, #tpu.memory_space<hbm>> -> memref<1x1x1x200x128xf32, #tpu.memory_space<hbm>>
    %dma_start3A_128 = tpu.memref_squeeze %dma_start3A_127 : memref<1x1x1x200x128xf32, #tpu.memory_space<hbm>> -> memref<200x128xf32, #tpu.memory_space<hbm>>
    tpu.enqueue_dma source(%arg8 : memref<200x128xf32, #tpu.memory_space<vmem>>) target(%dma_start3A_128 : memref<200x128xf32, #tpu.memory_space<hbm>>) target_semaphore(%arg14 : memref<!tpu.dma_semaphore, #tpu.memory_space<semaphore_mem>>)
    %dma_start3A_129 = arith.constant 0 : i32
    %dma_start3A_130 = arith.constant 49 : i32
    %dma_start3A_131 = arith.constant 0 : i32
    %dma_start3A_132 = arith.constant 0 : i32
    %dma_start3A_133 = tpu.memref_slice %arg3[%add3A, %dma_start3A_129, %dma_start3A_130, %dma_start3A_131, %dma_start3A_132] : memref<32x1x56x200x128xf32, #tpu.memory_space<hbm>> -> memref<1x1x1x200x128xf32, #tpu.memory_space<hbm>>
    %dma_start3A_134 = tpu.memref_squeeze %dma_start3A_133 : memref<1x1x1x200x128xf32, #tpu.memory_space<hbm>> -> memref<200x128xf32, #tpu.memory_space<hbm>>
    %dma_start3A_135 = arith.constant 0 : i32
    %dma_start3A_136 = arith.constant 0 : i32
    %dma_start3A_137 = tpu.memref_slice %arg3[%add3A, %dma_start3A_129, %dma_start3A_130, %dma_start3A_135, %dma_start3A_136] : memref<32x1x56x200x128xf32, #tpu.memory_space<hbm>> -> memref<1x1x1x200x128xf32, #tpu.memory_space<hbm>>
    %dma_start3A_138 = tpu.memref_squeeze %dma_start3A_137 : memref<1x1x1x200x128xf32, #tpu.memory_space<hbm>> -> memref<200x128xf32, #tpu.memory_space<hbm>>
    tpu.enqueue_dma source(%arg8 : memref<200x128xf32, #tpu.memory_space<vmem>>) target(%dma_start3A_138 : memref<200x128xf32, #tpu.memory_space<hbm>>) target_semaphore(%arg14 : memref<!tpu.dma_semaphore, #tpu.memory_space<semaphore_mem>>)
    %dma_wait3A_139 = arith.constant 0 : i32
    %dma_wait3A_140 = arith.constant 0 : i32
    %dma_wait3A_141 = arith.constant 0 : i32
    %dma_wait3A_142 = arith.constant 0 : i32
    %dma_wait3A_143 = tpu.memref_slice %arg2[%add3A, %dma_wait3A_139, %dma_wait3A_140, %dma_wait3A_141, %dma_wait3A_142] : memref<32x7x7x200x128xf32, #tpu.memory_space<hbm>> -> memref<1x1x1x200x128xf32, #tpu.memory_space<hbm>>
    %dma_wait3A_144 = tpu.memref_squeeze %dma_wait3A_143 : memref<1x1x1x200x128xf32, #tpu.memory_space<hbm>> -> memref<200x128xf32, #tpu.memory_space<hbm>>
    %dma_wait3A_145 = arith.constant 0 : i32
    %dma_wait3A_146 = arith.constant 0 : i32
    %dma_wait3A_147 = tpu.memref_slice %arg2[%add3A, %dma_wait3A_139, %dma_wait3A_140, %dma_wait3A_145, %dma_wait3A_146] : memref<32x7x7x200x128xf32, #tpu.memory_space<hbm>> -> memref<1x1x1x200x128xf32, #tpu.memory_space<hbm>>
    %dma_wait3A_148 = tpu.memref_squeeze %dma_wait3A_147 : memref<1x1x1x200x128xf32, #tpu.memory_space<hbm>> -> memref<200x128xf32, #tpu.memory_space<hbm>>
    tpu.wait_dma2 semaphore(%arg9 : memref<!tpu.dma_semaphore, #tpu.memory_space<semaphore_mem>>) src(%dma_wait3A_148 : memref<200x128xf32, #tpu.memory_space<hbm>>) dst(%arg4 : memref<200x128xf32, #tpu.memory_space<vmem>>)
    %dma_start3A_149 = arith.constant 0 : i32
    %dma_start3A_150 = arith.constant 1 : i32
    %dma_start3A_151 = arith.constant 0 : i32
    %dma_start3A_152 = arith.constant 0 : i32
    %dma_start3A_153 = tpu.memref_slice %arg3[%add3A, %dma_start3A_149, %dma_start3A_150, %dma_start3A_151, %dma_start3A_152] : memref<32x1x56x200x128xf32, #tpu.memory_space<hbm>> -> memref<1x1x1x200x128xf32, #tpu.memory_space<hbm>>
    %dma_start3A_154 = tpu.memref_squeeze %dma_start3A_153 : memref<1x1x1x200x128xf32, #tpu.memory_space<hbm>> -> memref<200x128xf32, #tpu.memory_space<hbm>>
    %dma_start3A_155 = arith.constant 0 : i32
    %dma_start3A_156 = arith.constant 0 : i32
    %dma_start3A_157 = tpu.memref_slice %arg3[%add3A, %dma_start3A_149, %dma_start3A_150, %dma_start3A_155, %dma_start3A_156] : memref<32x1x56x200x128xf32, #tpu.memory_space<hbm>> -> memref<1x1x1x200x128xf32, #tpu.memory_space<hbm>>
    %dma_start3A_158 = tpu.memref_squeeze %dma_start3A_157 : memref<1x1x1x200x128xf32, #tpu.memory_space<hbm>> -> memref<200x128xf32, #tpu.memory_space<hbm>>
    tpu.enqueue_dma source(%arg4 : memref<200x128xf32, #tpu.memory_space<vmem>>) target(%dma_start3A_158 : memref<200x128xf32, #tpu.memory_space<hbm>>) target_semaphore(%arg15 : memref<!tpu.dma_semaphore, #tpu.memory_space<semaphore_mem>>)
    %dma_wait3A_159 = arith.constant 0 : i32
    %dma_wait3A_160 = arith.constant 0 : i32
    %dma_wait3A_161 = arith.constant 0 : i32
    %dma_wait3A_162 = arith.constant 0 : i32
    %dma_wait3A_163 = tpu.memref_slice %arg2[%add3A, %dma_wait3A_159, %dma_wait3A_160, %dma_wait3A_161, %dma_wait3A_162] : memref<32x7x7x200x128xf32, #tpu.memory_space<hbm>> -> memref<1x1x1x200x128xf32, #tpu.memory_space<hbm>>
    %dma_wait3A_164 = tpu.memref_squeeze %dma_wait3A_163 : memref<1x1x1x200x128xf32, #tpu.memory_space<hbm>> -> memref<200x128xf32, #tpu.memory_space<hbm>>
    %dma_wait3A_165 = arith.constant 0 : i32
    %dma_wait3A_166 = arith.constant 0 : i32
    %dma_wait3A_167 = tpu.memref_slice %arg2[%add3A, %dma_wait3A_159, %dma_wait3A_160, %dma_wait3A_165, %dma_wait3A_166] : memref<32x7x7x200x128xf32, #tpu.memory_space<hbm>> -> memref<1x1x1x200x128xf32, #tpu.memory_space<hbm>>
    %dma_wait3A_168 = tpu.memref_squeeze %dma_wait3A_167 : memref<1x1x1x200x128xf32, #tpu.memory_space<hbm>> -> memref<200x128xf32, #tpu.memory_space<hbm>>
    tpu.wait_dma2 semaphore(%arg10 : memref<!tpu.dma_semaphore, #tpu.memory_space<semaphore_mem>>) src(%dma_wait3A_168 : memref<200x128xf32, #tpu.memory_space<hbm>>) dst(%arg5 : memref<200x128xf32, #tpu.memory_space<vmem>>)
    %dma_start3A_169 = arith.constant 0 : i32
    %dma_start3A_170 = arith.constant 2 : i32
    %dma_start3A_171 = arith.constant 0 : i32
    %dma_start3A_172 = arith.constant 0 : i32
    %dma_start3A_173 = tpu.memref_slice %arg3[%add3A, %dma_start3A_169, %dma_start3A_170, %dma_start3A_171, %dma_start3A_172] : memref<32x1x56x200x128xf32, #tpu.memory_space<hbm>> -> memref<1x1x1x200x128xf32, #tpu.memory_space<hbm>>
    %dma_start3A_174 = tpu.memref_squeeze %dma_start3A_173 : memref<1x1x1x200x128xf32, #tpu.memory_space<hbm>> -> memref<200x128xf32, #tpu.memory_space<hbm>>
    %dma_start3A_175 = arith.constant 0 : i32
    %dma_start3A_176 = arith.constant 0 : i32
    %dma_start3A_177 = tpu.memref_slice %arg3[%add3A, %dma_start3A_169, %dma_start3A_170, %dma_start3A_175, %dma_start3A_176] : memref<32x1x56x200x128xf32, #tpu.memory_space<hbm>> -> memref<1x1x1x200x128xf32, #tpu.memory_space<hbm>>
    %dma_start3A_178 = tpu.memref_squeeze %dma_start3A_177 : memref<1x1x1x200x128xf32, #tpu.memory_space<hbm>> -> memref<200x128xf32, #tpu.memory_space<hbm>>
    tpu.enqueue_dma source(%arg5 : memref<200x128xf32, #tpu.memory_space<vmem>>) target(%dma_start3A_178 : memref<200x128xf32, #tpu.memory_space<hbm>>) target_semaphore(%arg16 : memref<!tpu.dma_semaphore, #tpu.memory_space<semaphore_mem>>)
    %dma_wait3A_179 = arith.constant 0 : i32
    %dma_wait3A_180 = arith.constant 0 : i32
    %dma_wait3A_181 = arith.constant 0 : i32
    %dma_wait3A_182 = arith.constant 0 : i32
    %dma_wait3A_183 = tpu.memref_slice %arg2[%add3A, %dma_wait3A_179, %dma_wait3A_180, %dma_wait3A_181, %dma_wait3A_182] : memref<32x7x7x200x128xf32, #tpu.memory_space<hbm>> -> memref<1x1x1x200x128xf32, #tpu.memory_space<hbm>>
    %dma_wait3A_184 = tpu.memref_squeeze %dma_wait3A_183 : memref<1x1x1x200x128xf32, #tpu.memory_space<hbm>> -> memref<200x128xf32, #tpu.memory_space<hbm>>
    %dma_wait3A_185 = arith.constant 0 : i32
    %dma_wait3A_186 = arith.constant 0 : i32
    %dma_wait3A_187 = tpu.memref_slice %arg2[%add3A, %dma_wait3A_179, %dma_wait3A_180, %dma_wait3A_185, %dma_wait3A_186] : memref<32x7x7x200x128xf32, #tpu.memory_space<hbm>> -> memref<1x1x1x200x128xf32, #tpu.memory_space<hbm>>
    %dma_wait3A_188 = tpu.memref_squeeze %dma_wait3A_187 : memref<1x1x1x200x128xf32, #tpu.memory_space<hbm>> -> memref<200x128xf32, #tpu.memory_space<hbm>>
    tpu.wait_dma2 semaphore(%arg11 : memref<!tpu.dma_semaphore, #tpu.memory_space<semaphore_mem>>) src(%dma_wait3A_188 : memref<200x128xf32, #tpu.memory_space<hbm>>) dst(%arg6 : memref<200x128xf32, #tpu.memory_space<vmem>>)
    %dma_start3A_189 = arith.constant 0 : i32
    %dma_start3A_190 = arith.constant 3 : i32
    %dma_start3A_191 = arith.constant 0 : i32
    %dma_start3A_192 = arith.constant 0 : i32
    %dma_start3A_193 = tpu.memref_slice %arg3[%add3A, %dma_start3A_189, %dma_start3A_190, %dma_start3A_191, %dma_start3A_192] : memref<32x1x56x200x128xf32, #tpu.memory_space<hbm>> -> memref<1x1x1x200x128xf32, #tpu.memory_space<hbm>>
    %dma_start3A_194 = tpu.memref_squeeze %dma_start3A_193 : memref<1x1x1x200x128xf32, #tpu.memory_space<hbm>> -> memref<200x128xf32, #tpu.memory_space<hbm>>
    %dma_start3A_195 = arith.constant 0 : i32
    %dma_start3A_196 = arith.constant 0 : i32
    %dma_start3A_197 = tpu.memref_slice %arg3[%add3A, %dma_start3A_189, %dma_start3A_190, %dma_start3A_195, %dma_start3A_196] : memref<32x1x56x200x128xf32, #tpu.memory_space<hbm>> -> memref<1x1x1x200x128xf32, #tpu.memory_space<hbm>>
    %dma_start3A_198 = tpu.memref_squeeze %dma_start3A_197 : memref<1x1x1x200x128xf32, #tpu.memory_space<hbm>> -> memref<200x128xf32, #tpu.memory_space<hbm>>
    tpu.enqueue_dma source(%arg6 : memref<200x128xf32, #tpu.memory_space<vmem>>) target(%dma_start3A_198 : memref<200x128xf32, #tpu.memory_space<hbm>>) target_semaphore(%arg17 : memref<!tpu.dma_semaphore, #tpu.memory_space<semaphore_mem>>)
    %dma_wait3A_199 = arith.constant 0 : i32
    %dma_wait3A_200 = arith.constant 0 : i32
    %dma_wait3A_201 = arith.constant 0 : i32
    %dma_wait3A_202 = arith.constant 0 : i32
    %dma_wait3A_203 = tpu.memref_slice %arg2[%add3A, %dma_wait3A_199, %dma_wait3A_200, %dma_wait3A_201, %dma_wait3A_202] : memref<32x7x7x200x128xf32, #tpu.memory_space<hbm>> -> memref<1x1x1x200x128xf32, #tpu.memory_space<hbm>>
    %dma_wait3A_204 = tpu.memref_squeeze %dma_wait3A_203 : memref<1x1x1x200x128xf32, #tpu.memory_space<hbm>> -> memref<200x128xf32, #tpu.memory_space<hbm>>
    %dma_wait3A_205 = arith.constant 0 : i32
    %dma_wait3A_206 = arith.constant 0 : i32
    %dma_wait3A_207 = tpu.memref_slice %arg2[%add3A, %dma_wait3A_199, %dma_wait3A_200, %dma_wait3A_205, %dma_wait3A_206] : memref<32x7x7x200x128xf32, #tpu.memory_space<hbm>> -> memref<1x1x1x200x128xf32, #tpu.memory_space<hbm>>
    %dma_wait3A_208 = tpu.memref_squeeze %dma_wait3A_207 : memref<1x1x1x200x128xf32, #tpu.memory_space<hbm>> -> memref<200x128xf32, #tpu.memory_space<hbm>>
    tpu.wait_dma2 semaphore(%arg12 : memref<!tpu.dma_semaphore, #tpu.memory_space<semaphore_mem>>) src(%dma_wait3A_208 : memref<200x128xf32, #tpu.memory_space<hbm>>) dst(%arg7 : memref<200x128xf32, #tpu.memory_space<vmem>>)
    %dma_start3A_209 = arith.constant 0 : i32
    %dma_start3A_210 = arith.constant 4 : i32
    %dma_start3A_211 = arith.constant 0 : i32
    %dma_start3A_212 = arith.constant 0 : i32
    %dma_start3A_213 = tpu.memref_slice %arg3[%add3A, %dma_start3A_209, %dma_start3A_210, %dma_start3A_211, %dma_start3A_212] : memref<32x1x56x200x128xf32, #tpu.memory_space<hbm>> -> memref<1x1x1x200x128xf32, #tpu.memory_space<hbm>>
    %dma_start3A_214 = tpu.memref_squeeze %dma_start3A_213 : memref<1x1x1x200x128xf32, #tpu.memory_space<hbm>> -> memref<200x128xf32, #tpu.memory_space<hbm>>
    %dma_start3A_215 = arith.constant 0 : i32
    %dma_start3A_216 = arith.constant 0 : i32
    %dma_start3A_217 = tpu.memref_slice %arg3[%add3A, %dma_start3A_209, %dma_start3A_210, %dma_start3A_215, %dma_start3A_216] : memref<32x1x56x200x128xf32, #tpu.memory_space<hbm>> -> memref<1x1x1x200x128xf32, #tpu.memory_space<hbm>>
    %dma_start3A_218 = tpu.memref_squeeze %dma_start3A_217 : memref<1x1x1x200x128xf32, #tpu.memory_space<hbm>> -> memref<200x128xf32, #tpu.memory_space<hbm>>
    tpu.enqueue_dma source(%arg7 : memref<200x128xf32, #tpu.memory_space<vmem>>) target(%dma_start3A_218 : memref<200x128xf32, #tpu.memory_space<hbm>>) target_semaphore(%arg18 : memref<!tpu.dma_semaphore, #tpu.memory_space<semaphore_mem>>)
    %dma_wait3A_219 = arith.constant 0 : i32
    %dma_wait3A_220 = arith.constant 0 : i32
    %dma_wait3A_221 = arith.constant 0 : i32
    %dma_wait3A_222 = arith.constant 0 : i32
    %dma_wait3A_223 = tpu.memref_slice %arg3[%add3A, %dma_wait3A_219, %dma_wait3A_220, %dma_wait3A_221, %dma_wait3A_222] : memref<32x1x56x200x128xf32, #tpu.memory_space<hbm>> -> memref<1x1x1x200x128xf32, #tpu.memory_space<hbm>>
    %dma_wait3A_224 = tpu.memref_squeeze %dma_wait3A_223 : memref<1x1x1x200x128xf32, #tpu.memory_space<hbm>> -> memref<200x128xf32, #tpu.memory_space<hbm>>
    %dma_wait3A_225 = arith.constant 0 : i32
    %dma_wait3A_226 = arith.constant 0 : i32
    %dma_wait3A_227 = tpu.memref_slice %arg3[%add3A, %dma_wait3A_219, %dma_wait3A_220, %dma_wait3A_225, %dma_wait3A_226] : memref<32x1x56x200x128xf32, #tpu.memory_space<hbm>> -> memref<1x1x1x200x128xf32, #tpu.memory_space<hbm>>
    %dma_wait3A_228 = tpu.memref_squeeze %dma_wait3A_227 : memref<1x1x1x200x128xf32, #tpu.memory_space<hbm>> -> memref<200x128xf32, #tpu.memory_space<hbm>>
    tpu.wait_dma2 semaphore(%arg15 : memref<!tpu.dma_semaphore, #tpu.memory_space<semaphore_mem>>) src(%arg4 : memref<200x128xf32, #tpu.memory_space<vmem>>) dst(%dma_wait3A_228 : memref<200x128xf32, #tpu.memory_space<hbm>>)
    %dma_start3A_229 = arith.constant 0 : i32
    %dma_start3A_230 = arith.constant 4 : i32
    %dma_start3A_231 = arith.constant 0 : i32
    %dma_start3A_232 = arith.constant 0 : i32
    %dma_start3A_233 = tpu.memref_slice %arg2[%add3A, %dma_start3A_229, %dma_start3A_230, %dma_start3A_231, %dma_start3A_232] : memref<32x7x7x200x128xf32, #tpu.memory_space<hbm>> -> memref<1x1x1x200x128xf32, #tpu.memory_space<hbm>>
    %dma_start3A_234 = tpu.memref_squeeze %dma_start3A_233 : memref<1x1x1x200x128xf32, #tpu.memory_space<hbm>> -> memref<200x128xf32, #tpu.memory_space<hbm>>
    %dma_start3A_235 = arith.constant 0 : i32
    %dma_start3A_236 = arith.constant 0 : i32
    %dma_start3A_237 = tpu.memref_slice %arg2[%add3A, %dma_start3A_229, %dma_start3A_230, %dma_start3A_235, %dma_start3A_236] : memref<32x7x7x200x128xf32, #tpu.memory_space<hbm>> -> memref<1x1x1x200x128xf32, #tpu.memory_space<hbm>>
    %dma_start3A_238 = tpu.memref_squeeze %dma_start3A_237 : memref<1x1x1x200x128xf32, #tpu.memory_space<hbm>> -> memref<200x128xf32, #tpu.memory_space<hbm>>
    tpu.enqueue_dma source(%dma_start3A_238 : memref<200x128xf32, #tpu.memory_space<hbm>>) target(%arg4 : memref<200x128xf32, #tpu.memory_space<vmem>>) target_semaphore(%arg9 : memref<!tpu.dma_semaphore, #tpu.memory_space<semaphore_mem>>)
    %dma_wait3A_239 = arith.constant 0 : i32
    %dma_wait3A_240 = arith.constant 0 : i32
    %dma_wait3A_241 = arith.constant 0 : i32
    %dma_wait3A_242 = arith.constant 0 : i32
    %dma_wait3A_243 = tpu.memref_slice %arg3[%add3A, %dma_wait3A_239, %dma_wait3A_240, %dma_wait3A_241, %dma_wait3A_242] : memref<32x1x56x200x128xf32, #tpu.memory_space<hbm>> -> memref<1x1x1x200x128xf32, #tpu.memory_space<hbm>>
    %dma_wait3A_244 = tpu.memref_squeeze %dma_wait3A_243 : memref<1x1x1x200x128xf32, #tpu.memory_space<hbm>> -> memref<200x128xf32, #tpu.memory_space<hbm>>
    %dma_wait3A_245 = arith.constant 0 : i32
    %dma_wait3A_246 = arith.constant 0 : i32
    %dma_wait3A_247 = tpu.memref_slice %arg3[%add3A, %dma_wait3A_239, %dma_wait3A_240, %dma_wait3A_245, %dma_wait3A_246] : memref<32x1x56x200x128xf32, #tpu.memory_space<hbm>> -> memref<1x1x1x200x128xf32, #tpu.memory_space<hbm>>
    %dma_wait3A_248 = tpu.memref_squeeze %dma_wait3A_247 : memref<1x1x1x200x128xf32, #tpu.memory_space<hbm>> -> memref<200x128xf32, #tpu.memory_space<hbm>>
    tpu.wait_dma2 semaphore(%arg16 : memref<!tpu.dma_semaphore, #tpu.memory_space<semaphore_mem>>) src(%arg5 : memref<200x128xf32, #tpu.memory_space<vmem>>) dst(%dma_wait3A_248 : memref<200x128xf32, #tpu.memory_space<hbm>>)
    %dma_start3A_249 = arith.constant 0 : i32
    %dma_start3A_250 = arith.constant 5 : i32
    %dma_start3A_251 = arith.constant 0 : i32
    %dma_start3A_252 = arith.constant 0 : i32
    %dma_start3A_253 = tpu.memref_slice %arg2[%add3A, %dma_start3A_249, %dma_start3A_250, %dma_start3A_251, %dma_start3A_252] : memref<32x7x7x200x128xf32, #tpu.memory_space<hbm>> -> memref<1x1x1x200x128xf32, #tpu.memory_space<hbm>>
    %dma_start3A_254 = tpu.memref_squeeze %dma_start3A_253 : memref<1x1x1x200x128xf32, #tpu.memory_space<hbm>> -> memref<200x128xf32, #tpu.memory_space<hbm>>
    %dma_start3A_255 = arith.constant 0 : i32
    %dma_start3A_256 = arith.constant 0 : i32
    %dma_start3A_257 = tpu.memref_slice %arg2[%add3A, %dma_start3A_249, %dma_start3A_250, %dma_start3A_255, %dma_start3A_256] : memref<32x7x7x200x128xf32, #tpu.memory_space<hbm>> -> memref<1x1x1x200x128xf32, #tpu.memory_space<hbm>>
    %dma_start3A_258 = tpu.memref_squeeze %dma_start3A_257 : memref<1x1x1x200x128xf32, #tpu.memory_space<hbm>> -> memref<200x128xf32, #tpu.memory_space<hbm>>
    tpu.enqueue_dma source(%dma_start3A_258 : memref<200x128xf32, #tpu.memory_space<hbm>>) target(%arg5 : memref<200x128xf32, #tpu.memory_space<vmem>>) target_semaphore(%arg10 : memref<!tpu.dma_semaphore, #tpu.memory_space<semaphore_mem>>)
    %dma_wait3A_259 = arith.constant 0 : i32
    %dma_wait3A_260 = arith.constant 0 : i32
    %dma_wait3A_261 = arith.constant 0 : i32
    %dma_wait3A_262 = arith.constant 0 : i32
    %dma_wait3A_263 = tpu.memref_slice %arg3[%add3A, %dma_wait3A_259, %dma_wait3A_260, %dma_wait3A_261, %dma_wait3A_262] : memref<32x1x56x200x128xf32, #tpu.memory_space<hbm>> -> memref<1x1x1x200x128xf32, #tpu.memory_space<hbm>>
    %dma_wait3A_264 = tpu.memref_squeeze %dma_wait3A_263 : memref<1x1x1x200x128xf32, #tpu.memory_space<hbm>> -> memref<200x128xf32, #tpu.memory_space<hbm>>
    %dma_wait3A_265 = arith.constant 0 : i32
    %dma_wait3A_266 = arith.constant 0 : i32
    %dma_wait3A_267 = tpu.memref_slice %arg3[%add3A, %dma_wait3A_259, %dma_wait3A_260, %dma_wait3A_265, %dma_wait3A_266] : memref<32x1x56x200x128xf32, #tpu.memory_space<hbm>> -> memref<1x1x1x200x128xf32, #tpu.memory_space<hbm>>
    %dma_wait3A_268 = tpu.memref_squeeze %dma_wait3A_267 : memref<1x1x1x200x128xf32, #tpu.memory_space<hbm>> -> memref<200x128xf32, #tpu.memory_space<hbm>>
    tpu.wait_dma2 semaphore(%arg17 : memref<!tpu.dma_semaphore, #tpu.memory_space<semaphore_mem>>) src(%arg6 : memref<200x128xf32, #tpu.memory_space<vmem>>) dst(%dma_wait3A_268 : memref<200x128xf32, #tpu.memory_space<hbm>>)
    %dma_start3A_269 = arith.constant 2 : i32
    %dma_start3A_270 = arith.constant 4 : i32
    %dma_start3A_271 = arith.constant 0 : i32
    %dma_start3A_272 = arith.constant 0 : i32
    %dma_start3A_273 = tpu.memref_slice %arg2[%add3A, %dma_start3A_269, %dma_start3A_270, %dma_start3A_271, %dma_start3A_272] : memref<32x7x7x200x128xf32, #tpu.memory_space<hbm>> -> memref<1x1x1x200x128xf32, #tpu.memory_space<hbm>>
    %dma_start3A_274 = tpu.memref_squeeze %dma_start3A_273 : memref<1x1x1x200x128xf32, #tpu.memory_space<hbm>> -> memref<200x128xf32, #tpu.memory_space<hbm>>
    %dma_start3A_275 = arith.constant 0 : i32
    %dma_start3A_276 = arith.constant 0 : i32
    %dma_start3A_277 = tpu.memref_slice %arg2[%add3A, %dma_start3A_269, %dma_start3A_270, %dma_start3A_275, %dma_start3A_276] : memref<32x7x7x200x128xf32, #tpu.memory_space<hbm>> -> memref<1x1x1x200x128xf32, #tpu.memory_space<hbm>>
    %dma_start3A_278 = tpu.memref_squeeze %dma_start3A_277 : memref<1x1x1x200x128xf32, #tpu.memory_space<hbm>> -> memref<200x128xf32, #tpu.memory_space<hbm>>
    tpu.enqueue_dma source(%dma_start3A_278 : memref<200x128xf32, #tpu.memory_space<hbm>>) target(%arg6 : memref<200x128xf32, #tpu.memory_space<vmem>>) target_semaphore(%arg11 : memref<!tpu.dma_semaphore, #tpu.memory_space<semaphore_mem>>)
    %dma_wait3A_279 = arith.constant 0 : i32
    %dma_wait3A_280 = arith.constant 0 : i32
    %dma_wait3A_281 = arith.constant 0 : i32
    %dma_wait3A_282 = arith.constant 0 : i32
    %dma_wait3A_283 = tpu.memref_slice %arg3[%add3A, %dma_wait3A_279, %dma_wait3A_280, %dma_wait3A_281, %dma_wait3A_282] : memref<32x1x56x200x128xf32, #tpu.memory_space<hbm>> -> memref<1x1x1x200x128xf32, #tpu.memory_space<hbm>>
    %dma_wait3A_284 = tpu.memref_squeeze %dma_wait3A_283 : memref<1x1x1x200x128xf32, #tpu.memory_space<hbm>> -> memref<200x128xf32, #tpu.memory_space<hbm>>
    %dma_wait3A_285 = arith.constant 0 : i32
    %dma_wait3A_286 = arith.constant 0 : i32
    %dma_wait3A_287 = tpu.memref_slice %arg3[%add3A, %dma_wait3A_279, %dma_wait3A_280, %dma_wait3A_285, %dma_wait3A_286] : memref<32x1x56x200x128xf32, #tpu.memory_space<hbm>> -> memref<1x1x1x200x128xf32, #tpu.memory_space<hbm>>
    %dma_wait3A_288 = tpu.memref_squeeze %dma_wait3A_287 : memref<1x1x1x200x128xf32, #tpu.memory_space<hbm>> -> memref<200x128xf32, #tpu.memory_space<hbm>>
    tpu.wait_dma2 semaphore(%arg18 : memref<!tpu.dma_semaphore, #tpu.memory_space<semaphore_mem>>) src(%arg7 : memref<200x128xf32, #tpu.memory_space<vmem>>) dst(%dma_wait3A_288 : memref<200x128xf32, #tpu.memory_space<hbm>>)
    %dma_start3A_289 = arith.constant 2 : i32
    %dma_start3A_290 = arith.constant 5 : i32
    %dma_start3A_291 = arith.constant 0 : i32
    %dma_start3A_292 = arith.constant 0 : i32
    %dma_start3A_293 = tpu.memref_slice %arg2[%add3A, %dma_start3A_289, %dma_start3A_290, %dma_start3A_291, %dma_start3A_292] : memref<32x7x7x200x128xf32, #tpu.memory_space<hbm>> -> memref<1x1x1x200x128xf32, #tpu.memory_space<hbm>>
    %dma_start3A_294 = tpu.memref_squeeze %dma_start3A_293 : memref<1x1x1x200x128xf32, #tpu.memory_space<hbm>> -> memref<200x128xf32, #tpu.memory_space<hbm>>
    %dma_start3A_295 = arith.constant 0 : i32
    %dma_start3A_296 = arith.constant 0 : i32
    %dma_start3A_297 = tpu.memref_slice %arg2[%add3A, %dma_start3A_289, %dma_start3A_290, %dma_start3A_295, %dma_start3A_296] : memref<32x7x7x200x128xf32, #tpu.memory_space<hbm>> -> memref<1x1x1x200x128xf32, #tpu.memory_space<hbm>>
    %dma_start3A_298 = tpu.memref_squeeze %dma_start3A_297 : memref<1x1x1x200x128xf32, #tpu.memory_space<hbm>> -> memref<200x128xf32, #tpu.memory_space<hbm>>
    tpu.enqueue_dma source(%dma_start3A_298 : memref<200x128xf32, #tpu.memory_space<hbm>>) target(%arg7 : memref<200x128xf32, #tpu.memory_space<vmem>>) target_semaphore(%arg12 : memref<!tpu.dma_semaphore, #tpu.memory_space<semaphore_mem>>)
    %dma_wait3A_299 = arith.constant 0 : i32
    %dma_wait3A_300 = arith.constant 0 : i32
    %dma_wait3A_301 = arith.constant 0 : i32
    %dma_wait3A_302 = arith.constant 0 : i32
    %dma_wait3A_303 = tpu.memref_slice %arg2[%add3A, %dma_wait3A_299, %dma_wait3A_300, %dma_wait3A_301, %dma_wait3A_302] : memref<32x7x7x200x128xf32, #tpu.memory_space<hbm>> -> memref<1x1x1x200x128xf32, #tpu.memory_space<hbm>>
    %dma_wait3A_304 = tpu.memref_squeeze %dma_wait3A_303 : memref<1x1x1x200x128xf32, #tpu.memory_space<hbm>> -> memref<200x128xf32, #tpu.memory_space<hbm>>
    %dma_wait3A_305 = arith.constant 0 : i32
    %dma_wait3A_306 = arith.constant 0 : i32
    %dma_wait3A_307 = tpu.memref_slice %arg2[%add3A, %dma_wait3A_299, %dma_wait3A_300, %dma_wait3A_305, %dma_wait3A_306] : memref<32x7x7x200x128xf32, #tpu.memory_space<hbm>> -> memref<1x1x1x200x128xf32, #tpu.memory_space<hbm>>
    %dma_wait3A_308 = tpu.memref_squeeze %dma_wait3A_307 : memref<1x1x1x200x128xf32, #tpu.memory_space<hbm>> -> memref<200x128xf32, #tpu.memory_space<hbm>>
    tpu.wait_dma2 semaphore(%arg9 : memref<!tpu.dma_semaphore, #tpu.memory_space<semaphore_mem>>) src(%dma_wait3A_308 : memref<200x128xf32, #tpu.memory_space<hbm>>) dst(%arg4 : memref<200x128xf32, #tpu.memory_space<vmem>>)
    %dma_start3A_309 = arith.constant 0 : i32
    %dma_start3A_310 = arith.constant 5 : i32
    %dma_start3A_311 = arith.constant 0 : i32
    %dma_start3A_312 = arith.constant 0 : i32
    %dma_start3A_313 = tpu.memref_slice %arg3[%add3A, %dma_start3A_309, %dma_start3A_310, %dma_start3A_311, %dma_start3A_312] : memref<32x1x56x200x128xf32, #tpu.memory_space<hbm>> -> memref<1x1x1x200x128xf32, #tpu.memory_space<hbm>>
    %dma_start3A_314 = tpu.memref_squeeze %dma_start3A_313 : memref<1x1x1x200x128xf32, #tpu.memory_space<hbm>> -> memref<200x128xf32, #tpu.memory_space<hbm>>
    %dma_start3A_315 = arith.constant 0 : i32
    %dma_start3A_316 = arith.constant 0 : i32
    %dma_start3A_317 = tpu.memref_slice %arg3[%add3A, %dma_start3A_309, %dma_start3A_310, %dma_start3A_315, %dma_start3A_316] : memref<32x1x56x200x128xf32, #tpu.memory_space<hbm>> -> memref<1x1x1x200x128xf32, #tpu.memory_space<hbm>>
    %dma_start3A_318 = tpu.memref_squeeze %dma_start3A_317 : memref<1x1x1x200x128xf32, #tpu.memory_space<hbm>> -> memref<200x128xf32, #tpu.memory_space<hbm>>
    tpu.enqueue_dma source(%arg4 : memref<200x128xf32, #tpu.memory_space<vmem>>) target(%dma_start3A_318 : memref<200x128xf32, #tpu.memory_space<hbm>>) target_semaphore(%arg15 : memref<!tpu.dma_semaphore, #tpu.memory_space<semaphore_mem>>)
    %dma_wait3A_319 = arith.constant 0 : i32
    %dma_wait3A_320 = arith.constant 0 : i32
    %dma_wait3A_321 = arith.constant 0 : i32
    %dma_wait3A_322 = arith.constant 0 : i32
    %dma_wait3A_323 = tpu.memref_slice %arg2[%add3A, %dma_wait3A_319, %dma_wait3A_320, %dma_wait3A_321, %dma_wait3A_322] : memref<32x7x7x200x128xf32, #tpu.memory_space<hbm>> -> memref<1x1x1x200x128xf32, #tpu.memory_space<hbm>>
    %dma_wait3A_324 = tpu.memref_squeeze %dma_wait3A_323 : memref<1x1x1x200x128xf32, #tpu.memory_space<hbm>> -> memref<200x128xf32, #tpu.memory_space<hbm>>
    %dma_wait3A_325 = arith.constant 0 : i32
    %dma_wait3A_326 = arith.constant 0 : i32
    %dma_wait3A_327 = tpu.memref_slice %arg2[%add3A, %dma_wait3A_319, %dma_wait3A_320, %dma_wait3A_325, %dma_wait3A_326] : memref<32x7x7x200x128xf32, #tpu.memory_space<hbm>> -> memref<1x1x1x200x128xf32, #tpu.memory_space<hbm>>
    %dma_wait3A_328 = tpu.memref_squeeze %dma_wait3A_327 : memref<1x1x1x200x128xf32, #tpu.memory_space<hbm>> -> memref<200x128xf32, #tpu.memory_space<hbm>>
    tpu.wait_dma2 semaphore(%arg10 : memref<!tpu.dma_semaphore, #tpu.memory_space<semaphore_mem>>) src(%dma_wait3A_328 : memref<200x128xf32, #tpu.memory_space<hbm>>) dst(%arg5 : memref<200x128xf32, #tpu.memory_space<vmem>>)
    %dma_start3A_329 = arith.constant 0 : i32
    %dma_start3A_330 = arith.constant 6 : i32
    %dma_start3A_331 = arith.constant 0 : i32
    %dma_start3A_332 = arith.constant 0 : i32
    %dma_start3A_333 = tpu.memref_slice %arg3[%add3A, %dma_start3A_329, %dma_start3A_330, %dma_start3A_331, %dma_start3A_332] : memref<32x1x56x200x128xf32, #tpu.memory_space<hbm>> -> memref<1x1x1x200x128xf32, #tpu.memory_space<hbm>>
    %dma_start3A_334 = tpu.memref_squeeze %dma_start3A_333 : memref<1x1x1x200x128xf32, #tpu.memory_space<hbm>> -> memref<200x128xf32, #tpu.memory_space<hbm>>
    %dma_start3A_335 = arith.constant 0 : i32
    %dma_start3A_336 = arith.constant 0 : i32
    %dma_start3A_337 = tpu.memref_slice %arg3[%add3A, %dma_start3A_329, %dma_start3A_330, %dma_start3A_335, %dma_start3A_336] : memref<32x1x56x200x128xf32, #tpu.memory_space<hbm>> -> memref<1x1x1x200x128xf32, #tpu.memory_space<hbm>>
    %dma_start3A_338 = tpu.memref_squeeze %dma_start3A_337 : memref<1x1x1x200x128xf32, #tpu.memory_space<hbm>> -> memref<200x128xf32, #tpu.memory_space<hbm>>
    tpu.enqueue_dma source(%arg5 : memref<200x128xf32, #tpu.memory_space<vmem>>) target(%dma_start3A_338 : memref<200x128xf32, #tpu.memory_space<hbm>>) target_semaphore(%arg16 : memref<!tpu.dma_semaphore, #tpu.memory_space<semaphore_mem>>)
    %dma_wait3A_339 = arith.constant 0 : i32
    %dma_wait3A_340 = arith.constant 0 : i32
    %dma_wait3A_341 = arith.constant 0 : i32
    %dma_wait3A_342 = arith.constant 0 : i32
    %dma_wait3A_343 = tpu.memref_slice %arg2[%add3A, %dma_wait3A_339, %dma_wait3A_340, %dma_wait3A_341, %dma_wait3A_342] : memref<32x7x7x200x128xf32, #tpu.memory_space<hbm>> -> memref<1x1x1x200x128xf32, #tpu.memory_space<hbm>>
    %dma_wait3A_344 = tpu.memref_squeeze %dma_wait3A_343 : memref<1x1x1x200x128xf32, #tpu.memory_space<hbm>> -> memref<200x128xf32, #tpu.memory_space<hbm>>
    %dma_wait3A_345 = arith.constant 0 : i32
    %dma_wait3A_346 = arith.constant 0 : i32
    %dma_wait3A_347 = tpu.memref_slice %arg2[%add3A, %dma_wait3A_339, %dma_wait3A_340, %dma_wait3A_345, %dma_wait3A_346] : memref<32x7x7x200x128xf32, #tpu.memory_space<hbm>> -> memref<1x1x1x200x128xf32, #tpu.memory_space<hbm>>
    %dma_wait3A_348 = tpu.memref_squeeze %dma_wait3A_347 : memref<1x1x1x200x128xf32, #tpu.memory_space<hbm>> -> memref<200x128xf32, #tpu.memory_space<hbm>>
    tpu.wait_dma2 semaphore(%arg11 : memref<!tpu.dma_semaphore, #tpu.memory_space<semaphore_mem>>) src(%dma_wait3A_348 : memref<200x128xf32, #tpu.memory_space<hbm>>) dst(%arg6 : memref<200x128xf32, #tpu.memory_space<vmem>>)
    %dma_start3A_349 = arith.constant 0 : i32
    %dma_start3A_350 = arith.constant 8 : i32
    %dma_start3A_351 = arith.constant 0 : i32
    %dma_start3A_352 = arith.constant 0 : i32
    %dma_start3A_353 = tpu.memref_slice %arg3[%add3A, %dma_start3A_349, %dma_start3A_350, %dma_start3A_351, %dma_start3A_352] : memref<32x1x56x200x128xf32, #tpu.memory_space<hbm>> -> memref<1x1x1x200x128xf32, #tpu.memory_space<hbm>>
    %dma_start3A_354 = tpu.memref_squeeze %dma_start3A_353 : memref<1x1x1x200x128xf32, #tpu.memory_space<hbm>> -> memref<200x128xf32, #tpu.memory_space<hbm>>
    %dma_start3A_355 = arith.constant 0 : i32
    %dma_start3A_356 = arith.constant 0 : i32
    %dma_start3A_357 = tpu.memref_slice %arg3[%add3A, %dma_start3A_349, %dma_start3A_350, %dma_start3A_355, %dma_start3A_356] : memref<32x1x56x200x128xf32, #tpu.memory_space<hbm>> -> memref<1x1x1x200x128xf32, #tpu.memory_space<hbm>>
    %dma_start3A_358 = tpu.memref_squeeze %dma_start3A_357 : memref<1x1x1x200x128xf32, #tpu.memory_space<hbm>> -> memref<200x128xf32, #tpu.memory_space<hbm>>
    tpu.enqueue_dma source(%arg6 : memref<200x128xf32, #tpu.memory_space<vmem>>) target(%dma_start3A_358 : memref<200x128xf32, #tpu.memory_space<hbm>>) target_semaphore(%arg17 : memref<!tpu.dma_semaphore, #tpu.memory_space<semaphore_mem>>)
    %dma_wait3A_359 = arith.constant 0 : i32
    %dma_wait3A_360 = arith.constant 0 : i32
    %dma_wait3A_361 = arith.constant 0 : i32
    %dma_wait3A_362 = arith.constant 0 : i32
    %dma_wait3A_363 = tpu.memref_slice %arg2[%add3A, %dma_wait3A_359, %dma_wait3A_360, %dma_wait3A_361, %dma_wait3A_362] : memref<32x7x7x200x128xf32, #tpu.memory_space<hbm>> -> memref<1x1x1x200x128xf32, #tpu.memory_space<hbm>>
    %dma_wait3A_364 = tpu.memref_squeeze %dma_wait3A_363 : memref<1x1x1x200x128xf32, #tpu.memory_space<hbm>> -> memref<200x128xf32, #tpu.memory_space<hbm>>
    %dma_wait3A_365 = arith.constant 0 : i32
    %dma_wait3A_366 = arith.constant 0 : i32
    %dma_wait3A_367 = tpu.memref_slice %arg2[%add3A, %dma_wait3A_359, %dma_wait3A_360, %dma_wait3A_365, %dma_wait3A_366] : memref<32x7x7x200x128xf32, #tpu.memory_space<hbm>> -> memref<1x1x1x200x128xf32, #tpu.memory_space<hbm>>
    %dma_wait3A_368 = tpu.memref_squeeze %dma_wait3A_367 : memref<1x1x1x200x128xf32, #tpu.memory_space<hbm>> -> memref<200x128xf32, #tpu.memory_space<hbm>>
    tpu.wait_dma2 semaphore(%arg12 : memref<!tpu.dma_semaphore, #tpu.memory_space<semaphore_mem>>) src(%dma_wait3A_368 : memref<200x128xf32, #tpu.memory_space<hbm>>) dst(%arg7 : memref<200x128xf32, #tpu.memory_space<vmem>>)
    %dma_start3A_369 = arith.constant 0 : i32
    %dma_start3A_370 = arith.constant 9 : i32
    %dma_start3A_371 = arith.constant 0 : i32
    %dma_start3A_372 = arith.constant 0 : i32
    %dma_start3A_373 = tpu.memref_slice %arg3[%add3A, %dma_start3A_369, %dma_start3A_370, %dma_start3A_371, %dma_start3A_372] : memref<32x1x56x200x128xf32, #tpu.memory_space<hbm>> -> memref<1x1x1x200x128xf32, #tpu.memory_space<hbm>>
    %dma_start3A_374 = tpu.memref_squeeze %dma_start3A_373 : memref<1x1x1x200x128xf32, #tpu.memory_space<hbm>> -> memref<200x128xf32, #tpu.memory_space<hbm>>
    %dma_start3A_375 = arith.constant 0 : i32
    %dma_start3A_376 = arith.constant 0 : i32
    %dma_start3A_377 = tpu.memref_slice %arg3[%add3A, %dma_start3A_369, %dma_start3A_370, %dma_start3A_375, %dma_start3A_376] : memref<32x1x56x200x128xf32, #tpu.memory_space<hbm>> -> memref<1x1x1x200x128xf32, #tpu.memory_space<hbm>>
    %dma_start3A_378 = tpu.memref_squeeze %dma_start3A_377 : memref<1x1x1x200x128xf32, #tpu.memory_space<hbm>> -> memref<200x128xf32, #tpu.memory_space<hbm>>
    tpu.enqueue_dma source(%arg7 : memref<200x128xf32, #tpu.memory_space<vmem>>) target(%dma_start3A_378 : memref<200x128xf32, #tpu.memory_space<hbm>>) target_semaphore(%arg18 : memref<!tpu.dma_semaphore, #tpu.memory_space<semaphore_mem>>)
    %dma_wait3A_379 = arith.constant 0 : i32
    %dma_wait3A_380 = arith.constant 0 : i32
    %dma_wait3A_381 = arith.constant 0 : i32
    %dma_wait3A_382 = arith.constant 0 : i32
    %dma_wait3A_383 = tpu.memref_slice %arg3[%add3A, %dma_wait3A_379, %dma_wait3A_380, %dma_wait3A_381, %dma_wait3A_382] : memref<32x1x56x200x128xf32, #tpu.memory_space<hbm>> -> memref<1x1x1x200x128xf32, #tpu.memory_space<hbm>>
    %dma_wait3A_384 = tpu.memref_squeeze %dma_wait3A_383 : memref<1x1x1x200x128xf32, #tpu.memory_space<hbm>> -> memref<200x128xf32, #tpu.memory_space<hbm>>
    %dma_wait3A_385 = arith.constant 0 : i32
    %dma_wait3A_386 = arith.constant 0 : i32
    %dma_wait3A_387 = tpu.memref_slice %arg3[%add3A, %dma_wait3A_379, %dma_wait3A_380, %dma_wait3A_385, %dma_wait3A_386] : memref<32x1x56x200x128xf32, #tpu.memory_space<hbm>> -> memref<1x1x1x200x128xf32, #tpu.memory_space<hbm>>
    %dma_wait3A_388 = tpu.memref_squeeze %dma_wait3A_387 : memref<1x1x1x200x128xf32, #tpu.memory_space<hbm>> -> memref<200x128xf32, #tpu.memory_space<hbm>>
    tpu.wait_dma2 semaphore(%arg15 : memref<!tpu.dma_semaphore, #tpu.memory_space<semaphore_mem>>) src(%arg4 : memref<200x128xf32, #tpu.memory_space<vmem>>) dst(%dma_wait3A_388 : memref<200x128xf32, #tpu.memory_space<hbm>>)
    %dma_start3A_389 = arith.constant 1 : i32
    %dma_start3A_390 = arith.constant 5 : i32
    %dma_start3A_391 = arith.constant 0 : i32
    %dma_start3A_392 = arith.constant 0 : i32
    %dma_start3A_393 = tpu.memref_slice %arg2[%add3A, %dma_start3A_389, %dma_start3A_390, %dma_start3A_391, %dma_start3A_392] : memref<32x7x7x200x128xf32, #tpu.memory_space<hbm>> -> memref<1x1x1x200x128xf32, #tpu.memory_space<hbm>>
    %dma_start3A_394 = tpu.memref_squeeze %dma_start3A_393 : memref<1x1x1x200x128xf32, #tpu.memory_space<hbm>> -> memref<200x128xf32, #tpu.memory_space<hbm>>
    %dma_start3A_395 = arith.constant 0 : i32
    %dma_start3A_396 = arith.constant 0 : i32
    %dma_start3A_397 = tpu.memref_slice %arg2[%add3A, %dma_start3A_389, %dma_start3A_390, %dma_start3A_395, %dma_start3A_396] : memref<32x7x7x200x128xf32, #tpu.memory_space<hbm>> -> memref<1x1x1x200x128xf32, #tpu.memory_space<hbm>>
    %dma_start3A_398 = tpu.memref_squeeze %dma_start3A_397 : memref<1x1x1x200x128xf32, #tpu.memory_space<hbm>> -> memref<200x128xf32, #tpu.memory_space<hbm>>
    tpu.enqueue_dma source(%dma_start3A_398 : memref<200x128xf32, #tpu.memory_space<hbm>>) target(%arg4 : memref<200x128xf32, #tpu.memory_space<vmem>>) target_semaphore(%arg9 : memref<!tpu.dma_semaphore, #tpu.memory_space<semaphore_mem>>)
    %dma_wait3A_399 = arith.constant 0 : i32
    %dma_wait3A_400 = arith.constant 0 : i32
    %dma_wait3A_401 = arith.constant 0 : i32
    %dma_wait3A_402 = arith.constant 0 : i32
    %dma_wait3A_403 = tpu.memref_slice %arg3[%add3A, %dma_wait3A_399, %dma_wait3A_400, %dma_wait3A_401, %dma_wait3A_402] : memref<32x1x56x200x128xf32, #tpu.memory_space<hbm>> -> memref<1x1x1x200x128xf32, #tpu.memory_space<hbm>>
    %dma_wait3A_404 = tpu.memref_squeeze %dma_wait3A_403 : memref<1x1x1x200x128xf32, #tpu.memory_space<hbm>> -> memref<200x128xf32, #tpu.memory_space<hbm>>
    %dma_wait3A_405 = arith.constant 0 : i32
    %dma_wait3A_406 = arith.constant 0 : i32
    %dma_wait3A_407 = tpu.memref_slice %arg3[%add3A, %dma_wait3A_399, %dma_wait3A_400, %dma_wait3A_405, %dma_wait3A_406] : memref<32x1x56x200x128xf32, #tpu.memory_space<hbm>> -> memref<1x1x1x200x128xf32, #tpu.memory_space<hbm>>
    %dma_wait3A_408 = tpu.memref_squeeze %dma_wait3A_407 : memref<1x1x1x200x128xf32, #tpu.memory_space<hbm>> -> memref<200x128xf32, #tpu.memory_space<hbm>>
    tpu.wait_dma2 semaphore(%arg16 : memref<!tpu.dma_semaphore, #tpu.memory_space<semaphore_mem>>) src(%arg5 : memref<200x128xf32, #tpu.memory_space<vmem>>) dst(%dma_wait3A_408 : memref<200x128xf32, #tpu.memory_space<hbm>>)
    %dma_start3A_409 = arith.constant 2 : i32
    %dma_start3A_410 = arith.constant 6 : i32
    %dma_start3A_411 = arith.constant 0 : i32
    %dma_start3A_412 = arith.constant 0 : i32
    %dma_start3A_413 = tpu.memref_slice %arg2[%add3A, %dma_start3A_409, %dma_start3A_410, %dma_start3A_411, %dma_start3A_412] : memref<32x7x7x200x128xf32, #tpu.memory_space<hbm>> -> memref<1x1x1x200x128xf32, #tpu.memory_space<hbm>>
    %dma_start3A_414 = tpu.memref_squeeze %dma_start3A_413 : memref<1x1x1x200x128xf32, #tpu.memory_space<hbm>> -> memref<200x128xf32, #tpu.memory_space<hbm>>
    %dma_start3A_415 = arith.constant 0 : i32
    %dma_start3A_416 = arith.constant 0 : i32
    %dma_start3A_417 = tpu.memref_slice %arg2[%add3A, %dma_start3A_409, %dma_start3A_410, %dma_start3A_415, %dma_start3A_416] : memref<32x7x7x200x128xf32, #tpu.memory_space<hbm>> -> memref<1x1x1x200x128xf32, #tpu.memory_space<hbm>>
    %dma_start3A_418 = tpu.memref_squeeze %dma_start3A_417 : memref<1x1x1x200x128xf32, #tpu.memory_space<hbm>> -> memref<200x128xf32, #tpu.memory_space<hbm>>
    tpu.enqueue_dma source(%dma_start3A_418 : memref<200x128xf32, #tpu.memory_space<hbm>>) target(%arg5 : memref<200x128xf32, #tpu.memory_space<vmem>>) target_semaphore(%arg10 : memref<!tpu.dma_semaphore, #tpu.memory_space<semaphore_mem>>)
    %dma_wait3A_419 = arith.constant 0 : i32
    %dma_wait3A_420 = arith.constant 0 : i32
    %dma_wait3A_421 = arith.constant 0 : i32
    %dma_wait3A_422 = arith.constant 0 : i32
    %dma_wait3A_423 = tpu.memref_slice %arg3[%add3A, %dma_wait3A_419, %dma_wait3A_420, %dma_wait3A_421, %dma_wait3A_422] : memref<32x1x56x200x128xf32, #tpu.memory_space<hbm>> -> memref<1x1x1x200x128xf32, #tpu.memory_space<hbm>>
    %dma_wait3A_424 = tpu.memref_squeeze %dma_wait3A_423 : memref<1x1x1x200x128xf32, #tpu.memory_space<hbm>> -> memref<200x128xf32, #tpu.memory_space<hbm>>
    %dma_wait3A_425 = arith.constant 0 : i32
    %dma_wait3A_426 = arith.constant 0 : i32
    %dma_wait3A_427 = tpu.memref_slice %arg3[%add3A, %dma_wait3A_419, %dma_wait3A_420, %dma_wait3A_425, %dma_wait3A_426] : memref<32x1x56x200x128xf32, #tpu.memory_space<hbm>> -> memref<1x1x1x200x128xf32, #tpu.memory_space<hbm>>
    %dma_wait3A_428 = tpu.memref_squeeze %dma_wait3A_427 : memref<1x1x1x200x128xf32, #tpu.memory_space<hbm>> -> memref<200x128xf32, #tpu.memory_space<hbm>>
    tpu.wait_dma2 semaphore(%arg17 : memref<!tpu.dma_semaphore, #tpu.memory_space<semaphore_mem>>) src(%arg6 : memref<200x128xf32, #tpu.memory_space<vmem>>) dst(%dma_wait3A_428 : memref<200x128xf32, #tpu.memory_space<hbm>>)
    %dma_start3A_429 = arith.constant 1 : i32
    %dma_start3A_430 = arith.constant 6 : i32
    %dma_start3A_431 = arith.constant 0 : i32
    %dma_start3A_432 = arith.constant 0 : i32
    %dma_start3A_433 = tpu.memref_slice %arg2[%add3A, %dma_start3A_429, %dma_start3A_430, %dma_start3A_431, %dma_start3A_432] : memref<32x7x7x200x128xf32, #tpu.memory_space<hbm>> -> memref<1x1x1x200x128xf32, #tpu.memory_space<hbm>>
    %dma_start3A_434 = tpu.memref_squeeze %dma_start3A_433 : memref<1x1x1x200x128xf32, #tpu.memory_space<hbm>> -> memref<200x128xf32, #tpu.memory_space<hbm>>
    %dma_start3A_435 = arith.constant 0 : i32
    %dma_start3A_436 = arith.constant 0 : i32
    %dma_start3A_437 = tpu.memref_slice %arg2[%add3A, %dma_start3A_429, %dma_start3A_430, %dma_start3A_435, %dma_start3A_436] : memref<32x7x7x200x128xf32, #tpu.memory_space<hbm>> -> memref<1x1x1x200x128xf32, #tpu.memory_space<hbm>>
    %dma_start3A_438 = tpu.memref_squeeze %dma_start3A_437 : memref<1x1x1x200x128xf32, #tpu.memory_space<hbm>> -> memref<200x128xf32, #tpu.memory_space<hbm>>
    tpu.enqueue_dma source(%dma_start3A_438 : memref<200x128xf32, #tpu.memory_space<hbm>>) target(%arg6 : memref<200x128xf32, #tpu.memory_space<vmem>>) target_semaphore(%arg11 : memref<!tpu.dma_semaphore, #tpu.memory_space<semaphore_mem>>)
    %dma_wait3A_439 = arith.constant 0 : i32
    %dma_wait3A_440 = arith.constant 0 : i32
    %dma_wait3A_441 = arith.constant 0 : i32
    %dma_wait3A_442 = arith.constant 0 : i32
    %dma_wait3A_443 = tpu.memref_slice %arg3[%add3A, %dma_wait3A_439, %dma_wait3A_440, %dma_wait3A_441, %dma_wait3A_442] : memref<32x1x56x200x128xf32, #tpu.memory_space<hbm>> -> memref<1x1x1x200x128xf32, #tpu.memory_space<hbm>>
    %dma_wait3A_444 = tpu.memref_squeeze %dma_wait3A_443 : memref<1x1x1x200x128xf32, #tpu.memory_space<hbm>> -> memref<200x128xf32, #tpu.memory_space<hbm>>
    %dma_wait3A_445 = arith.constant 0 : i32
    %dma_wait3A_446 = arith.constant 0 : i32
    %dma_wait3A_447 = tpu.memref_slice %arg3[%add3A, %dma_wait3A_439, %dma_wait3A_440, %dma_wait3A_445, %dma_wait3A_446] : memref<32x1x56x200x128xf32, #tpu.memory_space<hbm>> -> memref<1x1x1x200x128xf32, #tpu.memory_space<hbm>>
    %dma_wait3A_448 = tpu.memref_squeeze %dma_wait3A_447 : memref<1x1x1x200x128xf32, #tpu.memory_space<hbm>> -> memref<200x128xf32, #tpu.memory_space<hbm>>
    tpu.wait_dma2 semaphore(%arg18 : memref<!tpu.dma_semaphore, #tpu.memory_space<semaphore_mem>>) src(%arg7 : memref<200x128xf32, #tpu.memory_space<vmem>>) dst(%dma_wait3A_448 : memref<200x128xf32, #tpu.memory_space<hbm>>)
    %dma_start3A_449 = arith.constant 0 : i32
    %dma_start3A_450 = arith.constant 6 : i32
    %dma_start3A_451 = arith.constant 0 : i32
    %dma_start3A_452 = arith.constant 0 : i32
    %dma_start3A_453 = tpu.memref_slice %arg2[%add3A, %dma_start3A_449, %dma_start3A_450, %dma_start3A_451, %dma_start3A_452] : memref<32x7x7x200x128xf32, #tpu.memory_space<hbm>> -> memref<1x1x1x200x128xf32, #tpu.memory_space<hbm>>
    %dma_start3A_454 = tpu.memref_squeeze %dma_start3A_453 : memref<1x1x1x200x128xf32, #tpu.memory_space<hbm>> -> memref<200x128xf32, #tpu.memory_space<hbm>>
    %dma_start3A_455 = arith.constant 0 : i32
    %dma_start3A_456 = arith.constant 0 : i32
    %dma_start3A_457 = tpu.memref_slice %arg2[%add3A, %dma_start3A_449, %dma_start3A_450, %dma_start3A_455, %dma_start3A_456] : memref<32x7x7x200x128xf32, #tpu.memory_space<hbm>> -> memref<1x1x1x200x128xf32, #tpu.memory_space<hbm>>
    %dma_start3A_458 = tpu.memref_squeeze %dma_start3A_457 : memref<1x1x1x200x128xf32, #tpu.memory_space<hbm>> -> memref<200x128xf32, #tpu.memory_space<hbm>>
    tpu.enqueue_dma source(%dma_start3A_458 : memref<200x128xf32, #tpu.memory_space<hbm>>) target(%arg7 : memref<200x128xf32, #tpu.memory_space<vmem>>) target_semaphore(%arg12 : memref<!tpu.dma_semaphore, #tpu.memory_space<semaphore_mem>>)
    %dma_wait3A_459 = arith.constant 0 : i32
    %dma_wait3A_460 = arith.constant 0 : i32
    %dma_wait3A_461 = arith.constant 0 : i32
    %dma_wait3A_462 = arith.constant 0 : i32
    %dma_wait3A_463 = tpu.memref_slice %arg2[%add3A, %dma_wait3A_459, %dma_wait3A_460, %dma_wait3A_461, %dma_wait3A_462] : memref<32x7x7x200x128xf32, #tpu.memory_space<hbm>> -> memref<1x1x1x200x128xf32, #tpu.memory_space<hbm>>
    %dma_wait3A_464 = tpu.memref_squeeze %dma_wait3A_463 : memref<1x1x1x200x128xf32, #tpu.memory_space<hbm>> -> memref<200x128xf32, #tpu.memory_space<hbm>>
    %dma_wait3A_465 = arith.constant 0 : i32
    %dma_wait3A_466 = arith.constant 0 : i32
    %dma_wait3A_467 = tpu.memref_slice %arg2[%add3A, %dma_wait3A_459, %dma_wait3A_460, %dma_wait3A_465, %dma_wait3A_466] : memref<32x7x7x200x128xf32, #tpu.memory_space<hbm>> -> memref<1x1x1x200x128xf32, #tpu.memory_space<hbm>>
    %dma_wait3A_468 = tpu.memref_squeeze %dma_wait3A_467 : memref<1x1x1x200x128xf32, #tpu.memory_space<hbm>> -> memref<200x128xf32, #tpu.memory_space<hbm>>
    tpu.wait_dma2 semaphore(%arg9 : memref<!tpu.dma_semaphore, #tpu.memory_space<semaphore_mem>>) src(%dma_wait3A_468 : memref<200x128xf32, #tpu.memory_space<hbm>>) dst(%arg4 : memref<200x128xf32, #tpu.memory_space<vmem>>)
    %dma_start3A_469 = arith.constant 0 : i32
    %dma_start3A_470 = arith.constant 10 : i32
    %dma_start3A_471 = arith.constant 0 : i32
    %dma_start3A_472 = arith.constant 0 : i32
    %dma_start3A_473 = tpu.memref_slice %arg3[%add3A, %dma_start3A_469, %dma_start3A_470, %dma_start3A_471, %dma_start3A_472] : memref<32x1x56x200x128xf32, #tpu.memory_space<hbm>> -> memref<1x1x1x200x128xf32, #tpu.memory_space<hbm>>
    %dma_start3A_474 = tpu.memref_squeeze %dma_start3A_473 : memref<1x1x1x200x128xf32, #tpu.memory_space<hbm>> -> memref<200x128xf32, #tpu.memory_space<hbm>>
    %dma_start3A_475 = arith.constant 0 : i32
    %dma_start3A_476 = arith.constant 0 : i32
    %dma_start3A_477 = tpu.memref_slice %arg3[%add3A, %dma_start3A_469, %dma_start3A_470, %dma_start3A_475, %dma_start3A_476] : memref<32x1x56x200x128xf32, #tpu.memory_space<hbm>> -> memref<1x1x1x200x128xf32, #tpu.memory_space<hbm>>
    %dma_start3A_478 = tpu.memref_squeeze %dma_start3A_477 : memref<1x1x1x200x128xf32, #tpu.memory_space<hbm>> -> memref<200x128xf32, #tpu.memory_space<hbm>>
    tpu.enqueue_dma source(%arg4 : memref<200x128xf32, #tpu.memory_space<vmem>>) target(%dma_start3A_478 : memref<200x128xf32, #tpu.memory_space<hbm>>) target_semaphore(%arg15 : memref<!tpu.dma_semaphore, #tpu.memory_space<semaphore_mem>>)
    %dma_wait3A_479 = arith.constant 0 : i32
    %dma_wait3A_480 = arith.constant 0 : i32
    %dma_wait3A_481 = arith.constant 0 : i32
    %dma_wait3A_482 = arith.constant 0 : i32
    %dma_wait3A_483 = tpu.memref_slice %arg2[%add3A, %dma_wait3A_479, %dma_wait3A_480, %dma_wait3A_481, %dma_wait3A_482] : memref<32x7x7x200x128xf32, #tpu.memory_space<hbm>> -> memref<1x1x1x200x128xf32, #tpu.memory_space<hbm>>
    %dma_wait3A_484 = tpu.memref_squeeze %dma_wait3A_483 : memref<1x1x1x200x128xf32, #tpu.memory_space<hbm>> -> memref<200x128xf32, #tpu.memory_space<hbm>>
    %dma_wait3A_485 = arith.constant 0 : i32
    %dma_wait3A_486 = arith.constant 0 : i32
    %dma_wait3A_487 = tpu.memref_slice %arg2[%add3A, %dma_wait3A_479, %dma_wait3A_480, %dma_wait3A_485, %dma_wait3A_486] : memref<32x7x7x200x128xf32, #tpu.memory_space<hbm>> -> memref<1x1x1x200x128xf32, #tpu.memory_space<hbm>>
    %dma_wait3A_488 = tpu.memref_squeeze %dma_wait3A_487 : memref<1x1x1x200x128xf32, #tpu.memory_space<hbm>> -> memref<200x128xf32, #tpu.memory_space<hbm>>
    tpu.wait_dma2 semaphore(%arg10 : memref<!tpu.dma_semaphore, #tpu.memory_space<semaphore_mem>>) src(%dma_wait3A_488 : memref<200x128xf32, #tpu.memory_space<hbm>>) dst(%arg5 : memref<200x128xf32, #tpu.memory_space<vmem>>)
    %dma_start3A_489 = arith.constant 0 : i32
    %dma_start3A_490 = arith.constant 11 : i32
    %dma_start3A_491 = arith.constant 0 : i32
    %dma_start3A_492 = arith.constant 0 : i32
    %dma_start3A_493 = tpu.memref_slice %arg3[%add3A, %dma_start3A_489, %dma_start3A_490, %dma_start3A_491, %dma_start3A_492] : memref<32x1x56x200x128xf32, #tpu.memory_space<hbm>> -> memref<1x1x1x200x128xf32, #tpu.memory_space<hbm>>
    %dma_start3A_494 = tpu.memref_squeeze %dma_start3A_493 : memref<1x1x1x200x128xf32, #tpu.memory_space<hbm>> -> memref<200x128xf32, #tpu.memory_space<hbm>>
    %dma_start3A_495 = arith.constant 0 : i32
    %dma_start3A_496 = arith.constant 0 : i32
    %dma_start3A_497 = tpu.memref_slice %arg3[%add3A, %dma_start3A_489, %dma_start3A_490, %dma_start3A_495, %dma_start3A_496] : memref<32x1x56x200x128xf32, #tpu.memory_space<hbm>> -> memref<1x1x1x200x128xf32, #tpu.memory_space<hbm>>
    %dma_start3A_498 = tpu.memref_squeeze %dma_start3A_497 : memref<1x1x1x200x128xf32, #tpu.memory_space<hbm>> -> memref<200x128xf32, #tpu.memory_space<hbm>>
    tpu.enqueue_dma source(%arg5 : memref<200x128xf32, #tpu.memory_space<vmem>>) target(%dma_start3A_498 : memref<200x128xf32, #tpu.memory_space<hbm>>) target_semaphore(%arg16 : memref<!tpu.dma_semaphore, #tpu.memory_space<semaphore_mem>>)
    %dma_wait3A_499 = arith.constant 0 : i32
    %dma_wait3A_500 = arith.constant 0 : i32
    %dma_wait3A_501 = arith.constant 0 : i32
    %dma_wait3A_502 = arith.constant 0 : i32
    %dma_wait3A_503 = tpu.memref_slice %arg2[%add3A, %dma_wait3A_499, %dma_wait3A_500, %dma_wait3A_501, %dma_wait3A_502] : memref<32x7x7x200x128xf32, #tpu.memory_space<hbm>> -> memref<1x1x1x200x128xf32, #tpu.memory_space<hbm>>
    %dma_wait3A_504 = tpu.memref_squeeze %dma_wait3A_503 : memref<1x1x1x200x128xf32, #tpu.memory_space<hbm>> -> memref<200x128xf32, #tpu.memory_space<hbm>>
    %dma_wait3A_505 = arith.constant 0 : i32
    %dma_wait3A_506 = arith.constant 0 : i32
    %dma_wait3A_507 = tpu.memref_slice %arg2[%add3A, %dma_wait3A_499, %dma_wait3A_500, %dma_wait3A_505, %dma_wait3A_506] : memref<32x7x7x200x128xf32, #tpu.memory_space<hbm>> -> memref<1x1x1x200x128xf32, #tpu.memory_space<hbm>>
    %dma_wait3A_508 = tpu.memref_squeeze %dma_wait3A_507 : memref<1x1x1x200x128xf32, #tpu.memory_space<hbm>> -> memref<200x128xf32, #tpu.memory_space<hbm>>
    tpu.wait_dma2 semaphore(%arg11 : memref<!tpu.dma_semaphore, #tpu.memory_space<semaphore_mem>>) src(%dma_wait3A_508 : memref<200x128xf32, #tpu.memory_space<hbm>>) dst(%arg6 : memref<200x128xf32, #tpu.memory_space<vmem>>)
    %dma_start3A_509 = arith.constant 0 : i32
    %dma_start3A_510 = arith.constant 12 : i32
    %dma_start3A_511 = arith.constant 0 : i32
    %dma_start3A_512 = arith.constant 0 : i32
    %dma_start3A_513 = tpu.memref_slice %arg3[%add3A, %dma_start3A_509, %dma_start3A_510, %dma_start3A_511, %dma_start3A_512] : memref<32x1x56x200x128xf32, #tpu.memory_space<hbm>> -> memref<1x1x1x200x128xf32, #tpu.memory_space<hbm>>
    %dma_start3A_514 = tpu.memref_squeeze %dma_start3A_513 : memref<1x1x1x200x128xf32, #tpu.memory_space<hbm>> -> memref<200x128xf32, #tpu.memory_space<hbm>>
    %dma_start3A_515 = arith.constant 0 : i32
    %dma_start3A_516 = arith.constant 0 : i32
    %dma_start3A_517 = tpu.memref_slice %arg3[%add3A, %dma_start3A_509, %dma_start3A_510, %dma_start3A_515, %dma_start3A_516] : memref<32x1x56x200x128xf32, #tpu.memory_space<hbm>> -> memref<1x1x1x200x128xf32, #tpu.memory_space<hbm>>
    %dma_start3A_518 = tpu.memref_squeeze %dma_start3A_517 : memref<1x1x1x200x128xf32, #tpu.memory_space<hbm>> -> memref<200x128xf32, #tpu.memory_space<hbm>>
    tpu.enqueue_dma source(%arg6 : memref<200x128xf32, #tpu.memory_space<vmem>>) target(%dma_start3A_518 : memref<200x128xf32, #tpu.memory_space<hbm>>) target_semaphore(%arg17 : memref<!tpu.dma_semaphore, #tpu.memory_space<semaphore_mem>>)
    %dma_wait3A_519 = arith.constant 0 : i32
    %dma_wait3A_520 = arith.constant 0 : i32
    %dma_wait3A_521 = arith.constant 0 : i32
    %dma_wait3A_522 = arith.constant 0 : i32
    %dma_wait3A_523 = tpu.memref_slice %arg2[%add3A, %dma_wait3A_519, %dma_wait3A_520, %dma_wait3A_521, %dma_wait3A_522] : memref<32x7x7x200x128xf32, #tpu.memory_space<hbm>> -> memref<1x1x1x200x128xf32, #tpu.memory_space<hbm>>
    %dma_wait3A_524 = tpu.memref_squeeze %dma_wait3A_523 : memref<1x1x1x200x128xf32, #tpu.memory_space<hbm>> -> memref<200x128xf32, #tpu.memory_space<hbm>>
    %dma_wait3A_525 = arith.constant 0 : i32
    %dma_wait3A_526 = arith.constant 0 : i32
    %dma_wait3A_527 = tpu.memref_slice %arg2[%add3A, %dma_wait3A_519, %dma_wait3A_520, %dma_wait3A_525, %dma_wait3A_526] : memref<32x7x7x200x128xf32, #tpu.memory_space<hbm>> -> memref<1x1x1x200x128xf32, #tpu.memory_space<hbm>>
    %dma_wait3A_528 = tpu.memref_squeeze %dma_wait3A_527 : memref<1x1x1x200x128xf32, #tpu.memory_space<hbm>> -> memref<200x128xf32, #tpu.memory_space<hbm>>
    tpu.wait_dma2 semaphore(%arg12 : memref<!tpu.dma_semaphore, #tpu.memory_space<semaphore_mem>>) src(%dma_wait3A_528 : memref<200x128xf32, #tpu.memory_space<hbm>>) dst(%arg7 : memref<200x128xf32, #tpu.memory_space<vmem>>)
    %dma_start3A_529 = arith.constant 0 : i32
    %dma_start3A_530 = arith.constant 13 : i32
    %dma_start3A_531 = arith.constant 0 : i32
    %dma_start3A_532 = arith.constant 0 : i32
    %dma_start3A_533 = tpu.memref_slice %arg3[%add3A, %dma_start3A_529, %dma_start3A_530, %dma_start3A_531, %dma_start3A_532] : memref<32x1x56x200x128xf32, #tpu.memory_space<hbm>> -> memref<1x1x1x200x128xf32, #tpu.memory_space<hbm>>
    %dma_start3A_534 = tpu.memref_squeeze %dma_start3A_533 : memref<1x1x1x200x128xf32, #tpu.memory_space<hbm>> -> memref<200x128xf32, #tpu.memory_space<hbm>>
    %dma_start3A_535 = arith.constant 0 : i32
    %dma_start3A_536 = arith.constant 0 : i32
    %dma_start3A_537 = tpu.memref_slice %arg3[%add3A, %dma_start3A_529, %dma_start3A_530, %dma_start3A_535, %dma_start3A_536] : memref<32x1x56x200x128xf32, #tpu.memory_space<hbm>> -> memref<1x1x1x200x128xf32, #tpu.memory_space<hbm>>
    %dma_start3A_538 = tpu.memref_squeeze %dma_start3A_537 : memref<1x1x1x200x128xf32, #tpu.memory_space<hbm>> -> memref<200x128xf32, #tpu.memory_space<hbm>>
    tpu.enqueue_dma source(%arg7 : memref<200x128xf32, #tpu.memory_space<vmem>>) target(%dma_start3A_538 : memref<200x128xf32, #tpu.memory_space<hbm>>) target_semaphore(%arg18 : memref<!tpu.dma_semaphore, #tpu.memory_space<semaphore_mem>>)
    %dma_wait3A_539 = arith.constant 0 : i32
    %dma_wait3A_540 = arith.constant 0 : i32
    %dma_wait3A_541 = arith.constant 0 : i32
    %dma_wait3A_542 = arith.constant 0 : i32
    %dma_wait3A_543 = tpu.memref_slice %arg3[%add3A, %dma_wait3A_539, %dma_wait3A_540, %dma_wait3A_541, %dma_wait3A_542] : memref<32x1x56x200x128xf32, #tpu.memory_space<hbm>> -> memref<1x1x1x200x128xf32, #tpu.memory_space<hbm>>
    %dma_wait3A_544 = tpu.memref_squeeze %dma_wait3A_543 : memref<1x1x1x200x128xf32, #tpu.memory_space<hbm>> -> memref<200x128xf32, #tpu.memory_space<hbm>>
    %dma_wait3A_545 = arith.constant 0 : i32
    %dma_wait3A_546 = arith.constant 0 : i32
    %dma_wait3A_547 = tpu.memref_slice %arg3[%add3A, %dma_wait3A_539, %dma_wait3A_540, %dma_wait3A_545, %dma_wait3A_546] : memref<32x1x56x200x128xf32, #tpu.memory_space<hbm>> -> memref<1x1x1x200x128xf32, #tpu.memory_space<hbm>>
    %dma_wait3A_548 = tpu.memref_squeeze %dma_wait3A_547 : memref<1x1x1x200x128xf32, #tpu.memory_space<hbm>> -> memref<200x128xf32, #tpu.memory_space<hbm>>
    tpu.wait_dma2 semaphore(%arg15 : memref<!tpu.dma_semaphore, #tpu.memory_space<semaphore_mem>>) src(%arg4 : memref<200x128xf32, #tpu.memory_space<vmem>>) dst(%dma_wait3A_548 : memref<200x128xf32, #tpu.memory_space<hbm>>)
    %dma_start3A_549 = arith.constant 3 : i32
    %dma_start3A_550 = arith.constant 4 : i32
    %dma_start3A_551 = arith.constant 0 : i32
    %dma_start3A_552 = arith.constant 0 : i32
    %dma_start3A_553 = tpu.memref_slice %arg2[%add3A, %dma_start3A_549, %dma_start3A_550, %dma_start3A_551, %dma_start3A_552] : memref<32x7x7x200x128xf32, #tpu.memory_space<hbm>> -> memref<1x1x1x200x128xf32, #tpu.memory_space<hbm>>
    %dma_start3A_554 = tpu.memref_squeeze %dma_start3A_553 : memref<1x1x1x200x128xf32, #tpu.memory_space<hbm>> -> memref<200x128xf32, #tpu.memory_space<hbm>>
    %dma_start3A_555 = arith.constant 0 : i32
    %dma_start3A_556 = arith.constant 0 : i32
    %dma_start3A_557 = tpu.memref_slice %arg2[%add3A, %dma_start3A_549, %dma_start3A_550, %dma_start3A_555, %dma_start3A_556] : memref<32x7x7x200x128xf32, #tpu.memory_space<hbm>> -> memref<1x1x1x200x128xf32, #tpu.memory_space<hbm>>
    %dma_start3A_558 = tpu.memref_squeeze %dma_start3A_557 : memref<1x1x1x200x128xf32, #tpu.memory_space<hbm>> -> memref<200x128xf32, #tpu.memory_space<hbm>>
    tpu.enqueue_dma source(%dma_start3A_558 : memref<200x128xf32, #tpu.memory_space<hbm>>) target(%arg4 : memref<200x128xf32, #tpu.memory_space<vmem>>) target_semaphore(%arg9 : memref<!tpu.dma_semaphore, #tpu.memory_space<semaphore_mem>>)
    %dma_wait3A_559 = arith.constant 0 : i32
    %dma_wait3A_560 = arith.constant 0 : i32
    %dma_wait3A_561 = arith.constant 0 : i32
    %dma_wait3A_562 = arith.constant 0 : i32
    %dma_wait3A_563 = tpu.memref_slice %arg3[%add3A, %dma_wait3A_559, %dma_wait3A_560, %dma_wait3A_561, %dma_wait3A_562] : memref<32x1x56x200x128xf32, #tpu.memory_space<hbm>> -> memref<1x1x1x200x128xf32, #tpu.memory_space<hbm>>
    %dma_wait3A_564 = tpu.memref_squeeze %dma_wait3A_563 : memref<1x1x1x200x128xf32, #tpu.memory_space<hbm>> -> memref<200x128xf32, #tpu.memory_space<hbm>>
    %dma_wait3A_565 = arith.constant 0 : i32
    %dma_wait3A_566 = arith.constant 0 : i32
    %dma_wait3A_567 = tpu.memref_slice %arg3[%add3A, %dma_wait3A_559, %dma_wait3A_560, %dma_wait3A_565, %dma_wait3A_566] : memref<32x1x56x200x128xf32, #tpu.memory_space<hbm>> -> memref<1x1x1x200x128xf32, #tpu.memory_space<hbm>>
    %dma_wait3A_568 = tpu.memref_squeeze %dma_wait3A_567 : memref<1x1x1x200x128xf32, #tpu.memory_space<hbm>> -> memref<200x128xf32, #tpu.memory_space<hbm>>
    tpu.wait_dma2 semaphore(%arg16 : memref<!tpu.dma_semaphore, #tpu.memory_space<semaphore_mem>>) src(%arg5 : memref<200x128xf32, #tpu.memory_space<vmem>>) dst(%dma_wait3A_568 : memref<200x128xf32, #tpu.memory_space<hbm>>)
    %dma_start3A_569 = arith.constant 3 : i32
    %dma_start3A_570 = arith.constant 5 : i32
    %dma_start3A_571 = arith.constant 0 : i32
    %dma_start3A_572 = arith.constant 0 : i32
    %dma_start3A_573 = tpu.memref_slice %arg2[%add3A, %dma_start3A_569, %dma_start3A_570, %dma_start3A_571, %dma_start3A_572] : memref<32x7x7x200x128xf32, #tpu.memory_space<hbm>> -> memref<1x1x1x200x128xf32, #tpu.memory_space<hbm>>
    %dma_start3A_574 = tpu.memref_squeeze %dma_start3A_573 : memref<1x1x1x200x128xf32, #tpu.memory_space<hbm>> -> memref<200x128xf32, #tpu.memory_space<hbm>>
    %dma_start3A_575 = arith.constant 0 : i32
    %dma_start3A_576 = arith.constant 0 : i32
    %dma_start3A_577 = tpu.memref_slice %arg2[%add3A, %dma_start3A_569, %dma_start3A_570, %dma_start3A_575, %dma_start3A_576] : memref<32x7x7x200x128xf32, #tpu.memory_space<hbm>> -> memref<1x1x1x200x128xf32, #tpu.memory_space<hbm>>
    %dma_start3A_578 = tpu.memref_squeeze %dma_start3A_577 : memref<1x1x1x200x128xf32, #tpu.memory_space<hbm>> -> memref<200x128xf32, #tpu.memory_space<hbm>>
    tpu.enqueue_dma source(%dma_start3A_578 : memref<200x128xf32, #tpu.memory_space<hbm>>) target(%arg5 : memref<200x128xf32, #tpu.memory_space<vmem>>) target_semaphore(%arg10 : memref<!tpu.dma_semaphore, #tpu.memory_space<semaphore_mem>>)
    %dma_wait3A_579 = arith.constant 0 : i32
    %dma_wait3A_580 = arith.constant 0 : i32
    %dma_wait3A_581 = arith.constant 0 : i32
    %dma_wait3A_582 = arith.constant 0 : i32
    %dma_wait3A_583 = tpu.memref_slice %arg3[%add3A, %dma_wait3A_579, %dma_wait3A_580, %dma_wait3A_581, %dma_wait3A_582] : memref<32x1x56x200x128xf32, #tpu.memory_space<hbm>> -> memref<1x1x1x200x128xf32, #tpu.memory_space<hbm>>
    %dma_wait3A_584 = tpu.memref_squeeze %dma_wait3A_583 : memref<1x1x1x200x128xf32, #tpu.memory_space<hbm>> -> memref<200x128xf32, #tpu.memory_space<hbm>>
    %dma_wait3A_585 = arith.constant 0 : i32
    %dma_wait3A_586 = arith.constant 0 : i32
    %dma_wait3A_587 = tpu.memref_slice %arg3[%add3A, %dma_wait3A_579, %dma_wait3A_580, %dma_wait3A_585, %dma_wait3A_586] : memref<32x1x56x200x128xf32, #tpu.memory_space<hbm>> -> memref<1x1x1x200x128xf32, #tpu.memory_space<hbm>>
    %dma_wait3A_588 = tpu.memref_squeeze %dma_wait3A_587 : memref<1x1x1x200x128xf32, #tpu.memory_space<hbm>> -> memref<200x128xf32, #tpu.memory_space<hbm>>
    tpu.wait_dma2 semaphore(%arg17 : memref<!tpu.dma_semaphore, #tpu.memory_space<semaphore_mem>>) src(%arg6 : memref<200x128xf32, #tpu.memory_space<vmem>>) dst(%dma_wait3A_588 : memref<200x128xf32, #tpu.memory_space<hbm>>)
    %dma_start3A_589 = arith.constant 4 : i32
    %dma_start3A_590 = arith.constant 5 : i32
    %dma_start3A_591 = arith.constant 0 : i32
    %dma_start3A_592 = arith.constant 0 : i32
    %dma_start3A_593 = tpu.memref_slice %arg2[%add3A, %dma_start3A_589, %dma_start3A_590, %dma_start3A_591, %dma_start3A_592] : memref<32x7x7x200x128xf32, #tpu.memory_space<hbm>> -> memref<1x1x1x200x128xf32, #tpu.memory_space<hbm>>
    %dma_start3A_594 = tpu.memref_squeeze %dma_start3A_593 : memref<1x1x1x200x128xf32, #tpu.memory_space<hbm>> -> memref<200x128xf32, #tpu.memory_space<hbm>>
    %dma_start3A_595 = arith.constant 0 : i32
    %dma_start3A_596 = arith.constant 0 : i32
    %dma_start3A_597 = tpu.memref_slice %arg2[%add3A, %dma_start3A_589, %dma_start3A_590, %dma_start3A_595, %dma_start3A_596] : memref<32x7x7x200x128xf32, #tpu.memory_space<hbm>> -> memref<1x1x1x200x128xf32, #tpu.memory_space<hbm>>
    %dma_start3A_598 = tpu.memref_squeeze %dma_start3A_597 : memref<1x1x1x200x128xf32, #tpu.memory_space<hbm>> -> memref<200x128xf32, #tpu.memory_space<hbm>>
    tpu.enqueue_dma source(%dma_start3A_598 : memref<200x128xf32, #tpu.memory_space<hbm>>) target(%arg6 : memref<200x128xf32, #tpu.memory_space<vmem>>) target_semaphore(%arg11 : memref<!tpu.dma_semaphore, #tpu.memory_space<semaphore_mem>>)
    %dma_wait3A_599 = arith.constant 0 : i32
    %dma_wait3A_600 = arith.constant 0 : i32
    %dma_wait3A_601 = arith.constant 0 : i32
    %dma_wait3A_602 = arith.constant 0 : i32
    %dma_wait3A_603 = tpu.memref_slice %arg3[%add3A, %dma_wait3A_599, %dma_wait3A_600, %dma_wait3A_601, %dma_wait3A_602] : memref<32x1x56x200x128xf32, #tpu.memory_space<hbm>> -> memref<1x1x1x200x128xf32, #tpu.memory_space<hbm>>
    %dma_wait3A_604 = tpu.memref_squeeze %dma_wait3A_603 : memref<1x1x1x200x128xf32, #tpu.memory_space<hbm>> -> memref<200x128xf32, #tpu.memory_space<hbm>>
    %dma_wait3A_605 = arith.constant 0 : i32
    %dma_wait3A_606 = arith.constant 0 : i32
    %dma_wait3A_607 = tpu.memref_slice %arg3[%add3A, %dma_wait3A_599, %dma_wait3A_600, %dma_wait3A_605, %dma_wait3A_606] : memref<32x1x56x200x128xf32, #tpu.memory_space<hbm>> -> memref<1x1x1x200x128xf32, #tpu.memory_space<hbm>>
    %dma_wait3A_608 = tpu.memref_squeeze %dma_wait3A_607 : memref<1x1x1x200x128xf32, #tpu.memory_space<hbm>> -> memref<200x128xf32, #tpu.memory_space<hbm>>
    tpu.wait_dma2 semaphore(%arg18 : memref<!tpu.dma_semaphore, #tpu.memory_space<semaphore_mem>>) src(%arg7 : memref<200x128xf32, #tpu.memory_space<vmem>>) dst(%dma_wait3A_608 : memref<200x128xf32, #tpu.memory_space<hbm>>)
    %dma_start3A_609 = arith.constant 3 : i32
    %dma_start3A_610 = arith.constant 6 : i32
    %dma_start3A_611 = arith.constant 0 : i32
    %dma_start3A_612 = arith.constant 0 : i32
    %dma_start3A_613 = tpu.memref_slice %arg2[%add3A, %dma_start3A_609, %dma_start3A_610, %dma_start3A_611, %dma_start3A_612] : memref<32x7x7x200x128xf32, #tpu.memory_space<hbm>> -> memref<1x1x1x200x128xf32, #tpu.memory_space<hbm>>
    %dma_start3A_614 = tpu.memref_squeeze %dma_start3A_613 : memref<1x1x1x200x128xf32, #tpu.memory_space<hbm>> -> memref<200x128xf32, #tpu.memory_space<hbm>>
    %dma_start3A_615 = arith.constant 0 : i32
    %dma_start3A_616 = arith.constant 0 : i32
    %dma_start3A_617 = tpu.memref_slice %arg2[%add3A, %dma_start3A_609, %dma_start3A_610, %dma_start3A_615, %dma_start3A_616] : memref<32x7x7x200x128xf32, #tpu.memory_space<hbm>> -> memref<1x1x1x200x128xf32, #tpu.memory_space<hbm>>
    %dma_start3A_618 = tpu.memref_squeeze %dma_start3A_617 : memref<1x1x1x200x128xf32, #tpu.memory_space<hbm>> -> memref<200x128xf32, #tpu.memory_space<hbm>>
    tpu.enqueue_dma source(%dma_start3A_618 : memref<200x128xf32, #tpu.memory_space<hbm>>) target(%arg7 : memref<200x128xf32, #tpu.memory_space<vmem>>) target_semaphore(%arg12 : memref<!tpu.dma_semaphore, #tpu.memory_space<semaphore_mem>>)
    %dma_wait3A_619 = arith.constant 0 : i32
    %dma_wait3A_620 = arith.constant 0 : i32
    %dma_wait3A_621 = arith.constant 0 : i32
    %dma_wait3A_622 = arith.constant 0 : i32
    %dma_wait3A_623 = tpu.memref_slice %arg2[%add3A, %dma_wait3A_619, %dma_wait3A_620, %dma_wait3A_621, %dma_wait3A_622] : memref<32x7x7x200x128xf32, #tpu.memory_space<hbm>> -> memref<1x1x1x200x128xf32, #tpu.memory_space<hbm>>
    %dma_wait3A_624 = tpu.memref_squeeze %dma_wait3A_623 : memref<1x1x1x200x128xf32, #tpu.memory_space<hbm>> -> memref<200x128xf32, #tpu.memory_space<hbm>>
    %dma_wait3A_625 = arith.constant 0 : i32
    %dma_wait3A_626 = arith.constant 0 : i32
    %dma_wait3A_627 = tpu.memref_slice %arg2[%add3A, %dma_wait3A_619, %dma_wait3A_620, %dma_wait3A_625, %dma_wait3A_626] : memref<32x7x7x200x128xf32, #tpu.memory_space<hbm>> -> memref<1x1x1x200x128xf32, #tpu.memory_space<hbm>>
    %dma_wait3A_628 = tpu.memref_squeeze %dma_wait3A_627 : memref<1x1x1x200x128xf32, #tpu.memory_space<hbm>> -> memref<200x128xf32, #tpu.memory_space<hbm>>
    tpu.wait_dma2 semaphore(%arg9 : memref<!tpu.dma_semaphore, #tpu.memory_space<semaphore_mem>>) src(%dma_wait3A_628 : memref<200x128xf32, #tpu.memory_space<hbm>>) dst(%arg4 : memref<200x128xf32, #tpu.memory_space<vmem>>)
    %dma_start3A_629 = arith.constant 0 : i32
    %dma_start3A_630 = arith.constant 15 : i32
    %dma_start3A_631 = arith.constant 0 : i32
    %dma_start3A_632 = arith.constant 0 : i32
    %dma_start3A_633 = tpu.memref_slice %arg3[%add3A, %dma_start3A_629, %dma_start3A_630, %dma_start3A_631, %dma_start3A_632] : memref<32x1x56x200x128xf32, #tpu.memory_space<hbm>> -> memref<1x1x1x200x128xf32, #tpu.memory_space<hbm>>
    %dma_start3A_634 = tpu.memref_squeeze %dma_start3A_633 : memref<1x1x1x200x128xf32, #tpu.memory_space<hbm>> -> memref<200x128xf32, #tpu.memory_space<hbm>>
    %dma_start3A_635 = arith.constant 0 : i32
    %dma_start3A_636 = arith.constant 0 : i32
    %dma_start3A_637 = tpu.memref_slice %arg3[%add3A, %dma_start3A_629, %dma_start3A_630, %dma_start3A_635, %dma_start3A_636] : memref<32x1x56x200x128xf32, #tpu.memory_space<hbm>> -> memref<1x1x1x200x128xf32, #tpu.memory_space<hbm>>
    %dma_start3A_638 = tpu.memref_squeeze %dma_start3A_637 : memref<1x1x1x200x128xf32, #tpu.memory_space<hbm>> -> memref<200x128xf32, #tpu.memory_space<hbm>>
    tpu.enqueue_dma source(%arg4 : memref<200x128xf32, #tpu.memory_space<vmem>>) target(%dma_start3A_638 : memref<200x128xf32, #tpu.memory_space<hbm>>) target_semaphore(%arg15 : memref<!tpu.dma_semaphore, #tpu.memory_space<semaphore_mem>>)
    %dma_wait3A_639 = arith.constant 0 : i32
    %dma_wait3A_640 = arith.constant 0 : i32
    %dma_wait3A_641 = arith.constant 0 : i32
    %dma_wait3A_642 = arith.constant 0 : i32
    %dma_wait3A_643 = tpu.memref_slice %arg2[%add3A, %dma_wait3A_639, %dma_wait3A_640, %dma_wait3A_641, %dma_wait3A_642] : memref<32x7x7x200x128xf32, #tpu.memory_space<hbm>> -> memref<1x1x1x200x128xf32, #tpu.memory_space<hbm>>
    %dma_wait3A_644 = tpu.memref_squeeze %dma_wait3A_643 : memref<1x1x1x200x128xf32, #tpu.memory_space<hbm>> -> memref<200x128xf32, #tpu.memory_space<hbm>>
    %dma_wait3A_645 = arith.constant 0 : i32
    %dma_wait3A_646 = arith.constant 0 : i32
    %dma_wait3A_647 = tpu.memref_slice %arg2[%add3A, %dma_wait3A_639, %dma_wait3A_640, %dma_wait3A_645, %dma_wait3A_646] : memref<32x7x7x200x128xf32, #tpu.memory_space<hbm>> -> memref<1x1x1x200x128xf32, #tpu.memory_space<hbm>>
    %dma_wait3A_648 = tpu.memref_squeeze %dma_wait3A_647 : memref<1x1x1x200x128xf32, #tpu.memory_space<hbm>> -> memref<200x128xf32, #tpu.memory_space<hbm>>
    tpu.wait_dma2 semaphore(%arg10 : memref<!tpu.dma_semaphore, #tpu.memory_space<semaphore_mem>>) src(%dma_wait3A_648 : memref<200x128xf32, #tpu.memory_space<hbm>>) dst(%arg5 : memref<200x128xf32, #tpu.memory_space<vmem>>)
    %dma_start3A_649 = arith.constant 0 : i32
    %dma_start3A_650 = arith.constant 16 : i32
    %dma_start3A_651 = arith.constant 0 : i32
    %dma_start3A_652 = arith.constant 0 : i32
    %dma_start3A_653 = tpu.memref_slice %arg3[%add3A, %dma_start3A_649, %dma_start3A_650, %dma_start3A_651, %dma_start3A_652] : memref<32x1x56x200x128xf32, #tpu.memory_space<hbm>> -> memref<1x1x1x200x128xf32, #tpu.memory_space<hbm>>
    %dma_start3A_654 = tpu.memref_squeeze %dma_start3A_653 : memref<1x1x1x200x128xf32, #tpu.memory_space<hbm>> -> memref<200x128xf32, #tpu.memory_space<hbm>>
    %dma_start3A_655 = arith.constant 0 : i32
    %dma_start3A_656 = arith.constant 0 : i32
    %dma_start3A_657 = tpu.memref_slice %arg3[%add3A, %dma_start3A_649, %dma_start3A_650, %dma_start3A_655, %dma_start3A_656] : memref<32x1x56x200x128xf32, #tpu.memory_space<hbm>> -> memref<1x1x1x200x128xf32, #tpu.memory_space<hbm>>
    %dma_start3A_658 = tpu.memref_squeeze %dma_start3A_657 : memref<1x1x1x200x128xf32, #tpu.memory_space<hbm>> -> memref<200x128xf32, #tpu.memory_space<hbm>>
    tpu.enqueue_dma source(%arg5 : memref<200x128xf32, #tpu.memory_space<vmem>>) target(%dma_start3A_658 : memref<200x128xf32, #tpu.memory_space<hbm>>) target_semaphore(%arg16 : memref<!tpu.dma_semaphore, #tpu.memory_space<semaphore_mem>>)
    %dma_wait3A_659 = arith.constant 0 : i32
    %dma_wait3A_660 = arith.constant 0 : i32
    %dma_wait3A_661 = arith.constant 0 : i32
    %dma_wait3A_662 = arith.constant 0 : i32
    %dma_wait3A_663 = tpu.memref_slice %arg2[%add3A, %dma_wait3A_659, %dma_wait3A_660, %dma_wait3A_661, %dma_wait3A_662] : memref<32x7x7x200x128xf32, #tpu.memory_space<hbm>> -> memref<1x1x1x200x128xf32, #tpu.memory_space<hbm>>
    %dma_wait3A_664 = tpu.memref_squeeze %dma_wait3A_663 : memref<1x1x1x200x128xf32, #tpu.memory_space<hbm>> -> memref<200x128xf32, #tpu.memory_space<hbm>>
    %dma_wait3A_665 = arith.constant 0 : i32
    %dma_wait3A_666 = arith.constant 0 : i32
    %dma_wait3A_667 = tpu.memref_slice %arg2[%add3A, %dma_wait3A_659, %dma_wait3A_660, %dma_wait3A_665, %dma_wait3A_666] : memref<32x7x7x200x128xf32, #tpu.memory_space<hbm>> -> memref<1x1x1x200x128xf32, #tpu.memory_space<hbm>>
    %dma_wait3A_668 = tpu.memref_squeeze %dma_wait3A_667 : memref<1x1x1x200x128xf32, #tpu.memory_space<hbm>> -> memref<200x128xf32, #tpu.memory_space<hbm>>
    tpu.wait_dma2 semaphore(%arg11 : memref<!tpu.dma_semaphore, #tpu.memory_space<semaphore_mem>>) src(%dma_wait3A_668 : memref<200x128xf32, #tpu.memory_space<hbm>>) dst(%arg6 : memref<200x128xf32, #tpu.memory_space<vmem>>)
    %dma_start3A_669 = arith.constant 0 : i32
    %dma_start3A_670 = arith.constant 17 : i32
    %dma_start3A_671 = arith.constant 0 : i32
    %dma_start3A_672 = arith.constant 0 : i32
    %dma_start3A_673 = tpu.memref_slice %arg3[%add3A, %dma_start3A_669, %dma_start3A_670, %dma_start3A_671, %dma_start3A_672] : memref<32x1x56x200x128xf32, #tpu.memory_space<hbm>> -> memref<1x1x1x200x128xf32, #tpu.memory_space<hbm>>
    %dma_start3A_674 = tpu.memref_squeeze %dma_start3A_673 : memref<1x1x1x200x128xf32, #tpu.memory_space<hbm>> -> memref<200x128xf32, #tpu.memory_space<hbm>>
    %dma_start3A_675 = arith.constant 0 : i32
    %dma_start3A_676 = arith.constant 0 : i32
    %dma_start3A_677 = tpu.memref_slice %arg3[%add3A, %dma_start3A_669, %dma_start3A_670, %dma_start3A_675, %dma_start3A_676] : memref<32x1x56x200x128xf32, #tpu.memory_space<hbm>> -> memref<1x1x1x200x128xf32, #tpu.memory_space<hbm>>
    %dma_start3A_678 = tpu.memref_squeeze %dma_start3A_677 : memref<1x1x1x200x128xf32, #tpu.memory_space<hbm>> -> memref<200x128xf32, #tpu.memory_space<hbm>>
    tpu.enqueue_dma source(%arg6 : memref<200x128xf32, #tpu.memory_space<vmem>>) target(%dma_start3A_678 : memref<200x128xf32, #tpu.memory_space<hbm>>) target_semaphore(%arg17 : memref<!tpu.dma_semaphore, #tpu.memory_space<semaphore_mem>>)
    %dma_wait3A_679 = arith.constant 0 : i32
    %dma_wait3A_680 = arith.constant 0 : i32
    %dma_wait3A_681 = arith.constant 0 : i32
    %dma_wait3A_682 = arith.constant 0 : i32
    %dma_wait3A_683 = tpu.memref_slice %arg2[%add3A, %dma_wait3A_679, %dma_wait3A_680, %dma_wait3A_681, %dma_wait3A_682] : memref<32x7x7x200x128xf32, #tpu.memory_space<hbm>> -> memref<1x1x1x200x128xf32, #tpu.memory_space<hbm>>
    %dma_wait3A_684 = tpu.memref_squeeze %dma_wait3A_683 : memref<1x1x1x200x128xf32, #tpu.memory_space<hbm>> -> memref<200x128xf32, #tpu.memory_space<hbm>>
    %dma_wait3A_685 = arith.constant 0 : i32
    %dma_wait3A_686 = arith.constant 0 : i32
    %dma_wait3A_687 = tpu.memref_slice %arg2[%add3A, %dma_wait3A_679, %dma_wait3A_680, %dma_wait3A_685, %dma_wait3A_686] : memref<32x7x7x200x128xf32, #tpu.memory_space<hbm>> -> memref<1x1x1x200x128xf32, #tpu.memory_space<hbm>>
    %dma_wait3A_688 = tpu.memref_squeeze %dma_wait3A_687 : memref<1x1x1x200x128xf32, #tpu.memory_space<hbm>> -> memref<200x128xf32, #tpu.memory_space<hbm>>
    tpu.wait_dma2 semaphore(%arg12 : memref<!tpu.dma_semaphore, #tpu.memory_space<semaphore_mem>>) src(%dma_wait3A_688 : memref<200x128xf32, #tpu.memory_space<hbm>>) dst(%arg7 : memref<200x128xf32, #tpu.memory_space<vmem>>)
    %dma_start3A_689 = arith.constant 0 : i32
    %dma_start3A_690 = arith.constant 18 : i32
    %dma_start3A_691 = arith.constant 0 : i32
    %dma_start3A_692 = arith.constant 0 : i32
    %dma_start3A_693 = tpu.memref_slice %arg3[%add3A, %dma_start3A_689, %dma_start3A_690, %dma_start3A_691, %dma_start3A_692] : memref<32x1x56x200x128xf32, #tpu.memory_space<hbm>> -> memref<1x1x1x200x128xf32, #tpu.memory_space<hbm>>
    %dma_start3A_694 = tpu.memref_squeeze %dma_start3A_693 : memref<1x1x1x200x128xf32, #tpu.memory_space<hbm>> -> memref<200x128xf32, #tpu.memory_space<hbm>>
    %dma_start3A_695 = arith.constant 0 : i32
    %dma_start3A_696 = arith.constant 0 : i32
    %dma_start3A_697 = tpu.memref_slice %arg3[%add3A, %dma_start3A_689, %dma_start3A_690, %dma_start3A_695, %dma_start3A_696] : memref<32x1x56x200x128xf32, #tpu.memory_space<hbm>> -> memref<1x1x1x200x128xf32, #tpu.memory_space<hbm>>
    %dma_start3A_698 = tpu.memref_squeeze %dma_start3A_697 : memref<1x1x1x200x128xf32, #tpu.memory_space<hbm>> -> memref<200x128xf32, #tpu.memory_space<hbm>>
    tpu.enqueue_dma source(%arg7 : memref<200x128xf32, #tpu.memory_space<vmem>>) target(%dma_start3A_698 : memref<200x128xf32, #tpu.memory_space<hbm>>) target_semaphore(%arg18 : memref<!tpu.dma_semaphore, #tpu.memory_space<semaphore_mem>>)
    %dma_wait3A_699 = arith.constant 0 : i32
    %dma_wait3A_700 = arith.constant 0 : i32
    %dma_wait3A_701 = arith.constant 0 : i32
    %dma_wait3A_702 = arith.constant 0 : i32
    %dma_wait3A_703 = tpu.memref_slice %arg3[%add3A, %dma_wait3A_699, %dma_wait3A_700, %dma_wait3A_701, %dma_wait3A_702] : memref<32x1x56x200x128xf32, #tpu.memory_space<hbm>> -> memref<1x1x1x200x128xf32, #tpu.memory_space<hbm>>
    %dma_wait3A_704 = tpu.memref_squeeze %dma_wait3A_703 : memref<1x1x1x200x128xf32, #tpu.memory_space<hbm>> -> memref<200x128xf32, #tpu.memory_space<hbm>>
    %dma_wait3A_705 = arith.constant 0 : i32
    %dma_wait3A_706 = arith.constant 0 : i32
    %dma_wait3A_707 = tpu.memref_slice %arg3[%add3A, %dma_wait3A_699, %dma_wait3A_700, %dma_wait3A_705, %dma_wait3A_706] : memref<32x1x56x200x128xf32, #tpu.memory_space<hbm>> -> memref<1x1x1x200x128xf32, #tpu.memory_space<hbm>>
    %dma_wait3A_708 = tpu.memref_squeeze %dma_wait3A_707 : memref<1x1x1x200x128xf32, #tpu.memory_space<hbm>> -> memref<200x128xf32, #tpu.memory_space<hbm>>
    tpu.wait_dma2 semaphore(%arg15 : memref<!tpu.dma_semaphore, #tpu.memory_space<semaphore_mem>>) src(%arg4 : memref<200x128xf32, #tpu.memory_space<vmem>>) dst(%dma_wait3A_708 : memref<200x128xf32, #tpu.memory_space<hbm>>)
    %dma_start3A_709 = arith.constant 4 : i32
    %dma_start3A_710 = arith.constant 6 : i32
    %dma_start3A_711 = arith.constant 0 : i32
    %dma_start3A_712 = arith.constant 0 : i32
    %dma_start3A_713 = tpu.memref_slice %arg2[%add3A, %dma_start3A_709, %dma_start3A_710, %dma_start3A_711, %dma_start3A_712] : memref<32x7x7x200x128xf32, #tpu.memory_space<hbm>> -> memref<1x1x1x200x128xf32, #tpu.memory_space<hbm>>
    %dma_start3A_714 = tpu.memref_squeeze %dma_start3A_713 : memref<1x1x1x200x128xf32, #tpu.memory_space<hbm>> -> memref<200x128xf32, #tpu.memory_space<hbm>>
    %dma_start3A_715 = arith.constant 0 : i32
    %dma_start3A_716 = arith.constant 0 : i32
    %dma_start3A_717 = tpu.memref_slice %arg2[%add3A, %dma_start3A_709, %dma_start3A_710, %dma_start3A_715, %dma_start3A_716] : memref<32x7x7x200x128xf32, #tpu.memory_space<hbm>> -> memref<1x1x1x200x128xf32, #tpu.memory_space<hbm>>
    %dma_start3A_718 = tpu.memref_squeeze %dma_start3A_717 : memref<1x1x1x200x128xf32, #tpu.memory_space<hbm>> -> memref<200x128xf32, #tpu.memory_space<hbm>>
    tpu.enqueue_dma source(%dma_start3A_718 : memref<200x128xf32, #tpu.memory_space<hbm>>) target(%arg4 : memref<200x128xf32, #tpu.memory_space<vmem>>) target_semaphore(%arg9 : memref<!tpu.dma_semaphore, #tpu.memory_space<semaphore_mem>>)
    %dma_wait3A_719 = arith.constant 0 : i32
    %dma_wait3A_720 = arith.constant 0 : i32
    %dma_wait3A_721 = arith.constant 0 : i32
    %dma_wait3A_722 = arith.constant 0 : i32
    %dma_wait3A_723 = tpu.memref_slice %arg3[%add3A, %dma_wait3A_719, %dma_wait3A_720, %dma_wait3A_721, %dma_wait3A_722] : memref<32x1x56x200x128xf32, #tpu.memory_space<hbm>> -> memref<1x1x1x200x128xf32, #tpu.memory_space<hbm>>
    %dma_wait3A_724 = tpu.memref_squeeze %dma_wait3A_723 : memref<1x1x1x200x128xf32, #tpu.memory_space<hbm>> -> memref<200x128xf32, #tpu.memory_space<hbm>>
    %dma_wait3A_725 = arith.constant 0 : i32
    %dma_wait3A_726 = arith.constant 0 : i32
    %dma_wait3A_727 = tpu.memref_slice %arg3[%add3A, %dma_wait3A_719, %dma_wait3A_720, %dma_wait3A_725, %dma_wait3A_726] : memref<32x1x56x200x128xf32, #tpu.memory_space<hbm>> -> memref<1x1x1x200x128xf32, #tpu.memory_space<hbm>>
    %dma_wait3A_728 = tpu.memref_squeeze %dma_wait3A_727 : memref<1x1x1x200x128xf32, #tpu.memory_space<hbm>> -> memref<200x128xf32, #tpu.memory_space<hbm>>
    tpu.wait_dma2 semaphore(%arg16 : memref<!tpu.dma_semaphore, #tpu.memory_space<semaphore_mem>>) src(%arg5 : memref<200x128xf32, #tpu.memory_space<vmem>>) dst(%dma_wait3A_728 : memref<200x128xf32, #tpu.memory_space<hbm>>)
    %dma_start3A_729 = arith.constant 5 : i32
    %dma_start3A_730 = arith.constant 6 : i32
    %dma_start3A_731 = arith.constant 0 : i32
    %dma_start3A_732 = arith.constant 0 : i32
    %dma_start3A_733 = tpu.memref_slice %arg2[%add3A, %dma_start3A_729, %dma_start3A_730, %dma_start3A_731, %dma_start3A_732] : memref<32x7x7x200x128xf32, #tpu.memory_space<hbm>> -> memref<1x1x1x200x128xf32, #tpu.memory_space<hbm>>
    %dma_start3A_734 = tpu.memref_squeeze %dma_start3A_733 : memref<1x1x1x200x128xf32, #tpu.memory_space<hbm>> -> memref<200x128xf32, #tpu.memory_space<hbm>>
    %dma_start3A_735 = arith.constant 0 : i32
    %dma_start3A_736 = arith.constant 0 : i32
    %dma_start3A_737 = tpu.memref_slice %arg2[%add3A, %dma_start3A_729, %dma_start3A_730, %dma_start3A_735, %dma_start3A_736] : memref<32x7x7x200x128xf32, #tpu.memory_space<hbm>> -> memref<1x1x1x200x128xf32, #tpu.memory_space<hbm>>
    %dma_start3A_738 = tpu.memref_squeeze %dma_start3A_737 : memref<1x1x1x200x128xf32, #tpu.memory_space<hbm>> -> memref<200x128xf32, #tpu.memory_space<hbm>>
    tpu.enqueue_dma source(%dma_start3A_738 : memref<200x128xf32, #tpu.memory_space<hbm>>) target(%arg5 : memref<200x128xf32, #tpu.memory_space<vmem>>) target_semaphore(%arg10 : memref<!tpu.dma_semaphore, #tpu.memory_space<semaphore_mem>>)
    %dma_wait3A_739 = arith.constant 0 : i32
    %dma_wait3A_740 = arith.constant 0 : i32
    %dma_wait3A_741 = arith.constant 0 : i32
    %dma_wait3A_742 = arith.constant 0 : i32
    %dma_wait3A_743 = tpu.memref_slice %arg3[%add3A, %dma_wait3A_739, %dma_wait3A_740, %dma_wait3A_741, %dma_wait3A_742] : memref<32x1x56x200x128xf32, #tpu.memory_space<hbm>> -> memref<1x1x1x200x128xf32, #tpu.memory_space<hbm>>
    %dma_wait3A_744 = tpu.memref_squeeze %dma_wait3A_743 : memref<1x1x1x200x128xf32, #tpu.memory_space<hbm>> -> memref<200x128xf32, #tpu.memory_space<hbm>>
    %dma_wait3A_745 = arith.constant 0 : i32
    %dma_wait3A_746 = arith.constant 0 : i32
    %dma_wait3A_747 = tpu.memref_slice %arg3[%add3A, %dma_wait3A_739, %dma_wait3A_740, %dma_wait3A_745, %dma_wait3A_746] : memref<32x1x56x200x128xf32, #tpu.memory_space<hbm>> -> memref<1x1x1x200x128xf32, #tpu.memory_space<hbm>>
    %dma_wait3A_748 = tpu.memref_squeeze %dma_wait3A_747 : memref<1x1x1x200x128xf32, #tpu.memory_space<hbm>> -> memref<200x128xf32, #tpu.memory_space<hbm>>
    tpu.wait_dma2 semaphore(%arg17 : memref<!tpu.dma_semaphore, #tpu.memory_space<semaphore_mem>>) src(%arg6 : memref<200x128xf32, #tpu.memory_space<vmem>>) dst(%dma_wait3A_748 : memref<200x128xf32, #tpu.memory_space<hbm>>)
    %dma_start3A_749 = arith.constant 4 : i32
    %dma_start3A_750 = arith.constant 4 : i32
    %dma_start3A_751 = arith.constant 0 : i32
    %dma_start3A_752 = arith.constant 0 : i32
    %dma_start3A_753 = tpu.memref_slice %arg2[%add3A, %dma_start3A_749, %dma_start3A_750, %dma_start3A_751, %dma_start3A_752] : memref<32x7x7x200x128xf32, #tpu.memory_space<hbm>> -> memref<1x1x1x200x128xf32, #tpu.memory_space<hbm>>
    %dma_start3A_754 = tpu.memref_squeeze %dma_start3A_753 : memref<1x1x1x200x128xf32, #tpu.memory_space<hbm>> -> memref<200x128xf32, #tpu.memory_space<hbm>>
    %dma_start3A_755 = arith.constant 0 : i32
    %dma_start3A_756 = arith.constant 0 : i32
    %dma_start3A_757 = tpu.memref_slice %arg2[%add3A, %dma_start3A_749, %dma_start3A_750, %dma_start3A_755, %dma_start3A_756] : memref<32x7x7x200x128xf32, #tpu.memory_space<hbm>> -> memref<1x1x1x200x128xf32, #tpu.memory_space<hbm>>
    %dma_start3A_758 = tpu.memref_squeeze %dma_start3A_757 : memref<1x1x1x200x128xf32, #tpu.memory_space<hbm>> -> memref<200x128xf32, #tpu.memory_space<hbm>>
    tpu.enqueue_dma source(%dma_start3A_758 : memref<200x128xf32, #tpu.memory_space<hbm>>) target(%arg6 : memref<200x128xf32, #tpu.memory_space<vmem>>) target_semaphore(%arg11 : memref<!tpu.dma_semaphore, #tpu.memory_space<semaphore_mem>>)
    %dma_wait3A_759 = arith.constant 0 : i32
    %dma_wait3A_760 = arith.constant 0 : i32
    %dma_wait3A_761 = arith.constant 0 : i32
    %dma_wait3A_762 = arith.constant 0 : i32
    %dma_wait3A_763 = tpu.memref_slice %arg3[%add3A, %dma_wait3A_759, %dma_wait3A_760, %dma_wait3A_761, %dma_wait3A_762] : memref<32x1x56x200x128xf32, #tpu.memory_space<hbm>> -> memref<1x1x1x200x128xf32, #tpu.memory_space<hbm>>
    %dma_wait3A_764 = tpu.memref_squeeze %dma_wait3A_763 : memref<1x1x1x200x128xf32, #tpu.memory_space<hbm>> -> memref<200x128xf32, #tpu.memory_space<hbm>>
    %dma_wait3A_765 = arith.constant 0 : i32
    %dma_wait3A_766 = arith.constant 0 : i32
    %dma_wait3A_767 = tpu.memref_slice %arg3[%add3A, %dma_wait3A_759, %dma_wait3A_760, %dma_wait3A_765, %dma_wait3A_766] : memref<32x1x56x200x128xf32, #tpu.memory_space<hbm>> -> memref<1x1x1x200x128xf32, #tpu.memory_space<hbm>>
    %dma_wait3A_768 = tpu.memref_squeeze %dma_wait3A_767 : memref<1x1x1x200x128xf32, #tpu.memory_space<hbm>> -> memref<200x128xf32, #tpu.memory_space<hbm>>
    tpu.wait_dma2 semaphore(%arg18 : memref<!tpu.dma_semaphore, #tpu.memory_space<semaphore_mem>>) src(%arg7 : memref<200x128xf32, #tpu.memory_space<vmem>>) dst(%dma_wait3A_768 : memref<200x128xf32, #tpu.memory_space<hbm>>)
    %dma_start3A_769 = arith.constant 5 : i32
    %dma_start3A_770 = arith.constant 4 : i32
    %dma_start3A_771 = arith.constant 0 : i32
    %dma_start3A_772 = arith.constant 0 : i32
    %dma_start3A_773 = tpu.memref_slice %arg2[%add3A, %dma_start3A_769, %dma_start3A_770, %dma_start3A_771, %dma_start3A_772] : memref<32x7x7x200x128xf32, #tpu.memory_space<hbm>> -> memref<1x1x1x200x128xf32, #tpu.memory_space<hbm>>
    %dma_start3A_774 = tpu.memref_squeeze %dma_start3A_773 : memref<1x1x1x200x128xf32, #tpu.memory_space<hbm>> -> memref<200x128xf32, #tpu.memory_space<hbm>>
    %dma_start3A_775 = arith.constant 0 : i32
    %dma_start3A_776 = arith.constant 0 : i32
    %dma_start3A_777 = tpu.memref_slice %arg2[%add3A, %dma_start3A_769, %dma_start3A_770, %dma_start3A_775, %dma_start3A_776] : memref<32x7x7x200x128xf32, #tpu.memory_space<hbm>> -> memref<1x1x1x200x128xf32, #tpu.memory_space<hbm>>
    %dma_start3A_778 = tpu.memref_squeeze %dma_start3A_777 : memref<1x1x1x200x128xf32, #tpu.memory_space<hbm>> -> memref<200x128xf32, #tpu.memory_space<hbm>>
    tpu.enqueue_dma source(%dma_start3A_778 : memref<200x128xf32, #tpu.memory_space<hbm>>) target(%arg7 : memref<200x128xf32, #tpu.memory_space<vmem>>) target_semaphore(%arg12 : memref<!tpu.dma_semaphore, #tpu.memory_space<semaphore_mem>>)
    %dma_wait3A_779 = arith.constant 0 : i32
    %dma_wait3A_780 = arith.constant 0 : i32
    %dma_wait3A_781 = arith.constant 0 : i32
    %dma_wait3A_782 = arith.constant 0 : i32
    %dma_wait3A_783 = tpu.memref_slice %arg2[%add3A, %dma_wait3A_779, %dma_wait3A_780, %dma_wait3A_781, %dma_wait3A_782] : memref<32x7x7x200x128xf32, #tpu.memory_space<hbm>> -> memref<1x1x1x200x128xf32, #tpu.memory_space<hbm>>
    %dma_wait3A_784 = tpu.memref_squeeze %dma_wait3A_783 : memref<1x1x1x200x128xf32, #tpu.memory_space<hbm>> -> memref<200x128xf32, #tpu.memory_space<hbm>>
    %dma_wait3A_785 = arith.constant 0 : i32
    %dma_wait3A_786 = arith.constant 0 : i32
    %dma_wait3A_787 = tpu.memref_slice %arg2[%add3A, %dma_wait3A_779, %dma_wait3A_780, %dma_wait3A_785, %dma_wait3A_786] : memref<32x7x7x200x128xf32, #tpu.memory_space<hbm>> -> memref<1x1x1x200x128xf32, #tpu.memory_space<hbm>>
    %dma_wait3A_788 = tpu.memref_squeeze %dma_wait3A_787 : memref<1x1x1x200x128xf32, #tpu.memory_space<hbm>> -> memref<200x128xf32, #tpu.memory_space<hbm>>
    tpu.wait_dma2 semaphore(%arg9 : memref<!tpu.dma_semaphore, #tpu.memory_space<semaphore_mem>>) src(%dma_wait3A_788 : memref<200x128xf32, #tpu.memory_space<hbm>>) dst(%arg4 : memref<200x128xf32, #tpu.memory_space<vmem>>)
    %dma_start3A_789 = arith.constant 0 : i32
    %dma_start3A_790 = arith.constant 19 : i32
    %dma_start3A_791 = arith.constant 0 : i32
    %dma_start3A_792 = arith.constant 0 : i32
    %dma_start3A_793 = tpu.memref_slice %arg3[%add3A, %dma_start3A_789, %dma_start3A_790, %dma_start3A_791, %dma_start3A_792] : memref<32x1x56x200x128xf32, #tpu.memory_space<hbm>> -> memref<1x1x1x200x128xf32, #tpu.memory_space<hbm>>
    %dma_start3A_794 = tpu.memref_squeeze %dma_start3A_793 : memref<1x1x1x200x128xf32, #tpu.memory_space<hbm>> -> memref<200x128xf32, #tpu.memory_space<hbm>>
    %dma_start3A_795 = arith.constant 0 : i32
    %dma_start3A_796 = arith.constant 0 : i32
    %dma_start3A_797 = tpu.memref_slice %arg3[%add3A, %dma_start3A_789, %dma_start3A_790, %dma_start3A_795, %dma_start3A_796] : memref<32x1x56x200x128xf32, #tpu.memory_space<hbm>> -> memref<1x1x1x200x128xf32, #tpu.memory_space<hbm>>
    %dma_start3A_798 = tpu.memref_squeeze %dma_start3A_797 : memref<1x1x1x200x128xf32, #tpu.memory_space<hbm>> -> memref<200x128xf32, #tpu.memory_space<hbm>>
    tpu.enqueue_dma source(%arg4 : memref<200x128xf32, #tpu.memory_space<vmem>>) target(%dma_start3A_798 : memref<200x128xf32, #tpu.memory_space<hbm>>) target_semaphore(%arg15 : memref<!tpu.dma_semaphore, #tpu.memory_space<semaphore_mem>>)
    %dma_wait3A_799 = arith.constant 0 : i32
    %dma_wait3A_800 = arith.constant 0 : i32
    %dma_wait3A_801 = arith.constant 0 : i32
    %dma_wait3A_802 = arith.constant 0 : i32
    %dma_wait3A_803 = tpu.memref_slice %arg2[%add3A, %dma_wait3A_799, %dma_wait3A_800, %dma_wait3A_801, %dma_wait3A_802] : memref<32x7x7x200x128xf32, #tpu.memory_space<hbm>> -> memref<1x1x1x200x128xf32, #tpu.memory_space<hbm>>
    %dma_wait3A_804 = tpu.memref_squeeze %dma_wait3A_803 : memref<1x1x1x200x128xf32, #tpu.memory_space<hbm>> -> memref<200x128xf32, #tpu.memory_space<hbm>>
    %dma_wait3A_805 = arith.constant 0 : i32
    %dma_wait3A_806 = arith.constant 0 : i32
    %dma_wait3A_807 = tpu.memref_slice %arg2[%add3A, %dma_wait3A_799, %dma_wait3A_800, %dma_wait3A_805, %dma_wait3A_806] : memref<32x7x7x200x128xf32, #tpu.memory_space<hbm>> -> memref<1x1x1x200x128xf32, #tpu.memory_space<hbm>>
    %dma_wait3A_808 = tpu.memref_squeeze %dma_wait3A_807 : memref<1x1x1x200x128xf32, #tpu.memory_space<hbm>> -> memref<200x128xf32, #tpu.memory_space<hbm>>
    tpu.wait_dma2 semaphore(%arg10 : memref<!tpu.dma_semaphore, #tpu.memory_space<semaphore_mem>>) src(%dma_wait3A_808 : memref<200x128xf32, #tpu.memory_space<hbm>>) dst(%arg5 : memref<200x128xf32, #tpu.memory_space<vmem>>)
    %dma_start3A_809 = arith.constant 0 : i32
    %dma_start3A_810 = arith.constant 20 : i32
    %dma_start3A_811 = arith.constant 0 : i32
    %dma_start3A_812 = arith.constant 0 : i32
    %dma_start3A_813 = tpu.memref_slice %arg3[%add3A, %dma_start3A_809, %dma_start3A_810, %dma_start3A_811, %dma_start3A_812] : memref<32x1x56x200x128xf32, #tpu.memory_space<hbm>> -> memref<1x1x1x200x128xf32, #tpu.memory_space<hbm>>
    %dma_start3A_814 = tpu.memref_squeeze %dma_start3A_813 : memref<1x1x1x200x128xf32, #tpu.memory_space<hbm>> -> memref<200x128xf32, #tpu.memory_space<hbm>>
    %dma_start3A_815 = arith.constant 0 : i32
    %dma_start3A_816 = arith.constant 0 : i32
    %dma_start3A_817 = tpu.memref_slice %arg3[%add3A, %dma_start3A_809, %dma_start3A_810, %dma_start3A_815, %dma_start3A_816] : memref<32x1x56x200x128xf32, #tpu.memory_space<hbm>> -> memref<1x1x1x200x128xf32, #tpu.memory_space<hbm>>
    %dma_start3A_818 = tpu.memref_squeeze %dma_start3A_817 : memref<1x1x1x200x128xf32, #tpu.memory_space<hbm>> -> memref<200x128xf32, #tpu.memory_space<hbm>>
    tpu.enqueue_dma source(%arg5 : memref<200x128xf32, #tpu.memory_space<vmem>>) target(%dma_start3A_818 : memref<200x128xf32, #tpu.memory_space<hbm>>) target_semaphore(%arg16 : memref<!tpu.dma_semaphore, #tpu.memory_space<semaphore_mem>>)
    %dma_wait3A_819 = arith.constant 0 : i32
    %dma_wait3A_820 = arith.constant 0 : i32
    %dma_wait3A_821 = arith.constant 0 : i32
    %dma_wait3A_822 = arith.constant 0 : i32
    %dma_wait3A_823 = tpu.memref_slice %arg2[%add3A, %dma_wait3A_819, %dma_wait3A_820, %dma_wait3A_821, %dma_wait3A_822] : memref<32x7x7x200x128xf32, #tpu.memory_space<hbm>> -> memref<1x1x1x200x128xf32, #tpu.memory_space<hbm>>
    %dma_wait3A_824 = tpu.memref_squeeze %dma_wait3A_823 : memref<1x1x1x200x128xf32, #tpu.memory_space<hbm>> -> memref<200x128xf32, #tpu.memory_space<hbm>>
    %dma_wait3A_825 = arith.constant 0 : i32
    %dma_wait3A_826 = arith.constant 0 : i32
    %dma_wait3A_827 = tpu.memref_slice %arg2[%add3A, %dma_wait3A_819, %dma_wait3A_820, %dma_wait3A_825, %dma_wait3A_826] : memref<32x7x7x200x128xf32, #tpu.memory_space<hbm>> -> memref<1x1x1x200x128xf32, #tpu.memory_space<hbm>>
    %dma_wait3A_828 = tpu.memref_squeeze %dma_wait3A_827 : memref<1x1x1x200x128xf32, #tpu.memory_space<hbm>> -> memref<200x128xf32, #tpu.memory_space<hbm>>
    tpu.wait_dma2 semaphore(%arg11 : memref<!tpu.dma_semaphore, #tpu.memory_space<semaphore_mem>>) src(%dma_wait3A_828 : memref<200x128xf32, #tpu.memory_space<hbm>>) dst(%arg6 : memref<200x128xf32, #tpu.memory_space<vmem>>)
    %dma_start3A_829 = arith.constant 0 : i32
    %dma_start3A_830 = arith.constant 22 : i32
    %dma_start3A_831 = arith.constant 0 : i32
    %dma_start3A_832 = arith.constant 0 : i32
    %dma_start3A_833 = tpu.memref_slice %arg3[%add3A, %dma_start3A_829, %dma_start3A_830, %dma_start3A_831, %dma_start3A_832] : memref<32x1x56x200x128xf32, #tpu.memory_space<hbm>> -> memref<1x1x1x200x128xf32, #tpu.memory_space<hbm>>
    %dma_start3A_834 = tpu.memref_squeeze %dma_start3A_833 : memref<1x1x1x200x128xf32, #tpu.memory_space<hbm>> -> memref<200x128xf32, #tpu.memory_space<hbm>>
    %dma_start3A_835 = arith.constant 0 : i32
    %dma_start3A_836 = arith.constant 0 : i32
    %dma_start3A_837 = tpu.memref_slice %arg3[%add3A, %dma_start3A_829, %dma_start3A_830, %dma_start3A_835, %dma_start3A_836] : memref<32x1x56x200x128xf32, #tpu.memory_space<hbm>> -> memref<1x1x1x200x128xf32, #tpu.memory_space<hbm>>
    %dma_start3A_838 = tpu.memref_squeeze %dma_start3A_837 : memref<1x1x1x200x128xf32, #tpu.memory_space<hbm>> -> memref<200x128xf32, #tpu.memory_space<hbm>>
    tpu.enqueue_dma source(%arg6 : memref<200x128xf32, #tpu.memory_space<vmem>>) target(%dma_start3A_838 : memref<200x128xf32, #tpu.memory_space<hbm>>) target_semaphore(%arg17 : memref<!tpu.dma_semaphore, #tpu.memory_space<semaphore_mem>>)
    %dma_wait3A_839 = arith.constant 0 : i32
    %dma_wait3A_840 = arith.constant 0 : i32
    %dma_wait3A_841 = arith.constant 0 : i32
    %dma_wait3A_842 = arith.constant 0 : i32
    %dma_wait3A_843 = tpu.memref_slice %arg2[%add3A, %dma_wait3A_839, %dma_wait3A_840, %dma_wait3A_841, %dma_wait3A_842] : memref<32x7x7x200x128xf32, #tpu.memory_space<hbm>> -> memref<1x1x1x200x128xf32, #tpu.memory_space<hbm>>
    %dma_wait3A_844 = tpu.memref_squeeze %dma_wait3A_843 : memref<1x1x1x200x128xf32, #tpu.memory_space<hbm>> -> memref<200x128xf32, #tpu.memory_space<hbm>>
    %dma_wait3A_845 = arith.constant 0 : i32
    %dma_wait3A_846 = arith.constant 0 : i32
    %dma_wait3A_847 = tpu.memref_slice %arg2[%add3A, %dma_wait3A_839, %dma_wait3A_840, %dma_wait3A_845, %dma_wait3A_846] : memref<32x7x7x200x128xf32, #tpu.memory_space<hbm>> -> memref<1x1x1x200x128xf32, #tpu.memory_space<hbm>>
    %dma_wait3A_848 = tpu.memref_squeeze %dma_wait3A_847 : memref<1x1x1x200x128xf32, #tpu.memory_space<hbm>> -> memref<200x128xf32, #tpu.memory_space<hbm>>
    tpu.wait_dma2 semaphore(%arg12 : memref<!tpu.dma_semaphore, #tpu.memory_space<semaphore_mem>>) src(%dma_wait3A_848 : memref<200x128xf32, #tpu.memory_space<hbm>>) dst(%arg7 : memref<200x128xf32, #tpu.memory_space<vmem>>)
    %dma_start3A_849 = arith.constant 0 : i32
    %dma_start3A_850 = arith.constant 23 : i32
    %dma_start3A_851 = arith.constant 0 : i32
    %dma_start3A_852 = arith.constant 0 : i32
    %dma_start3A_853 = tpu.memref_slice %arg3[%add3A, %dma_start3A_849, %dma_start3A_850, %dma_start3A_851, %dma_start3A_852] : memref<32x1x56x200x128xf32, #tpu.memory_space<hbm>> -> memref<1x1x1x200x128xf32, #tpu.memory_space<hbm>>
    %dma_start3A_854 = tpu.memref_squeeze %dma_start3A_853 : memref<1x1x1x200x128xf32, #tpu.memory_space<hbm>> -> memref<200x128xf32, #tpu.memory_space<hbm>>
    %dma_start3A_855 = arith.constant 0 : i32
    %dma_start3A_856 = arith.constant 0 : i32
    %dma_start3A_857 = tpu.memref_slice %arg3[%add3A, %dma_start3A_849, %dma_start3A_850, %dma_start3A_855, %dma_start3A_856] : memref<32x1x56x200x128xf32, #tpu.memory_space<hbm>> -> memref<1x1x1x200x128xf32, #tpu.memory_space<hbm>>
    %dma_start3A_858 = tpu.memref_squeeze %dma_start3A_857 : memref<1x1x1x200x128xf32, #tpu.memory_space<hbm>> -> memref<200x128xf32, #tpu.memory_space<hbm>>
    tpu.enqueue_dma source(%arg7 : memref<200x128xf32, #tpu.memory_space<vmem>>) target(%dma_start3A_858 : memref<200x128xf32, #tpu.memory_space<hbm>>) target_semaphore(%arg18 : memref<!tpu.dma_semaphore, #tpu.memory_space<semaphore_mem>>)
    %dma_wait3A_859 = arith.constant 0 : i32
    %dma_wait3A_860 = arith.constant 0 : i32
    %dma_wait3A_861 = arith.constant 0 : i32
    %dma_wait3A_862 = arith.constant 0 : i32
    %dma_wait3A_863 = tpu.memref_slice %arg3[%add3A, %dma_wait3A_859, %dma_wait3A_860, %dma_wait3A_861, %dma_wait3A_862] : memref<32x1x56x200x128xf32, #tpu.memory_space<hbm>> -> memref<1x1x1x200x128xf32, #tpu.memory_space<hbm>>
    %dma_wait3A_864 = tpu.memref_squeeze %dma_wait3A_863 : memref<1x1x1x200x128xf32, #tpu.memory_space<hbm>> -> memref<200x128xf32, #tpu.memory_space<hbm>>
    %dma_wait3A_865 = arith.constant 0 : i32
    %dma_wait3A_866 = arith.constant 0 : i32
    %dma_wait3A_867 = tpu.memref_slice %arg3[%add3A, %dma_wait3A_859, %dma_wait3A_860, %dma_wait3A_865, %dma_wait3A_866] : memref<32x1x56x200x128xf32, #tpu.memory_space<hbm>> -> memref<1x1x1x200x128xf32, #tpu.memory_space<hbm>>
    %dma_wait3A_868 = tpu.memref_squeeze %dma_wait3A_867 : memref<1x1x1x200x128xf32, #tpu.memory_space<hbm>> -> memref<200x128xf32, #tpu.memory_space<hbm>>
    tpu.wait_dma2 semaphore(%arg15 : memref<!tpu.dma_semaphore, #tpu.memory_space<semaphore_mem>>) src(%arg4 : memref<200x128xf32, #tpu.memory_space<vmem>>) dst(%dma_wait3A_868 : memref<200x128xf32, #tpu.memory_space<hbm>>)
    %dma_start3A_869 = arith.constant 5 : i32
    %dma_start3A_870 = arith.constant 5 : i32
    %dma_start3A_871 = arith.constant 0 : i32
    %dma_start3A_872 = arith.constant 0 : i32
    %dma_start3A_873 = tpu.memref_slice %arg2[%add3A, %dma_start3A_869, %dma_start3A_870, %dma_start3A_871, %dma_start3A_872] : memref<32x7x7x200x128xf32, #tpu.memory_space<hbm>> -> memref<1x1x1x200x128xf32, #tpu.memory_space<hbm>>
    %dma_start3A_874 = tpu.memref_squeeze %dma_start3A_873 : memref<1x1x1x200x128xf32, #tpu.memory_space<hbm>> -> memref<200x128xf32, #tpu.memory_space<hbm>>
    %dma_start3A_875 = arith.constant 0 : i32
    %dma_start3A_876 = arith.constant 0 : i32
    %dma_start3A_877 = tpu.memref_slice %arg2[%add3A, %dma_start3A_869, %dma_start3A_870, %dma_start3A_875, %dma_start3A_876] : memref<32x7x7x200x128xf32, #tpu.memory_space<hbm>> -> memref<1x1x1x200x128xf32, #tpu.memory_space<hbm>>
    %dma_start3A_878 = tpu.memref_squeeze %dma_start3A_877 : memref<1x1x1x200x128xf32, #tpu.memory_space<hbm>> -> memref<200x128xf32, #tpu.memory_space<hbm>>
    tpu.enqueue_dma source(%dma_start3A_878 : memref<200x128xf32, #tpu.memory_space<hbm>>) target(%arg4 : memref<200x128xf32, #tpu.memory_space<vmem>>) target_semaphore(%arg9 : memref<!tpu.dma_semaphore, #tpu.memory_space<semaphore_mem>>)
    %dma_wait3A_879 = arith.constant 0 : i32
    %dma_wait3A_880 = arith.constant 0 : i32
    %dma_wait3A_881 = arith.constant 0 : i32
    %dma_wait3A_882 = arith.constant 0 : i32
    %dma_wait3A_883 = tpu.memref_slice %arg3[%add3A, %dma_wait3A_879, %dma_wait3A_880, %dma_wait3A_881, %dma_wait3A_882] : memref<32x1x56x200x128xf32, #tpu.memory_space<hbm>> -> memref<1x1x1x200x128xf32, #tpu.memory_space<hbm>>
    %dma_wait3A_884 = tpu.memref_squeeze %dma_wait3A_883 : memref<1x1x1x200x128xf32, #tpu.memory_space<hbm>> -> memref<200x128xf32, #tpu.memory_space<hbm>>
    %dma_wait3A_885 = arith.constant 0 : i32
    %dma_wait3A_886 = arith.constant 0 : i32
    %dma_wait3A_887 = tpu.memref_slice %arg3[%add3A, %dma_wait3A_879, %dma_wait3A_880, %dma_wait3A_885, %dma_wait3A_886] : memref<32x1x56x200x128xf32, #tpu.memory_space<hbm>> -> memref<1x1x1x200x128xf32, #tpu.memory_space<hbm>>
    %dma_wait3A_888 = tpu.memref_squeeze %dma_wait3A_887 : memref<1x1x1x200x128xf32, #tpu.memory_space<hbm>> -> memref<200x128xf32, #tpu.memory_space<hbm>>
    tpu.wait_dma2 semaphore(%arg16 : memref<!tpu.dma_semaphore, #tpu.memory_space<semaphore_mem>>) src(%arg5 : memref<200x128xf32, #tpu.memory_space<vmem>>) dst(%dma_wait3A_888 : memref<200x128xf32, #tpu.memory_space<hbm>>)
    %dma_start3A_889 = arith.constant 6 : i32
    %dma_start3A_890 = arith.constant 4 : i32
    %dma_start3A_891 = arith.constant 0 : i32
    %dma_start3A_892 = arith.constant 0 : i32
    %dma_start3A_893 = tpu.memref_slice %arg2[%add3A, %dma_start3A_889, %dma_start3A_890, %dma_start3A_891, %dma_start3A_892] : memref<32x7x7x200x128xf32, #tpu.memory_space<hbm>> -> memref<1x1x1x200x128xf32, #tpu.memory_space<hbm>>
    %dma_start3A_894 = tpu.memref_squeeze %dma_start3A_893 : memref<1x1x1x200x128xf32, #tpu.memory_space<hbm>> -> memref<200x128xf32, #tpu.memory_space<hbm>>
    %dma_start3A_895 = arith.constant 0 : i32
    %dma_start3A_896 = arith.constant 0 : i32
    %dma_start3A_897 = tpu.memref_slice %arg2[%add3A, %dma_start3A_889, %dma_start3A_890, %dma_start3A_895, %dma_start3A_896] : memref<32x7x7x200x128xf32, #tpu.memory_space<hbm>> -> memref<1x1x1x200x128xf32, #tpu.memory_space<hbm>>
    %dma_start3A_898 = tpu.memref_squeeze %dma_start3A_897 : memref<1x1x1x200x128xf32, #tpu.memory_space<hbm>> -> memref<200x128xf32, #tpu.memory_space<hbm>>
    tpu.enqueue_dma source(%dma_start3A_898 : memref<200x128xf32, #tpu.memory_space<hbm>>) target(%arg5 : memref<200x128xf32, #tpu.memory_space<vmem>>) target_semaphore(%arg10 : memref<!tpu.dma_semaphore, #tpu.memory_space<semaphore_mem>>)
    %dma_wait3A_899 = arith.constant 0 : i32
    %dma_wait3A_900 = arith.constant 0 : i32
    %dma_wait3A_901 = arith.constant 0 : i32
    %dma_wait3A_902 = arith.constant 0 : i32
    %dma_wait3A_903 = tpu.memref_slice %arg3[%add3A, %dma_wait3A_899, %dma_wait3A_900, %dma_wait3A_901, %dma_wait3A_902] : memref<32x1x56x200x128xf32, #tpu.memory_space<hbm>> -> memref<1x1x1x200x128xf32, #tpu.memory_space<hbm>>
    %dma_wait3A_904 = tpu.memref_squeeze %dma_wait3A_903 : memref<1x1x1x200x128xf32, #tpu.memory_space<hbm>> -> memref<200x128xf32, #tpu.memory_space<hbm>>
    %dma_wait3A_905 = arith.constant 0 : i32
    %dma_wait3A_906 = arith.constant 0 : i32
    %dma_wait3A_907 = tpu.memref_slice %arg3[%add3A, %dma_wait3A_899, %dma_wait3A_900, %dma_wait3A_905, %dma_wait3A_906] : memref<32x1x56x200x128xf32, #tpu.memory_space<hbm>> -> memref<1x1x1x200x128xf32, #tpu.memory_space<hbm>>
    %dma_wait3A_908 = tpu.memref_squeeze %dma_wait3A_907 : memref<1x1x1x200x128xf32, #tpu.memory_space<hbm>> -> memref<200x128xf32, #tpu.memory_space<hbm>>
    tpu.wait_dma2 semaphore(%arg17 : memref<!tpu.dma_semaphore, #tpu.memory_space<semaphore_mem>>) src(%arg6 : memref<200x128xf32, #tpu.memory_space<vmem>>) dst(%dma_wait3A_908 : memref<200x128xf32, #tpu.memory_space<hbm>>)
    %dma_start3A_909 = arith.constant 6 : i32
    %dma_start3A_910 = arith.constant 5 : i32
    %dma_start3A_911 = arith.constant 0 : i32
    %dma_start3A_912 = arith.constant 0 : i32
    %dma_start3A_913 = tpu.memref_slice %arg2[%add3A, %dma_start3A_909, %dma_start3A_910, %dma_start3A_911, %dma_start3A_912] : memref<32x7x7x200x128xf32, #tpu.memory_space<hbm>> -> memref<1x1x1x200x128xf32, #tpu.memory_space<hbm>>
    %dma_start3A_914 = tpu.memref_squeeze %dma_start3A_913 : memref<1x1x1x200x128xf32, #tpu.memory_space<hbm>> -> memref<200x128xf32, #tpu.memory_space<hbm>>
    %dma_start3A_915 = arith.constant 0 : i32
    %dma_start3A_916 = arith.constant 0 : i32
    %dma_start3A_917 = tpu.memref_slice %arg2[%add3A, %dma_start3A_909, %dma_start3A_910, %dma_start3A_915, %dma_start3A_916] : memref<32x7x7x200x128xf32, #tpu.memory_space<hbm>> -> memref<1x1x1x200x128xf32, #tpu.memory_space<hbm>>
    %dma_start3A_918 = tpu.memref_squeeze %dma_start3A_917 : memref<1x1x1x200x128xf32, #tpu.memory_space<hbm>> -> memref<200x128xf32, #tpu.memory_space<hbm>>
    tpu.enqueue_dma source(%dma_start3A_918 : memref<200x128xf32, #tpu.memory_space<hbm>>) target(%arg6 : memref<200x128xf32, #tpu.memory_space<vmem>>) target_semaphore(%arg11 : memref<!tpu.dma_semaphore, #tpu.memory_space<semaphore_mem>>)
    %dma_wait3A_919 = arith.constant 0 : i32
    %dma_wait3A_920 = arith.constant 0 : i32
    %dma_wait3A_921 = arith.constant 0 : i32
    %dma_wait3A_922 = arith.constant 0 : i32
    %dma_wait3A_923 = tpu.memref_slice %arg3[%add3A, %dma_wait3A_919, %dma_wait3A_920, %dma_wait3A_921, %dma_wait3A_922] : memref<32x1x56x200x128xf32, #tpu.memory_space<hbm>> -> memref<1x1x1x200x128xf32, #tpu.memory_space<hbm>>
    %dma_wait3A_924 = tpu.memref_squeeze %dma_wait3A_923 : memref<1x1x1x200x128xf32, #tpu.memory_space<hbm>> -> memref<200x128xf32, #tpu.memory_space<hbm>>
    %dma_wait3A_925 = arith.constant 0 : i32
    %dma_wait3A_926 = arith.constant 0 : i32
    %dma_wait3A_927 = tpu.memref_slice %arg3[%add3A, %dma_wait3A_919, %dma_wait3A_920, %dma_wait3A_925, %dma_wait3A_926] : memref<32x1x56x200x128xf32, #tpu.memory_space<hbm>> -> memref<1x1x1x200x128xf32, #tpu.memory_space<hbm>>
    %dma_wait3A_928 = tpu.memref_squeeze %dma_wait3A_927 : memref<1x1x1x200x128xf32, #tpu.memory_space<hbm>> -> memref<200x128xf32, #tpu.memory_space<hbm>>
    tpu.wait_dma2 semaphore(%arg18 : memref<!tpu.dma_semaphore, #tpu.memory_space<semaphore_mem>>) src(%arg7 : memref<200x128xf32, #tpu.memory_space<vmem>>) dst(%dma_wait3A_928 : memref<200x128xf32, #tpu.memory_space<hbm>>)
    %dma_start3A_929 = arith.constant 6 : i32
    %dma_start3A_930 = arith.constant 6 : i32
    %dma_start3A_931 = arith.constant 0 : i32
    %dma_start3A_932 = arith.constant 0 : i32
    %dma_start3A_933 = tpu.memref_slice %arg2[%add3A, %dma_start3A_929, %dma_start3A_930, %dma_start3A_931, %dma_start3A_932] : memref<32x7x7x200x128xf32, #tpu.memory_space<hbm>> -> memref<1x1x1x200x128xf32, #tpu.memory_space<hbm>>
    %dma_start3A_934 = tpu.memref_squeeze %dma_start3A_933 : memref<1x1x1x200x128xf32, #tpu.memory_space<hbm>> -> memref<200x128xf32, #tpu.memory_space<hbm>>
    %dma_start3A_935 = arith.constant 0 : i32
    %dma_start3A_936 = arith.constant 0 : i32
    %dma_start3A_937 = tpu.memref_slice %arg2[%add3A, %dma_start3A_929, %dma_start3A_930, %dma_start3A_935, %dma_start3A_936] : memref<32x7x7x200x128xf32, #tpu.memory_space<hbm>> -> memref<1x1x1x200x128xf32, #tpu.memory_space<hbm>>
    %dma_start3A_938 = tpu.memref_squeeze %dma_start3A_937 : memref<1x1x1x200x128xf32, #tpu.memory_space<hbm>> -> memref<200x128xf32, #tpu.memory_space<hbm>>
    tpu.enqueue_dma source(%dma_start3A_938 : memref<200x128xf32, #tpu.memory_space<hbm>>) target(%arg7 : memref<200x128xf32, #tpu.memory_space<vmem>>) target_semaphore(%arg12 : memref<!tpu.dma_semaphore, #tpu.memory_space<semaphore_mem>>)
    %dma_wait3A_939 = arith.constant 0 : i32
    %dma_wait3A_940 = arith.constant 0 : i32
    %dma_wait3A_941 = arith.constant 0 : i32
    %dma_wait3A_942 = arith.constant 0 : i32
    %dma_wait3A_943 = tpu.memref_slice %arg2[%add3A, %dma_wait3A_939, %dma_wait3A_940, %dma_wait3A_941, %dma_wait3A_942] : memref<32x7x7x200x128xf32, #tpu.memory_space<hbm>> -> memref<1x1x1x200x128xf32, #tpu.memory_space<hbm>>
    %dma_wait3A_944 = tpu.memref_squeeze %dma_wait3A_943 : memref<1x1x1x200x128xf32, #tpu.memory_space<hbm>> -> memref<200x128xf32, #tpu.memory_space<hbm>>
    %dma_wait3A_945 = arith.constant 0 : i32
    %dma_wait3A_946 = arith.constant 0 : i32
    %dma_wait3A_947 = tpu.memref_slice %arg2[%add3A, %dma_wait3A_939, %dma_wait3A_940, %dma_wait3A_945, %dma_wait3A_946] : memref<32x7x7x200x128xf32, #tpu.memory_space<hbm>> -> memref<1x1x1x200x128xf32, #tpu.memory_space<hbm>>
    %dma_wait3A_948 = tpu.memref_squeeze %dma_wait3A_947 : memref<1x1x1x200x128xf32, #tpu.memory_space<hbm>> -> memref<200x128xf32, #tpu.memory_space<hbm>>
    tpu.wait_dma2 semaphore(%arg9 : memref<!tpu.dma_semaphore, #tpu.memory_space<semaphore_mem>>) src(%dma_wait3A_948 : memref<200x128xf32, #tpu.memory_space<hbm>>) dst(%arg4 : memref<200x128xf32, #tpu.memory_space<vmem>>)
    %dma_start3A_949 = arith.constant 0 : i32
    %dma_start3A_950 = arith.constant 24 : i32
    %dma_start3A_951 = arith.constant 0 : i32
    %dma_start3A_952 = arith.constant 0 : i32
    %dma_start3A_953 = tpu.memref_slice %arg3[%add3A, %dma_start3A_949, %dma_start3A_950, %dma_start3A_951, %dma_start3A_952] : memref<32x1x56x200x128xf32, #tpu.memory_space<hbm>> -> memref<1x1x1x200x128xf32, #tpu.memory_space<hbm>>
    %dma_start3A_954 = tpu.memref_squeeze %dma_start3A_953 : memref<1x1x1x200x128xf32, #tpu.memory_space<hbm>> -> memref<200x128xf32, #tpu.memory_space<hbm>>
    %dma_start3A_955 = arith.constant 0 : i32
    %dma_start3A_956 = arith.constant 0 : i32
    %dma_start3A_957 = tpu.memref_slice %arg3[%add3A, %dma_start3A_949, %dma_start3A_950, %dma_start3A_955, %dma_start3A_956] : memref<32x1x56x200x128xf32, #tpu.memory_space<hbm>> -> memref<1x1x1x200x128xf32, #tpu.memory_space<hbm>>
    %dma_start3A_958 = tpu.memref_squeeze %dma_start3A_957 : memref<1x1x1x200x128xf32, #tpu.memory_space<hbm>> -> memref<200x128xf32, #tpu.memory_space<hbm>>
    tpu.enqueue_dma source(%arg4 : memref<200x128xf32, #tpu.memory_space<vmem>>) target(%dma_start3A_958 : memref<200x128xf32, #tpu.memory_space<hbm>>) target_semaphore(%arg15 : memref<!tpu.dma_semaphore, #tpu.memory_space<semaphore_mem>>)
    %dma_wait3A_959 = arith.constant 0 : i32
    %dma_wait3A_960 = arith.constant 0 : i32
    %dma_wait3A_961 = arith.constant 0 : i32
    %dma_wait3A_962 = arith.constant 0 : i32
    %dma_wait3A_963 = tpu.memref_slice %arg2[%add3A, %dma_wait3A_959, %dma_wait3A_960, %dma_wait3A_961, %dma_wait3A_962] : memref<32x7x7x200x128xf32, #tpu.memory_space<hbm>> -> memref<1x1x1x200x128xf32, #tpu.memory_space<hbm>>
    %dma_wait3A_964 = tpu.memref_squeeze %dma_wait3A_963 : memref<1x1x1x200x128xf32, #tpu.memory_space<hbm>> -> memref<200x128xf32, #tpu.memory_space<hbm>>
    %dma_wait3A_965 = arith.constant 0 : i32
    %dma_wait3A_966 = arith.constant 0 : i32
    %dma_wait3A_967 = tpu.memref_slice %arg2[%add3A, %dma_wait3A_959, %dma_wait3A_960, %dma_wait3A_965, %dma_wait3A_966] : memref<32x7x7x200x128xf32, #tpu.memory_space<hbm>> -> memref<1x1x1x200x128xf32, #tpu.memory_space<hbm>>
    %dma_wait3A_968 = tpu.memref_squeeze %dma_wait3A_967 : memref<1x1x1x200x128xf32, #tpu.memory_space<hbm>> -> memref<200x128xf32, #tpu.memory_space<hbm>>
    tpu.wait_dma2 semaphore(%arg10 : memref<!tpu.dma_semaphore, #tpu.memory_space<semaphore_mem>>) src(%dma_wait3A_968 : memref<200x128xf32, #tpu.memory_space<hbm>>) dst(%arg5 : memref<200x128xf32, #tpu.memory_space<vmem>>)
    %dma_start3A_969 = arith.constant 0 : i32
    %dma_start3A_970 = arith.constant 25 : i32
    %dma_start3A_971 = arith.constant 0 : i32
    %dma_start3A_972 = arith.constant 0 : i32
    %dma_start3A_973 = tpu.memref_slice %arg3[%add3A, %dma_start3A_969, %dma_start3A_970, %dma_start3A_971, %dma_start3A_972] : memref<32x1x56x200x128xf32, #tpu.memory_space<hbm>> -> memref<1x1x1x200x128xf32, #tpu.memory_space<hbm>>
    %dma_start3A_974 = tpu.memref_squeeze %dma_start3A_973 : memref<1x1x1x200x128xf32, #tpu.memory_space<hbm>> -> memref<200x128xf32, #tpu.memory_space<hbm>>
    %dma_start3A_975 = arith.constant 0 : i32
    %dma_start3A_976 = arith.constant 0 : i32
    %dma_start3A_977 = tpu.memref_slice %arg3[%add3A, %dma_start3A_969, %dma_start3A_970, %dma_start3A_975, %dma_start3A_976] : memref<32x1x56x200x128xf32, #tpu.memory_space<hbm>> -> memref<1x1x1x200x128xf32, #tpu.memory_space<hbm>>
    %dma_start3A_978 = tpu.memref_squeeze %dma_start3A_977 : memref<1x1x1x200x128xf32, #tpu.memory_space<hbm>> -> memref<200x128xf32, #tpu.memory_space<hbm>>
    tpu.enqueue_dma source(%arg5 : memref<200x128xf32, #tpu.memory_space<vmem>>) target(%dma_start3A_978 : memref<200x128xf32, #tpu.memory_space<hbm>>) target_semaphore(%arg16 : memref<!tpu.dma_semaphore, #tpu.memory_space<semaphore_mem>>)
    %dma_wait3A_979 = arith.constant 0 : i32
    %dma_wait3A_980 = arith.constant 0 : i32
    %dma_wait3A_981 = arith.constant 0 : i32
    %dma_wait3A_982 = arith.constant 0 : i32
    %dma_wait3A_983 = tpu.memref_slice %arg2[%add3A, %dma_wait3A_979, %dma_wait3A_980, %dma_wait3A_981, %dma_wait3A_982] : memref<32x7x7x200x128xf32, #tpu.memory_space<hbm>> -> memref<1x1x1x200x128xf32, #tpu.memory_space<hbm>>
    %dma_wait3A_984 = tpu.memref_squeeze %dma_wait3A_983 : memref<1x1x1x200x128xf32, #tpu.memory_space<hbm>> -> memref<200x128xf32, #tpu.memory_space<hbm>>
    %dma_wait3A_985 = arith.constant 0 : i32
    %dma_wait3A_986 = arith.constant 0 : i32
    %dma_wait3A_987 = tpu.memref_slice %arg2[%add3A, %dma_wait3A_979, %dma_wait3A_980, %dma_wait3A_985, %dma_wait3A_986] : memref<32x7x7x200x128xf32, #tpu.memory_space<hbm>> -> memref<1x1x1x200x128xf32, #tpu.memory_space<hbm>>
    %dma_wait3A_988 = tpu.memref_squeeze %dma_wait3A_987 : memref<1x1x1x200x128xf32, #tpu.memory_space<hbm>> -> memref<200x128xf32, #tpu.memory_space<hbm>>
    tpu.wait_dma2 semaphore(%arg11 : memref<!tpu.dma_semaphore, #tpu.memory_space<semaphore_mem>>) src(%dma_wait3A_988 : memref<200x128xf32, #tpu.memory_space<hbm>>) dst(%arg6 : memref<200x128xf32, #tpu.memory_space<vmem>>)
    %dma_start3A_989 = arith.constant 0 : i32
    %dma_start3A_990 = arith.constant 26 : i32
    %dma_start3A_991 = arith.constant 0 : i32
    %dma_start3A_992 = arith.constant 0 : i32
    %dma_start3A_993 = tpu.memref_slice %arg3[%add3A, %dma_start3A_989, %dma_start3A_990, %dma_start3A_991, %dma_start3A_992] : memref<32x1x56x200x128xf32, #tpu.memory_space<hbm>> -> memref<1x1x1x200x128xf32, #tpu.memory_space<hbm>>
    %dma_start3A_994 = tpu.memref_squeeze %dma_start3A_993 : memref<1x1x1x200x128xf32, #tpu.memory_space<hbm>> -> memref<200x128xf32, #tpu.memory_space<hbm>>
    %dma_start3A_995 = arith.constant 0 : i32
    %dma_start3A_996 = arith.constant 0 : i32
    %dma_start3A_997 = tpu.memref_slice %arg3[%add3A, %dma_start3A_989, %dma_start3A_990, %dma_start3A_995, %dma_start3A_996] : memref<32x1x56x200x128xf32, #tpu.memory_space<hbm>> -> memref<1x1x1x200x128xf32, #tpu.memory_space<hbm>>
    %dma_start3A_998 = tpu.memref_squeeze %dma_start3A_997 : memref<1x1x1x200x128xf32, #tpu.memory_space<hbm>> -> memref<200x128xf32, #tpu.memory_space<hbm>>
    tpu.enqueue_dma source(%arg6 : memref<200x128xf32, #tpu.memory_space<vmem>>) target(%dma_start3A_998 : memref<200x128xf32, #tpu.memory_space<hbm>>) target_semaphore(%arg17 : memref<!tpu.dma_semaphore, #tpu.memory_space<semaphore_mem>>)
    %dma_wait3A_999 = arith.constant 0 : i32
    %dma_wait3A_1000 = arith.constant 0 : i32
    %dma_wait3A_1001 = arith.constant 0 : i32
    %dma_wait3A_1002 = arith.constant 0 : i32
    %dma_wait3A_1003 = tpu.memref_slice %arg2[%add3A, %dma_wait3A_999, %dma_wait3A_1000, %dma_wait3A_1001, %dma_wait3A_1002] : memref<32x7x7x200x128xf32, #tpu.memory_space<hbm>> -> memref<1x1x1x200x128xf32, #tpu.memory_space<hbm>>
    %dma_wait3A_1004 = tpu.memref_squeeze %dma_wait3A_1003 : memref<1x1x1x200x128xf32, #tpu.memory_space<hbm>> -> memref<200x128xf32, #tpu.memory_space<hbm>>
    %dma_wait3A_1005 = arith.constant 0 : i32
    %dma_wait3A_1006 = arith.constant 0 : i32
    %dma_wait3A_1007 = tpu.memref_slice %arg2[%add3A, %dma_wait3A_999, %dma_wait3A_1000, %dma_wait3A_1005, %dma_wait3A_1006] : memref<32x7x7x200x128xf32, #tpu.memory_space<hbm>> -> memref<1x1x1x200x128xf32, #tpu.memory_space<hbm>>
    %dma_wait3A_1008 = tpu.memref_squeeze %dma_wait3A_1007 : memref<1x1x1x200x128xf32, #tpu.memory_space<hbm>> -> memref<200x128xf32, #tpu.memory_space<hbm>>
    tpu.wait_dma2 semaphore(%arg12 : memref<!tpu.dma_semaphore, #tpu.memory_space<semaphore_mem>>) src(%dma_wait3A_1008 : memref<200x128xf32, #tpu.memory_space<hbm>>) dst(%arg7 : memref<200x128xf32, #tpu.memory_space<vmem>>)
    %dma_start3A_1009 = arith.constant 0 : i32
    %dma_start3A_1010 = arith.constant 27 : i32
    %dma_start3A_1011 = arith.constant 0 : i32
    %dma_start3A_1012 = arith.constant 0 : i32
    %dma_start3A_1013 = tpu.memref_slice %arg3[%add3A, %dma_start3A_1009, %dma_start3A_1010, %dma_start3A_1011, %dma_start3A_1012] : memref<32x1x56x200x128xf32, #tpu.memory_space<hbm>> -> memref<1x1x1x200x128xf32, #tpu.memory_space<hbm>>
    %dma_start3A_1014 = tpu.memref_squeeze %dma_start3A_1013 : memref<1x1x1x200x128xf32, #tpu.memory_space<hbm>> -> memref<200x128xf32, #tpu.memory_space<hbm>>
    %dma_start3A_1015 = arith.constant 0 : i32
    %dma_start3A_1016 = arith.constant 0 : i32
    %dma_start3A_1017 = tpu.memref_slice %arg3[%add3A, %dma_start3A_1009, %dma_start3A_1010, %dma_start3A_1015, %dma_start3A_1016] : memref<32x1x56x200x128xf32, #tpu.memory_space<hbm>> -> memref<1x1x1x200x128xf32, #tpu.memory_space<hbm>>
    %dma_start3A_1018 = tpu.memref_squeeze %dma_start3A_1017 : memref<1x1x1x200x128xf32, #tpu.memory_space<hbm>> -> memref<200x128xf32, #tpu.memory_space<hbm>>
    tpu.enqueue_dma source(%arg7 : memref<200x128xf32, #tpu.memory_space<vmem>>) target(%dma_start3A_1018 : memref<200x128xf32, #tpu.memory_space<hbm>>) target_semaphore(%arg18 : memref<!tpu.dma_semaphore, #tpu.memory_space<semaphore_mem>>)
    %dma_wait3A_1019 = arith.constant 0 : i32
    %dma_wait3A_1020 = arith.constant 0 : i32
    %dma_wait3A_1021 = arith.constant 0 : i32
    %dma_wait3A_1022 = arith.constant 0 : i32
    %dma_wait3A_1023 = tpu.memref_slice %arg3[%add3A, %dma_wait3A_1019, %dma_wait3A_1020, %dma_wait3A_1021, %dma_wait3A_1022] : memref<32x1x56x200x128xf32, #tpu.memory_space<hbm>> -> memref<1x1x1x200x128xf32, #tpu.memory_space<hbm>>
    %dma_wait3A_1024 = tpu.memref_squeeze %dma_wait3A_1023 : memref<1x1x1x200x128xf32, #tpu.memory_space<hbm>> -> memref<200x128xf32, #tpu.memory_space<hbm>>
    %dma_wait3A_1025 = arith.constant 0 : i32
    %dma_wait3A_1026 = arith.constant 0 : i32
    %dma_wait3A_1027 = tpu.memref_slice %arg3[%add3A, %dma_wait3A_1019, %dma_wait3A_1020, %dma_wait3A_1025, %dma_wait3A_1026] : memref<32x1x56x200x128xf32, #tpu.memory_space<hbm>> -> memref<1x1x1x200x128xf32, #tpu.memory_space<hbm>>
    %dma_wait3A_1028 = tpu.memref_squeeze %dma_wait3A_1027 : memref<1x1x1x200x128xf32, #tpu.memory_space<hbm>> -> memref<200x128xf32, #tpu.memory_space<hbm>>
    tpu.wait_dma2 semaphore(%arg15 : memref<!tpu.dma_semaphore, #tpu.memory_space<semaphore_mem>>) src(%arg4 : memref<200x128xf32, #tpu.memory_space<vmem>>) dst(%dma_wait3A_1028 : memref<200x128xf32, #tpu.memory_space<hbm>>)
    %dma_start3A_1029 = arith.constant 4 : i32
    %dma_start3A_1030 = arith.constant 3 : i32
    %dma_start3A_1031 = arith.constant 0 : i32
    %dma_start3A_1032 = arith.constant 0 : i32
    %dma_start3A_1033 = tpu.memref_slice %arg2[%add3A, %dma_start3A_1029, %dma_start3A_1030, %dma_start3A_1031, %dma_start3A_1032] : memref<32x7x7x200x128xf32, #tpu.memory_space<hbm>> -> memref<1x1x1x200x128xf32, #tpu.memory_space<hbm>>
    %dma_start3A_1034 = tpu.memref_squeeze %dma_start3A_1033 : memref<1x1x1x200x128xf32, #tpu.memory_space<hbm>> -> memref<200x128xf32, #tpu.memory_space<hbm>>
    %dma_start3A_1035 = arith.constant 0 : i32
    %dma_start3A_1036 = arith.constant 0 : i32
    %dma_start3A_1037 = tpu.memref_slice %arg2[%add3A, %dma_start3A_1029, %dma_start3A_1030, %dma_start3A_1035, %dma_start3A_1036] : memref<32x7x7x200x128xf32, #tpu.memory_space<hbm>> -> memref<1x1x1x200x128xf32, #tpu.memory_space<hbm>>
    %dma_start3A_1038 = tpu.memref_squeeze %dma_start3A_1037 : memref<1x1x1x200x128xf32, #tpu.memory_space<hbm>> -> memref<200x128xf32, #tpu.memory_space<hbm>>
    tpu.enqueue_dma source(%dma_start3A_1038 : memref<200x128xf32, #tpu.memory_space<hbm>>) target(%arg4 : memref<200x128xf32, #tpu.memory_space<vmem>>) target_semaphore(%arg9 : memref<!tpu.dma_semaphore, #tpu.memory_space<semaphore_mem>>)
    %dma_wait3A_1039 = arith.constant 0 : i32
    %dma_wait3A_1040 = arith.constant 0 : i32
    %dma_wait3A_1041 = arith.constant 0 : i32
    %dma_wait3A_1042 = arith.constant 0 : i32
    %dma_wait3A_1043 = tpu.memref_slice %arg3[%add3A, %dma_wait3A_1039, %dma_wait3A_1040, %dma_wait3A_1041, %dma_wait3A_1042] : memref<32x1x56x200x128xf32, #tpu.memory_space<hbm>> -> memref<1x1x1x200x128xf32, #tpu.memory_space<hbm>>
    %dma_wait3A_1044 = tpu.memref_squeeze %dma_wait3A_1043 : memref<1x1x1x200x128xf32, #tpu.memory_space<hbm>> -> memref<200x128xf32, #tpu.memory_space<hbm>>
    %dma_wait3A_1045 = arith.constant 0 : i32
    %dma_wait3A_1046 = arith.constant 0 : i32
    %dma_wait3A_1047 = tpu.memref_slice %arg3[%add3A, %dma_wait3A_1039, %dma_wait3A_1040, %dma_wait3A_1045, %dma_wait3A_1046] : memref<32x1x56x200x128xf32, #tpu.memory_space<hbm>> -> memref<1x1x1x200x128xf32, #tpu.memory_space<hbm>>
    %dma_wait3A_1048 = tpu.memref_squeeze %dma_wait3A_1047 : memref<1x1x1x200x128xf32, #tpu.memory_space<hbm>> -> memref<200x128xf32, #tpu.memory_space<hbm>>
    tpu.wait_dma2 semaphore(%arg16 : memref<!tpu.dma_semaphore, #tpu.memory_space<semaphore_mem>>) src(%arg5 : memref<200x128xf32, #tpu.memory_space<vmem>>) dst(%dma_wait3A_1048 : memref<200x128xf32, #tpu.memory_space<hbm>>)
    %dma_start3A_1049 = arith.constant 5 : i32
    %dma_start3A_1050 = arith.constant 3 : i32
    %dma_start3A_1051 = arith.constant 0 : i32
    %dma_start3A_1052 = arith.constant 0 : i32
    %dma_start3A_1053 = tpu.memref_slice %arg2[%add3A, %dma_start3A_1049, %dma_start3A_1050, %dma_start3A_1051, %dma_start3A_1052] : memref<32x7x7x200x128xf32, #tpu.memory_space<hbm>> -> memref<1x1x1x200x128xf32, #tpu.memory_space<hbm>>
    %dma_start3A_1054 = tpu.memref_squeeze %dma_start3A_1053 : memref<1x1x1x200x128xf32, #tpu.memory_space<hbm>> -> memref<200x128xf32, #tpu.memory_space<hbm>>
    %dma_start3A_1055 = arith.constant 0 : i32
    %dma_start3A_1056 = arith.constant 0 : i32
    %dma_start3A_1057 = tpu.memref_slice %arg2[%add3A, %dma_start3A_1049, %dma_start3A_1050, %dma_start3A_1055, %dma_start3A_1056] : memref<32x7x7x200x128xf32, #tpu.memory_space<hbm>> -> memref<1x1x1x200x128xf32, #tpu.memory_space<hbm>>
    %dma_start3A_1058 = tpu.memref_squeeze %dma_start3A_1057 : memref<1x1x1x200x128xf32, #tpu.memory_space<hbm>> -> memref<200x128xf32, #tpu.memory_space<hbm>>
    tpu.enqueue_dma source(%dma_start3A_1058 : memref<200x128xf32, #tpu.memory_space<hbm>>) target(%arg5 : memref<200x128xf32, #tpu.memory_space<vmem>>) target_semaphore(%arg10 : memref<!tpu.dma_semaphore, #tpu.memory_space<semaphore_mem>>)
    %dma_wait3A_1059 = arith.constant 0 : i32
    %dma_wait3A_1060 = arith.constant 0 : i32
    %dma_wait3A_1061 = arith.constant 0 : i32
    %dma_wait3A_1062 = arith.constant 0 : i32
    %dma_wait3A_1063 = tpu.memref_slice %arg3[%add3A, %dma_wait3A_1059, %dma_wait3A_1060, %dma_wait3A_1061, %dma_wait3A_1062] : memref<32x1x56x200x128xf32, #tpu.memory_space<hbm>> -> memref<1x1x1x200x128xf32, #tpu.memory_space<hbm>>
    %dma_wait3A_1064 = tpu.memref_squeeze %dma_wait3A_1063 : memref<1x1x1x200x128xf32, #tpu.memory_space<hbm>> -> memref<200x128xf32, #tpu.memory_space<hbm>>
    %dma_wait3A_1065 = arith.constant 0 : i32
    %dma_wait3A_1066 = arith.constant 0 : i32
    %dma_wait3A_1067 = tpu.memref_slice %arg3[%add3A, %dma_wait3A_1059, %dma_wait3A_1060, %dma_wait3A_1065, %dma_wait3A_1066] : memref<32x1x56x200x128xf32, #tpu.memory_space<hbm>> -> memref<1x1x1x200x128xf32, #tpu.memory_space<hbm>>
    %dma_wait3A_1068 = tpu.memref_squeeze %dma_wait3A_1067 : memref<1x1x1x200x128xf32, #tpu.memory_space<hbm>> -> memref<200x128xf32, #tpu.memory_space<hbm>>
    tpu.wait_dma2 semaphore(%arg17 : memref<!tpu.dma_semaphore, #tpu.memory_space<semaphore_mem>>) src(%arg6 : memref<200x128xf32, #tpu.memory_space<vmem>>) dst(%dma_wait3A_1068 : memref<200x128xf32, #tpu.memory_space<hbm>>)
    %dma_start3A_1069 = arith.constant 5 : i32
    %dma_start3A_1070 = arith.constant 2 : i32
    %dma_start3A_1071 = arith.constant 0 : i32
    %dma_start3A_1072 = arith.constant 0 : i32
    %dma_start3A_1073 = tpu.memref_slice %arg2[%add3A, %dma_start3A_1069, %dma_start3A_1070, %dma_start3A_1071, %dma_start3A_1072] : memref<32x7x7x200x128xf32, #tpu.memory_space<hbm>> -> memref<1x1x1x200x128xf32, #tpu.memory_space<hbm>>
    %dma_start3A_1074 = tpu.memref_squeeze %dma_start3A_1073 : memref<1x1x1x200x128xf32, #tpu.memory_space<hbm>> -> memref<200x128xf32, #tpu.memory_space<hbm>>
    %dma_start3A_1075 = arith.constant 0 : i32
    %dma_start3A_1076 = arith.constant 0 : i32
    %dma_start3A_1077 = tpu.memref_slice %arg2[%add3A, %dma_start3A_1069, %dma_start3A_1070, %dma_start3A_1075, %dma_start3A_1076] : memref<32x7x7x200x128xf32, #tpu.memory_space<hbm>> -> memref<1x1x1x200x128xf32, #tpu.memory_space<hbm>>
    %dma_start3A_1078 = tpu.memref_squeeze %dma_start3A_1077 : memref<1x1x1x200x128xf32, #tpu.memory_space<hbm>> -> memref<200x128xf32, #tpu.memory_space<hbm>>
    tpu.enqueue_dma source(%dma_start3A_1078 : memref<200x128xf32, #tpu.memory_space<hbm>>) target(%arg6 : memref<200x128xf32, #tpu.memory_space<vmem>>) target_semaphore(%arg11 : memref<!tpu.dma_semaphore, #tpu.memory_space<semaphore_mem>>)
    %dma_wait3A_1079 = arith.constant 0 : i32
    %dma_wait3A_1080 = arith.constant 0 : i32
    %dma_wait3A_1081 = arith.constant 0 : i32
    %dma_wait3A_1082 = arith.constant 0 : i32
    %dma_wait3A_1083 = tpu.memref_slice %arg3[%add3A, %dma_wait3A_1079, %dma_wait3A_1080, %dma_wait3A_1081, %dma_wait3A_1082] : memref<32x1x56x200x128xf32, #tpu.memory_space<hbm>> -> memref<1x1x1x200x128xf32, #tpu.memory_space<hbm>>
    %dma_wait3A_1084 = tpu.memref_squeeze %dma_wait3A_1083 : memref<1x1x1x200x128xf32, #tpu.memory_space<hbm>> -> memref<200x128xf32, #tpu.memory_space<hbm>>
    %dma_wait3A_1085 = arith.constant 0 : i32
    %dma_wait3A_1086 = arith.constant 0 : i32
    %dma_wait3A_1087 = tpu.memref_slice %arg3[%add3A, %dma_wait3A_1079, %dma_wait3A_1080, %dma_wait3A_1085, %dma_wait3A_1086] : memref<32x1x56x200x128xf32, #tpu.memory_space<hbm>> -> memref<1x1x1x200x128xf32, #tpu.memory_space<hbm>>
    %dma_wait3A_1088 = tpu.memref_squeeze %dma_wait3A_1087 : memref<1x1x1x200x128xf32, #tpu.memory_space<hbm>> -> memref<200x128xf32, #tpu.memory_space<hbm>>
    tpu.wait_dma2 semaphore(%arg18 : memref<!tpu.dma_semaphore, #tpu.memory_space<semaphore_mem>>) src(%arg7 : memref<200x128xf32, #tpu.memory_space<vmem>>) dst(%dma_wait3A_1088 : memref<200x128xf32, #tpu.memory_space<hbm>>)
    %dma_start3A_1089 = arith.constant 6 : i32
    %dma_start3A_1090 = arith.constant 3 : i32
    %dma_start3A_1091 = arith.constant 0 : i32
    %dma_start3A_1092 = arith.constant 0 : i32
    %dma_start3A_1093 = tpu.memref_slice %arg2[%add3A, %dma_start3A_1089, %dma_start3A_1090, %dma_start3A_1091, %dma_start3A_1092] : memref<32x7x7x200x128xf32, #tpu.memory_space<hbm>> -> memref<1x1x1x200x128xf32, #tpu.memory_space<hbm>>
    %dma_start3A_1094 = tpu.memref_squeeze %dma_start3A_1093 : memref<1x1x1x200x128xf32, #tpu.memory_space<hbm>> -> memref<200x128xf32, #tpu.memory_space<hbm>>
    %dma_start3A_1095 = arith.constant 0 : i32
    %dma_start3A_1096 = arith.constant 0 : i32
    %dma_start3A_1097 = tpu.memref_slice %arg2[%add3A, %dma_start3A_1089, %dma_start3A_1090, %dma_start3A_1095, %dma_start3A_1096] : memref<32x7x7x200x128xf32, #tpu.memory_space<hbm>> -> memref<1x1x1x200x128xf32, #tpu.memory_space<hbm>>
    %dma_start3A_1098 = tpu.memref_squeeze %dma_start3A_1097 : memref<1x1x1x200x128xf32, #tpu.memory_space<hbm>> -> memref<200x128xf32, #tpu.memory_space<hbm>>
    tpu.enqueue_dma source(%dma_start3A_1098 : memref<200x128xf32, #tpu.memory_space<hbm>>) target(%arg7 : memref<200x128xf32, #tpu.memory_space<vmem>>) target_semaphore(%arg12 : memref<!tpu.dma_semaphore, #tpu.memory_space<semaphore_mem>>)
    %dma_wait3A_1099 = arith.constant 0 : i32
    %dma_wait3A_1100 = arith.constant 0 : i32
    %dma_wait3A_1101 = arith.constant 0 : i32
    %dma_wait3A_1102 = arith.constant 0 : i32
    %dma_wait3A_1103 = tpu.memref_slice %arg2[%add3A, %dma_wait3A_1099, %dma_wait3A_1100, %dma_wait3A_1101, %dma_wait3A_1102] : memref<32x7x7x200x128xf32, #tpu.memory_space<hbm>> -> memref<1x1x1x200x128xf32, #tpu.memory_space<hbm>>
    %dma_wait3A_1104 = tpu.memref_squeeze %dma_wait3A_1103 : memref<1x1x1x200x128xf32, #tpu.memory_space<hbm>> -> memref<200x128xf32, #tpu.memory_space<hbm>>
    %dma_wait3A_1105 = arith.constant 0 : i32
    %dma_wait3A_1106 = arith.constant 0 : i32
    %dma_wait3A_1107 = tpu.memref_slice %arg2[%add3A, %dma_wait3A_1099, %dma_wait3A_1100, %dma_wait3A_1105, %dma_wait3A_1106] : memref<32x7x7x200x128xf32, #tpu.memory_space<hbm>> -> memref<1x1x1x200x128xf32, #tpu.memory_space<hbm>>
    %dma_wait3A_1108 = tpu.memref_squeeze %dma_wait3A_1107 : memref<1x1x1x200x128xf32, #tpu.memory_space<hbm>> -> memref<200x128xf32, #tpu.memory_space<hbm>>
    tpu.wait_dma2 semaphore(%arg9 : memref<!tpu.dma_semaphore, #tpu.memory_space<semaphore_mem>>) src(%dma_wait3A_1108 : memref<200x128xf32, #tpu.memory_space<hbm>>) dst(%arg4 : memref<200x128xf32, #tpu.memory_space<vmem>>)
    %dma_start3A_1109 = arith.constant 0 : i32
    %dma_start3A_1110 = arith.constant 29 : i32
    %dma_start3A_1111 = arith.constant 0 : i32
    %dma_start3A_1112 = arith.constant 0 : i32
    %dma_start3A_1113 = tpu.memref_slice %arg3[%add3A, %dma_start3A_1109, %dma_start3A_1110, %dma_start3A_1111, %dma_start3A_1112] : memref<32x1x56x200x128xf32, #tpu.memory_space<hbm>> -> memref<1x1x1x200x128xf32, #tpu.memory_space<hbm>>
    %dma_start3A_1114 = tpu.memref_squeeze %dma_start3A_1113 : memref<1x1x1x200x128xf32, #tpu.memory_space<hbm>> -> memref<200x128xf32, #tpu.memory_space<hbm>>
    %dma_start3A_1115 = arith.constant 0 : i32
    %dma_start3A_1116 = arith.constant 0 : i32
    %dma_start3A_1117 = tpu.memref_slice %arg3[%add3A, %dma_start3A_1109, %dma_start3A_1110, %dma_start3A_1115, %dma_start3A_1116] : memref<32x1x56x200x128xf32, #tpu.memory_space<hbm>> -> memref<1x1x1x200x128xf32, #tpu.memory_space<hbm>>
    %dma_start3A_1118 = tpu.memref_squeeze %dma_start3A_1117 : memref<1x1x1x200x128xf32, #tpu.memory_space<hbm>> -> memref<200x128xf32, #tpu.memory_space<hbm>>
    tpu.enqueue_dma source(%arg4 : memref<200x128xf32, #tpu.memory_space<vmem>>) target(%dma_start3A_1118 : memref<200x128xf32, #tpu.memory_space<hbm>>) target_semaphore(%arg15 : memref<!tpu.dma_semaphore, #tpu.memory_space<semaphore_mem>>)
    %dma_wait3A_1119 = arith.constant 0 : i32
    %dma_wait3A_1120 = arith.constant 0 : i32
    %dma_wait3A_1121 = arith.constant 0 : i32
    %dma_wait3A_1122 = arith.constant 0 : i32
    %dma_wait3A_1123 = tpu.memref_slice %arg2[%add3A, %dma_wait3A_1119, %dma_wait3A_1120, %dma_wait3A_1121, %dma_wait3A_1122] : memref<32x7x7x200x128xf32, #tpu.memory_space<hbm>> -> memref<1x1x1x200x128xf32, #tpu.memory_space<hbm>>
    %dma_wait3A_1124 = tpu.memref_squeeze %dma_wait3A_1123 : memref<1x1x1x200x128xf32, #tpu.memory_space<hbm>> -> memref<200x128xf32, #tpu.memory_space<hbm>>
    %dma_wait3A_1125 = arith.constant 0 : i32
    %dma_wait3A_1126 = arith.constant 0 : i32
    %dma_wait3A_1127 = tpu.memref_slice %arg2[%add3A, %dma_wait3A_1119, %dma_wait3A_1120, %dma_wait3A_1125, %dma_wait3A_1126] : memref<32x7x7x200x128xf32, #tpu.memory_space<hbm>> -> memref<1x1x1x200x128xf32, #tpu.memory_space<hbm>>
    %dma_wait3A_1128 = tpu.memref_squeeze %dma_wait3A_1127 : memref<1x1x1x200x128xf32, #tpu.memory_space<hbm>> -> memref<200x128xf32, #tpu.memory_space<hbm>>
    tpu.wait_dma2 semaphore(%arg10 : memref<!tpu.dma_semaphore, #tpu.memory_space<semaphore_mem>>) src(%dma_wait3A_1128 : memref<200x128xf32, #tpu.memory_space<hbm>>) dst(%arg5 : memref<200x128xf32, #tpu.memory_space<vmem>>)
    %dma_start3A_1129 = arith.constant 0 : i32
    %dma_start3A_1130 = arith.constant 30 : i32
    %dma_start3A_1131 = arith.constant 0 : i32
    %dma_start3A_1132 = arith.constant 0 : i32
    %dma_start3A_1133 = tpu.memref_slice %arg3[%add3A, %dma_start3A_1129, %dma_start3A_1130, %dma_start3A_1131, %dma_start3A_1132] : memref<32x1x56x200x128xf32, #tpu.memory_space<hbm>> -> memref<1x1x1x200x128xf32, #tpu.memory_space<hbm>>
    %dma_start3A_1134 = tpu.memref_squeeze %dma_start3A_1133 : memref<1x1x1x200x128xf32, #tpu.memory_space<hbm>> -> memref<200x128xf32, #tpu.memory_space<hbm>>
    %dma_start3A_1135 = arith.constant 0 : i32
    %dma_start3A_1136 = arith.constant 0 : i32
    %dma_start3A_1137 = tpu.memref_slice %arg3[%add3A, %dma_start3A_1129, %dma_start3A_1130, %dma_start3A_1135, %dma_start3A_1136] : memref<32x1x56x200x128xf32, #tpu.memory_space<hbm>> -> memref<1x1x1x200x128xf32, #tpu.memory_space<hbm>>
    %dma_start3A_1138 = tpu.memref_squeeze %dma_start3A_1137 : memref<1x1x1x200x128xf32, #tpu.memory_space<hbm>> -> memref<200x128xf32, #tpu.memory_space<hbm>>
    tpu.enqueue_dma source(%arg5 : memref<200x128xf32, #tpu.memory_space<vmem>>) target(%dma_start3A_1138 : memref<200x128xf32, #tpu.memory_space<hbm>>) target_semaphore(%arg16 : memref<!tpu.dma_semaphore, #tpu.memory_space<semaphore_mem>>)
    %dma_wait3A_1139 = arith.constant 0 : i32
    %dma_wait3A_1140 = arith.constant 0 : i32
    %dma_wait3A_1141 = arith.constant 0 : i32
    %dma_wait3A_1142 = arith.constant 0 : i32
    %dma_wait3A_1143 = tpu.memref_slice %arg2[%add3A, %dma_wait3A_1139, %dma_wait3A_1140, %dma_wait3A_1141, %dma_wait3A_1142] : memref<32x7x7x200x128xf32, #tpu.memory_space<hbm>> -> memref<1x1x1x200x128xf32, #tpu.memory_space<hbm>>
    %dma_wait3A_1144 = tpu.memref_squeeze %dma_wait3A_1143 : memref<1x1x1x200x128xf32, #tpu.memory_space<hbm>> -> memref<200x128xf32, #tpu.memory_space<hbm>>
    %dma_wait3A_1145 = arith.constant 0 : i32
    %dma_wait3A_1146 = arith.constant 0 : i32
    %dma_wait3A_1147 = tpu.memref_slice %arg2[%add3A, %dma_wait3A_1139, %dma_wait3A_1140, %dma_wait3A_1145, %dma_wait3A_1146] : memref<32x7x7x200x128xf32, #tpu.memory_space<hbm>> -> memref<1x1x1x200x128xf32, #tpu.memory_space<hbm>>
    %dma_wait3A_1148 = tpu.memref_squeeze %dma_wait3A_1147 : memref<1x1x1x200x128xf32, #tpu.memory_space<hbm>> -> memref<200x128xf32, #tpu.memory_space<hbm>>
    tpu.wait_dma2 semaphore(%arg11 : memref<!tpu.dma_semaphore, #tpu.memory_space<semaphore_mem>>) src(%dma_wait3A_1148 : memref<200x128xf32, #tpu.memory_space<hbm>>) dst(%arg6 : memref<200x128xf32, #tpu.memory_space<vmem>>)
    %dma_start3A_1149 = arith.constant 0 : i32
    %dma_start3A_1150 = arith.constant 31 : i32
    %dma_start3A_1151 = arith.constant 0 : i32
    %dma_start3A_1152 = arith.constant 0 : i32
    %dma_start3A_1153 = tpu.memref_slice %arg3[%add3A, %dma_start3A_1149, %dma_start3A_1150, %dma_start3A_1151, %dma_start3A_1152] : memref<32x1x56x200x128xf32, #tpu.memory_space<hbm>> -> memref<1x1x1x200x128xf32, #tpu.memory_space<hbm>>
    %dma_start3A_1154 = tpu.memref_squeeze %dma_start3A_1153 : memref<1x1x1x200x128xf32, #tpu.memory_space<hbm>> -> memref<200x128xf32, #tpu.memory_space<hbm>>
    %dma_start3A_1155 = arith.constant 0 : i32
    %dma_start3A_1156 = arith.constant 0 : i32
    %dma_start3A_1157 = tpu.memref_slice %arg3[%add3A, %dma_start3A_1149, %dma_start3A_1150, %dma_start3A_1155, %dma_start3A_1156] : memref<32x1x56x200x128xf32, #tpu.memory_space<hbm>> -> memref<1x1x1x200x128xf32, #tpu.memory_space<hbm>>
    %dma_start3A_1158 = tpu.memref_squeeze %dma_start3A_1157 : memref<1x1x1x200x128xf32, #tpu.memory_space<hbm>> -> memref<200x128xf32, #tpu.memory_space<hbm>>
    tpu.enqueue_dma source(%arg6 : memref<200x128xf32, #tpu.memory_space<vmem>>) target(%dma_start3A_1158 : memref<200x128xf32, #tpu.memory_space<hbm>>) target_semaphore(%arg17 : memref<!tpu.dma_semaphore, #tpu.memory_space<semaphore_mem>>)
    %dma_wait3A_1159 = arith.constant 0 : i32
    %dma_wait3A_1160 = arith.constant 0 : i32
    %dma_wait3A_1161 = arith.constant 0 : i32
    %dma_wait3A_1162 = arith.constant 0 : i32
    %dma_wait3A_1163 = tpu.memref_slice %arg2[%add3A, %dma_wait3A_1159, %dma_wait3A_1160, %dma_wait3A_1161, %dma_wait3A_1162] : memref<32x7x7x200x128xf32, #tpu.memory_space<hbm>> -> memref<1x1x1x200x128xf32, #tpu.memory_space<hbm>>
    %dma_wait3A_1164 = tpu.memref_squeeze %dma_wait3A_1163 : memref<1x1x1x200x128xf32, #tpu.memory_space<hbm>> -> memref<200x128xf32, #tpu.memory_space<hbm>>
    %dma_wait3A_1165 = arith.constant 0 : i32
    %dma_wait3A_1166 = arith.constant 0 : i32
    %dma_wait3A_1167 = tpu.memref_slice %arg2[%add3A, %dma_wait3A_1159, %dma_wait3A_1160, %dma_wait3A_1165, %dma_wait3A_1166] : memref<32x7x7x200x128xf32, #tpu.memory_space<hbm>> -> memref<1x1x1x200x128xf32, #tpu.memory_space<hbm>>
    %dma_wait3A_1168 = tpu.memref_squeeze %dma_wait3A_1167 : memref<1x1x1x200x128xf32, #tpu.memory_space<hbm>> -> memref<200x128xf32, #tpu.memory_space<hbm>>
    tpu.wait_dma2 semaphore(%arg12 : memref<!tpu.dma_semaphore, #tpu.memory_space<semaphore_mem>>) src(%dma_wait3A_1168 : memref<200x128xf32, #tpu.memory_space<hbm>>) dst(%arg7 : memref<200x128xf32, #tpu.memory_space<vmem>>)
    %dma_start3A_1169 = arith.constant 0 : i32
    %dma_start3A_1170 = arith.constant 32 : i32
    %dma_start3A_1171 = arith.constant 0 : i32
    %dma_start3A_1172 = arith.constant 0 : i32
    %dma_start3A_1173 = tpu.memref_slice %arg3[%add3A, %dma_start3A_1169, %dma_start3A_1170, %dma_start3A_1171, %dma_start3A_1172] : memref<32x1x56x200x128xf32, #tpu.memory_space<hbm>> -> memref<1x1x1x200x128xf32, #tpu.memory_space<hbm>>
    %dma_start3A_1174 = tpu.memref_squeeze %dma_start3A_1173 : memref<1x1x1x200x128xf32, #tpu.memory_space<hbm>> -> memref<200x128xf32, #tpu.memory_space<hbm>>
    %dma_start3A_1175 = arith.constant 0 : i32
    %dma_start3A_1176 = arith.constant 0 : i32
    %dma_start3A_1177 = tpu.memref_slice %arg3[%add3A, %dma_start3A_1169, %dma_start3A_1170, %dma_start3A_1175, %dma_start3A_1176] : memref<32x1x56x200x128xf32, #tpu.memory_space<hbm>> -> memref<1x1x1x200x128xf32, #tpu.memory_space<hbm>>
    %dma_start3A_1178 = tpu.memref_squeeze %dma_start3A_1177 : memref<1x1x1x200x128xf32, #tpu.memory_space<hbm>> -> memref<200x128xf32, #tpu.memory_space<hbm>>
    tpu.enqueue_dma source(%arg7 : memref<200x128xf32, #tpu.memory_space<vmem>>) target(%dma_start3A_1178 : memref<200x128xf32, #tpu.memory_space<hbm>>) target_semaphore(%arg18 : memref<!tpu.dma_semaphore, #tpu.memory_space<semaphore_mem>>)
    %dma_wait3A_1179 = arith.constant 0 : i32
    %dma_wait3A_1180 = arith.constant 0 : i32
    %dma_wait3A_1181 = arith.constant 0 : i32
    %dma_wait3A_1182 = arith.constant 0 : i32
    %dma_wait3A_1183 = tpu.memref_slice %arg3[%add3A, %dma_wait3A_1179, %dma_wait3A_1180, %dma_wait3A_1181, %dma_wait3A_1182] : memref<32x1x56x200x128xf32, #tpu.memory_space<hbm>> -> memref<1x1x1x200x128xf32, #tpu.memory_space<hbm>>
    %dma_wait3A_1184 = tpu.memref_squeeze %dma_wait3A_1183 : memref<1x1x1x200x128xf32, #tpu.memory_space<hbm>> -> memref<200x128xf32, #tpu.memory_space<hbm>>
    %dma_wait3A_1185 = arith.constant 0 : i32
    %dma_wait3A_1186 = arith.constant 0 : i32
    %dma_wait3A_1187 = tpu.memref_slice %arg3[%add3A, %dma_wait3A_1179, %dma_wait3A_1180, %dma_wait3A_1185, %dma_wait3A_1186] : memref<32x1x56x200x128xf32, #tpu.memory_space<hbm>> -> memref<1x1x1x200x128xf32, #tpu.memory_space<hbm>>
    %dma_wait3A_1188 = tpu.memref_squeeze %dma_wait3A_1187 : memref<1x1x1x200x128xf32, #tpu.memory_space<hbm>> -> memref<200x128xf32, #tpu.memory_space<hbm>>
    tpu.wait_dma2 semaphore(%arg15 : memref<!tpu.dma_semaphore, #tpu.memory_space<semaphore_mem>>) src(%arg4 : memref<200x128xf32, #tpu.memory_space<vmem>>) dst(%dma_wait3A_1188 : memref<200x128xf32, #tpu.memory_space<hbm>>)
    %dma_start3A_1189 = arith.constant 6 : i32
    %dma_start3A_1190 = arith.constant 2 : i32
    %dma_start3A_1191 = arith.constant 0 : i32
    %dma_start3A_1192 = arith.constant 0 : i32
    %dma_start3A_1193 = tpu.memref_slice %arg2[%add3A, %dma_start3A_1189, %dma_start3A_1190, %dma_start3A_1191, %dma_start3A_1192] : memref<32x7x7x200x128xf32, #tpu.memory_space<hbm>> -> memref<1x1x1x200x128xf32, #tpu.memory_space<hbm>>
    %dma_start3A_1194 = tpu.memref_squeeze %dma_start3A_1193 : memref<1x1x1x200x128xf32, #tpu.memory_space<hbm>> -> memref<200x128xf32, #tpu.memory_space<hbm>>
    %dma_start3A_1195 = arith.constant 0 : i32
    %dma_start3A_1196 = arith.constant 0 : i32
    %dma_start3A_1197 = tpu.memref_slice %arg2[%add3A, %dma_start3A_1189, %dma_start3A_1190, %dma_start3A_1195, %dma_start3A_1196] : memref<32x7x7x200x128xf32, #tpu.memory_space<hbm>> -> memref<1x1x1x200x128xf32, #tpu.memory_space<hbm>>
    %dma_start3A_1198 = tpu.memref_squeeze %dma_start3A_1197 : memref<1x1x1x200x128xf32, #tpu.memory_space<hbm>> -> memref<200x128xf32, #tpu.memory_space<hbm>>
    tpu.enqueue_dma source(%dma_start3A_1198 : memref<200x128xf32, #tpu.memory_space<hbm>>) target(%arg4 : memref<200x128xf32, #tpu.memory_space<vmem>>) target_semaphore(%arg9 : memref<!tpu.dma_semaphore, #tpu.memory_space<semaphore_mem>>)
    %dma_wait3A_1199 = arith.constant 0 : i32
    %dma_wait3A_1200 = arith.constant 0 : i32
    %dma_wait3A_1201 = arith.constant 0 : i32
    %dma_wait3A_1202 = arith.constant 0 : i32
    %dma_wait3A_1203 = tpu.memref_slice %arg3[%add3A, %dma_wait3A_1199, %dma_wait3A_1200, %dma_wait3A_1201, %dma_wait3A_1202] : memref<32x1x56x200x128xf32, #tpu.memory_space<hbm>> -> memref<1x1x1x200x128xf32, #tpu.memory_space<hbm>>
    %dma_wait3A_1204 = tpu.memref_squeeze %dma_wait3A_1203 : memref<1x1x1x200x128xf32, #tpu.memory_space<hbm>> -> memref<200x128xf32, #tpu.memory_space<hbm>>
    %dma_wait3A_1205 = arith.constant 0 : i32
    %dma_wait3A_1206 = arith.constant 0 : i32
    %dma_wait3A_1207 = tpu.memref_slice %arg3[%add3A, %dma_wait3A_1199, %dma_wait3A_1200, %dma_wait3A_1205, %dma_wait3A_1206] : memref<32x1x56x200x128xf32, #tpu.memory_space<hbm>> -> memref<1x1x1x200x128xf32, #tpu.memory_space<hbm>>
    %dma_wait3A_1208 = tpu.memref_squeeze %dma_wait3A_1207 : memref<1x1x1x200x128xf32, #tpu.memory_space<hbm>> -> memref<200x128xf32, #tpu.memory_space<hbm>>
    tpu.wait_dma2 semaphore(%arg16 : memref<!tpu.dma_semaphore, #tpu.memory_space<semaphore_mem>>) src(%arg5 : memref<200x128xf32, #tpu.memory_space<vmem>>) dst(%dma_wait3A_1208 : memref<200x128xf32, #tpu.memory_space<hbm>>)
    %dma_start3A_1209 = arith.constant 6 : i32
    %dma_start3A_1210 = arith.constant 1 : i32
    %dma_start3A_1211 = arith.constant 0 : i32
    %dma_start3A_1212 = arith.constant 0 : i32
    %dma_start3A_1213 = tpu.memref_slice %arg2[%add3A, %dma_start3A_1209, %dma_start3A_1210, %dma_start3A_1211, %dma_start3A_1212] : memref<32x7x7x200x128xf32, #tpu.memory_space<hbm>> -> memref<1x1x1x200x128xf32, #tpu.memory_space<hbm>>
    %dma_start3A_1214 = tpu.memref_squeeze %dma_start3A_1213 : memref<1x1x1x200x128xf32, #tpu.memory_space<hbm>> -> memref<200x128xf32, #tpu.memory_space<hbm>>
    %dma_start3A_1215 = arith.constant 0 : i32
    %dma_start3A_1216 = arith.constant 0 : i32
    %dma_start3A_1217 = tpu.memref_slice %arg2[%add3A, %dma_start3A_1209, %dma_start3A_1210, %dma_start3A_1215, %dma_start3A_1216] : memref<32x7x7x200x128xf32, #tpu.memory_space<hbm>> -> memref<1x1x1x200x128xf32, #tpu.memory_space<hbm>>
    %dma_start3A_1218 = tpu.memref_squeeze %dma_start3A_1217 : memref<1x1x1x200x128xf32, #tpu.memory_space<hbm>> -> memref<200x128xf32, #tpu.memory_space<hbm>>
    tpu.enqueue_dma source(%dma_start3A_1218 : memref<200x128xf32, #tpu.memory_space<hbm>>) target(%arg5 : memref<200x128xf32, #tpu.memory_space<vmem>>) target_semaphore(%arg10 : memref<!tpu.dma_semaphore, #tpu.memory_space<semaphore_mem>>)
    %dma_wait3A_1219 = arith.constant 0 : i32
    %dma_wait3A_1220 = arith.constant 0 : i32
    %dma_wait3A_1221 = arith.constant 0 : i32
    %dma_wait3A_1222 = arith.constant 0 : i32
    %dma_wait3A_1223 = tpu.memref_slice %arg3[%add3A, %dma_wait3A_1219, %dma_wait3A_1220, %dma_wait3A_1221, %dma_wait3A_1222] : memref<32x1x56x200x128xf32, #tpu.memory_space<hbm>> -> memref<1x1x1x200x128xf32, #tpu.memory_space<hbm>>
    %dma_wait3A_1224 = tpu.memref_squeeze %dma_wait3A_1223 : memref<1x1x1x200x128xf32, #tpu.memory_space<hbm>> -> memref<200x128xf32, #tpu.memory_space<hbm>>
    %dma_wait3A_1225 = arith.constant 0 : i32
    %dma_wait3A_1226 = arith.constant 0 : i32
    %dma_wait3A_1227 = tpu.memref_slice %arg3[%add3A, %dma_wait3A_1219, %dma_wait3A_1220, %dma_wait3A_1225, %dma_wait3A_1226] : memref<32x1x56x200x128xf32, #tpu.memory_space<hbm>> -> memref<1x1x1x200x128xf32, #tpu.memory_space<hbm>>
    %dma_wait3A_1228 = tpu.memref_squeeze %dma_wait3A_1227 : memref<1x1x1x200x128xf32, #tpu.memory_space<hbm>> -> memref<200x128xf32, #tpu.memory_space<hbm>>
    tpu.wait_dma2 semaphore(%arg17 : memref<!tpu.dma_semaphore, #tpu.memory_space<semaphore_mem>>) src(%arg6 : memref<200x128xf32, #tpu.memory_space<vmem>>) dst(%dma_wait3A_1228 : memref<200x128xf32, #tpu.memory_space<hbm>>)
    %dma_start3A_1229 = arith.constant 4 : i32
    %dma_start3A_1230 = arith.constant 2 : i32
    %dma_start3A_1231 = arith.constant 0 : i32
    %dma_start3A_1232 = arith.constant 0 : i32
    %dma_start3A_1233 = tpu.memref_slice %arg2[%add3A, %dma_start3A_1229, %dma_start3A_1230, %dma_start3A_1231, %dma_start3A_1232] : memref<32x7x7x200x128xf32, #tpu.memory_space<hbm>> -> memref<1x1x1x200x128xf32, #tpu.memory_space<hbm>>
    %dma_start3A_1234 = tpu.memref_squeeze %dma_start3A_1233 : memref<1x1x1x200x128xf32, #tpu.memory_space<hbm>> -> memref<200x128xf32, #tpu.memory_space<hbm>>
    %dma_start3A_1235 = arith.constant 0 : i32
    %dma_start3A_1236 = arith.constant 0 : i32
    %dma_start3A_1237 = tpu.memref_slice %arg2[%add3A, %dma_start3A_1229, %dma_start3A_1230, %dma_start3A_1235, %dma_start3A_1236] : memref<32x7x7x200x128xf32, #tpu.memory_space<hbm>> -> memref<1x1x1x200x128xf32, #tpu.memory_space<hbm>>
    %dma_start3A_1238 = tpu.memref_squeeze %dma_start3A_1237 : memref<1x1x1x200x128xf32, #tpu.memory_space<hbm>> -> memref<200x128xf32, #tpu.memory_space<hbm>>
    tpu.enqueue_dma source(%dma_start3A_1238 : memref<200x128xf32, #tpu.memory_space<hbm>>) target(%arg6 : memref<200x128xf32, #tpu.memory_space<vmem>>) target_semaphore(%arg11 : memref<!tpu.dma_semaphore, #tpu.memory_space<semaphore_mem>>)
    %dma_wait3A_1239 = arith.constant 0 : i32
    %dma_wait3A_1240 = arith.constant 0 : i32
    %dma_wait3A_1241 = arith.constant 0 : i32
    %dma_wait3A_1242 = arith.constant 0 : i32
    %dma_wait3A_1243 = tpu.memref_slice %arg3[%add3A, %dma_wait3A_1239, %dma_wait3A_1240, %dma_wait3A_1241, %dma_wait3A_1242] : memref<32x1x56x200x128xf32, #tpu.memory_space<hbm>> -> memref<1x1x1x200x128xf32, #tpu.memory_space<hbm>>
    %dma_wait3A_1244 = tpu.memref_squeeze %dma_wait3A_1243 : memref<1x1x1x200x128xf32, #tpu.memory_space<hbm>> -> memref<200x128xf32, #tpu.memory_space<hbm>>
    %dma_wait3A_1245 = arith.constant 0 : i32
    %dma_wait3A_1246 = arith.constant 0 : i32
    %dma_wait3A_1247 = tpu.memref_slice %arg3[%add3A, %dma_wait3A_1239, %dma_wait3A_1240, %dma_wait3A_1245, %dma_wait3A_1246] : memref<32x1x56x200x128xf32, #tpu.memory_space<hbm>> -> memref<1x1x1x200x128xf32, #tpu.memory_space<hbm>>
    %dma_wait3A_1248 = tpu.memref_squeeze %dma_wait3A_1247 : memref<1x1x1x200x128xf32, #tpu.memory_space<hbm>> -> memref<200x128xf32, #tpu.memory_space<hbm>>
    tpu.wait_dma2 semaphore(%arg18 : memref<!tpu.dma_semaphore, #tpu.memory_space<semaphore_mem>>) src(%arg7 : memref<200x128xf32, #tpu.memory_space<vmem>>) dst(%dma_wait3A_1248 : memref<200x128xf32, #tpu.memory_space<hbm>>)
    %dma_start3A_1249 = arith.constant 4 : i32
    %dma_start3A_1250 = arith.constant 1 : i32
    %dma_start3A_1251 = arith.constant 0 : i32
    %dma_start3A_1252 = arith.constant 0 : i32
    %dma_start3A_1253 = tpu.memref_slice %arg2[%add3A, %dma_start3A_1249, %dma_start3A_1250, %dma_start3A_1251, %dma_start3A_1252] : memref<32x7x7x200x128xf32, #tpu.memory_space<hbm>> -> memref<1x1x1x200x128xf32, #tpu.memory_space<hbm>>
    %dma_start3A_1254 = tpu.memref_squeeze %dma_start3A_1253 : memref<1x1x1x200x128xf32, #tpu.memory_space<hbm>> -> memref<200x128xf32, #tpu.memory_space<hbm>>
    %dma_start3A_1255 = arith.constant 0 : i32
    %dma_start3A_1256 = arith.constant 0 : i32
    %dma_start3A_1257 = tpu.memref_slice %arg2[%add3A, %dma_start3A_1249, %dma_start3A_1250, %dma_start3A_1255, %dma_start3A_1256] : memref<32x7x7x200x128xf32, #tpu.memory_space<hbm>> -> memref<1x1x1x200x128xf32, #tpu.memory_space<hbm>>
    %dma_start3A_1258 = tpu.memref_squeeze %dma_start3A_1257 : memref<1x1x1x200x128xf32, #tpu.memory_space<hbm>> -> memref<200x128xf32, #tpu.memory_space<hbm>>
    tpu.enqueue_dma source(%dma_start3A_1258 : memref<200x128xf32, #tpu.memory_space<hbm>>) target(%arg7 : memref<200x128xf32, #tpu.memory_space<vmem>>) target_semaphore(%arg12 : memref<!tpu.dma_semaphore, #tpu.memory_space<semaphore_mem>>)
    %dma_wait3A_1259 = arith.constant 0 : i32
    %dma_wait3A_1260 = arith.constant 0 : i32
    %dma_wait3A_1261 = arith.constant 0 : i32
    %dma_wait3A_1262 = arith.constant 0 : i32
    %dma_wait3A_1263 = tpu.memref_slice %arg2[%add3A, %dma_wait3A_1259, %dma_wait3A_1260, %dma_wait3A_1261, %dma_wait3A_1262] : memref<32x7x7x200x128xf32, #tpu.memory_space<hbm>> -> memref<1x1x1x200x128xf32, #tpu.memory_space<hbm>>
    %dma_wait3A_1264 = tpu.memref_squeeze %dma_wait3A_1263 : memref<1x1x1x200x128xf32, #tpu.memory_space<hbm>> -> memref<200x128xf32, #tpu.memory_space<hbm>>
    %dma_wait3A_1265 = arith.constant 0 : i32
    %dma_wait3A_1266 = arith.constant 0 : i32
    %dma_wait3A_1267 = tpu.memref_slice %arg2[%add3A, %dma_wait3A_1259, %dma_wait3A_1260, %dma_wait3A_1265, %dma_wait3A_1266] : memref<32x7x7x200x128xf32, #tpu.memory_space<hbm>> -> memref<1x1x1x200x128xf32, #tpu.memory_space<hbm>>
    %dma_wait3A_1268 = tpu.memref_squeeze %dma_wait3A_1267 : memref<1x1x1x200x128xf32, #tpu.memory_space<hbm>> -> memref<200x128xf32, #tpu.memory_space<hbm>>
    tpu.wait_dma2 semaphore(%arg9 : memref<!tpu.dma_semaphore, #tpu.memory_space<semaphore_mem>>) src(%dma_wait3A_1268 : memref<200x128xf32, #tpu.memory_space<hbm>>) dst(%arg4 : memref<200x128xf32, #tpu.memory_space<vmem>>)
    %dma_start3A_1269 = arith.constant 0 : i32
    %dma_start3A_1270 = arith.constant 33 : i32
    %dma_start3A_1271 = arith.constant 0 : i32
    %dma_start3A_1272 = arith.constant 0 : i32
    %dma_start3A_1273 = tpu.memref_slice %arg3[%add3A, %dma_start3A_1269, %dma_start3A_1270, %dma_start3A_1271, %dma_start3A_1272] : memref<32x1x56x200x128xf32, #tpu.memory_space<hbm>> -> memref<1x1x1x200x128xf32, #tpu.memory_space<hbm>>
    %dma_start3A_1274 = tpu.memref_squeeze %dma_start3A_1273 : memref<1x1x1x200x128xf32, #tpu.memory_space<hbm>> -> memref<200x128xf32, #tpu.memory_space<hbm>>
    %dma_start3A_1275 = arith.constant 0 : i32
    %dma_start3A_1276 = arith.constant 0 : i32
    %dma_start3A_1277 = tpu.memref_slice %arg3[%add3A, %dma_start3A_1269, %dma_start3A_1270, %dma_start3A_1275, %dma_start3A_1276] : memref<32x1x56x200x128xf32, #tpu.memory_space<hbm>> -> memref<1x1x1x200x128xf32, #tpu.memory_space<hbm>>
    %dma_start3A_1278 = tpu.memref_squeeze %dma_start3A_1277 : memref<1x1x1x200x128xf32, #tpu.memory_space<hbm>> -> memref<200x128xf32, #tpu.memory_space<hbm>>
    tpu.enqueue_dma source(%arg4 : memref<200x128xf32, #tpu.memory_space<vmem>>) target(%dma_start3A_1278 : memref<200x128xf32, #tpu.memory_space<hbm>>) target_semaphore(%arg15 : memref<!tpu.dma_semaphore, #tpu.memory_space<semaphore_mem>>)
    %dma_wait3A_1279 = arith.constant 0 : i32
    %dma_wait3A_1280 = arith.constant 0 : i32
    %dma_wait3A_1281 = arith.constant 0 : i32
    %dma_wait3A_1282 = arith.constant 0 : i32
    %dma_wait3A_1283 = tpu.memref_slice %arg2[%add3A, %dma_wait3A_1279, %dma_wait3A_1280, %dma_wait3A_1281, %dma_wait3A_1282] : memref<32x7x7x200x128xf32, #tpu.memory_space<hbm>> -> memref<1x1x1x200x128xf32, #tpu.memory_space<hbm>>
    %dma_wait3A_1284 = tpu.memref_squeeze %dma_wait3A_1283 : memref<1x1x1x200x128xf32, #tpu.memory_space<hbm>> -> memref<200x128xf32, #tpu.memory_space<hbm>>
    %dma_wait3A_1285 = arith.constant 0 : i32
    %dma_wait3A_1286 = arith.constant 0 : i32
    %dma_wait3A_1287 = tpu.memref_slice %arg2[%add3A, %dma_wait3A_1279, %dma_wait3A_1280, %dma_wait3A_1285, %dma_wait3A_1286] : memref<32x7x7x200x128xf32, #tpu.memory_space<hbm>> -> memref<1x1x1x200x128xf32, #tpu.memory_space<hbm>>
    %dma_wait3A_1288 = tpu.memref_squeeze %dma_wait3A_1287 : memref<1x1x1x200x128xf32, #tpu.memory_space<hbm>> -> memref<200x128xf32, #tpu.memory_space<hbm>>
    tpu.wait_dma2 semaphore(%arg10 : memref<!tpu.dma_semaphore, #tpu.memory_space<semaphore_mem>>) src(%dma_wait3A_1288 : memref<200x128xf32, #tpu.memory_space<hbm>>) dst(%arg5 : memref<200x128xf32, #tpu.memory_space<vmem>>)
    %dma_start3A_1289 = arith.constant 0 : i32
    %dma_start3A_1290 = arith.constant 34 : i32
    %dma_start3A_1291 = arith.constant 0 : i32
    %dma_start3A_1292 = arith.constant 0 : i32
    %dma_start3A_1293 = tpu.memref_slice %arg3[%add3A, %dma_start3A_1289, %dma_start3A_1290, %dma_start3A_1291, %dma_start3A_1292] : memref<32x1x56x200x128xf32, #tpu.memory_space<hbm>> -> memref<1x1x1x200x128xf32, #tpu.memory_space<hbm>>
    %dma_start3A_1294 = tpu.memref_squeeze %dma_start3A_1293 : memref<1x1x1x200x128xf32, #tpu.memory_space<hbm>> -> memref<200x128xf32, #tpu.memory_space<hbm>>
    %dma_start3A_1295 = arith.constant 0 : i32
    %dma_start3A_1296 = arith.constant 0 : i32
    %dma_start3A_1297 = tpu.memref_slice %arg3[%add3A, %dma_start3A_1289, %dma_start3A_1290, %dma_start3A_1295, %dma_start3A_1296] : memref<32x1x56x200x128xf32, #tpu.memory_space<hbm>> -> memref<1x1x1x200x128xf32, #tpu.memory_space<hbm>>
    %dma_start3A_1298 = tpu.memref_squeeze %dma_start3A_1297 : memref<1x1x1x200x128xf32, #tpu.memory_space<hbm>> -> memref<200x128xf32, #tpu.memory_space<hbm>>
    tpu.enqueue_dma source(%arg5 : memref<200x128xf32, #tpu.memory_space<vmem>>) target(%dma_start3A_1298 : memref<200x128xf32, #tpu.memory_space<hbm>>) target_semaphore(%arg16 : memref<!tpu.dma_semaphore, #tpu.memory_space<semaphore_mem>>)
    %dma_wait3A_1299 = arith.constant 0 : i32
    %dma_wait3A_1300 = arith.constant 0 : i32
    %dma_wait3A_1301 = arith.constant 0 : i32
    %dma_wait3A_1302 = arith.constant 0 : i32
    %dma_wait3A_1303 = tpu.memref_slice %arg2[%add3A, %dma_wait3A_1299, %dma_wait3A_1300, %dma_wait3A_1301, %dma_wait3A_1302] : memref<32x7x7x200x128xf32, #tpu.memory_space<hbm>> -> memref<1x1x1x200x128xf32, #tpu.memory_space<hbm>>
    %dma_wait3A_1304 = tpu.memref_squeeze %dma_wait3A_1303 : memref<1x1x1x200x128xf32, #tpu.memory_space<hbm>> -> memref<200x128xf32, #tpu.memory_space<hbm>>
    %dma_wait3A_1305 = arith.constant 0 : i32
    %dma_wait3A_1306 = arith.constant 0 : i32
    %dma_wait3A_1307 = tpu.memref_slice %arg2[%add3A, %dma_wait3A_1299, %dma_wait3A_1300, %dma_wait3A_1305, %dma_wait3A_1306] : memref<32x7x7x200x128xf32, #tpu.memory_space<hbm>> -> memref<1x1x1x200x128xf32, #tpu.memory_space<hbm>>
    %dma_wait3A_1308 = tpu.memref_squeeze %dma_wait3A_1307 : memref<1x1x1x200x128xf32, #tpu.memory_space<hbm>> -> memref<200x128xf32, #tpu.memory_space<hbm>>
    tpu.wait_dma2 semaphore(%arg11 : memref<!tpu.dma_semaphore, #tpu.memory_space<semaphore_mem>>) src(%dma_wait3A_1308 : memref<200x128xf32, #tpu.memory_space<hbm>>) dst(%arg6 : memref<200x128xf32, #tpu.memory_space<vmem>>)
    %dma_start3A_1309 = arith.constant 0 : i32
    %dma_start3A_1310 = arith.constant 36 : i32
    %dma_start3A_1311 = arith.constant 0 : i32
    %dma_start3A_1312 = arith.constant 0 : i32
    %dma_start3A_1313 = tpu.memref_slice %arg3[%add3A, %dma_start3A_1309, %dma_start3A_1310, %dma_start3A_1311, %dma_start3A_1312] : memref<32x1x56x200x128xf32, #tpu.memory_space<hbm>> -> memref<1x1x1x200x128xf32, #tpu.memory_space<hbm>>
    %dma_start3A_1314 = tpu.memref_squeeze %dma_start3A_1313 : memref<1x1x1x200x128xf32, #tpu.memory_space<hbm>> -> memref<200x128xf32, #tpu.memory_space<hbm>>
    %dma_start3A_1315 = arith.constant 0 : i32
    %dma_start3A_1316 = arith.constant 0 : i32
    %dma_start3A_1317 = tpu.memref_slice %arg3[%add3A, %dma_start3A_1309, %dma_start3A_1310, %dma_start3A_1315, %dma_start3A_1316] : memref<32x1x56x200x128xf32, #tpu.memory_space<hbm>> -> memref<1x1x1x200x128xf32, #tpu.memory_space<hbm>>
    %dma_start3A_1318 = tpu.memref_squeeze %dma_start3A_1317 : memref<1x1x1x200x128xf32, #tpu.memory_space<hbm>> -> memref<200x128xf32, #tpu.memory_space<hbm>>
    tpu.enqueue_dma source(%arg6 : memref<200x128xf32, #tpu.memory_space<vmem>>) target(%dma_start3A_1318 : memref<200x128xf32, #tpu.memory_space<hbm>>) target_semaphore(%arg17 : memref<!tpu.dma_semaphore, #tpu.memory_space<semaphore_mem>>)
    %dma_wait3A_1319 = arith.constant 0 : i32
    %dma_wait3A_1320 = arith.constant 0 : i32
    %dma_wait3A_1321 = arith.constant 0 : i32
    %dma_wait3A_1322 = arith.constant 0 : i32
    %dma_wait3A_1323 = tpu.memref_slice %arg2[%add3A, %dma_wait3A_1319, %dma_wait3A_1320, %dma_wait3A_1321, %dma_wait3A_1322] : memref<32x7x7x200x128xf32, #tpu.memory_space<hbm>> -> memref<1x1x1x200x128xf32, #tpu.memory_space<hbm>>
    %dma_wait3A_1324 = tpu.memref_squeeze %dma_wait3A_1323 : memref<1x1x1x200x128xf32, #tpu.memory_space<hbm>> -> memref<200x128xf32, #tpu.memory_space<hbm>>
    %dma_wait3A_1325 = arith.constant 0 : i32
    %dma_wait3A_1326 = arith.constant 0 : i32
    %dma_wait3A_1327 = tpu.memref_slice %arg2[%add3A, %dma_wait3A_1319, %dma_wait3A_1320, %dma_wait3A_1325, %dma_wait3A_1326] : memref<32x7x7x200x128xf32, #tpu.memory_space<hbm>> -> memref<1x1x1x200x128xf32, #tpu.memory_space<hbm>>
    %dma_wait3A_1328 = tpu.memref_squeeze %dma_wait3A_1327 : memref<1x1x1x200x128xf32, #tpu.memory_space<hbm>> -> memref<200x128xf32, #tpu.memory_space<hbm>>
    tpu.wait_dma2 semaphore(%arg12 : memref<!tpu.dma_semaphore, #tpu.memory_space<semaphore_mem>>) src(%dma_wait3A_1328 : memref<200x128xf32, #tpu.memory_space<hbm>>) dst(%arg7 : memref<200x128xf32, #tpu.memory_space<vmem>>)
    %dma_start3A_1329 = arith.constant 0 : i32
    %dma_start3A_1330 = arith.constant 37 : i32
    %dma_start3A_1331 = arith.constant 0 : i32
    %dma_start3A_1332 = arith.constant 0 : i32
    %dma_start3A_1333 = tpu.memref_slice %arg3[%add3A, %dma_start3A_1329, %dma_start3A_1330, %dma_start3A_1331, %dma_start3A_1332] : memref<32x1x56x200x128xf32, #tpu.memory_space<hbm>> -> memref<1x1x1x200x128xf32, #tpu.memory_space<hbm>>
    %dma_start3A_1334 = tpu.memref_squeeze %dma_start3A_1333 : memref<1x1x1x200x128xf32, #tpu.memory_space<hbm>> -> memref<200x128xf32, #tpu.memory_space<hbm>>
    %dma_start3A_1335 = arith.constant 0 : i32
    %dma_start3A_1336 = arith.constant 0 : i32
    %dma_start3A_1337 = tpu.memref_slice %arg3[%add3A, %dma_start3A_1329, %dma_start3A_1330, %dma_start3A_1335, %dma_start3A_1336] : memref<32x1x56x200x128xf32, #tpu.memory_space<hbm>> -> memref<1x1x1x200x128xf32, #tpu.memory_space<hbm>>
    %dma_start3A_1338 = tpu.memref_squeeze %dma_start3A_1337 : memref<1x1x1x200x128xf32, #tpu.memory_space<hbm>> -> memref<200x128xf32, #tpu.memory_space<hbm>>
    tpu.enqueue_dma source(%arg7 : memref<200x128xf32, #tpu.memory_space<vmem>>) target(%dma_start3A_1338 : memref<200x128xf32, #tpu.memory_space<hbm>>) target_semaphore(%arg18 : memref<!tpu.dma_semaphore, #tpu.memory_space<semaphore_mem>>)
    %dma_wait3A_1339 = arith.constant 0 : i32
    %dma_wait3A_1340 = arith.constant 0 : i32
    %dma_wait3A_1341 = arith.constant 0 : i32
    %dma_wait3A_1342 = arith.constant 0 : i32
    %dma_wait3A_1343 = tpu.memref_slice %arg3[%add3A, %dma_wait3A_1339, %dma_wait3A_1340, %dma_wait3A_1341, %dma_wait3A_1342] : memref<32x1x56x200x128xf32, #tpu.memory_space<hbm>> -> memref<1x1x1x200x128xf32, #tpu.memory_space<hbm>>
    %dma_wait3A_1344 = tpu.memref_squeeze %dma_wait3A_1343 : memref<1x1x1x200x128xf32, #tpu.memory_space<hbm>> -> memref<200x128xf32, #tpu.memory_space<hbm>>
    %dma_wait3A_1345 = arith.constant 0 : i32
    %dma_wait3A_1346 = arith.constant 0 : i32
    %dma_wait3A_1347 = tpu.memref_slice %arg3[%add3A, %dma_wait3A_1339, %dma_wait3A_1340, %dma_wait3A_1345, %dma_wait3A_1346] : memref<32x1x56x200x128xf32, #tpu.memory_space<hbm>> -> memref<1x1x1x200x128xf32, #tpu.memory_space<hbm>>
    %dma_wait3A_1348 = tpu.memref_squeeze %dma_wait3A_1347 : memref<1x1x1x200x128xf32, #tpu.memory_space<hbm>> -> memref<200x128xf32, #tpu.memory_space<hbm>>
    tpu.wait_dma2 semaphore(%arg15 : memref<!tpu.dma_semaphore, #tpu.memory_space<semaphore_mem>>) src(%arg4 : memref<200x128xf32, #tpu.memory_space<vmem>>) dst(%dma_wait3A_1348 : memref<200x128xf32, #tpu.memory_space<hbm>>)
    %dma_start3A_1349 = arith.constant 5 : i32
    %dma_start3A_1350 = arith.constant 1 : i32
    %dma_start3A_1351 = arith.constant 0 : i32
    %dma_start3A_1352 = arith.constant 0 : i32
    %dma_start3A_1353 = tpu.memref_slice %arg2[%add3A, %dma_start3A_1349, %dma_start3A_1350, %dma_start3A_1351, %dma_start3A_1352] : memref<32x7x7x200x128xf32, #tpu.memory_space<hbm>> -> memref<1x1x1x200x128xf32, #tpu.memory_space<hbm>>
    %dma_start3A_1354 = tpu.memref_squeeze %dma_start3A_1353 : memref<1x1x1x200x128xf32, #tpu.memory_space<hbm>> -> memref<200x128xf32, #tpu.memory_space<hbm>>
    %dma_start3A_1355 = arith.constant 0 : i32
    %dma_start3A_1356 = arith.constant 0 : i32
    %dma_start3A_1357 = tpu.memref_slice %arg2[%add3A, %dma_start3A_1349, %dma_start3A_1350, %dma_start3A_1355, %dma_start3A_1356] : memref<32x7x7x200x128xf32, #tpu.memory_space<hbm>> -> memref<1x1x1x200x128xf32, #tpu.memory_space<hbm>>
    %dma_start3A_1358 = tpu.memref_squeeze %dma_start3A_1357 : memref<1x1x1x200x128xf32, #tpu.memory_space<hbm>> -> memref<200x128xf32, #tpu.memory_space<hbm>>
    tpu.enqueue_dma source(%dma_start3A_1358 : memref<200x128xf32, #tpu.memory_space<hbm>>) target(%arg4 : memref<200x128xf32, #tpu.memory_space<vmem>>) target_semaphore(%arg9 : memref<!tpu.dma_semaphore, #tpu.memory_space<semaphore_mem>>)
    %dma_wait3A_1359 = arith.constant 0 : i32
    %dma_wait3A_1360 = arith.constant 0 : i32
    %dma_wait3A_1361 = arith.constant 0 : i32
    %dma_wait3A_1362 = arith.constant 0 : i32
    %dma_wait3A_1363 = tpu.memref_slice %arg3[%add3A, %dma_wait3A_1359, %dma_wait3A_1360, %dma_wait3A_1361, %dma_wait3A_1362] : memref<32x1x56x200x128xf32, #tpu.memory_space<hbm>> -> memref<1x1x1x200x128xf32, #tpu.memory_space<hbm>>
    %dma_wait3A_1364 = tpu.memref_squeeze %dma_wait3A_1363 : memref<1x1x1x200x128xf32, #tpu.memory_space<hbm>> -> memref<200x128xf32, #tpu.memory_space<hbm>>
    %dma_wait3A_1365 = arith.constant 0 : i32
    %dma_wait3A_1366 = arith.constant 0 : i32
    %dma_wait3A_1367 = tpu.memref_slice %arg3[%add3A, %dma_wait3A_1359, %dma_wait3A_1360, %dma_wait3A_1365, %dma_wait3A_1366] : memref<32x1x56x200x128xf32, #tpu.memory_space<hbm>> -> memref<1x1x1x200x128xf32, #tpu.memory_space<hbm>>
    %dma_wait3A_1368 = tpu.memref_squeeze %dma_wait3A_1367 : memref<1x1x1x200x128xf32, #tpu.memory_space<hbm>> -> memref<200x128xf32, #tpu.memory_space<hbm>>
    tpu.wait_dma2 semaphore(%arg16 : memref<!tpu.dma_semaphore, #tpu.memory_space<semaphore_mem>>) src(%arg5 : memref<200x128xf32, #tpu.memory_space<vmem>>) dst(%dma_wait3A_1368 : memref<200x128xf32, #tpu.memory_space<hbm>>)
    %dma_start3A_1369 = arith.constant 4 : i32
    %dma_start3A_1370 = arith.constant 0 : i32
    %dma_start3A_1371 = arith.constant 0 : i32
    %dma_start3A_1372 = arith.constant 0 : i32
    %dma_start3A_1373 = tpu.memref_slice %arg2[%add3A, %dma_start3A_1369, %dma_start3A_1370, %dma_start3A_1371, %dma_start3A_1372] : memref<32x7x7x200x128xf32, #tpu.memory_space<hbm>> -> memref<1x1x1x200x128xf32, #tpu.memory_space<hbm>>
    %dma_start3A_1374 = tpu.memref_squeeze %dma_start3A_1373 : memref<1x1x1x200x128xf32, #tpu.memory_space<hbm>> -> memref<200x128xf32, #tpu.memory_space<hbm>>
    %dma_start3A_1375 = arith.constant 0 : i32
    %dma_start3A_1376 = arith.constant 0 : i32
    %dma_start3A_1377 = tpu.memref_slice %arg2[%add3A, %dma_start3A_1369, %dma_start3A_1370, %dma_start3A_1375, %dma_start3A_1376] : memref<32x7x7x200x128xf32, #tpu.memory_space<hbm>> -> memref<1x1x1x200x128xf32, #tpu.memory_space<hbm>>
    %dma_start3A_1378 = tpu.memref_squeeze %dma_start3A_1377 : memref<1x1x1x200x128xf32, #tpu.memory_space<hbm>> -> memref<200x128xf32, #tpu.memory_space<hbm>>
    tpu.enqueue_dma source(%dma_start3A_1378 : memref<200x128xf32, #tpu.memory_space<hbm>>) target(%arg5 : memref<200x128xf32, #tpu.memory_space<vmem>>) target_semaphore(%arg10 : memref<!tpu.dma_semaphore, #tpu.memory_space<semaphore_mem>>)
    %dma_wait3A_1379 = arith.constant 0 : i32
    %dma_wait3A_1380 = arith.constant 0 : i32
    %dma_wait3A_1381 = arith.constant 0 : i32
    %dma_wait3A_1382 = arith.constant 0 : i32
    %dma_wait3A_1383 = tpu.memref_slice %arg3[%add3A, %dma_wait3A_1379, %dma_wait3A_1380, %dma_wait3A_1381, %dma_wait3A_1382] : memref<32x1x56x200x128xf32, #tpu.memory_space<hbm>> -> memref<1x1x1x200x128xf32, #tpu.memory_space<hbm>>
    %dma_wait3A_1384 = tpu.memref_squeeze %dma_wait3A_1383 : memref<1x1x1x200x128xf32, #tpu.memory_space<hbm>> -> memref<200x128xf32, #tpu.memory_space<hbm>>
    %dma_wait3A_1385 = arith.constant 0 : i32
    %dma_wait3A_1386 = arith.constant 0 : i32
    %dma_wait3A_1387 = tpu.memref_slice %arg3[%add3A, %dma_wait3A_1379, %dma_wait3A_1380, %dma_wait3A_1385, %dma_wait3A_1386] : memref<32x1x56x200x128xf32, #tpu.memory_space<hbm>> -> memref<1x1x1x200x128xf32, #tpu.memory_space<hbm>>
    %dma_wait3A_1388 = tpu.memref_squeeze %dma_wait3A_1387 : memref<1x1x1x200x128xf32, #tpu.memory_space<hbm>> -> memref<200x128xf32, #tpu.memory_space<hbm>>
    tpu.wait_dma2 semaphore(%arg17 : memref<!tpu.dma_semaphore, #tpu.memory_space<semaphore_mem>>) src(%arg6 : memref<200x128xf32, #tpu.memory_space<vmem>>) dst(%dma_wait3A_1388 : memref<200x128xf32, #tpu.memory_space<hbm>>)
    %dma_start3A_1389 = arith.constant 5 : i32
    %dma_start3A_1390 = arith.constant 0 : i32
    %dma_start3A_1391 = arith.constant 0 : i32
    %dma_start3A_1392 = arith.constant 0 : i32
    %dma_start3A_1393 = tpu.memref_slice %arg2[%add3A, %dma_start3A_1389, %dma_start3A_1390, %dma_start3A_1391, %dma_start3A_1392] : memref<32x7x7x200x128xf32, #tpu.memory_space<hbm>> -> memref<1x1x1x200x128xf32, #tpu.memory_space<hbm>>
    %dma_start3A_1394 = tpu.memref_squeeze %dma_start3A_1393 : memref<1x1x1x200x128xf32, #tpu.memory_space<hbm>> -> memref<200x128xf32, #tpu.memory_space<hbm>>
    %dma_start3A_1395 = arith.constant 0 : i32
    %dma_start3A_1396 = arith.constant 0 : i32
    %dma_start3A_1397 = tpu.memref_slice %arg2[%add3A, %dma_start3A_1389, %dma_start3A_1390, %dma_start3A_1395, %dma_start3A_1396] : memref<32x7x7x200x128xf32, #tpu.memory_space<hbm>> -> memref<1x1x1x200x128xf32, #tpu.memory_space<hbm>>
    %dma_start3A_1398 = tpu.memref_squeeze %dma_start3A_1397 : memref<1x1x1x200x128xf32, #tpu.memory_space<hbm>> -> memref<200x128xf32, #tpu.memory_space<hbm>>
    tpu.enqueue_dma source(%dma_start3A_1398 : memref<200x128xf32, #tpu.memory_space<hbm>>) target(%arg6 : memref<200x128xf32, #tpu.memory_space<vmem>>) target_semaphore(%arg11 : memref<!tpu.dma_semaphore, #tpu.memory_space<semaphore_mem>>)
    %dma_wait3A_1399 = arith.constant 0 : i32
    %dma_wait3A_1400 = arith.constant 0 : i32
    %dma_wait3A_1401 = arith.constant 0 : i32
    %dma_wait3A_1402 = arith.constant 0 : i32
    %dma_wait3A_1403 = tpu.memref_slice %arg3[%add3A, %dma_wait3A_1399, %dma_wait3A_1400, %dma_wait3A_1401, %dma_wait3A_1402] : memref<32x1x56x200x128xf32, #tpu.memory_space<hbm>> -> memref<1x1x1x200x128xf32, #tpu.memory_space<hbm>>
    %dma_wait3A_1404 = tpu.memref_squeeze %dma_wait3A_1403 : memref<1x1x1x200x128xf32, #tpu.memory_space<hbm>> -> memref<200x128xf32, #tpu.memory_space<hbm>>
    %dma_wait3A_1405 = arith.constant 0 : i32
    %dma_wait3A_1406 = arith.constant 0 : i32
    %dma_wait3A_1407 = tpu.memref_slice %arg3[%add3A, %dma_wait3A_1399, %dma_wait3A_1400, %dma_wait3A_1405, %dma_wait3A_1406] : memref<32x1x56x200x128xf32, #tpu.memory_space<hbm>> -> memref<1x1x1x200x128xf32, #tpu.memory_space<hbm>>
    %dma_wait3A_1408 = tpu.memref_squeeze %dma_wait3A_1407 : memref<1x1x1x200x128xf32, #tpu.memory_space<hbm>> -> memref<200x128xf32, #tpu.memory_space<hbm>>
    tpu.wait_dma2 semaphore(%arg18 : memref<!tpu.dma_semaphore, #tpu.memory_space<semaphore_mem>>) src(%arg7 : memref<200x128xf32, #tpu.memory_space<vmem>>) dst(%dma_wait3A_1408 : memref<200x128xf32, #tpu.memory_space<hbm>>)
    %dma_start3A_1409 = arith.constant 6 : i32
    %dma_start3A_1410 = arith.constant 0 : i32
    %dma_start3A_1411 = arith.constant 0 : i32
    %dma_start3A_1412 = arith.constant 0 : i32
    %dma_start3A_1413 = tpu.memref_slice %arg2[%add3A, %dma_start3A_1409, %dma_start3A_1410, %dma_start3A_1411, %dma_start3A_1412] : memref<32x7x7x200x128xf32, #tpu.memory_space<hbm>> -> memref<1x1x1x200x128xf32, #tpu.memory_space<hbm>>
    %dma_start3A_1414 = tpu.memref_squeeze %dma_start3A_1413 : memref<1x1x1x200x128xf32, #tpu.memory_space<hbm>> -> memref<200x128xf32, #tpu.memory_space<hbm>>
    %dma_start3A_1415 = arith.constant 0 : i32
    %dma_start3A_1416 = arith.constant 0 : i32
    %dma_start3A_1417 = tpu.memref_slice %arg2[%add3A, %dma_start3A_1409, %dma_start3A_1410, %dma_start3A_1415, %dma_start3A_1416] : memref<32x7x7x200x128xf32, #tpu.memory_space<hbm>> -> memref<1x1x1x200x128xf32, #tpu.memory_space<hbm>>
    %dma_start3A_1418 = tpu.memref_squeeze %dma_start3A_1417 : memref<1x1x1x200x128xf32, #tpu.memory_space<hbm>> -> memref<200x128xf32, #tpu.memory_space<hbm>>
    tpu.enqueue_dma source(%dma_start3A_1418 : memref<200x128xf32, #tpu.memory_space<hbm>>) target(%arg7 : memref<200x128xf32, #tpu.memory_space<vmem>>) target_semaphore(%arg12 : memref<!tpu.dma_semaphore, #tpu.memory_space<semaphore_mem>>)
    %dma_wait3A_1419 = arith.constant 0 : i32
    %dma_wait3A_1420 = arith.constant 0 : i32
    %dma_wait3A_1421 = arith.constant 0 : i32
    %dma_wait3A_1422 = arith.constant 0 : i32
    %dma_wait3A_1423 = tpu.memref_slice %arg2[%add3A, %dma_wait3A_1419, %dma_wait3A_1420, %dma_wait3A_1421, %dma_wait3A_1422] : memref<32x7x7x200x128xf32, #tpu.memory_space<hbm>> -> memref<1x1x1x200x128xf32, #tpu.memory_space<hbm>>
    %dma_wait3A_1424 = tpu.memref_squeeze %dma_wait3A_1423 : memref<1x1x1x200x128xf32, #tpu.memory_space<hbm>> -> memref<200x128xf32, #tpu.memory_space<hbm>>
    %dma_wait3A_1425 = arith.constant 0 : i32
    %dma_wait3A_1426 = arith.constant 0 : i32
    %dma_wait3A_1427 = tpu.memref_slice %arg2[%add3A, %dma_wait3A_1419, %dma_wait3A_1420, %dma_wait3A_1425, %dma_wait3A_1426] : memref<32x7x7x200x128xf32, #tpu.memory_space<hbm>> -> memref<1x1x1x200x128xf32, #tpu.memory_space<hbm>>
    %dma_wait3A_1428 = tpu.memref_squeeze %dma_wait3A_1427 : memref<1x1x1x200x128xf32, #tpu.memory_space<hbm>> -> memref<200x128xf32, #tpu.memory_space<hbm>>
    tpu.wait_dma2 semaphore(%arg9 : memref<!tpu.dma_semaphore, #tpu.memory_space<semaphore_mem>>) src(%dma_wait3A_1428 : memref<200x128xf32, #tpu.memory_space<hbm>>) dst(%arg4 : memref<200x128xf32, #tpu.memory_space<vmem>>)
    %dma_start3A_1429 = arith.constant 0 : i32
    %dma_start3A_1430 = arith.constant 38 : i32
    %dma_start3A_1431 = arith.constant 0 : i32
    %dma_start3A_1432 = arith.constant 0 : i32
    %dma_start3A_1433 = tpu.memref_slice %arg3[%add3A, %dma_start3A_1429, %dma_start3A_1430, %dma_start3A_1431, %dma_start3A_1432] : memref<32x1x56x200x128xf32, #tpu.memory_space<hbm>> -> memref<1x1x1x200x128xf32, #tpu.memory_space<hbm>>
    %dma_start3A_1434 = tpu.memref_squeeze %dma_start3A_1433 : memref<1x1x1x200x128xf32, #tpu.memory_space<hbm>> -> memref<200x128xf32, #tpu.memory_space<hbm>>
    %dma_start3A_1435 = arith.constant 0 : i32
    %dma_start3A_1436 = arith.constant 0 : i32
    %dma_start3A_1437 = tpu.memref_slice %arg3[%add3A, %dma_start3A_1429, %dma_start3A_1430, %dma_start3A_1435, %dma_start3A_1436] : memref<32x1x56x200x128xf32, #tpu.memory_space<hbm>> -> memref<1x1x1x200x128xf32, #tpu.memory_space<hbm>>
    %dma_start3A_1438 = tpu.memref_squeeze %dma_start3A_1437 : memref<1x1x1x200x128xf32, #tpu.memory_space<hbm>> -> memref<200x128xf32, #tpu.memory_space<hbm>>
    tpu.enqueue_dma source(%arg4 : memref<200x128xf32, #tpu.memory_space<vmem>>) target(%dma_start3A_1438 : memref<200x128xf32, #tpu.memory_space<hbm>>) target_semaphore(%arg15 : memref<!tpu.dma_semaphore, #tpu.memory_space<semaphore_mem>>)
    %dma_wait3A_1439 = arith.constant 0 : i32
    %dma_wait3A_1440 = arith.constant 0 : i32
    %dma_wait3A_1441 = arith.constant 0 : i32
    %dma_wait3A_1442 = arith.constant 0 : i32
    %dma_wait3A_1443 = tpu.memref_slice %arg2[%add3A, %dma_wait3A_1439, %dma_wait3A_1440, %dma_wait3A_1441, %dma_wait3A_1442] : memref<32x7x7x200x128xf32, #tpu.memory_space<hbm>> -> memref<1x1x1x200x128xf32, #tpu.memory_space<hbm>>
    %dma_wait3A_1444 = tpu.memref_squeeze %dma_wait3A_1443 : memref<1x1x1x200x128xf32, #tpu.memory_space<hbm>> -> memref<200x128xf32, #tpu.memory_space<hbm>>
    %dma_wait3A_1445 = arith.constant 0 : i32
    %dma_wait3A_1446 = arith.constant 0 : i32
    %dma_wait3A_1447 = tpu.memref_slice %arg2[%add3A, %dma_wait3A_1439, %dma_wait3A_1440, %dma_wait3A_1445, %dma_wait3A_1446] : memref<32x7x7x200x128xf32, #tpu.memory_space<hbm>> -> memref<1x1x1x200x128xf32, #tpu.memory_space<hbm>>
    %dma_wait3A_1448 = tpu.memref_squeeze %dma_wait3A_1447 : memref<1x1x1x200x128xf32, #tpu.memory_space<hbm>> -> memref<200x128xf32, #tpu.memory_space<hbm>>
    tpu.wait_dma2 semaphore(%arg10 : memref<!tpu.dma_semaphore, #tpu.memory_space<semaphore_mem>>) src(%dma_wait3A_1448 : memref<200x128xf32, #tpu.memory_space<hbm>>) dst(%arg5 : memref<200x128xf32, #tpu.memory_space<vmem>>)
    %dma_start3A_1449 = arith.constant 0 : i32
    %dma_start3A_1450 = arith.constant 39 : i32
    %dma_start3A_1451 = arith.constant 0 : i32
    %dma_start3A_1452 = arith.constant 0 : i32
    %dma_start3A_1453 = tpu.memref_slice %arg3[%add3A, %dma_start3A_1449, %dma_start3A_1450, %dma_start3A_1451, %dma_start3A_1452] : memref<32x1x56x200x128xf32, #tpu.memory_space<hbm>> -> memref<1x1x1x200x128xf32, #tpu.memory_space<hbm>>
    %dma_start3A_1454 = tpu.memref_squeeze %dma_start3A_1453 : memref<1x1x1x200x128xf32, #tpu.memory_space<hbm>> -> memref<200x128xf32, #tpu.memory_space<hbm>>
    %dma_start3A_1455 = arith.constant 0 : i32
    %dma_start3A_1456 = arith.constant 0 : i32
    %dma_start3A_1457 = tpu.memref_slice %arg3[%add3A, %dma_start3A_1449, %dma_start3A_1450, %dma_start3A_1455, %dma_start3A_1456] : memref<32x1x56x200x128xf32, #tpu.memory_space<hbm>> -> memref<1x1x1x200x128xf32, #tpu.memory_space<hbm>>
    %dma_start3A_1458 = tpu.memref_squeeze %dma_start3A_1457 : memref<1x1x1x200x128xf32, #tpu.memory_space<hbm>> -> memref<200x128xf32, #tpu.memory_space<hbm>>
    tpu.enqueue_dma source(%arg5 : memref<200x128xf32, #tpu.memory_space<vmem>>) target(%dma_start3A_1458 : memref<200x128xf32, #tpu.memory_space<hbm>>) target_semaphore(%arg16 : memref<!tpu.dma_semaphore, #tpu.memory_space<semaphore_mem>>)
    %dma_wait3A_1459 = arith.constant 0 : i32
    %dma_wait3A_1460 = arith.constant 0 : i32
    %dma_wait3A_1461 = arith.constant 0 : i32
    %dma_wait3A_1462 = arith.constant 0 : i32
    %dma_wait3A_1463 = tpu.memref_slice %arg2[%add3A, %dma_wait3A_1459, %dma_wait3A_1460, %dma_wait3A_1461, %dma_wait3A_1462] : memref<32x7x7x200x128xf32, #tpu.memory_space<hbm>> -> memref<1x1x1x200x128xf32, #tpu.memory_space<hbm>>
    %dma_wait3A_1464 = tpu.memref_squeeze %dma_wait3A_1463 : memref<1x1x1x200x128xf32, #tpu.memory_space<hbm>> -> memref<200x128xf32, #tpu.memory_space<hbm>>
    %dma_wait3A_1465 = arith.constant 0 : i32
    %dma_wait3A_1466 = arith.constant 0 : i32
    %dma_wait3A_1467 = tpu.memref_slice %arg2[%add3A, %dma_wait3A_1459, %dma_wait3A_1460, %dma_wait3A_1465, %dma_wait3A_1466] : memref<32x7x7x200x128xf32, #tpu.memory_space<hbm>> -> memref<1x1x1x200x128xf32, #tpu.memory_space<hbm>>
    %dma_wait3A_1468 = tpu.memref_squeeze %dma_wait3A_1467 : memref<1x1x1x200x128xf32, #tpu.memory_space<hbm>> -> memref<200x128xf32, #tpu.memory_space<hbm>>
    tpu.wait_dma2 semaphore(%arg11 : memref<!tpu.dma_semaphore, #tpu.memory_space<semaphore_mem>>) src(%dma_wait3A_1468 : memref<200x128xf32, #tpu.memory_space<hbm>>) dst(%arg6 : memref<200x128xf32, #tpu.memory_space<vmem>>)
    %dma_start3A_1469 = arith.constant 0 : i32
    %dma_start3A_1470 = arith.constant 40 : i32
    %dma_start3A_1471 = arith.constant 0 : i32
    %dma_start3A_1472 = arith.constant 0 : i32
    %dma_start3A_1473 = tpu.memref_slice %arg3[%add3A, %dma_start3A_1469, %dma_start3A_1470, %dma_start3A_1471, %dma_start3A_1472] : memref<32x1x56x200x128xf32, #tpu.memory_space<hbm>> -> memref<1x1x1x200x128xf32, #tpu.memory_space<hbm>>
    %dma_start3A_1474 = tpu.memref_squeeze %dma_start3A_1473 : memref<1x1x1x200x128xf32, #tpu.memory_space<hbm>> -> memref<200x128xf32, #tpu.memory_space<hbm>>
    %dma_start3A_1475 = arith.constant 0 : i32
    %dma_start3A_1476 = arith.constant 0 : i32
    %dma_start3A_1477 = tpu.memref_slice %arg3[%add3A, %dma_start3A_1469, %dma_start3A_1470, %dma_start3A_1475, %dma_start3A_1476] : memref<32x1x56x200x128xf32, #tpu.memory_space<hbm>> -> memref<1x1x1x200x128xf32, #tpu.memory_space<hbm>>
    %dma_start3A_1478 = tpu.memref_squeeze %dma_start3A_1477 : memref<1x1x1x200x128xf32, #tpu.memory_space<hbm>> -> memref<200x128xf32, #tpu.memory_space<hbm>>
    tpu.enqueue_dma source(%arg6 : memref<200x128xf32, #tpu.memory_space<vmem>>) target(%dma_start3A_1478 : memref<200x128xf32, #tpu.memory_space<hbm>>) target_semaphore(%arg17 : memref<!tpu.dma_semaphore, #tpu.memory_space<semaphore_mem>>)
    %dma_wait3A_1479 = arith.constant 0 : i32
    %dma_wait3A_1480 = arith.constant 0 : i32
    %dma_wait3A_1481 = arith.constant 0 : i32
    %dma_wait3A_1482 = arith.constant 0 : i32
    %dma_wait3A_1483 = tpu.memref_slice %arg2[%add3A, %dma_wait3A_1479, %dma_wait3A_1480, %dma_wait3A_1481, %dma_wait3A_1482] : memref<32x7x7x200x128xf32, #tpu.memory_space<hbm>> -> memref<1x1x1x200x128xf32, #tpu.memory_space<hbm>>
    %dma_wait3A_1484 = tpu.memref_squeeze %dma_wait3A_1483 : memref<1x1x1x200x128xf32, #tpu.memory_space<hbm>> -> memref<200x128xf32, #tpu.memory_space<hbm>>
    %dma_wait3A_1485 = arith.constant 0 : i32
    %dma_wait3A_1486 = arith.constant 0 : i32
    %dma_wait3A_1487 = tpu.memref_slice %arg2[%add3A, %dma_wait3A_1479, %dma_wait3A_1480, %dma_wait3A_1485, %dma_wait3A_1486] : memref<32x7x7x200x128xf32, #tpu.memory_space<hbm>> -> memref<1x1x1x200x128xf32, #tpu.memory_space<hbm>>
    %dma_wait3A_1488 = tpu.memref_squeeze %dma_wait3A_1487 : memref<1x1x1x200x128xf32, #tpu.memory_space<hbm>> -> memref<200x128xf32, #tpu.memory_space<hbm>>
    tpu.wait_dma2 semaphore(%arg12 : memref<!tpu.dma_semaphore, #tpu.memory_space<semaphore_mem>>) src(%dma_wait3A_1488 : memref<200x128xf32, #tpu.memory_space<hbm>>) dst(%arg7 : memref<200x128xf32, #tpu.memory_space<vmem>>)
    %dma_start3A_1489 = arith.constant 0 : i32
    %dma_start3A_1490 = arith.constant 41 : i32
    %dma_start3A_1491 = arith.constant 0 : i32
    %dma_start3A_1492 = arith.constant 0 : i32
    %dma_start3A_1493 = tpu.memref_slice %arg3[%add3A, %dma_start3A_1489, %dma_start3A_1490, %dma_start3A_1491, %dma_start3A_1492] : memref<32x1x56x200x128xf32, #tpu.memory_space<hbm>> -> memref<1x1x1x200x128xf32, #tpu.memory_space<hbm>>
    %dma_start3A_1494 = tpu.memref_squeeze %dma_start3A_1493 : memref<1x1x1x200x128xf32, #tpu.memory_space<hbm>> -> memref<200x128xf32, #tpu.memory_space<hbm>>
    %dma_start3A_1495 = arith.constant 0 : i32
    %dma_start3A_1496 = arith.constant 0 : i32
    %dma_start3A_1497 = tpu.memref_slice %arg3[%add3A, %dma_start3A_1489, %dma_start3A_1490, %dma_start3A_1495, %dma_start3A_1496] : memref<32x1x56x200x128xf32, #tpu.memory_space<hbm>> -> memref<1x1x1x200x128xf32, #tpu.memory_space<hbm>>
    %dma_start3A_1498 = tpu.memref_squeeze %dma_start3A_1497 : memref<1x1x1x200x128xf32, #tpu.memory_space<hbm>> -> memref<200x128xf32, #tpu.memory_space<hbm>>
    tpu.enqueue_dma source(%arg7 : memref<200x128xf32, #tpu.memory_space<vmem>>) target(%dma_start3A_1498 : memref<200x128xf32, #tpu.memory_space<hbm>>) target_semaphore(%arg18 : memref<!tpu.dma_semaphore, #tpu.memory_space<semaphore_mem>>)
    %dma_wait3A_1499 = arith.constant 0 : i32
    %dma_wait3A_1500 = arith.constant 0 : i32
    %dma_wait3A_1501 = arith.constant 0 : i32
    %dma_wait3A_1502 = arith.constant 0 : i32
    %dma_wait3A_1503 = tpu.memref_slice %arg3[%add3A, %dma_wait3A_1499, %dma_wait3A_1500, %dma_wait3A_1501, %dma_wait3A_1502] : memref<32x1x56x200x128xf32, #tpu.memory_space<hbm>> -> memref<1x1x1x200x128xf32, #tpu.memory_space<hbm>>
    %dma_wait3A_1504 = tpu.memref_squeeze %dma_wait3A_1503 : memref<1x1x1x200x128xf32, #tpu.memory_space<hbm>> -> memref<200x128xf32, #tpu.memory_space<hbm>>
    %dma_wait3A_1505 = arith.constant 0 : i32
    %dma_wait3A_1506 = arith.constant 0 : i32
    %dma_wait3A_1507 = tpu.memref_slice %arg3[%add3A, %dma_wait3A_1499, %dma_wait3A_1500, %dma_wait3A_1505, %dma_wait3A_1506] : memref<32x1x56x200x128xf32, #tpu.memory_space<hbm>> -> memref<1x1x1x200x128xf32, #tpu.memory_space<hbm>>
    %dma_wait3A_1508 = tpu.memref_squeeze %dma_wait3A_1507 : memref<1x1x1x200x128xf32, #tpu.memory_space<hbm>> -> memref<200x128xf32, #tpu.memory_space<hbm>>
    tpu.wait_dma2 semaphore(%arg15 : memref<!tpu.dma_semaphore, #tpu.memory_space<semaphore_mem>>) src(%arg4 : memref<200x128xf32, #tpu.memory_space<vmem>>) dst(%dma_wait3A_1508 : memref<200x128xf32, #tpu.memory_space<hbm>>)
    %dma_start3A_1509 = arith.constant 3 : i32
    %dma_start3A_1510 = arith.constant 2 : i32
    %dma_start3A_1511 = arith.constant 0 : i32
    %dma_start3A_1512 = arith.constant 0 : i32
    %dma_start3A_1513 = tpu.memref_slice %arg2[%add3A, %dma_start3A_1509, %dma_start3A_1510, %dma_start3A_1511, %dma_start3A_1512] : memref<32x7x7x200x128xf32, #tpu.memory_space<hbm>> -> memref<1x1x1x200x128xf32, #tpu.memory_space<hbm>>
    %dma_start3A_1514 = tpu.memref_squeeze %dma_start3A_1513 : memref<1x1x1x200x128xf32, #tpu.memory_space<hbm>> -> memref<200x128xf32, #tpu.memory_space<hbm>>
    %dma_start3A_1515 = arith.constant 0 : i32
    %dma_start3A_1516 = arith.constant 0 : i32
    %dma_start3A_1517 = tpu.memref_slice %arg2[%add3A, %dma_start3A_1509, %dma_start3A_1510, %dma_start3A_1515, %dma_start3A_1516] : memref<32x7x7x200x128xf32, #tpu.memory_space<hbm>> -> memref<1x1x1x200x128xf32, #tpu.memory_space<hbm>>
    %dma_start3A_1518 = tpu.memref_squeeze %dma_start3A_1517 : memref<1x1x1x200x128xf32, #tpu.memory_space<hbm>> -> memref<200x128xf32, #tpu.memory_space<hbm>>
    tpu.enqueue_dma source(%dma_start3A_1518 : memref<200x128xf32, #tpu.memory_space<hbm>>) target(%arg4 : memref<200x128xf32, #tpu.memory_space<vmem>>) target_semaphore(%arg9 : memref<!tpu.dma_semaphore, #tpu.memory_space<semaphore_mem>>)
    %dma_wait3A_1519 = arith.constant 0 : i32
    %dma_wait3A_1520 = arith.constant 0 : i32
    %dma_wait3A_1521 = arith.constant 0 : i32
    %dma_wait3A_1522 = arith.constant 0 : i32
    %dma_wait3A_1523 = tpu.memref_slice %arg3[%add3A, %dma_wait3A_1519, %dma_wait3A_1520, %dma_wait3A_1521, %dma_wait3A_1522] : memref<32x1x56x200x128xf32, #tpu.memory_space<hbm>> -> memref<1x1x1x200x128xf32, #tpu.memory_space<hbm>>
    %dma_wait3A_1524 = tpu.memref_squeeze %dma_wait3A_1523 : memref<1x1x1x200x128xf32, #tpu.memory_space<hbm>> -> memref<200x128xf32, #tpu.memory_space<hbm>>
    %dma_wait3A_1525 = arith.constant 0 : i32
    %dma_wait3A_1526 = arith.constant 0 : i32
    %dma_wait3A_1527 = tpu.memref_slice %arg3[%add3A, %dma_wait3A_1519, %dma_wait3A_1520, %dma_wait3A_1525, %dma_wait3A_1526] : memref<32x1x56x200x128xf32, #tpu.memory_space<hbm>> -> memref<1x1x1x200x128xf32, #tpu.memory_space<hbm>>
    %dma_wait3A_1528 = tpu.memref_squeeze %dma_wait3A_1527 : memref<1x1x1x200x128xf32, #tpu.memory_space<hbm>> -> memref<200x128xf32, #tpu.memory_space<hbm>>
    tpu.wait_dma2 semaphore(%arg16 : memref<!tpu.dma_semaphore, #tpu.memory_space<semaphore_mem>>) src(%arg5 : memref<200x128xf32, #tpu.memory_space<vmem>>) dst(%dma_wait3A_1528 : memref<200x128xf32, #tpu.memory_space<hbm>>)
    %dma_start3A_1529 = arith.constant 3 : i32
    %dma_start3A_1530 = arith.constant 1 : i32
    %dma_start3A_1531 = arith.constant 0 : i32
    %dma_start3A_1532 = arith.constant 0 : i32
    %dma_start3A_1533 = tpu.memref_slice %arg2[%add3A, %dma_start3A_1529, %dma_start3A_1530, %dma_start3A_1531, %dma_start3A_1532] : memref<32x7x7x200x128xf32, #tpu.memory_space<hbm>> -> memref<1x1x1x200x128xf32, #tpu.memory_space<hbm>>
    %dma_start3A_1534 = tpu.memref_squeeze %dma_start3A_1533 : memref<1x1x1x200x128xf32, #tpu.memory_space<hbm>> -> memref<200x128xf32, #tpu.memory_space<hbm>>
    %dma_start3A_1535 = arith.constant 0 : i32
    %dma_start3A_1536 = arith.constant 0 : i32
    %dma_start3A_1537 = tpu.memref_slice %arg2[%add3A, %dma_start3A_1529, %dma_start3A_1530, %dma_start3A_1535, %dma_start3A_1536] : memref<32x7x7x200x128xf32, #tpu.memory_space<hbm>> -> memref<1x1x1x200x128xf32, #tpu.memory_space<hbm>>
    %dma_start3A_1538 = tpu.memref_squeeze %dma_start3A_1537 : memref<1x1x1x200x128xf32, #tpu.memory_space<hbm>> -> memref<200x128xf32, #tpu.memory_space<hbm>>
    tpu.enqueue_dma source(%dma_start3A_1538 : memref<200x128xf32, #tpu.memory_space<hbm>>) target(%arg5 : memref<200x128xf32, #tpu.memory_space<vmem>>) target_semaphore(%arg10 : memref<!tpu.dma_semaphore, #tpu.memory_space<semaphore_mem>>)
    %dma_wait3A_1539 = arith.constant 0 : i32
    %dma_wait3A_1540 = arith.constant 0 : i32
    %dma_wait3A_1541 = arith.constant 0 : i32
    %dma_wait3A_1542 = arith.constant 0 : i32
    %dma_wait3A_1543 = tpu.memref_slice %arg3[%add3A, %dma_wait3A_1539, %dma_wait3A_1540, %dma_wait3A_1541, %dma_wait3A_1542] : memref<32x1x56x200x128xf32, #tpu.memory_space<hbm>> -> memref<1x1x1x200x128xf32, #tpu.memory_space<hbm>>
    %dma_wait3A_1544 = tpu.memref_squeeze %dma_wait3A_1543 : memref<1x1x1x200x128xf32, #tpu.memory_space<hbm>> -> memref<200x128xf32, #tpu.memory_space<hbm>>
    %dma_wait3A_1545 = arith.constant 0 : i32
    %dma_wait3A_1546 = arith.constant 0 : i32
    %dma_wait3A_1547 = tpu.memref_slice %arg3[%add3A, %dma_wait3A_1539, %dma_wait3A_1540, %dma_wait3A_1545, %dma_wait3A_1546] : memref<32x1x56x200x128xf32, #tpu.memory_space<hbm>> -> memref<1x1x1x200x128xf32, #tpu.memory_space<hbm>>
    %dma_wait3A_1548 = tpu.memref_squeeze %dma_wait3A_1547 : memref<1x1x1x200x128xf32, #tpu.memory_space<hbm>> -> memref<200x128xf32, #tpu.memory_space<hbm>>
    tpu.wait_dma2 semaphore(%arg17 : memref<!tpu.dma_semaphore, #tpu.memory_space<semaphore_mem>>) src(%arg6 : memref<200x128xf32, #tpu.memory_space<vmem>>) dst(%dma_wait3A_1548 : memref<200x128xf32, #tpu.memory_space<hbm>>)
    %dma_start3A_1549 = arith.constant 2 : i32
    %dma_start3A_1550 = arith.constant 1 : i32
    %dma_start3A_1551 = arith.constant 0 : i32
    %dma_start3A_1552 = arith.constant 0 : i32
    %dma_start3A_1553 = tpu.memref_slice %arg2[%add3A, %dma_start3A_1549, %dma_start3A_1550, %dma_start3A_1551, %dma_start3A_1552] : memref<32x7x7x200x128xf32, #tpu.memory_space<hbm>> -> memref<1x1x1x200x128xf32, #tpu.memory_space<hbm>>
    %dma_start3A_1554 = tpu.memref_squeeze %dma_start3A_1553 : memref<1x1x1x200x128xf32, #tpu.memory_space<hbm>> -> memref<200x128xf32, #tpu.memory_space<hbm>>
    %dma_start3A_1555 = arith.constant 0 : i32
    %dma_start3A_1556 = arith.constant 0 : i32
    %dma_start3A_1557 = tpu.memref_slice %arg2[%add3A, %dma_start3A_1549, %dma_start3A_1550, %dma_start3A_1555, %dma_start3A_1556] : memref<32x7x7x200x128xf32, #tpu.memory_space<hbm>> -> memref<1x1x1x200x128xf32, #tpu.memory_space<hbm>>
    %dma_start3A_1558 = tpu.memref_squeeze %dma_start3A_1557 : memref<1x1x1x200x128xf32, #tpu.memory_space<hbm>> -> memref<200x128xf32, #tpu.memory_space<hbm>>
    tpu.enqueue_dma source(%dma_start3A_1558 : memref<200x128xf32, #tpu.memory_space<hbm>>) target(%arg6 : memref<200x128xf32, #tpu.memory_space<vmem>>) target_semaphore(%arg11 : memref<!tpu.dma_semaphore, #tpu.memory_space<semaphore_mem>>)
    %dma_wait3A_1559 = arith.constant 0 : i32
    %dma_wait3A_1560 = arith.constant 0 : i32
    %dma_wait3A_1561 = arith.constant 0 : i32
    %dma_wait3A_1562 = arith.constant 0 : i32
    %dma_wait3A_1563 = tpu.memref_slice %arg3[%add3A, %dma_wait3A_1559, %dma_wait3A_1560, %dma_wait3A_1561, %dma_wait3A_1562] : memref<32x1x56x200x128xf32, #tpu.memory_space<hbm>> -> memref<1x1x1x200x128xf32, #tpu.memory_space<hbm>>
    %dma_wait3A_1564 = tpu.memref_squeeze %dma_wait3A_1563 : memref<1x1x1x200x128xf32, #tpu.memory_space<hbm>> -> memref<200x128xf32, #tpu.memory_space<hbm>>
    %dma_wait3A_1565 = arith.constant 0 : i32
    %dma_wait3A_1566 = arith.constant 0 : i32
    %dma_wait3A_1567 = tpu.memref_slice %arg3[%add3A, %dma_wait3A_1559, %dma_wait3A_1560, %dma_wait3A_1565, %dma_wait3A_1566] : memref<32x1x56x200x128xf32, #tpu.memory_space<hbm>> -> memref<1x1x1x200x128xf32, #tpu.memory_space<hbm>>
    %dma_wait3A_1568 = tpu.memref_squeeze %dma_wait3A_1567 : memref<1x1x1x200x128xf32, #tpu.memory_space<hbm>> -> memref<200x128xf32, #tpu.memory_space<hbm>>
    tpu.wait_dma2 semaphore(%arg18 : memref<!tpu.dma_semaphore, #tpu.memory_space<semaphore_mem>>) src(%arg7 : memref<200x128xf32, #tpu.memory_space<vmem>>) dst(%dma_wait3A_1568 : memref<200x128xf32, #tpu.memory_space<hbm>>)
    %dma_start3A_1569 = arith.constant 3 : i32
    %dma_start3A_1570 = arith.constant 0 : i32
    %dma_start3A_1571 = arith.constant 0 : i32
    %dma_start3A_1572 = arith.constant 0 : i32
    %dma_start3A_1573 = tpu.memref_slice %arg2[%add3A, %dma_start3A_1569, %dma_start3A_1570, %dma_start3A_1571, %dma_start3A_1572] : memref<32x7x7x200x128xf32, #tpu.memory_space<hbm>> -> memref<1x1x1x200x128xf32, #tpu.memory_space<hbm>>
    %dma_start3A_1574 = tpu.memref_squeeze %dma_start3A_1573 : memref<1x1x1x200x128xf32, #tpu.memory_space<hbm>> -> memref<200x128xf32, #tpu.memory_space<hbm>>
    %dma_start3A_1575 = arith.constant 0 : i32
    %dma_start3A_1576 = arith.constant 0 : i32
    %dma_start3A_1577 = tpu.memref_slice %arg2[%add3A, %dma_start3A_1569, %dma_start3A_1570, %dma_start3A_1575, %dma_start3A_1576] : memref<32x7x7x200x128xf32, #tpu.memory_space<hbm>> -> memref<1x1x1x200x128xf32, #tpu.memory_space<hbm>>
    %dma_start3A_1578 = tpu.memref_squeeze %dma_start3A_1577 : memref<1x1x1x200x128xf32, #tpu.memory_space<hbm>> -> memref<200x128xf32, #tpu.memory_space<hbm>>
    tpu.enqueue_dma source(%dma_start3A_1578 : memref<200x128xf32, #tpu.memory_space<hbm>>) target(%arg7 : memref<200x128xf32, #tpu.memory_space<vmem>>) target_semaphore(%arg12 : memref<!tpu.dma_semaphore, #tpu.memory_space<semaphore_mem>>)
    %dma_wait3A_1579 = arith.constant 0 : i32
    %dma_wait3A_1580 = arith.constant 0 : i32
    %dma_wait3A_1581 = arith.constant 0 : i32
    %dma_wait3A_1582 = arith.constant 0 : i32
    %dma_wait3A_1583 = tpu.memref_slice %arg2[%add3A, %dma_wait3A_1579, %dma_wait3A_1580, %dma_wait3A_1581, %dma_wait3A_1582] : memref<32x7x7x200x128xf32, #tpu.memory_space<hbm>> -> memref<1x1x1x200x128xf32, #tpu.memory_space<hbm>>
    %dma_wait3A_1584 = tpu.memref_squeeze %dma_wait3A_1583 : memref<1x1x1x200x128xf32, #tpu.memory_space<hbm>> -> memref<200x128xf32, #tpu.memory_space<hbm>>
    %dma_wait3A_1585 = arith.constant 0 : i32
    %dma_wait3A_1586 = arith.constant 0 : i32
    %dma_wait3A_1587 = tpu.memref_slice %arg2[%add3A, %dma_wait3A_1579, %dma_wait3A_1580, %dma_wait3A_1585, %dma_wait3A_1586] : memref<32x7x7x200x128xf32, #tpu.memory_space<hbm>> -> memref<1x1x1x200x128xf32, #tpu.memory_space<hbm>>
    %dma_wait3A_1588 = tpu.memref_squeeze %dma_wait3A_1587 : memref<1x1x1x200x128xf32, #tpu.memory_space<hbm>> -> memref<200x128xf32, #tpu.memory_space<hbm>>
    tpu.wait_dma2 semaphore(%arg9 : memref<!tpu.dma_semaphore, #tpu.memory_space<semaphore_mem>>) src(%dma_wait3A_1588 : memref<200x128xf32, #tpu.memory_space<hbm>>) dst(%arg4 : memref<200x128xf32, #tpu.memory_space<vmem>>)
    %dma_start3A_1589 = arith.constant 0 : i32
    %dma_start3A_1590 = arith.constant 43 : i32
    %dma_start3A_1591 = arith.constant 0 : i32
    %dma_start3A_1592 = arith.constant 0 : i32
    %dma_start3A_1593 = tpu.memref_slice %arg3[%add3A, %dma_start3A_1589, %dma_start3A_1590, %dma_start3A_1591, %dma_start3A_1592] : memref<32x1x56x200x128xf32, #tpu.memory_space<hbm>> -> memref<1x1x1x200x128xf32, #tpu.memory_space<hbm>>
    %dma_start3A_1594 = tpu.memref_squeeze %dma_start3A_1593 : memref<1x1x1x200x128xf32, #tpu.memory_space<hbm>> -> memref<200x128xf32, #tpu.memory_space<hbm>>
    %dma_start3A_1595 = arith.constant 0 : i32
    %dma_start3A_1596 = arith.constant 0 : i32
    %dma_start3A_1597 = tpu.memref_slice %arg3[%add3A, %dma_start3A_1589, %dma_start3A_1590, %dma_start3A_1595, %dma_start3A_1596] : memref<32x1x56x200x128xf32, #tpu.memory_space<hbm>> -> memref<1x1x1x200x128xf32, #tpu.memory_space<hbm>>
    %dma_start3A_1598 = tpu.memref_squeeze %dma_start3A_1597 : memref<1x1x1x200x128xf32, #tpu.memory_space<hbm>> -> memref<200x128xf32, #tpu.memory_space<hbm>>
    tpu.enqueue_dma source(%arg4 : memref<200x128xf32, #tpu.memory_space<vmem>>) target(%dma_start3A_1598 : memref<200x128xf32, #tpu.memory_space<hbm>>) target_semaphore(%arg15 : memref<!tpu.dma_semaphore, #tpu.memory_space<semaphore_mem>>)
    %dma_wait3A_1599 = arith.constant 0 : i32
    %dma_wait3A_1600 = arith.constant 0 : i32
    %dma_wait3A_1601 = arith.constant 0 : i32
    %dma_wait3A_1602 = arith.constant 0 : i32
    %dma_wait3A_1603 = tpu.memref_slice %arg2[%add3A, %dma_wait3A_1599, %dma_wait3A_1600, %dma_wait3A_1601, %dma_wait3A_1602] : memref<32x7x7x200x128xf32, #tpu.memory_space<hbm>> -> memref<1x1x1x200x128xf32, #tpu.memory_space<hbm>>
    %dma_wait3A_1604 = tpu.memref_squeeze %dma_wait3A_1603 : memref<1x1x1x200x128xf32, #tpu.memory_space<hbm>> -> memref<200x128xf32, #tpu.memory_space<hbm>>
    %dma_wait3A_1605 = arith.constant 0 : i32
    %dma_wait3A_1606 = arith.constant 0 : i32
    %dma_wait3A_1607 = tpu.memref_slice %arg2[%add3A, %dma_wait3A_1599, %dma_wait3A_1600, %dma_wait3A_1605, %dma_wait3A_1606] : memref<32x7x7x200x128xf32, #tpu.memory_space<hbm>> -> memref<1x1x1x200x128xf32, #tpu.memory_space<hbm>>
    %dma_wait3A_1608 = tpu.memref_squeeze %dma_wait3A_1607 : memref<1x1x1x200x128xf32, #tpu.memory_space<hbm>> -> memref<200x128xf32, #tpu.memory_space<hbm>>
    tpu.wait_dma2 semaphore(%arg10 : memref<!tpu.dma_semaphore, #tpu.memory_space<semaphore_mem>>) src(%dma_wait3A_1608 : memref<200x128xf32, #tpu.memory_space<hbm>>) dst(%arg5 : memref<200x128xf32, #tpu.memory_space<vmem>>)
    %dma_start3A_1609 = arith.constant 0 : i32
    %dma_start3A_1610 = arith.constant 44 : i32
    %dma_start3A_1611 = arith.constant 0 : i32
    %dma_start3A_1612 = arith.constant 0 : i32
    %dma_start3A_1613 = tpu.memref_slice %arg3[%add3A, %dma_start3A_1609, %dma_start3A_1610, %dma_start3A_1611, %dma_start3A_1612] : memref<32x1x56x200x128xf32, #tpu.memory_space<hbm>> -> memref<1x1x1x200x128xf32, #tpu.memory_space<hbm>>
    %dma_start3A_1614 = tpu.memref_squeeze %dma_start3A_1613 : memref<1x1x1x200x128xf32, #tpu.memory_space<hbm>> -> memref<200x128xf32, #tpu.memory_space<hbm>>
    %dma_start3A_1615 = arith.constant 0 : i32
    %dma_start3A_1616 = arith.constant 0 : i32
    %dma_start3A_1617 = tpu.memref_slice %arg3[%add3A, %dma_start3A_1609, %dma_start3A_1610, %dma_start3A_1615, %dma_start3A_1616] : memref<32x1x56x200x128xf32, #tpu.memory_space<hbm>> -> memref<1x1x1x200x128xf32, #tpu.memory_space<hbm>>
    %dma_start3A_1618 = tpu.memref_squeeze %dma_start3A_1617 : memref<1x1x1x200x128xf32, #tpu.memory_space<hbm>> -> memref<200x128xf32, #tpu.memory_space<hbm>>
    tpu.enqueue_dma source(%arg5 : memref<200x128xf32, #tpu.memory_space<vmem>>) target(%dma_start3A_1618 : memref<200x128xf32, #tpu.memory_space<hbm>>) target_semaphore(%arg16 : memref<!tpu.dma_semaphore, #tpu.memory_space<semaphore_mem>>)
    %dma_wait3A_1619 = arith.constant 0 : i32
    %dma_wait3A_1620 = arith.constant 0 : i32
    %dma_wait3A_1621 = arith.constant 0 : i32
    %dma_wait3A_1622 = arith.constant 0 : i32
    %dma_wait3A_1623 = tpu.memref_slice %arg2[%add3A, %dma_wait3A_1619, %dma_wait3A_1620, %dma_wait3A_1621, %dma_wait3A_1622] : memref<32x7x7x200x128xf32, #tpu.memory_space<hbm>> -> memref<1x1x1x200x128xf32, #tpu.memory_space<hbm>>
    %dma_wait3A_1624 = tpu.memref_squeeze %dma_wait3A_1623 : memref<1x1x1x200x128xf32, #tpu.memory_space<hbm>> -> memref<200x128xf32, #tpu.memory_space<hbm>>
    %dma_wait3A_1625 = arith.constant 0 : i32
    %dma_wait3A_1626 = arith.constant 0 : i32
    %dma_wait3A_1627 = tpu.memref_slice %arg2[%add3A, %dma_wait3A_1619, %dma_wait3A_1620, %dma_wait3A_1625, %dma_wait3A_1626] : memref<32x7x7x200x128xf32, #tpu.memory_space<hbm>> -> memref<1x1x1x200x128xf32, #tpu.memory_space<hbm>>
    %dma_wait3A_1628 = tpu.memref_squeeze %dma_wait3A_1627 : memref<1x1x1x200x128xf32, #tpu.memory_space<hbm>> -> memref<200x128xf32, #tpu.memory_space<hbm>>
    tpu.wait_dma2 semaphore(%arg11 : memref<!tpu.dma_semaphore, #tpu.memory_space<semaphore_mem>>) src(%dma_wait3A_1628 : memref<200x128xf32, #tpu.memory_space<hbm>>) dst(%arg6 : memref<200x128xf32, #tpu.memory_space<vmem>>)
    %dma_start3A_1629 = arith.constant 0 : i32
    %dma_start3A_1630 = arith.constant 45 : i32
    %dma_start3A_1631 = arith.constant 0 : i32
    %dma_start3A_1632 = arith.constant 0 : i32
    %dma_start3A_1633 = tpu.memref_slice %arg3[%add3A, %dma_start3A_1629, %dma_start3A_1630, %dma_start3A_1631, %dma_start3A_1632] : memref<32x1x56x200x128xf32, #tpu.memory_space<hbm>> -> memref<1x1x1x200x128xf32, #tpu.memory_space<hbm>>
    %dma_start3A_1634 = tpu.memref_squeeze %dma_start3A_1633 : memref<1x1x1x200x128xf32, #tpu.memory_space<hbm>> -> memref<200x128xf32, #tpu.memory_space<hbm>>
    %dma_start3A_1635 = arith.constant 0 : i32
    %dma_start3A_1636 = arith.constant 0 : i32
    %dma_start3A_1637 = tpu.memref_slice %arg3[%add3A, %dma_start3A_1629, %dma_start3A_1630, %dma_start3A_1635, %dma_start3A_1636] : memref<32x1x56x200x128xf32, #tpu.memory_space<hbm>> -> memref<1x1x1x200x128xf32, #tpu.memory_space<hbm>>
    %dma_start3A_1638 = tpu.memref_squeeze %dma_start3A_1637 : memref<1x1x1x200x128xf32, #tpu.memory_space<hbm>> -> memref<200x128xf32, #tpu.memory_space<hbm>>
    tpu.enqueue_dma source(%arg6 : memref<200x128xf32, #tpu.memory_space<vmem>>) target(%dma_start3A_1638 : memref<200x128xf32, #tpu.memory_space<hbm>>) target_semaphore(%arg17 : memref<!tpu.dma_semaphore, #tpu.memory_space<semaphore_mem>>)
    %dma_wait3A_1639 = arith.constant 0 : i32
    %dma_wait3A_1640 = arith.constant 0 : i32
    %dma_wait3A_1641 = arith.constant 0 : i32
    %dma_wait3A_1642 = arith.constant 0 : i32
    %dma_wait3A_1643 = tpu.memref_slice %arg2[%add3A, %dma_wait3A_1639, %dma_wait3A_1640, %dma_wait3A_1641, %dma_wait3A_1642] : memref<32x7x7x200x128xf32, #tpu.memory_space<hbm>> -> memref<1x1x1x200x128xf32, #tpu.memory_space<hbm>>
    %dma_wait3A_1644 = tpu.memref_squeeze %dma_wait3A_1643 : memref<1x1x1x200x128xf32, #tpu.memory_space<hbm>> -> memref<200x128xf32, #tpu.memory_space<hbm>>
    %dma_wait3A_1645 = arith.constant 0 : i32
    %dma_wait3A_1646 = arith.constant 0 : i32
    %dma_wait3A_1647 = tpu.memref_slice %arg2[%add3A, %dma_wait3A_1639, %dma_wait3A_1640, %dma_wait3A_1645, %dma_wait3A_1646] : memref<32x7x7x200x128xf32, #tpu.memory_space<hbm>> -> memref<1x1x1x200x128xf32, #tpu.memory_space<hbm>>
    %dma_wait3A_1648 = tpu.memref_squeeze %dma_wait3A_1647 : memref<1x1x1x200x128xf32, #tpu.memory_space<hbm>> -> memref<200x128xf32, #tpu.memory_space<hbm>>
    tpu.wait_dma2 semaphore(%arg12 : memref<!tpu.dma_semaphore, #tpu.memory_space<semaphore_mem>>) src(%dma_wait3A_1648 : memref<200x128xf32, #tpu.memory_space<hbm>>) dst(%arg7 : memref<200x128xf32, #tpu.memory_space<vmem>>)
    %dma_start3A_1649 = arith.constant 0 : i32
    %dma_start3A_1650 = arith.constant 46 : i32
    %dma_start3A_1651 = arith.constant 0 : i32
    %dma_start3A_1652 = arith.constant 0 : i32
    %dma_start3A_1653 = tpu.memref_slice %arg3[%add3A, %dma_start3A_1649, %dma_start3A_1650, %dma_start3A_1651, %dma_start3A_1652] : memref<32x1x56x200x128xf32, #tpu.memory_space<hbm>> -> memref<1x1x1x200x128xf32, #tpu.memory_space<hbm>>
    %dma_start3A_1654 = tpu.memref_squeeze %dma_start3A_1653 : memref<1x1x1x200x128xf32, #tpu.memory_space<hbm>> -> memref<200x128xf32, #tpu.memory_space<hbm>>
    %dma_start3A_1655 = arith.constant 0 : i32
    %dma_start3A_1656 = arith.constant 0 : i32
    %dma_start3A_1657 = tpu.memref_slice %arg3[%add3A, %dma_start3A_1649, %dma_start3A_1650, %dma_start3A_1655, %dma_start3A_1656] : memref<32x1x56x200x128xf32, #tpu.memory_space<hbm>> -> memref<1x1x1x200x128xf32, #tpu.memory_space<hbm>>
    %dma_start3A_1658 = tpu.memref_squeeze %dma_start3A_1657 : memref<1x1x1x200x128xf32, #tpu.memory_space<hbm>> -> memref<200x128xf32, #tpu.memory_space<hbm>>
    tpu.enqueue_dma source(%arg7 : memref<200x128xf32, #tpu.memory_space<vmem>>) target(%dma_start3A_1658 : memref<200x128xf32, #tpu.memory_space<hbm>>) target_semaphore(%arg18 : memref<!tpu.dma_semaphore, #tpu.memory_space<semaphore_mem>>)
    %dma_wait3A_1659 = arith.constant 0 : i32
    %dma_wait3A_1660 = arith.constant 0 : i32
    %dma_wait3A_1661 = arith.constant 0 : i32
    %dma_wait3A_1662 = arith.constant 0 : i32
    %dma_wait3A_1663 = tpu.memref_slice %arg3[%add3A, %dma_wait3A_1659, %dma_wait3A_1660, %dma_wait3A_1661, %dma_wait3A_1662] : memref<32x1x56x200x128xf32, #tpu.memory_space<hbm>> -> memref<1x1x1x200x128xf32, #tpu.memory_space<hbm>>
    %dma_wait3A_1664 = tpu.memref_squeeze %dma_wait3A_1663 : memref<1x1x1x200x128xf32, #tpu.memory_space<hbm>> -> memref<200x128xf32, #tpu.memory_space<hbm>>
    %dma_wait3A_1665 = arith.constant 0 : i32
    %dma_wait3A_1666 = arith.constant 0 : i32
    %dma_wait3A_1667 = tpu.memref_slice %arg3[%add3A, %dma_wait3A_1659, %dma_wait3A_1660, %dma_wait3A_1665, %dma_wait3A_1666] : memref<32x1x56x200x128xf32, #tpu.memory_space<hbm>> -> memref<1x1x1x200x128xf32, #tpu.memory_space<hbm>>
    %dma_wait3A_1668 = tpu.memref_squeeze %dma_wait3A_1667 : memref<1x1x1x200x128xf32, #tpu.memory_space<hbm>> -> memref<200x128xf32, #tpu.memory_space<hbm>>
    tpu.wait_dma2 semaphore(%arg15 : memref<!tpu.dma_semaphore, #tpu.memory_space<semaphore_mem>>) src(%arg4 : memref<200x128xf32, #tpu.memory_space<vmem>>) dst(%dma_wait3A_1668 : memref<200x128xf32, #tpu.memory_space<hbm>>)
    %dma_start3A_1669 = arith.constant 2 : i32
    %dma_start3A_1670 = arith.constant 0 : i32
    %dma_start3A_1671 = arith.constant 0 : i32
    %dma_start3A_1672 = arith.constant 0 : i32
    %dma_start3A_1673 = tpu.memref_slice %arg2[%add3A, %dma_start3A_1669, %dma_start3A_1670, %dma_start3A_1671, %dma_start3A_1672] : memref<32x7x7x200x128xf32, #tpu.memory_space<hbm>> -> memref<1x1x1x200x128xf32, #tpu.memory_space<hbm>>
    %dma_start3A_1674 = tpu.memref_squeeze %dma_start3A_1673 : memref<1x1x1x200x128xf32, #tpu.memory_space<hbm>> -> memref<200x128xf32, #tpu.memory_space<hbm>>
    %dma_start3A_1675 = arith.constant 0 : i32
    %dma_start3A_1676 = arith.constant 0 : i32
    %dma_start3A_1677 = tpu.memref_slice %arg2[%add3A, %dma_start3A_1669, %dma_start3A_1670, %dma_start3A_1675, %dma_start3A_1676] : memref<32x7x7x200x128xf32, #tpu.memory_space<hbm>> -> memref<1x1x1x200x128xf32, #tpu.memory_space<hbm>>
    %dma_start3A_1678 = tpu.memref_squeeze %dma_start3A_1677 : memref<1x1x1x200x128xf32, #tpu.memory_space<hbm>> -> memref<200x128xf32, #tpu.memory_space<hbm>>
    tpu.enqueue_dma source(%dma_start3A_1678 : memref<200x128xf32, #tpu.memory_space<hbm>>) target(%arg4 : memref<200x128xf32, #tpu.memory_space<vmem>>) target_semaphore(%arg9 : memref<!tpu.dma_semaphore, #tpu.memory_space<semaphore_mem>>)
    %dma_wait3A_1679 = arith.constant 0 : i32
    %dma_wait3A_1680 = arith.constant 0 : i32
    %dma_wait3A_1681 = arith.constant 0 : i32
    %dma_wait3A_1682 = arith.constant 0 : i32
    %dma_wait3A_1683 = tpu.memref_slice %arg3[%add3A, %dma_wait3A_1679, %dma_wait3A_1680, %dma_wait3A_1681, %dma_wait3A_1682] : memref<32x1x56x200x128xf32, #tpu.memory_space<hbm>> -> memref<1x1x1x200x128xf32, #tpu.memory_space<hbm>>
    %dma_wait3A_1684 = tpu.memref_squeeze %dma_wait3A_1683 : memref<1x1x1x200x128xf32, #tpu.memory_space<hbm>> -> memref<200x128xf32, #tpu.memory_space<hbm>>
    %dma_wait3A_1685 = arith.constant 0 : i32
    %dma_wait3A_1686 = arith.constant 0 : i32
    %dma_wait3A_1687 = tpu.memref_slice %arg3[%add3A, %dma_wait3A_1679, %dma_wait3A_1680, %dma_wait3A_1685, %dma_wait3A_1686] : memref<32x1x56x200x128xf32, #tpu.memory_space<hbm>> -> memref<1x1x1x200x128xf32, #tpu.memory_space<hbm>>
    %dma_wait3A_1688 = tpu.memref_squeeze %dma_wait3A_1687 : memref<1x1x1x200x128xf32, #tpu.memory_space<hbm>> -> memref<200x128xf32, #tpu.memory_space<hbm>>
    tpu.wait_dma2 semaphore(%arg16 : memref<!tpu.dma_semaphore, #tpu.memory_space<semaphore_mem>>) src(%arg5 : memref<200x128xf32, #tpu.memory_space<vmem>>) dst(%dma_wait3A_1688 : memref<200x128xf32, #tpu.memory_space<hbm>>)
    %dma_start3A_1689 = arith.constant 1 : i32
    %dma_start3A_1690 = arith.constant 0 : i32
    %dma_start3A_1691 = arith.constant 0 : i32
    %dma_start3A_1692 = arith.constant 0 : i32
    %dma_start3A_1693 = tpu.memref_slice %arg2[%add3A, %dma_start3A_1689, %dma_start3A_1690, %dma_start3A_1691, %dma_start3A_1692] : memref<32x7x7x200x128xf32, #tpu.memory_space<hbm>> -> memref<1x1x1x200x128xf32, #tpu.memory_space<hbm>>
    %dma_start3A_1694 = tpu.memref_squeeze %dma_start3A_1693 : memref<1x1x1x200x128xf32, #tpu.memory_space<hbm>> -> memref<200x128xf32, #tpu.memory_space<hbm>>
    %dma_start3A_1695 = arith.constant 0 : i32
    %dma_start3A_1696 = arith.constant 0 : i32
    %dma_start3A_1697 = tpu.memref_slice %arg2[%add3A, %dma_start3A_1689, %dma_start3A_1690, %dma_start3A_1695, %dma_start3A_1696] : memref<32x7x7x200x128xf32, #tpu.memory_space<hbm>> -> memref<1x1x1x200x128xf32, #tpu.memory_space<hbm>>
    %dma_start3A_1698 = tpu.memref_squeeze %dma_start3A_1697 : memref<1x1x1x200x128xf32, #tpu.memory_space<hbm>> -> memref<200x128xf32, #tpu.memory_space<hbm>>
    tpu.enqueue_dma source(%dma_start3A_1698 : memref<200x128xf32, #tpu.memory_space<hbm>>) target(%arg5 : memref<200x128xf32, #tpu.memory_space<vmem>>) target_semaphore(%arg10 : memref<!tpu.dma_semaphore, #tpu.memory_space<semaphore_mem>>)
    %dma_wait3A_1699 = arith.constant 0 : i32
    %dma_wait3A_1700 = arith.constant 0 : i32
    %dma_wait3A_1701 = arith.constant 0 : i32
    %dma_wait3A_1702 = arith.constant 0 : i32
    %dma_wait3A_1703 = tpu.memref_slice %arg3[%add3A, %dma_wait3A_1699, %dma_wait3A_1700, %dma_wait3A_1701, %dma_wait3A_1702] : memref<32x1x56x200x128xf32, #tpu.memory_space<hbm>> -> memref<1x1x1x200x128xf32, #tpu.memory_space<hbm>>
    %dma_wait3A_1704 = tpu.memref_squeeze %dma_wait3A_1703 : memref<1x1x1x200x128xf32, #tpu.memory_space<hbm>> -> memref<200x128xf32, #tpu.memory_space<hbm>>
    %dma_wait3A_1705 = arith.constant 0 : i32
    %dma_wait3A_1706 = arith.constant 0 : i32
    %dma_wait3A_1707 = tpu.memref_slice %arg3[%add3A, %dma_wait3A_1699, %dma_wait3A_1700, %dma_wait3A_1705, %dma_wait3A_1706] : memref<32x1x56x200x128xf32, #tpu.memory_space<hbm>> -> memref<1x1x1x200x128xf32, #tpu.memory_space<hbm>>
    %dma_wait3A_1708 = tpu.memref_squeeze %dma_wait3A_1707 : memref<1x1x1x200x128xf32, #tpu.memory_space<hbm>> -> memref<200x128xf32, #tpu.memory_space<hbm>>
    tpu.wait_dma2 semaphore(%arg17 : memref<!tpu.dma_semaphore, #tpu.memory_space<semaphore_mem>>) src(%arg6 : memref<200x128xf32, #tpu.memory_space<vmem>>) dst(%dma_wait3A_1708 : memref<200x128xf32, #tpu.memory_space<hbm>>)
    %dma_start3A_1709 = arith.constant 2 : i32
    %dma_start3A_1710 = arith.constant 2 : i32
    %dma_start3A_1711 = arith.constant 0 : i32
    %dma_start3A_1712 = arith.constant 0 : i32
    %dma_start3A_1713 = tpu.memref_slice %arg2[%add3A, %dma_start3A_1709, %dma_start3A_1710, %dma_start3A_1711, %dma_start3A_1712] : memref<32x7x7x200x128xf32, #tpu.memory_space<hbm>> -> memref<1x1x1x200x128xf32, #tpu.memory_space<hbm>>
    %dma_start3A_1714 = tpu.memref_squeeze %dma_start3A_1713 : memref<1x1x1x200x128xf32, #tpu.memory_space<hbm>> -> memref<200x128xf32, #tpu.memory_space<hbm>>
    %dma_start3A_1715 = arith.constant 0 : i32
    %dma_start3A_1716 = arith.constant 0 : i32
    %dma_start3A_1717 = tpu.memref_slice %arg2[%add3A, %dma_start3A_1709, %dma_start3A_1710, %dma_start3A_1715, %dma_start3A_1716] : memref<32x7x7x200x128xf32, #tpu.memory_space<hbm>> -> memref<1x1x1x200x128xf32, #tpu.memory_space<hbm>>
    %dma_start3A_1718 = tpu.memref_squeeze %dma_start3A_1717 : memref<1x1x1x200x128xf32, #tpu.memory_space<hbm>> -> memref<200x128xf32, #tpu.memory_space<hbm>>
    tpu.enqueue_dma source(%dma_start3A_1718 : memref<200x128xf32, #tpu.memory_space<hbm>>) target(%arg6 : memref<200x128xf32, #tpu.memory_space<vmem>>) target_semaphore(%arg11 : memref<!tpu.dma_semaphore, #tpu.memory_space<semaphore_mem>>)
    %dma_wait3A_1719 = arith.constant 0 : i32
    %dma_wait3A_1720 = arith.constant 0 : i32
    %dma_wait3A_1721 = arith.constant 0 : i32
    %dma_wait3A_1722 = arith.constant 0 : i32
    %dma_wait3A_1723 = tpu.memref_slice %arg3[%add3A, %dma_wait3A_1719, %dma_wait3A_1720, %dma_wait3A_1721, %dma_wait3A_1722] : memref<32x1x56x200x128xf32, #tpu.memory_space<hbm>> -> memref<1x1x1x200x128xf32, #tpu.memory_space<hbm>>
    %dma_wait3A_1724 = tpu.memref_squeeze %dma_wait3A_1723 : memref<1x1x1x200x128xf32, #tpu.memory_space<hbm>> -> memref<200x128xf32, #tpu.memory_space<hbm>>
    %dma_wait3A_1725 = arith.constant 0 : i32
    %dma_wait3A_1726 = arith.constant 0 : i32
    %dma_wait3A_1727 = tpu.memref_slice %arg3[%add3A, %dma_wait3A_1719, %dma_wait3A_1720, %dma_wait3A_1725, %dma_wait3A_1726] : memref<32x1x56x200x128xf32, #tpu.memory_space<hbm>> -> memref<1x1x1x200x128xf32, #tpu.memory_space<hbm>>
    %dma_wait3A_1728 = tpu.memref_squeeze %dma_wait3A_1727 : memref<1x1x1x200x128xf32, #tpu.memory_space<hbm>> -> memref<200x128xf32, #tpu.memory_space<hbm>>
    tpu.wait_dma2 semaphore(%arg18 : memref<!tpu.dma_semaphore, #tpu.memory_space<semaphore_mem>>) src(%arg7 : memref<200x128xf32, #tpu.memory_space<vmem>>) dst(%dma_wait3A_1728 : memref<200x128xf32, #tpu.memory_space<hbm>>)
    %dma_start3A_1729 = arith.constant 1 : i32
    %dma_start3A_1730 = arith.constant 2 : i32
    %dma_start3A_1731 = arith.constant 0 : i32
    %dma_start3A_1732 = arith.constant 0 : i32
    %dma_start3A_1733 = tpu.memref_slice %arg2[%add3A, %dma_start3A_1729, %dma_start3A_1730, %dma_start3A_1731, %dma_start3A_1732] : memref<32x7x7x200x128xf32, #tpu.memory_space<hbm>> -> memref<1x1x1x200x128xf32, #tpu.memory_space<hbm>>
    %dma_start3A_1734 = tpu.memref_squeeze %dma_start3A_1733 : memref<1x1x1x200x128xf32, #tpu.memory_space<hbm>> -> memref<200x128xf32, #tpu.memory_space<hbm>>
    %dma_start3A_1735 = arith.constant 0 : i32
    %dma_start3A_1736 = arith.constant 0 : i32
    %dma_start3A_1737 = tpu.memref_slice %arg2[%add3A, %dma_start3A_1729, %dma_start3A_1730, %dma_start3A_1735, %dma_start3A_1736] : memref<32x7x7x200x128xf32, #tpu.memory_space<hbm>> -> memref<1x1x1x200x128xf32, #tpu.memory_space<hbm>>
    %dma_start3A_1738 = tpu.memref_squeeze %dma_start3A_1737 : memref<1x1x1x200x128xf32, #tpu.memory_space<hbm>> -> memref<200x128xf32, #tpu.memory_space<hbm>>
    tpu.enqueue_dma source(%dma_start3A_1738 : memref<200x128xf32, #tpu.memory_space<hbm>>) target(%arg7 : memref<200x128xf32, #tpu.memory_space<vmem>>) target_semaphore(%arg12 : memref<!tpu.dma_semaphore, #tpu.memory_space<semaphore_mem>>)
    %dma_wait3A_1739 = arith.constant 0 : i32
    %dma_wait3A_1740 = arith.constant 0 : i32
    %dma_wait3A_1741 = arith.constant 0 : i32
    %dma_wait3A_1742 = arith.constant 0 : i32
    %dma_wait3A_1743 = tpu.memref_slice %arg2[%add3A, %dma_wait3A_1739, %dma_wait3A_1740, %dma_wait3A_1741, %dma_wait3A_1742] : memref<32x7x7x200x128xf32, #tpu.memory_space<hbm>> -> memref<1x1x1x200x128xf32, #tpu.memory_space<hbm>>
    %dma_wait3A_1744 = tpu.memref_squeeze %dma_wait3A_1743 : memref<1x1x1x200x128xf32, #tpu.memory_space<hbm>> -> memref<200x128xf32, #tpu.memory_space<hbm>>
    %dma_wait3A_1745 = arith.constant 0 : i32
    %dma_wait3A_1746 = arith.constant 0 : i32
    %dma_wait3A_1747 = tpu.memref_slice %arg2[%add3A, %dma_wait3A_1739, %dma_wait3A_1740, %dma_wait3A_1745, %dma_wait3A_1746] : memref<32x7x7x200x128xf32, #tpu.memory_space<hbm>> -> memref<1x1x1x200x128xf32, #tpu.memory_space<hbm>>
    %dma_wait3A_1748 = tpu.memref_squeeze %dma_wait3A_1747 : memref<1x1x1x200x128xf32, #tpu.memory_space<hbm>> -> memref<200x128xf32, #tpu.memory_space<hbm>>
    tpu.wait_dma2 semaphore(%arg9 : memref<!tpu.dma_semaphore, #tpu.memory_space<semaphore_mem>>) src(%dma_wait3A_1748 : memref<200x128xf32, #tpu.memory_space<hbm>>) dst(%arg4 : memref<200x128xf32, #tpu.memory_space<vmem>>)
    %dma_start3A_1749 = arith.constant 0 : i32
    %dma_start3A_1750 = arith.constant 47 : i32
    %dma_start3A_1751 = arith.constant 0 : i32
    %dma_start3A_1752 = arith.constant 0 : i32
    %dma_start3A_1753 = tpu.memref_slice %arg3[%add3A, %dma_start3A_1749, %dma_start3A_1750, %dma_start3A_1751, %dma_start3A_1752] : memref<32x1x56x200x128xf32, #tpu.memory_space<hbm>> -> memref<1x1x1x200x128xf32, #tpu.memory_space<hbm>>
    %dma_start3A_1754 = tpu.memref_squeeze %dma_start3A_1753 : memref<1x1x1x200x128xf32, #tpu.memory_space<hbm>> -> memref<200x128xf32, #tpu.memory_space<hbm>>
    %dma_start3A_1755 = arith.constant 0 : i32
    %dma_start3A_1756 = arith.constant 0 : i32
    %dma_start3A_1757 = tpu.memref_slice %arg3[%add3A, %dma_start3A_1749, %dma_start3A_1750, %dma_start3A_1755, %dma_start3A_1756] : memref<32x1x56x200x128xf32, #tpu.memory_space<hbm>> -> memref<1x1x1x200x128xf32, #tpu.memory_space<hbm>>
    %dma_start3A_1758 = tpu.memref_squeeze %dma_start3A_1757 : memref<1x1x1x200x128xf32, #tpu.memory_space<hbm>> -> memref<200x128xf32, #tpu.memory_space<hbm>>
    tpu.enqueue_dma source(%arg4 : memref<200x128xf32, #tpu.memory_space<vmem>>) target(%dma_start3A_1758 : memref<200x128xf32, #tpu.memory_space<hbm>>) target_semaphore(%arg15 : memref<!tpu.dma_semaphore, #tpu.memory_space<semaphore_mem>>)
    %dma_wait3A_1759 = arith.constant 0 : i32
    %dma_wait3A_1760 = arith.constant 0 : i32
    %dma_wait3A_1761 = arith.constant 0 : i32
    %dma_wait3A_1762 = arith.constant 0 : i32
    %dma_wait3A_1763 = tpu.memref_slice %arg2[%add3A, %dma_wait3A_1759, %dma_wait3A_1760, %dma_wait3A_1761, %dma_wait3A_1762] : memref<32x7x7x200x128xf32, #tpu.memory_space<hbm>> -> memref<1x1x1x200x128xf32, #tpu.memory_space<hbm>>
    %dma_wait3A_1764 = tpu.memref_squeeze %dma_wait3A_1763 : memref<1x1x1x200x128xf32, #tpu.memory_space<hbm>> -> memref<200x128xf32, #tpu.memory_space<hbm>>
    %dma_wait3A_1765 = arith.constant 0 : i32
    %dma_wait3A_1766 = arith.constant 0 : i32
    %dma_wait3A_1767 = tpu.memref_slice %arg2[%add3A, %dma_wait3A_1759, %dma_wait3A_1760, %dma_wait3A_1765, %dma_wait3A_1766] : memref<32x7x7x200x128xf32, #tpu.memory_space<hbm>> -> memref<1x1x1x200x128xf32, #tpu.memory_space<hbm>>
    %dma_wait3A_1768 = tpu.memref_squeeze %dma_wait3A_1767 : memref<1x1x1x200x128xf32, #tpu.memory_space<hbm>> -> memref<200x128xf32, #tpu.memory_space<hbm>>
    tpu.wait_dma2 semaphore(%arg10 : memref<!tpu.dma_semaphore, #tpu.memory_space<semaphore_mem>>) src(%dma_wait3A_1768 : memref<200x128xf32, #tpu.memory_space<hbm>>) dst(%arg5 : memref<200x128xf32, #tpu.memory_space<vmem>>)
    %dma_start3A_1769 = arith.constant 0 : i32
    %dma_start3A_1770 = arith.constant 48 : i32
    %dma_start3A_1771 = arith.constant 0 : i32
    %dma_start3A_1772 = arith.constant 0 : i32
    %dma_start3A_1773 = tpu.memref_slice %arg3[%add3A, %dma_start3A_1769, %dma_start3A_1770, %dma_start3A_1771, %dma_start3A_1772] : memref<32x1x56x200x128xf32, #tpu.memory_space<hbm>> -> memref<1x1x1x200x128xf32, #tpu.memory_space<hbm>>
    %dma_start3A_1774 = tpu.memref_squeeze %dma_start3A_1773 : memref<1x1x1x200x128xf32, #tpu.memory_space<hbm>> -> memref<200x128xf32, #tpu.memory_space<hbm>>
    %dma_start3A_1775 = arith.constant 0 : i32
    %dma_start3A_1776 = arith.constant 0 : i32
    %dma_start3A_1777 = tpu.memref_slice %arg3[%add3A, %dma_start3A_1769, %dma_start3A_1770, %dma_start3A_1775, %dma_start3A_1776] : memref<32x1x56x200x128xf32, #tpu.memory_space<hbm>> -> memref<1x1x1x200x128xf32, #tpu.memory_space<hbm>>
    %dma_start3A_1778 = tpu.memref_squeeze %dma_start3A_1777 : memref<1x1x1x200x128xf32, #tpu.memory_space<hbm>> -> memref<200x128xf32, #tpu.memory_space<hbm>>
    tpu.enqueue_dma source(%arg5 : memref<200x128xf32, #tpu.memory_space<vmem>>) target(%dma_start3A_1778 : memref<200x128xf32, #tpu.memory_space<hbm>>) target_semaphore(%arg16 : memref<!tpu.dma_semaphore, #tpu.memory_space<semaphore_mem>>)
    %dma_wait3A_1779 = arith.constant 0 : i32
    %dma_wait3A_1780 = arith.constant 0 : i32
    %dma_wait3A_1781 = arith.constant 0 : i32
    %dma_wait3A_1782 = arith.constant 0 : i32
    %dma_wait3A_1783 = tpu.memref_slice %arg2[%add3A, %dma_wait3A_1779, %dma_wait3A_1780, %dma_wait3A_1781, %dma_wait3A_1782] : memref<32x7x7x200x128xf32, #tpu.memory_space<hbm>> -> memref<1x1x1x200x128xf32, #tpu.memory_space<hbm>>
    %dma_wait3A_1784 = tpu.memref_squeeze %dma_wait3A_1783 : memref<1x1x1x200x128xf32, #tpu.memory_space<hbm>> -> memref<200x128xf32, #tpu.memory_space<hbm>>
    %dma_wait3A_1785 = arith.constant 0 : i32
    %dma_wait3A_1786 = arith.constant 0 : i32
    %dma_wait3A_1787 = tpu.memref_slice %arg2[%add3A, %dma_wait3A_1779, %dma_wait3A_1780, %dma_wait3A_1785, %dma_wait3A_1786] : memref<32x7x7x200x128xf32, #tpu.memory_space<hbm>> -> memref<1x1x1x200x128xf32, #tpu.memory_space<hbm>>
    %dma_wait3A_1788 = tpu.memref_squeeze %dma_wait3A_1787 : memref<1x1x1x200x128xf32, #tpu.memory_space<hbm>> -> memref<200x128xf32, #tpu.memory_space<hbm>>
    tpu.wait_dma2 semaphore(%arg11 : memref<!tpu.dma_semaphore, #tpu.memory_space<semaphore_mem>>) src(%dma_wait3A_1788 : memref<200x128xf32, #tpu.memory_space<hbm>>) dst(%arg6 : memref<200x128xf32, #tpu.memory_space<vmem>>)
    %dma_start3A_1789 = arith.constant 0 : i32
    %dma_start3A_1790 = arith.constant 50 : i32
    %dma_start3A_1791 = arith.constant 0 : i32
    %dma_start3A_1792 = arith.constant 0 : i32
    %dma_start3A_1793 = tpu.memref_slice %arg3[%add3A, %dma_start3A_1789, %dma_start3A_1790, %dma_start3A_1791, %dma_start3A_1792] : memref<32x1x56x200x128xf32, #tpu.memory_space<hbm>> -> memref<1x1x1x200x128xf32, #tpu.memory_space<hbm>>
    %dma_start3A_1794 = tpu.memref_squeeze %dma_start3A_1793 : memref<1x1x1x200x128xf32, #tpu.memory_space<hbm>> -> memref<200x128xf32, #tpu.memory_space<hbm>>
    %dma_start3A_1795 = arith.constant 0 : i32
    %dma_start3A_1796 = arith.constant 0 : i32
    %dma_start3A_1797 = tpu.memref_slice %arg3[%add3A, %dma_start3A_1789, %dma_start3A_1790, %dma_start3A_1795, %dma_start3A_1796] : memref<32x1x56x200x128xf32, #tpu.memory_space<hbm>> -> memref<1x1x1x200x128xf32, #tpu.memory_space<hbm>>
    %dma_start3A_1798 = tpu.memref_squeeze %dma_start3A_1797 : memref<1x1x1x200x128xf32, #tpu.memory_space<hbm>> -> memref<200x128xf32, #tpu.memory_space<hbm>>
    tpu.enqueue_dma source(%arg6 : memref<200x128xf32, #tpu.memory_space<vmem>>) target(%dma_start3A_1798 : memref<200x128xf32, #tpu.memory_space<hbm>>) target_semaphore(%arg17 : memref<!tpu.dma_semaphore, #tpu.memory_space<semaphore_mem>>)
    %dma_wait3A_1799 = arith.constant 0 : i32
    %dma_wait3A_1800 = arith.constant 0 : i32
    %dma_wait3A_1801 = arith.constant 0 : i32
    %dma_wait3A_1802 = arith.constant 0 : i32
    %dma_wait3A_1803 = tpu.memref_slice %arg2[%add3A, %dma_wait3A_1799, %dma_wait3A_1800, %dma_wait3A_1801, %dma_wait3A_1802] : memref<32x7x7x200x128xf32, #tpu.memory_space<hbm>> -> memref<1x1x1x200x128xf32, #tpu.memory_space<hbm>>
    %dma_wait3A_1804 = tpu.memref_squeeze %dma_wait3A_1803 : memref<1x1x1x200x128xf32, #tpu.memory_space<hbm>> -> memref<200x128xf32, #tpu.memory_space<hbm>>
    %dma_wait3A_1805 = arith.constant 0 : i32
    %dma_wait3A_1806 = arith.constant 0 : i32
    %dma_wait3A_1807 = tpu.memref_slice %arg2[%add3A, %dma_wait3A_1799, %dma_wait3A_1800, %dma_wait3A_1805, %dma_wait3A_1806] : memref<32x7x7x200x128xf32, #tpu.memory_space<hbm>> -> memref<1x1x1x200x128xf32, #tpu.memory_space<hbm>>
    %dma_wait3A_1808 = tpu.memref_squeeze %dma_wait3A_1807 : memref<1x1x1x200x128xf32, #tpu.memory_space<hbm>> -> memref<200x128xf32, #tpu.memory_space<hbm>>
    tpu.wait_dma2 semaphore(%arg12 : memref<!tpu.dma_semaphore, #tpu.memory_space<semaphore_mem>>) src(%dma_wait3A_1808 : memref<200x128xf32, #tpu.memory_space<hbm>>) dst(%arg7 : memref<200x128xf32, #tpu.memory_space<vmem>>)
    %dma_start3A_1809 = arith.constant 0 : i32
    %dma_start3A_1810 = arith.constant 51 : i32
    %dma_start3A_1811 = arith.constant 0 : i32
    %dma_start3A_1812 = arith.constant 0 : i32
    %dma_start3A_1813 = tpu.memref_slice %arg3[%add3A, %dma_start3A_1809, %dma_start3A_1810, %dma_start3A_1811, %dma_start3A_1812] : memref<32x1x56x200x128xf32, #tpu.memory_space<hbm>> -> memref<1x1x1x200x128xf32, #tpu.memory_space<hbm>>
    %dma_start3A_1814 = tpu.memref_squeeze %dma_start3A_1813 : memref<1x1x1x200x128xf32, #tpu.memory_space<hbm>> -> memref<200x128xf32, #tpu.memory_space<hbm>>
    %dma_start3A_1815 = arith.constant 0 : i32
    %dma_start3A_1816 = arith.constant 0 : i32
    %dma_start3A_1817 = tpu.memref_slice %arg3[%add3A, %dma_start3A_1809, %dma_start3A_1810, %dma_start3A_1815, %dma_start3A_1816] : memref<32x1x56x200x128xf32, #tpu.memory_space<hbm>> -> memref<1x1x1x200x128xf32, #tpu.memory_space<hbm>>
    %dma_start3A_1818 = tpu.memref_squeeze %dma_start3A_1817 : memref<1x1x1x200x128xf32, #tpu.memory_space<hbm>> -> memref<200x128xf32, #tpu.memory_space<hbm>>
    tpu.enqueue_dma source(%arg7 : memref<200x128xf32, #tpu.memory_space<vmem>>) target(%dma_start3A_1818 : memref<200x128xf32, #tpu.memory_space<hbm>>) target_semaphore(%arg18 : memref<!tpu.dma_semaphore, #tpu.memory_space<semaphore_mem>>)
    %dma_wait3A_1819 = arith.constant 0 : i32
    %dma_wait3A_1820 = arith.constant 0 : i32
    %dma_wait3A_1821 = arith.constant 0 : i32
    %dma_wait3A_1822 = arith.constant 0 : i32
    %dma_wait3A_1823 = tpu.memref_slice %arg3[%add3A, %dma_wait3A_1819, %dma_wait3A_1820, %dma_wait3A_1821, %dma_wait3A_1822] : memref<32x1x56x200x128xf32, #tpu.memory_space<hbm>> -> memref<1x1x1x200x128xf32, #tpu.memory_space<hbm>>
    %dma_wait3A_1824 = tpu.memref_squeeze %dma_wait3A_1823 : memref<1x1x1x200x128xf32, #tpu.memory_space<hbm>> -> memref<200x128xf32, #tpu.memory_space<hbm>>
    %dma_wait3A_1825 = arith.constant 0 : i32
    %dma_wait3A_1826 = arith.constant 0 : i32
    %dma_wait3A_1827 = tpu.memref_slice %arg3[%add3A, %dma_wait3A_1819, %dma_wait3A_1820, %dma_wait3A_1825, %dma_wait3A_1826] : memref<32x1x56x200x128xf32, #tpu.memory_space<hbm>> -> memref<1x1x1x200x128xf32, #tpu.memory_space<hbm>>
    %dma_wait3A_1828 = tpu.memref_squeeze %dma_wait3A_1827 : memref<1x1x1x200x128xf32, #tpu.memory_space<hbm>> -> memref<200x128xf32, #tpu.memory_space<hbm>>
    tpu.wait_dma2 semaphore(%arg15 : memref<!tpu.dma_semaphore, #tpu.memory_space<semaphore_mem>>) src(%arg4 : memref<200x128xf32, #tpu.memory_space<vmem>>) dst(%dma_wait3A_1828 : memref<200x128xf32, #tpu.memory_space<hbm>>)
    %dma_start3A_1829 = arith.constant 1 : i32
    %dma_start3A_1830 = arith.constant 1 : i32
    %dma_start3A_1831 = arith.constant 0 : i32
    %dma_start3A_1832 = arith.constant 0 : i32
    %dma_start3A_1833 = tpu.memref_slice %arg2[%add3A, %dma_start3A_1829, %dma_start3A_1830, %dma_start3A_1831, %dma_start3A_1832] : memref<32x7x7x200x128xf32, #tpu.memory_space<hbm>> -> memref<1x1x1x200x128xf32, #tpu.memory_space<hbm>>
    %dma_start3A_1834 = tpu.memref_squeeze %dma_start3A_1833 : memref<1x1x1x200x128xf32, #tpu.memory_space<hbm>> -> memref<200x128xf32, #tpu.memory_space<hbm>>
    %dma_start3A_1835 = arith.constant 0 : i32
    %dma_start3A_1836 = arith.constant 0 : i32
    %dma_start3A_1837 = tpu.memref_slice %arg2[%add3A, %dma_start3A_1829, %dma_start3A_1830, %dma_start3A_1835, %dma_start3A_1836] : memref<32x7x7x200x128xf32, #tpu.memory_space<hbm>> -> memref<1x1x1x200x128xf32, #tpu.memory_space<hbm>>
    %dma_start3A_1838 = tpu.memref_squeeze %dma_start3A_1837 : memref<1x1x1x200x128xf32, #tpu.memory_space<hbm>> -> memref<200x128xf32, #tpu.memory_space<hbm>>
    tpu.enqueue_dma source(%dma_start3A_1838 : memref<200x128xf32, #tpu.memory_space<hbm>>) target(%arg4 : memref<200x128xf32, #tpu.memory_space<vmem>>) target_semaphore(%arg9 : memref<!tpu.dma_semaphore, #tpu.memory_space<semaphore_mem>>)
    %dma_wait3A_1839 = arith.constant 0 : i32
    %dma_wait3A_1840 = arith.constant 0 : i32
    %dma_wait3A_1841 = arith.constant 0 : i32
    %dma_wait3A_1842 = arith.constant 0 : i32
    %dma_wait3A_1843 = tpu.memref_slice %arg3[%add3A, %dma_wait3A_1839, %dma_wait3A_1840, %dma_wait3A_1841, %dma_wait3A_1842] : memref<32x1x56x200x128xf32, #tpu.memory_space<hbm>> -> memref<1x1x1x200x128xf32, #tpu.memory_space<hbm>>
    %dma_wait3A_1844 = tpu.memref_squeeze %dma_wait3A_1843 : memref<1x1x1x200x128xf32, #tpu.memory_space<hbm>> -> memref<200x128xf32, #tpu.memory_space<hbm>>
    %dma_wait3A_1845 = arith.constant 0 : i32
    %dma_wait3A_1846 = arith.constant 0 : i32
    %dma_wait3A_1847 = tpu.memref_slice %arg3[%add3A, %dma_wait3A_1839, %dma_wait3A_1840, %dma_wait3A_1845, %dma_wait3A_1846] : memref<32x1x56x200x128xf32, #tpu.memory_space<hbm>> -> memref<1x1x1x200x128xf32, #tpu.memory_space<hbm>>
    %dma_wait3A_1848 = tpu.memref_squeeze %dma_wait3A_1847 : memref<1x1x1x200x128xf32, #tpu.memory_space<hbm>> -> memref<200x128xf32, #tpu.memory_space<hbm>>
    tpu.wait_dma2 semaphore(%arg16 : memref<!tpu.dma_semaphore, #tpu.memory_space<semaphore_mem>>) src(%arg5 : memref<200x128xf32, #tpu.memory_space<vmem>>) dst(%dma_wait3A_1848 : memref<200x128xf32, #tpu.memory_space<hbm>>)
    %dma_start3A_1849 = arith.constant 0 : i32
    %dma_start3A_1850 = arith.constant 2 : i32
    %dma_start3A_1851 = arith.constant 0 : i32
    %dma_start3A_1852 = arith.constant 0 : i32
    %dma_start3A_1853 = tpu.memref_slice %arg2[%add3A, %dma_start3A_1849, %dma_start3A_1850, %dma_start3A_1851, %dma_start3A_1852] : memref<32x7x7x200x128xf32, #tpu.memory_space<hbm>> -> memref<1x1x1x200x128xf32, #tpu.memory_space<hbm>>
    %dma_start3A_1854 = tpu.memref_squeeze %dma_start3A_1853 : memref<1x1x1x200x128xf32, #tpu.memory_space<hbm>> -> memref<200x128xf32, #tpu.memory_space<hbm>>
    %dma_start3A_1855 = arith.constant 0 : i32
    %dma_start3A_1856 = arith.constant 0 : i32
    %dma_start3A_1857 = tpu.memref_slice %arg2[%add3A, %dma_start3A_1849, %dma_start3A_1850, %dma_start3A_1855, %dma_start3A_1856] : memref<32x7x7x200x128xf32, #tpu.memory_space<hbm>> -> memref<1x1x1x200x128xf32, #tpu.memory_space<hbm>>
    %dma_start3A_1858 = tpu.memref_squeeze %dma_start3A_1857 : memref<1x1x1x200x128xf32, #tpu.memory_space<hbm>> -> memref<200x128xf32, #tpu.memory_space<hbm>>
    tpu.enqueue_dma source(%dma_start3A_1858 : memref<200x128xf32, #tpu.memory_space<hbm>>) target(%arg5 : memref<200x128xf32, #tpu.memory_space<vmem>>) target_semaphore(%arg10 : memref<!tpu.dma_semaphore, #tpu.memory_space<semaphore_mem>>)
    %dma_wait3A_1859 = arith.constant 0 : i32
    %dma_wait3A_1860 = arith.constant 0 : i32
    %dma_wait3A_1861 = arith.constant 0 : i32
    %dma_wait3A_1862 = arith.constant 0 : i32
    %dma_wait3A_1863 = tpu.memref_slice %arg3[%add3A, %dma_wait3A_1859, %dma_wait3A_1860, %dma_wait3A_1861, %dma_wait3A_1862] : memref<32x1x56x200x128xf32, #tpu.memory_space<hbm>> -> memref<1x1x1x200x128xf32, #tpu.memory_space<hbm>>
    %dma_wait3A_1864 = tpu.memref_squeeze %dma_wait3A_1863 : memref<1x1x1x200x128xf32, #tpu.memory_space<hbm>> -> memref<200x128xf32, #tpu.memory_space<hbm>>
    %dma_wait3A_1865 = arith.constant 0 : i32
    %dma_wait3A_1866 = arith.constant 0 : i32
    %dma_wait3A_1867 = tpu.memref_slice %arg3[%add3A, %dma_wait3A_1859, %dma_wait3A_1860, %dma_wait3A_1865, %dma_wait3A_1866] : memref<32x1x56x200x128xf32, #tpu.memory_space<hbm>> -> memref<1x1x1x200x128xf32, #tpu.memory_space<hbm>>
    %dma_wait3A_1868 = tpu.memref_squeeze %dma_wait3A_1867 : memref<1x1x1x200x128xf32, #tpu.memory_space<hbm>> -> memref<200x128xf32, #tpu.memory_space<hbm>>
    tpu.wait_dma2 semaphore(%arg17 : memref<!tpu.dma_semaphore, #tpu.memory_space<semaphore_mem>>) src(%arg6 : memref<200x128xf32, #tpu.memory_space<vmem>>) dst(%dma_wait3A_1868 : memref<200x128xf32, #tpu.memory_space<hbm>>)
    %dma_start3A_1869 = arith.constant 0 : i32
    %dma_start3A_1870 = arith.constant 1 : i32
    %dma_start3A_1871 = arith.constant 0 : i32
    %dma_start3A_1872 = arith.constant 0 : i32
    %dma_start3A_1873 = tpu.memref_slice %arg2[%add3A, %dma_start3A_1869, %dma_start3A_1870, %dma_start3A_1871, %dma_start3A_1872] : memref<32x7x7x200x128xf32, #tpu.memory_space<hbm>> -> memref<1x1x1x200x128xf32, #tpu.memory_space<hbm>>
    %dma_start3A_1874 = tpu.memref_squeeze %dma_start3A_1873 : memref<1x1x1x200x128xf32, #tpu.memory_space<hbm>> -> memref<200x128xf32, #tpu.memory_space<hbm>>
    %dma_start3A_1875 = arith.constant 0 : i32
    %dma_start3A_1876 = arith.constant 0 : i32
    %dma_start3A_1877 = tpu.memref_slice %arg2[%add3A, %dma_start3A_1869, %dma_start3A_1870, %dma_start3A_1875, %dma_start3A_1876] : memref<32x7x7x200x128xf32, #tpu.memory_space<hbm>> -> memref<1x1x1x200x128xf32, #tpu.memory_space<hbm>>
    %dma_start3A_1878 = tpu.memref_squeeze %dma_start3A_1877 : memref<1x1x1x200x128xf32, #tpu.memory_space<hbm>> -> memref<200x128xf32, #tpu.memory_space<hbm>>
    tpu.enqueue_dma source(%dma_start3A_1878 : memref<200x128xf32, #tpu.memory_space<hbm>>) target(%arg6 : memref<200x128xf32, #tpu.memory_space<vmem>>) target_semaphore(%arg11 : memref<!tpu.dma_semaphore, #tpu.memory_space<semaphore_mem>>)
    %dma_wait3A_1879 = arith.constant 0 : i32
    %dma_wait3A_1880 = arith.constant 0 : i32
    %dma_wait3A_1881 = arith.constant 0 : i32
    %dma_wait3A_1882 = arith.constant 0 : i32
    %dma_wait3A_1883 = tpu.memref_slice %arg3[%add3A, %dma_wait3A_1879, %dma_wait3A_1880, %dma_wait3A_1881, %dma_wait3A_1882] : memref<32x1x56x200x128xf32, #tpu.memory_space<hbm>> -> memref<1x1x1x200x128xf32, #tpu.memory_space<hbm>>
    %dma_wait3A_1884 = tpu.memref_squeeze %dma_wait3A_1883 : memref<1x1x1x200x128xf32, #tpu.memory_space<hbm>> -> memref<200x128xf32, #tpu.memory_space<hbm>>
    %dma_wait3A_1885 = arith.constant 0 : i32
    %dma_wait3A_1886 = arith.constant 0 : i32
    %dma_wait3A_1887 = tpu.memref_slice %arg3[%add3A, %dma_wait3A_1879, %dma_wait3A_1880, %dma_wait3A_1885, %dma_wait3A_1886] : memref<32x1x56x200x128xf32, #tpu.memory_space<hbm>> -> memref<1x1x1x200x128xf32, #tpu.memory_space<hbm>>
    %dma_wait3A_1888 = tpu.memref_squeeze %dma_wait3A_1887 : memref<1x1x1x200x128xf32, #tpu.memory_space<hbm>> -> memref<200x128xf32, #tpu.memory_space<hbm>>
    tpu.wait_dma2 semaphore(%arg18 : memref<!tpu.dma_semaphore, #tpu.memory_space<semaphore_mem>>) src(%arg7 : memref<200x128xf32, #tpu.memory_space<vmem>>) dst(%dma_wait3A_1888 : memref<200x128xf32, #tpu.memory_space<hbm>>)
    %dma_start3A_1889 = arith.constant 0 : i32
    %dma_start3A_1890 = arith.constant 0 : i32
    %dma_start3A_1891 = arith.constant 0 : i32
    %dma_start3A_1892 = arith.constant 0 : i32
    %dma_start3A_1893 = tpu.memref_slice %arg2[%add3A, %dma_start3A_1889, %dma_start3A_1890, %dma_start3A_1891, %dma_start3A_1892] : memref<32x7x7x200x128xf32, #tpu.memory_space<hbm>> -> memref<1x1x1x200x128xf32, #tpu.memory_space<hbm>>
    %dma_start3A_1894 = tpu.memref_squeeze %dma_start3A_1893 : memref<1x1x1x200x128xf32, #tpu.memory_space<hbm>> -> memref<200x128xf32, #tpu.memory_space<hbm>>
    %dma_start3A_1895 = arith.constant 0 : i32
    %dma_start3A_1896 = arith.constant 0 : i32
    %dma_start3A_1897 = tpu.memref_slice %arg2[%add3A, %dma_start3A_1889, %dma_start3A_1890, %dma_start3A_1895, %dma_start3A_1896] : memref<32x7x7x200x128xf32, #tpu.memory_space<hbm>> -> memref<1x1x1x200x128xf32, #tpu.memory_space<hbm>>
    %dma_start3A_1898 = tpu.memref_squeeze %dma_start3A_1897 : memref<1x1x1x200x128xf32, #tpu.memory_space<hbm>> -> memref<200x128xf32, #tpu.memory_space<hbm>>
    tpu.enqueue_dma source(%dma_start3A_1898 : memref<200x128xf32, #tpu.memory_space<hbm>>) target(%arg7 : memref<200x128xf32, #tpu.memory_space<vmem>>) target_semaphore(%arg12 : memref<!tpu.dma_semaphore, #tpu.memory_space<semaphore_mem>>)
    %dma_wait3A_1899 = arith.constant 0 : i32
    %dma_wait3A_1900 = arith.constant 0 : i32
    %dma_wait3A_1901 = arith.constant 0 : i32
    %dma_wait3A_1902 = arith.constant 0 : i32
    %dma_wait3A_1903 = tpu.memref_slice %arg2[%add3A, %dma_wait3A_1899, %dma_wait3A_1900, %dma_wait3A_1901, %dma_wait3A_1902] : memref<32x7x7x200x128xf32, #tpu.memory_space<hbm>> -> memref<1x1x1x200x128xf32, #tpu.memory_space<hbm>>
    %dma_wait3A_1904 = tpu.memref_squeeze %dma_wait3A_1903 : memref<1x1x1x200x128xf32, #tpu.memory_space<hbm>> -> memref<200x128xf32, #tpu.memory_space<hbm>>
    %dma_wait3A_1905 = arith.constant 0 : i32
    %dma_wait3A_1906 = arith.constant 0 : i32
    %dma_wait3A_1907 = tpu.memref_slice %arg2[%add3A, %dma_wait3A_1899, %dma_wait3A_1900, %dma_wait3A_1905, %dma_wait3A_1906] : memref<32x7x7x200x128xf32, #tpu.memory_space<hbm>> -> memref<1x1x1x200x128xf32, #tpu.memory_space<hbm>>
    %dma_wait3A_1908 = tpu.memref_squeeze %dma_wait3A_1907 : memref<1x1x1x200x128xf32, #tpu.memory_space<hbm>> -> memref<200x128xf32, #tpu.memory_space<hbm>>
    tpu.wait_dma2 semaphore(%arg9 : memref<!tpu.dma_semaphore, #tpu.memory_space<semaphore_mem>>) src(%dma_wait3A_1908 : memref<200x128xf32, #tpu.memory_space<hbm>>) dst(%arg4 : memref<200x128xf32, #tpu.memory_space<vmem>>)
    %dma_start3A_1909 = arith.constant 0 : i32
    %dma_start3A_1910 = arith.constant 52 : i32
    %dma_start3A_1911 = arith.constant 0 : i32
    %dma_start3A_1912 = arith.constant 0 : i32
    %dma_start3A_1913 = tpu.memref_slice %arg3[%add3A, %dma_start3A_1909, %dma_start3A_1910, %dma_start3A_1911, %dma_start3A_1912] : memref<32x1x56x200x128xf32, #tpu.memory_space<hbm>> -> memref<1x1x1x200x128xf32, #tpu.memory_space<hbm>>
    %dma_start3A_1914 = tpu.memref_squeeze %dma_start3A_1913 : memref<1x1x1x200x128xf32, #tpu.memory_space<hbm>> -> memref<200x128xf32, #tpu.memory_space<hbm>>
    %dma_start3A_1915 = arith.constant 0 : i32
    %dma_start3A_1916 = arith.constant 0 : i32
    %dma_start3A_1917 = tpu.memref_slice %arg3[%add3A, %dma_start3A_1909, %dma_start3A_1910, %dma_start3A_1915, %dma_start3A_1916] : memref<32x1x56x200x128xf32, #tpu.memory_space<hbm>> -> memref<1x1x1x200x128xf32, #tpu.memory_space<hbm>>
    %dma_start3A_1918 = tpu.memref_squeeze %dma_start3A_1917 : memref<1x1x1x200x128xf32, #tpu.memory_space<hbm>> -> memref<200x128xf32, #tpu.memory_space<hbm>>
    tpu.enqueue_dma source(%arg4 : memref<200x128xf32, #tpu.memory_space<vmem>>) target(%dma_start3A_1918 : memref<200x128xf32, #tpu.memory_space<hbm>>) target_semaphore(%arg15 : memref<!tpu.dma_semaphore, #tpu.memory_space<semaphore_mem>>)
    %dma_wait3A_1919 = arith.constant 0 : i32
    %dma_wait3A_1920 = arith.constant 0 : i32
    %dma_wait3A_1921 = arith.constant 0 : i32
    %dma_wait3A_1922 = arith.constant 0 : i32
    %dma_wait3A_1923 = tpu.memref_slice %arg2[%add3A, %dma_wait3A_1919, %dma_wait3A_1920, %dma_wait3A_1921, %dma_wait3A_1922] : memref<32x7x7x200x128xf32, #tpu.memory_space<hbm>> -> memref<1x1x1x200x128xf32, #tpu.memory_space<hbm>>
    %dma_wait3A_1924 = tpu.memref_squeeze %dma_wait3A_1923 : memref<1x1x1x200x128xf32, #tpu.memory_space<hbm>> -> memref<200x128xf32, #tpu.memory_space<hbm>>
    %dma_wait3A_1925 = arith.constant 0 : i32
    %dma_wait3A_1926 = arith.constant 0 : i32
    %dma_wait3A_1927 = tpu.memref_slice %arg2[%add3A, %dma_wait3A_1919, %dma_wait3A_1920, %dma_wait3A_1925, %dma_wait3A_1926] : memref<32x7x7x200x128xf32, #tpu.memory_space<hbm>> -> memref<1x1x1x200x128xf32, #tpu.memory_space<hbm>>
    %dma_wait3A_1928 = tpu.memref_squeeze %dma_wait3A_1927 : memref<1x1x1x200x128xf32, #tpu.memory_space<hbm>> -> memref<200x128xf32, #tpu.memory_space<hbm>>
    tpu.wait_dma2 semaphore(%arg10 : memref<!tpu.dma_semaphore, #tpu.memory_space<semaphore_mem>>) src(%dma_wait3A_1928 : memref<200x128xf32, #tpu.memory_space<hbm>>) dst(%arg5 : memref<200x128xf32, #tpu.memory_space<vmem>>)
    %dma_start3A_1929 = arith.constant 0 : i32
    %dma_start3A_1930 = arith.constant 53 : i32
    %dma_start3A_1931 = arith.constant 0 : i32
    %dma_start3A_1932 = arith.constant 0 : i32
    %dma_start3A_1933 = tpu.memref_slice %arg3[%add3A, %dma_start3A_1929, %dma_start3A_1930, %dma_start3A_1931, %dma_start3A_1932] : memref<32x1x56x200x128xf32, #tpu.memory_space<hbm>> -> memref<1x1x1x200x128xf32, #tpu.memory_space<hbm>>
    %dma_start3A_1934 = tpu.memref_squeeze %dma_start3A_1933 : memref<1x1x1x200x128xf32, #tpu.memory_space<hbm>> -> memref<200x128xf32, #tpu.memory_space<hbm>>
    %dma_start3A_1935 = arith.constant 0 : i32
    %dma_start3A_1936 = arith.constant 0 : i32
    %dma_start3A_1937 = tpu.memref_slice %arg3[%add3A, %dma_start3A_1929, %dma_start3A_1930, %dma_start3A_1935, %dma_start3A_1936] : memref<32x1x56x200x128xf32, #tpu.memory_space<hbm>> -> memref<1x1x1x200x128xf32, #tpu.memory_space<hbm>>
    %dma_start3A_1938 = tpu.memref_squeeze %dma_start3A_1937 : memref<1x1x1x200x128xf32, #tpu.memory_space<hbm>> -> memref<200x128xf32, #tpu.memory_space<hbm>>
    tpu.enqueue_dma source(%arg5 : memref<200x128xf32, #tpu.memory_space<vmem>>) target(%dma_start3A_1938 : memref<200x128xf32, #tpu.memory_space<hbm>>) target_semaphore(%arg16 : memref<!tpu.dma_semaphore, #tpu.memory_space<semaphore_mem>>)
    %dma_wait3A_1939 = arith.constant 0 : i32
    %dma_wait3A_1940 = arith.constant 0 : i32
    %dma_wait3A_1941 = arith.constant 0 : i32
    %dma_wait3A_1942 = arith.constant 0 : i32
    %dma_wait3A_1943 = tpu.memref_slice %arg2[%add3A, %dma_wait3A_1939, %dma_wait3A_1940, %dma_wait3A_1941, %dma_wait3A_1942] : memref<32x7x7x200x128xf32, #tpu.memory_space<hbm>> -> memref<1x1x1x200x128xf32, #tpu.memory_space<hbm>>
    %dma_wait3A_1944 = tpu.memref_squeeze %dma_wait3A_1943 : memref<1x1x1x200x128xf32, #tpu.memory_space<hbm>> -> memref<200x128xf32, #tpu.memory_space<hbm>>
    %dma_wait3A_1945 = arith.constant 0 : i32
    %dma_wait3A_1946 = arith.constant 0 : i32
    %dma_wait3A_1947 = tpu.memref_slice %arg2[%add3A, %dma_wait3A_1939, %dma_wait3A_1940, %dma_wait3A_1945, %dma_wait3A_1946] : memref<32x7x7x200x128xf32, #tpu.memory_space<hbm>> -> memref<1x1x1x200x128xf32, #tpu.memory_space<hbm>>
    %dma_wait3A_1948 = tpu.memref_squeeze %dma_wait3A_1947 : memref<1x1x1x200x128xf32, #tpu.memory_space<hbm>> -> memref<200x128xf32, #tpu.memory_space<hbm>>
    tpu.wait_dma2 semaphore(%arg11 : memref<!tpu.dma_semaphore, #tpu.memory_space<semaphore_mem>>) src(%dma_wait3A_1948 : memref<200x128xf32, #tpu.memory_space<hbm>>) dst(%arg6 : memref<200x128xf32, #tpu.memory_space<vmem>>)
    %dma_start3A_1949 = arith.constant 0 : i32
    %dma_start3A_1950 = arith.constant 54 : i32
    %dma_start3A_1951 = arith.constant 0 : i32
    %dma_start3A_1952 = arith.constant 0 : i32
    %dma_start3A_1953 = tpu.memref_slice %arg3[%add3A, %dma_start3A_1949, %dma_start3A_1950, %dma_start3A_1951, %dma_start3A_1952] : memref<32x1x56x200x128xf32, #tpu.memory_space<hbm>> -> memref<1x1x1x200x128xf32, #tpu.memory_space<hbm>>
    %dma_start3A_1954 = tpu.memref_squeeze %dma_start3A_1953 : memref<1x1x1x200x128xf32, #tpu.memory_space<hbm>> -> memref<200x128xf32, #tpu.memory_space<hbm>>
    %dma_start3A_1955 = arith.constant 0 : i32
    %dma_start3A_1956 = arith.constant 0 : i32
    %dma_start3A_1957 = tpu.memref_slice %arg3[%add3A, %dma_start3A_1949, %dma_start3A_1950, %dma_start3A_1955, %dma_start3A_1956] : memref<32x1x56x200x128xf32, #tpu.memory_space<hbm>> -> memref<1x1x1x200x128xf32, #tpu.memory_space<hbm>>
    %dma_start3A_1958 = tpu.memref_squeeze %dma_start3A_1957 : memref<1x1x1x200x128xf32, #tpu.memory_space<hbm>> -> memref<200x128xf32, #tpu.memory_space<hbm>>
    tpu.enqueue_dma source(%arg6 : memref<200x128xf32, #tpu.memory_space<vmem>>) target(%dma_start3A_1958 : memref<200x128xf32, #tpu.memory_space<hbm>>) target_semaphore(%arg17 : memref<!tpu.dma_semaphore, #tpu.memory_space<semaphore_mem>>)
    %dma_wait3A_1959 = arith.constant 0 : i32
    %dma_wait3A_1960 = arith.constant 0 : i32
    %dma_wait3A_1961 = arith.constant 0 : i32
    %dma_wait3A_1962 = arith.constant 0 : i32
    %dma_wait3A_1963 = tpu.memref_slice %arg2[%add3A, %dma_wait3A_1959, %dma_wait3A_1960, %dma_wait3A_1961, %dma_wait3A_1962] : memref<32x7x7x200x128xf32, #tpu.memory_space<hbm>> -> memref<1x1x1x200x128xf32, #tpu.memory_space<hbm>>
    %dma_wait3A_1964 = tpu.memref_squeeze %dma_wait3A_1963 : memref<1x1x1x200x128xf32, #tpu.memory_space<hbm>> -> memref<200x128xf32, #tpu.memory_space<hbm>>
    %dma_wait3A_1965 = arith.constant 0 : i32
    %dma_wait3A_1966 = arith.constant 0 : i32
    %dma_wait3A_1967 = tpu.memref_slice %arg2[%add3A, %dma_wait3A_1959, %dma_wait3A_1960, %dma_wait3A_1965, %dma_wait3A_1966] : memref<32x7x7x200x128xf32, #tpu.memory_space<hbm>> -> memref<1x1x1x200x128xf32, #tpu.memory_space<hbm>>
    %dma_wait3A_1968 = tpu.memref_squeeze %dma_wait3A_1967 : memref<1x1x1x200x128xf32, #tpu.memory_space<hbm>> -> memref<200x128xf32, #tpu.memory_space<hbm>>
    tpu.wait_dma2 semaphore(%arg12 : memref<!tpu.dma_semaphore, #tpu.memory_space<semaphore_mem>>) src(%dma_wait3A_1968 : memref<200x128xf32, #tpu.memory_space<hbm>>) dst(%arg7 : memref<200x128xf32, #tpu.memory_space<vmem>>)
    %dma_start3A_1969 = arith.constant 0 : i32
    %dma_start3A_1970 = arith.constant 55 : i32
    %dma_start3A_1971 = arith.constant 0 : i32
    %dma_start3A_1972 = arith.constant 0 : i32
    %dma_start3A_1973 = tpu.memref_slice %arg3[%add3A, %dma_start3A_1969, %dma_start3A_1970, %dma_start3A_1971, %dma_start3A_1972] : memref<32x1x56x200x128xf32, #tpu.memory_space<hbm>> -> memref<1x1x1x200x128xf32, #tpu.memory_space<hbm>>
    %dma_start3A_1974 = tpu.memref_squeeze %dma_start3A_1973 : memref<1x1x1x200x128xf32, #tpu.memory_space<hbm>> -> memref<200x128xf32, #tpu.memory_space<hbm>>
    %dma_start3A_1975 = arith.constant 0 : i32
    %dma_start3A_1976 = arith.constant 0 : i32
    %dma_start3A_1977 = tpu.memref_slice %arg3[%add3A, %dma_start3A_1969, %dma_start3A_1970, %dma_start3A_1975, %dma_start3A_1976] : memref<32x1x56x200x128xf32, #tpu.memory_space<hbm>> -> memref<1x1x1x200x128xf32, #tpu.memory_space<hbm>>
    %dma_start3A_1978 = tpu.memref_squeeze %dma_start3A_1977 : memref<1x1x1x200x128xf32, #tpu.memory_space<hbm>> -> memref<200x128xf32, #tpu.memory_space<hbm>>
    tpu.enqueue_dma source(%arg7 : memref<200x128xf32, #tpu.memory_space<vmem>>) target(%dma_start3A_1978 : memref<200x128xf32, #tpu.memory_space<hbm>>) target_semaphore(%arg18 : memref<!tpu.dma_semaphore, #tpu.memory_space<semaphore_mem>>)
    %dma_wait3A_1979 = arith.constant 0 : i32
    %dma_wait3A_1980 = arith.constant 0 : i32
    %dma_wait3A_1981 = arith.constant 0 : i32
    %dma_wait3A_1982 = arith.constant 0 : i32
    %dma_wait3A_1983 = tpu.memref_slice %arg3[%add3A, %dma_wait3A_1979, %dma_wait3A_1980, %dma_wait3A_1981, %dma_wait3A_1982] : memref<32x1x56x200x128xf32, #tpu.memory_space<hbm>> -> memref<1x1x1x200x128xf32, #tpu.memory_space<hbm>>
    %dma_wait3A_1984 = tpu.memref_squeeze %dma_wait3A_1983 : memref<1x1x1x200x128xf32, #tpu.memory_space<hbm>> -> memref<200x128xf32, #tpu.memory_space<hbm>>
    %dma_wait3A_1985 = arith.constant 0 : i32
    %dma_wait3A_1986 = arith.constant 0 : i32
    %dma_wait3A_1987 = tpu.memref_slice %arg3[%add3A, %dma_wait3A_1979, %dma_wait3A_1980, %dma_wait3A_1985, %dma_wait3A_1986] : memref<32x1x56x200x128xf32, #tpu.memory_space<hbm>> -> memref<1x1x1x200x128xf32, #tpu.memory_space<hbm>>
    %dma_wait3A_1988 = tpu.memref_squeeze %dma_wait3A_1987 : memref<1x1x1x200x128xf32, #tpu.memory_space<hbm>> -> memref<200x128xf32, #tpu.memory_space<hbm>>
    tpu.wait_dma2 semaphore(%arg15 : memref<!tpu.dma_semaphore, #tpu.memory_space<semaphore_mem>>) src(%arg4 : memref<200x128xf32, #tpu.memory_space<vmem>>) dst(%dma_wait3A_1988 : memref<200x128xf32, #tpu.memory_space<hbm>>)
    %dma_wait3A_1989 = arith.constant 0 : i32
    %dma_wait3A_1990 = arith.constant 0 : i32
    %dma_wait3A_1991 = arith.constant 0 : i32
    %dma_wait3A_1992 = arith.constant 0 : i32
    %dma_wait3A_1993 = tpu.memref_slice %arg3[%add3A, %dma_wait3A_1989, %dma_wait3A_1990, %dma_wait3A_1991, %dma_wait3A_1992] : memref<32x1x56x200x128xf32, #tpu.memory_space<hbm>> -> memref<1x1x1x200x128xf32, #tpu.memory_space<hbm>>
    %dma_wait3A_1994 = tpu.memref_squeeze %dma_wait3A_1993 : memref<1x1x1x200x128xf32, #tpu.memory_space<hbm>> -> memref<200x128xf32, #tpu.memory_space<hbm>>
    %dma_wait3A_1995 = arith.constant 0 : i32
    %dma_wait3A_1996 = arith.constant 0 : i32
    %dma_wait3A_1997 = tpu.memref_slice %arg3[%add3A, %dma_wait3A_1989, %dma_wait3A_1990, %dma_wait3A_1995, %dma_wait3A_1996] : memref<32x1x56x200x128xf32, #tpu.memory_space<hbm>> -> memref<1x1x1x200x128xf32, #tpu.memory_space<hbm>>
    %dma_wait3A_1998 = tpu.memref_squeeze %dma_wait3A_1997 : memref<1x1x1x200x128xf32, #tpu.memory_space<hbm>> -> memref<200x128xf32, #tpu.memory_space<hbm>>
    tpu.wait_dma2 semaphore(%arg16 : memref<!tpu.dma_semaphore, #tpu.memory_space<semaphore_mem>>) src(%arg5 : memref<200x128xf32, #tpu.memory_space<vmem>>) dst(%dma_wait3A_1998 : memref<200x128xf32, #tpu.memory_space<hbm>>)
    %dma_wait3A_1999 = arith.constant 0 : i32
    %dma_wait3A_2000 = arith.constant 0 : i32
    %dma_wait3A_2001 = arith.constant 0 : i32
    %dma_wait3A_2002 = arith.constant 0 : i32
    %dma_wait3A_2003 = tpu.memref_slice %arg3[%add3A, %dma_wait3A_1999, %dma_wait3A_2000, %dma_wait3A_2001, %dma_wait3A_2002] : memref<32x1x56x200x128xf32, #tpu.memory_space<hbm>> -> memref<1x1x1x200x128xf32, #tpu.memory_space<hbm>>
    %dma_wait3A_2004 = tpu.memref_squeeze %dma_wait3A_2003 : memref<1x1x1x200x128xf32, #tpu.memory_space<hbm>> -> memref<200x128xf32, #tpu.memory_space<hbm>>
    %dma_wait3A_2005 = arith.constant 0 : i32
    %dma_wait3A_2006 = arith.constant 0 : i32
    %dma_wait3A_2007 = tpu.memref_slice %arg3[%add3A, %dma_wait3A_1999, %dma_wait3A_2000, %dma_wait3A_2005, %dma_wait3A_2006] : memref<32x1x56x200x128xf32, #tpu.memory_space<hbm>> -> memref<1x1x1x200x128xf32, #tpu.memory_space<hbm>>
    %dma_wait3A_2008 = tpu.memref_squeeze %dma_wait3A_2007 : memref<1x1x1x200x128xf32, #tpu.memory_space<hbm>> -> memref<200x128xf32, #tpu.memory_space<hbm>>
    tpu.wait_dma2 semaphore(%arg17 : memref<!tpu.dma_semaphore, #tpu.memory_space<semaphore_mem>>) src(%arg6 : memref<200x128xf32, #tpu.memory_space<vmem>>) dst(%dma_wait3A_2008 : memref<200x128xf32, #tpu.memory_space<hbm>>)
    %dma_wait3A_2009 = arith.constant 0 : i32
    %dma_wait3A_2010 = arith.constant 0 : i32
    %dma_wait3A_2011 = arith.constant 0 : i32
    %dma_wait3A_2012 = arith.constant 0 : i32
    %dma_wait3A_2013 = tpu.memref_slice %arg3[%add3A, %dma_wait3A_2009, %dma_wait3A_2010, %dma_wait3A_2011, %dma_wait3A_2012] : memref<32x1x56x200x128xf32, #tpu.memory_space<hbm>> -> memref<1x1x1x200x128xf32, #tpu.memory_space<hbm>>
    %dma_wait3A_2014 = tpu.memref_squeeze %dma_wait3A_2013 : memref<1x1x1x200x128xf32, #tpu.memory_space<hbm>> -> memref<200x128xf32, #tpu.memory_space<hbm>>
    %dma_wait3A_2015 = arith.constant 0 : i32
    %dma_wait3A_2016 = arith.constant 0 : i32
    %dma_wait3A_2017 = tpu.memref_slice %arg3[%add3A, %dma_wait3A_2009, %dma_wait3A_2010, %dma_wait3A_2015, %dma_wait3A_2016] : memref<32x1x56x200x128xf32, #tpu.memory_space<hbm>> -> memref<1x1x1x200x128xf32, #tpu.memory_space<hbm>>
    %dma_wait3A_2018 = tpu.memref_squeeze %dma_wait3A_2017 : memref<1x1x1x200x128xf32, #tpu.memory_space<hbm>> -> memref<200x128xf32, #tpu.memory_space<hbm>>
    tpu.wait_dma2 semaphore(%arg18 : memref<!tpu.dma_semaphore, #tpu.memory_space<semaphore_mem>>) src(%arg7 : memref<200x128xf32, #tpu.memory_space<vmem>>) dst(%dma_wait3A_2018 : memref<200x128xf32, #tpu.memory_space<hbm>>)
    %dma_wait3A_2019 = arith.constant 0 : i32
    %dma_wait3A_2020 = arith.constant 0 : i32
    %dma_wait3A_2021 = arith.constant 0 : i32
    %dma_wait3A_2022 = arith.constant 0 : i32
    %dma_wait3A_2023 = tpu.memref_slice %arg3[%add3A, %dma_wait3A_2019, %dma_wait3A_2020, %dma_wait3A_2021, %dma_wait3A_2022] : memref<32x1x56x200x128xf32, #tpu.memory_space<hbm>> -> memref<1x1x1x200x128xf32, #tpu.memory_space<hbm>>
    %dma_wait3A_2024 = tpu.memref_squeeze %dma_wait3A_2023 : memref<1x1x1x200x128xf32, #tpu.memory_space<hbm>> -> memref<200x128xf32, #tpu.memory_space<hbm>>
    %dma_wait3A_2025 = arith.constant 0 : i32
    %dma_wait3A_2026 = arith.constant 0 : i32
    %dma_wait3A_2027 = tpu.memref_slice %arg3[%add3A, %dma_wait3A_2019, %dma_wait3A_2020, %dma_wait3A_2025, %dma_wait3A_2026] : memref<32x1x56x200x128xf32, #tpu.memory_space<hbm>> -> memref<1x1x1x200x128xf32, #tpu.memory_space<hbm>>
    %dma_wait3A_2028 = tpu.memref_squeeze %dma_wait3A_2027 : memref<1x1x1x200x128xf32, #tpu.memory_space<hbm>> -> memref<200x128xf32, #tpu.memory_space<hbm>>
    tpu.wait_dma2 semaphore(%arg14 : memref<!tpu.dma_semaphore, #tpu.memory_space<semaphore_mem>>) src(%arg8 : memref<200x128xf32, #tpu.memory_space<vmem>>) dst(%dma_wait3A_2028 : memref<200x128xf32, #tpu.memory_space<hbm>>)
    %dma_wait3A_2029 = arith.constant 0 : i32
    %dma_wait3A_2030 = arith.constant 0 : i32
    %dma_wait3A_2031 = arith.constant 0 : i32
    %dma_wait3A_2032 = arith.constant 0 : i32
    %dma_wait3A_2033 = tpu.memref_slice %arg3[%add3A, %dma_wait3A_2029, %dma_wait3A_2030, %dma_wait3A_2031, %dma_wait3A_2032] : memref<32x1x56x200x128xf32, #tpu.memory_space<hbm>> -> memref<1x1x1x200x128xf32, #tpu.memory_space<hbm>>
    %dma_wait3A_2034 = tpu.memref_squeeze %dma_wait3A_2033 : memref<1x1x1x200x128xf32, #tpu.memory_space<hbm>> -> memref<200x128xf32, #tpu.memory_space<hbm>>
    %dma_wait3A_2035 = arith.constant 0 : i32
    %dma_wait3A_2036 = arith.constant 0 : i32
    %dma_wait3A_2037 = tpu.memref_slice %arg3[%add3A, %dma_wait3A_2029, %dma_wait3A_2030, %dma_wait3A_2035, %dma_wait3A_2036] : memref<32x1x56x200x128xf32, #tpu.memory_space<hbm>> -> memref<1x1x1x200x128xf32, #tpu.memory_space<hbm>>
    %dma_wait3A_2038 = tpu.memref_squeeze %dma_wait3A_2037 : memref<1x1x1x200x128xf32, #tpu.memory_space<hbm>> -> memref<200x128xf32, #tpu.memory_space<hbm>>
    tpu.wait_dma2 semaphore(%arg14 : memref<!tpu.dma_semaphore, #tpu.memory_space<semaphore_mem>>) src(%arg8 : memref<200x128xf32, #tpu.memory_space<vmem>>) dst(%dma_wait3A_2038 : memref<200x128xf32, #tpu.memory_space<hbm>>)
    %dma_wait3A_2039 = arith.constant 0 : i32
    %dma_wait3A_2040 = arith.constant 0 : i32
    %dma_wait3A_2041 = arith.constant 0 : i32
    %dma_wait3A_2042 = arith.constant 0 : i32
    %dma_wait3A_2043 = tpu.memref_slice %arg3[%add3A, %dma_wait3A_2039, %dma_wait3A_2040, %dma_wait3A_2041, %dma_wait3A_2042] : memref<32x1x56x200x128xf32, #tpu.memory_space<hbm>> -> memref<1x1x1x200x128xf32, #tpu.memory_space<hbm>>
    %dma_wait3A_2044 = tpu.memref_squeeze %dma_wait3A_2043 : memref<1x1x1x200x128xf32, #tpu.memory_space<hbm>> -> memref<200x128xf32, #tpu.memory_space<hbm>>
    %dma_wait3A_2045 = arith.constant 0 : i32
    %dma_wait3A_2046 = arith.constant 0 : i32
    %dma_wait3A_2047 = tpu.memref_slice %arg3[%add3A, %dma_wait3A_2039, %dma_wait3A_2040, %dma_wait3A_2045, %dma_wait3A_2046] : memref<32x1x56x200x128xf32, #tpu.memory_space<hbm>> -> memref<1x1x1x200x128xf32, #tpu.memory_space<hbm>>
    %dma_wait3A_2048 = tpu.memref_squeeze %dma_wait3A_2047 : memref<1x1x1x200x128xf32, #tpu.memory_space<hbm>> -> memref<200x128xf32, #tpu.memory_space<hbm>>
    tpu.wait_dma2 semaphore(%arg14 : memref<!tpu.dma_semaphore, #tpu.memory_space<semaphore_mem>>) src(%arg8 : memref<200x128xf32, #tpu.memory_space<vmem>>) dst(%dma_wait3A_2048 : memref<200x128xf32, #tpu.memory_space<hbm>>)
    %dma_wait3A_2049 = arith.constant 0 : i32
    %dma_wait3A_2050 = arith.constant 0 : i32
    %dma_wait3A_2051 = arith.constant 0 : i32
    %dma_wait3A_2052 = arith.constant 0 : i32
    %dma_wait3A_2053 = tpu.memref_slice %arg3[%add3A, %dma_wait3A_2049, %dma_wait3A_2050, %dma_wait3A_2051, %dma_wait3A_2052] : memref<32x1x56x200x128xf32, #tpu.memory_space<hbm>> -> memref<1x1x1x200x128xf32, #tpu.memory_space<hbm>>
    %dma_wait3A_2054 = tpu.memref_squeeze %dma_wait3A_2053 : memref<1x1x1x200x128xf32, #tpu.memory_space<hbm>> -> memref<200x128xf32, #tpu.memory_space<hbm>>
    %dma_wait3A_2055 = arith.constant 0 : i32
    %dma_wait3A_2056 = arith.constant 0 : i32
    %dma_wait3A_2057 = tpu.memref_slice %arg3[%add3A, %dma_wait3A_2049, %dma_wait3A_2050, %dma_wait3A_2055, %dma_wait3A_2056] : memref<32x1x56x200x128xf32, #tpu.memory_space<hbm>> -> memref<1x1x1x200x128xf32, #tpu.memory_space<hbm>>
    %dma_wait3A_2058 = tpu.memref_squeeze %dma_wait3A_2057 : memref<1x1x1x200x128xf32, #tpu.memory_space<hbm>> -> memref<200x128xf32, #tpu.memory_space<hbm>>
    tpu.wait_dma2 semaphore(%arg14 : memref<!tpu.dma_semaphore, #tpu.memory_space<semaphore_mem>>) src(%arg8 : memref<200x128xf32, #tpu.memory_space<vmem>>) dst(%dma_wait3A_2058 : memref<200x128xf32, #tpu.memory_space<hbm>>)
    %dma_wait3A_2059 = arith.constant 0 : i32
    %dma_wait3A_2060 = arith.constant 0 : i32
    %dma_wait3A_2061 = arith.constant 0 : i32
    %dma_wait3A_2062 = arith.constant 0 : i32
    %dma_wait3A_2063 = tpu.memref_slice %arg3[%add3A, %dma_wait3A_2059, %dma_wait3A_2060, %dma_wait3A_2061, %dma_wait3A_2062] : memref<32x1x56x200x128xf32, #tpu.memory_space<hbm>> -> memref<1x1x1x200x128xf32, #tpu.memory_space<hbm>>
    %dma_wait3A_2064 = tpu.memref_squeeze %dma_wait3A_2063 : memref<1x1x1x200x128xf32, #tpu.memory_space<hbm>> -> memref<200x128xf32, #tpu.memory_space<hbm>>
    %dma_wait3A_2065 = arith.constant 0 : i32
    %dma_wait3A_2066 = arith.constant 0 : i32
    %dma_wait3A_2067 = tpu.memref_slice %arg3[%add3A, %dma_wait3A_2059, %dma_wait3A_2060, %dma_wait3A_2065, %dma_wait3A_2066] : memref<32x1x56x200x128xf32, #tpu.memory_space<hbm>> -> memref<1x1x1x200x128xf32, #tpu.memory_space<hbm>>
    %dma_wait3A_2068 = tpu.memref_squeeze %dma_wait3A_2067 : memref<1x1x1x200x128xf32, #tpu.memory_space<hbm>> -> memref<200x128xf32, #tpu.memory_space<hbm>>
    tpu.wait_dma2 semaphore(%arg14 : memref<!tpu.dma_semaphore, #tpu.memory_space<semaphore_mem>>) src(%arg8 : memref<200x128xf32, #tpu.memory_space<vmem>>) dst(%dma_wait3A_2068 : memref<200x128xf32, #tpu.memory_space<hbm>>)
    %dma_wait3A_2069 = arith.constant 0 : i32
    %dma_wait3A_2070 = arith.constant 0 : i32
    %dma_wait3A_2071 = arith.constant 0 : i32
    %dma_wait3A_2072 = arith.constant 0 : i32
    %dma_wait3A_2073 = tpu.memref_slice %arg3[%add3A, %dma_wait3A_2069, %dma_wait3A_2070, %dma_wait3A_2071, %dma_wait3A_2072] : memref<32x1x56x200x128xf32, #tpu.memory_space<hbm>> -> memref<1x1x1x200x128xf32, #tpu.memory_space<hbm>>
    %dma_wait3A_2074 = tpu.memref_squeeze %dma_wait3A_2073 : memref<1x1x1x200x128xf32, #tpu.memory_space<hbm>> -> memref<200x128xf32, #tpu.memory_space<hbm>>
    %dma_wait3A_2075 = arith.constant 0 : i32
    %dma_wait3A_2076 = arith.constant 0 : i32
    %dma_wait3A_2077 = tpu.memref_slice %arg3[%add3A, %dma_wait3A_2069, %dma_wait3A_2070, %dma_wait3A_2075, %dma_wait3A_2076] : memref<32x1x56x200x128xf32, #tpu.memory_space<hbm>> -> memref<1x1x1x200x128xf32, #tpu.memory_space<hbm>>
    %dma_wait3A_2078 = tpu.memref_squeeze %dma_wait3A_2077 : memref<1x1x1x200x128xf32, #tpu.memory_space<hbm>> -> memref<200x128xf32, #tpu.memory_space<hbm>>
    tpu.wait_dma2 semaphore(%arg14 : memref<!tpu.dma_semaphore, #tpu.memory_space<semaphore_mem>>) src(%arg8 : memref<200x128xf32, #tpu.memory_space<vmem>>) dst(%dma_wait3A_2078 : memref<200x128xf32, #tpu.memory_space<hbm>>)
    %dma_wait3A_2079 = arith.constant 0 : i32
    %dma_wait3A_2080 = arith.constant 0 : i32
    %dma_wait3A_2081 = arith.constant 0 : i32
    %dma_wait3A_2082 = arith.constant 0 : i32
    %dma_wait3A_2083 = tpu.memref_slice %arg3[%add3A, %dma_wait3A_2079, %dma_wait3A_2080, %dma_wait3A_2081, %dma_wait3A_2082] : memref<32x1x56x200x128xf32, #tpu.memory_space<hbm>> -> memref<1x1x1x200x128xf32, #tpu.memory_space<hbm>>
    %dma_wait3A_2084 = tpu.memref_squeeze %dma_wait3A_2083 : memref<1x1x1x200x128xf32, #tpu.memory_space<hbm>> -> memref<200x128xf32, #tpu.memory_space<hbm>>
    %dma_wait3A_2085 = arith.constant 0 : i32
    %dma_wait3A_2086 = arith.constant 0 : i32
    %dma_wait3A_2087 = tpu.memref_slice %arg3[%add3A, %dma_wait3A_2079, %dma_wait3A_2080, %dma_wait3A_2085, %dma_wait3A_2086] : memref<32x1x56x200x128xf32, #tpu.memory_space<hbm>> -> memref<1x1x1x200x128xf32, #tpu.memory_space<hbm>>
    %dma_wait3A_2088 = tpu.memref_squeeze %dma_wait3A_2087 : memref<1x1x1x200x128xf32, #tpu.memory_space<hbm>> -> memref<200x128xf32, #tpu.memory_space<hbm>>
    tpu.wait_dma2 semaphore(%arg14 : memref<!tpu.dma_semaphore, #tpu.memory_space<semaphore_mem>>) src(%arg8 : memref<200x128xf32, #tpu.memory_space<vmem>>) dst(%dma_wait3A_2088 : memref<200x128xf32, #tpu.memory_space<hbm>>)
    %dma_wait3A_2089 = arith.constant 0 : i32
    %dma_wait3A_2090 = arith.constant 0 : i32
    %dma_wait3A_2091 = arith.constant 0 : i32
    %dma_wait3A_2092 = arith.constant 0 : i32
    %dma_wait3A_2093 = tpu.memref_slice %arg3[%add3A, %dma_wait3A_2089, %dma_wait3A_2090, %dma_wait3A_2091, %dma_wait3A_2092] : memref<32x1x56x200x128xf32, #tpu.memory_space<hbm>> -> memref<1x1x1x200x128xf32, #tpu.memory_space<hbm>>
    %dma_wait3A_2094 = tpu.memref_squeeze %dma_wait3A_2093 : memref<1x1x1x200x128xf32, #tpu.memory_space<hbm>> -> memref<200x128xf32, #tpu.memory_space<hbm>>
    %dma_wait3A_2095 = arith.constant 0 : i32
    %dma_wait3A_2096 = arith.constant 0 : i32
    %dma_wait3A_2097 = tpu.memref_slice %arg3[%add3A, %dma_wait3A_2089, %dma_wait3A_2090, %dma_wait3A_2095, %dma_wait3A_2096] : memref<32x1x56x200x128xf32, #tpu.memory_space<hbm>> -> memref<1x1x1x200x128xf32, #tpu.memory_space<hbm>>
    %dma_wait3A_2098 = tpu.memref_squeeze %dma_wait3A_2097 : memref<1x1x1x200x128xf32, #tpu.memory_space<hbm>> -> memref<200x128xf32, #tpu.memory_space<hbm>>
    tpu.wait_dma2 semaphore(%arg14 : memref<!tpu.dma_semaphore, #tpu.memory_space<semaphore_mem>>) src(%arg8 : memref<200x128xf32, #tpu.memory_space<vmem>>) dst(%dma_wait3A_2098 : memref<200x128xf32, #tpu.memory_space<hbm>>)
    return
  }
}

</mosaic_0001>

<sc_bundles>
// kernel: kernel.3.cloned.1.call-start
scs
__scs_entry_jumppad:
0x0: {  	(pc) =	sbr.rel $0x88, $3  }
0x1: {  	(tag) =	ssettag $0x0;
	lr =	simm.s32 $0x1  }
0x2: {  	[smem:$0x3FA0] =	sst lr;
	_ =	strace $0xD0000000  }
0x3: {  	_ = 	snop  }
0x4: {  	_ = 	snop  }
0x5: {  	_ = 	snop  }
0x6: {  	_ = 	snop  }
0x7: {  	_ = 	snop  }
__scs_overlays_trampoline_lowered:
0x8: {  	[smem:$0x3FAF] =	sst s0  }
0x9: {  	[smem:$0x3FB0] =	sst s1  }
0xa: {  	[smem:$0x3FB1] =	sst s2  }
0xb: {  	[smem:$0x3FB2] =	sst s3  }
0xc: {  	[smem:$0x3FB3] =	sst s4  }
0xd: {  	[smem:$0x3FB4] =	sst s5  }
0xe: {  	[smem:$0x3FB5] =	sst s6  }
0xf: {  	[smem:$0x3FB6] =	sst s7  }
0x10: {  	[smem:$0x3FB7] =	sst s8  }
0x11: {  	[smem:$0x3FB8] =	sst s9;
	s0 =	simm.s32 @!p0 $0x0  }
0x12: {  	s1 =	sld [smem:$0x3F9E];
	s0 =	simm.s32 @p0 $0x1  }
0x13: {  	[smem:$0x3FB9] =	sst s0;
	s0 =	simm.s32 @!p1 $0x0  }
0x14: {  	s2 =	sld [smem:$0x3F9D];
	s0 =	simm.s32 @p1 $0x1  }
0x15: {  	[smem:$0x3FBA] =	sst s0;
	s0 =	simm.s32 @!p2 $0x0  }
0x16: {  	s3 =	sld [smem:$0x3FDB];
	s0 =	simm.s32 @p2 $0x1  }
0x17: {  	s4 =	simm.s32 $0x1BF5;
	[smem:$0x3FBC] =	sst s0  }
0x18: {  	s0 =	sld [smem:$0x3F9F];
	_ =	swait.ge [sflag:s4], $0x0  }
0x19: {  	s7 =	sld [smem:$0x3FA0]  }
0x1a: {  	s8 =	sadd.s32 $0xFFFFE003, lr  }
0x1b: {  	s9 =	sadd.s32 $0xFFFFFEF7, lr;
	s5 =	simm.s32 $0xFFFFFFFF;
	p2 =	slt.u32 s8, $0xFFFFF086  }
0x1c: {  	p1 =	slt.u32 s9, $0xF7A;
	s5 =	simm.s32 @!p2 $0x0  }
0x1d: {  	s5 =	simm.s32 @p1 $0x1;
	p0 =	seq.s32 s7, s2  }
0x1e: {  	s7 =	smul.u32 @!p0 $0xF7A, s2;
	p2 =	seq.s32 @!p0 s5, $0x0  }
0x1f: {  	s9 =	smul.u32 $0xF7A, s1;
	s8 =	simm.s32 @!p0 $0x1BF5;
	p2 =	por !p2, p0  }
0x20: {  	[sflag:s8] =	ssyncset.s32 @!p0 $0xFFFFF086;
	s6 =	sadd.s32 @!p0 s3, s7;
	s7 =	simm.s32 @!p0 $0x108  }
0x21: {  	s3 =	sadd.s32 s3, s9;
	s6 =	sadd.s32 @!p0 $0x88, s6;
	s7 =	simm.s32 @p2 $0x1082  }
0x22: {  	[simem:s7], [sflag:s8] =	dma.local @!p0 [hbm:s6], $0xF7A  }
0x23: {  	s9 =	sor.u32 $0xD0000000, s2;
	s6 =	simm.s32 $0x108;
	_ =	swait.ge @!p0 [sflag:s8], $0x0  }
0x24: {  	s3 =	sadd.s32 $0x88, s3;
	s6 =	simm.s32 @!p1 $0x1082;
	[sflag:s4] =	ssyncset.s32 $0xFFFFF086  }
0x25: {  	[simem:s6], [sflag:s4] =	dma.local [hbm:s3], $0xF7A  }
0x26: {  	[smem:$0x3FA0] =	sst s1;
	(tag) =	ssettag s2;
	_ =	strace s9  }
0x27: {  	s1 =	sld [smem:$0x3FB0]  }
0x28: {  	s2 =	sld [smem:$0x3FB1]  }
0x29: {  	s4 =	sld [smem:$0x3FB3]  }
0x2a: {  	p0 =	seq.s32 s5, $0x0;
	s5 =	sld [smem:$0x3FB4]  }
0x2b: {  	s6 =	sld [smem:$0x3FB5]  }
0x2c: {  	s7 =	sld [smem:$0x3FB6]  }
0x2d: {  	s3 =	simm.s32 $0x108;
	s8 =	sld [smem:$0x3FB7]  }
0x2e: {  	s3 =	simm.s32 @!p0 $0x1082;
	s9 =	sld [smem:$0x3FB8]  }
0x2f: {  	lr =	sadd.s32 s0, s3;
	s0 =	sld [smem:$0x3FAF]  }
0x30: {  	s3 =	sld [smem:$0x3FB2]  }
0x31: {  	[smem:$0x3FBB] =	sst s10  }
0x32: {  	s10 =	sld [smem:$0x3FB9];
	_ =	sdelay $0x3  }
0x33: {  	p0 =	seq.s32 s10, $0x1;
	s10 =	sld [smem:$0x3FBB];
	_ =	sdelay $0x3  }
0x34: {  	[smem:$0x3FBB] =	sst s10  }
0x35: {  	s10 =	sld [smem:$0x3FBA];
	_ =	sdelay $0x3  }
0x36: {  	p1 =	seq.s32 s10, $0x1;
	s10 =	sld [smem:$0x3FBB];
	_ =	sdelay $0x3  }
0x37: {  	[smem:$0x3FBB] =	sst s10  }
0x38: {  	s10 =	sld [smem:$0x3FBC]  }
0x39: {  	_ = 	snop;
	(pc) =	sbr.ind lr, $3  }
0x3a: {  	_ = 	snop  }
0x3b: {  	_ = 	snop  }
0x3c: {  	p2 =	seq.s32 s10, $0x1;
	s10 =	sld [smem:$0x3FBB]  }
0x3d: {  	_ =	shalt  }
0x3e: {  	_ =	shalt  }
0x3f: {  	_ =	shalt  }
0x40: {  	_ =	shalt  }
0x41: {  	_ =	shalt  }
0x42: {  	_ =	shalt  }
0x43: {  	_ =	shalt  }
0x44: {  	_ =	shalt  }
0x45: {  	_ =	shalt  }
0x46: {  	_ =	shalt  }
0x47: {  	_ =	shalt  }
0x48: {  	_ =	shalt  }
0x49: {  	_ =	shalt  }
0x4a: {  	_ =	shalt  }
0x4b: {  	_ =	shalt  }
0x4c: {  	_ =	shalt  }
0x4d: {  	_ =	shalt  }
0x4e: {  	_ =	shalt  }
0x4f: {  	_ =	shalt  }
0x50: {  	_ =	shalt  }
0x51: {  	_ =	shalt  }
0x52: {  	_ =	shalt  }
0x53: {  	_ =	shalt  }
0x54: {  	_ =	shalt  }
0x55: {  	_ =	shalt  }
0x56: {  	_ =	shalt  }
0x57: {  	_ =	shalt  }
0x58: {  	_ =	shalt  }
0x59: {  	_ =	shalt  }
0x5a: {  	_ =	shalt  }
0x5b: {  	_ =	shalt  }
0x5c: {  	_ =	shalt  }
0x5d: {  	_ =	shalt  }
0x5e: {  	_ =	shalt  }
0x5f: {  	_ =	shalt  }
0x60: {  	_ =	shalt  }
0x61: {  	_ =	shalt  }
0x62: {  	_ =	shalt  }
0x63: {  	_ =	shalt  }
0x64: {  	_ =	shalt  }
0x65: {  	_ =	shalt  }
0x66: {  	_ =	shalt  }
0x67: {  	_ =	shalt  }
0x68: {  	_ =	shalt  }
0x69: {  	_ =	shalt  }
0x6a: {  	_ =	shalt  }
0x6b: {  	_ =	shalt  }
0x6c: {  	_ =	shalt  }
0x6d: {  	_ =	shalt  }
0x6e: {  	_ =	shalt  }
0x6f: {  	_ =	shalt  }
0x70: {  	_ =	shalt  }
0x71: {  	_ =	shalt  }
0x72: {  	_ =	shalt  }
0x73: {  	_ =	shalt  }
0x74: {  	_ =	shalt  }
0x75: {  	_ =	shalt  }
0x76: {  	_ =	shalt  }
0x77: {  	_ =	shalt  }
0x78: {  	_ =	shalt  }
0x79: {  	_ =	shalt  }
0x7a: {  	_ =	shalt  }
0x7b: {  	_ =	shalt  }
0x7c: {  	_ =	shalt  }
0x7d: {  	_ =	shalt  }
0x7e: {  	_ =	shalt  }
0x7f: {  	_ =	shalt  }
0x80: {  	_ =	shalt  }
0x81: {  	_ =	shalt  }
0x82: {  	_ =	shalt  }
0x83: {  	_ =	shalt  }
0x84: {  	_ =	shalt  }
0x85: {  	_ =	shalt  }
0x86: {  	_ =	shalt  }
0x87: {  	_ =	shalt  }
.Lfunc_end0:
.L_simem_size_0:
called_computation_lowered:
.L_overlay_start_0:
0x88: {  	s2 =	sld [smem:$0x3FD9]  }
0x89: {  	s3 =	sld [smem:$0x3FFE];
	_ =	sdelay $0x1  }
0x8a: {  	s1 =	srdreg.scid  }
0x8b: {  	s0 =	sand.u32 $0x1, s1  }
0x8c: {  	s18 =	sshll.u32 s0, $0xA;
	s2 =	sadd.s32 s3, s2  }
0x8d: {  	s2 =	sadd.s32 s2, s18  }
0x8e: {  	[smem:$0x3FC7] =	sst s2  }
0x8f: {  	_ = 	snop  }
0x90: {  	s2 =	sld [smem:$0x3FC9]  }
0x91: {  	s19 =	sld [smem:$0x3FD0];
	(tm) =	ssettm $0x1  }
0x92: {  	s4 =	sld [smem:$0x3FFB];
	_ =	sdelay $0x3  }
0x93: {  	_ =	strace s4  }
0x94: {  	s4 =	sld [smem:$0x3FFC];
	_ =	sdelay $0x3  }
0x95: {  	_ =	strace s4  }
0x96: {  	s4 =	sld [smem:$0x3FFD];
	_ =	sdelay $0x3  }
0x97: {  	_ =	strace s4  }
0x98: {  	_ =	strace $0x8FFFFFFF  }
0x99: {  	s20 =	sld [smem:$0x3FDB];
	_ =	sdelay $0x1  }
0x9a: {  	s5 =	simm.s32 $_scs_section_size  }
0x9b: {  	s6 =	simm.s32 $_size__tile_overlayer_lowered;
	s7 =	simm.s32 $_tile_overlayer_lowered  }
0x9c: {  	s23 =	simm.s32 $0x1BFF;
	s22 =	sshll.u32 s7, $0x1;
	s4 =	sadd.s32 s5, s20  }
0x9d: {  	s8 =	simm.s32 $0x0;
	s21 =	sshll.u32 s6, $0x1;
	s6 =	sadd.s32 s22, s4  }
0x9e: {  	[timem:s8], [sflag:s23] =	dma.local [hbm:s6], s21  }
0x9f: {  	_ =	swait.ge [sflag:s23], s21  }
0xa0: {  	s5 =	ssub.s32 $0x0, s21;
	[sflag:s23] =	ssyncset.done $0x0  }
0xa1: {  	[sflag:s23] =	ssyncadd.s32 s5;
	_ =	sdelay $0x1  }
0xa2: {  	s24 =	simm.s32 $0x1B8B  }
0xa3: {  	_ =	swait.ge [sflag:s24], $0x1  }
0xa4: {  	[sflag:s24] =	ssyncset.done $0x0  }
0xa5: {  	s25 =	simm.s32 $0x1B8E;
	[sflag:s24] =	ssyncadd.s32 $0xFFFFFFFF  }
0xa6: {  	s26 =	simm.s32 $execute0_lowered;
	[smem:$0x3FD2] =	sst s25  }
0xa7: {  	s5 =	sshll.u32 s26, $0x1;
	_ =	strace $0x80000046;
	[dreg:$0x1] =	wrdreg $0xFFFFFFFF  }
0xa8: {  	s28 =	simm.s32 $_size_execute0_lowered;
	s4 =	sadd.s32 s4, s5;
	[dreg:$0x0] =	wrdreg $0x0  }
0xa9: {  	s5 =	sshll.u32 s28, $0x1;
	[dreg:$0x2] =	wrdreg s4  }
0xaa: {  	[dreg:$0x3] =	wrdreg s5  }
0xab: {  	[dreg:$0x4] =	wrdreg $0xC0  }
0xac: {  	_ =	task [dreg:s8], $0x5FFFF  }
0xad: {  	[dreg:$0x1] =	wrdreg $0xFFFFFFFF  }
0xae: {  	[dreg:$0x0] =	wrdreg $0x60  }
0xaf: {  	[dreg:$0x2] =	wrdreg s2  }
0xb0: {  	[dreg:$0x3] =	wrdreg s19  }
0xb1: {  	[dreg:$0x4] =	wrdreg $0x9  }
0xb2: {  	_ =	task.clear_ibuf [dreg:s8], $0x5FFFF;
	_ =	strace $0x90000046  }
0xb3: {  	s29 =	simm.s32 $0x9;
	_ =	strace $0x80000048  }
0xb4: {  	_ =	swait.ge [sflag:s29], $0x1  }
0xb5: {  	[sflag:s29] =	ssyncadd.s32 $0xFFFFFFFF  }
0xb6: {  	_ =	strace $0x90000048  }
0xb7: {  	_ =	sfence  }
0xb8: {  	s30 =	sld [smem:$0x0];
	_ =	sdelay $0x2  }
0xb9: {  	s31 =	sshll.u32 s1, $0xD;
	s1 =	sshrl.u32 s1, $0x2  }
0xba: {  	s3 =	sand.u32 $0x4000, s31;
	s1 =	sadd.s32 s1, s30  }
0xbb: {  	s0 =	sor.u32 s3, s0;
	s1 =	sshll.u32 s1, $0x11  }
0xbc: {  	s0 =	sor.u32 s1, s0  }
0xbd: {  	s0 =	sadd.s32 $0x8F2B, s0  }
0xbe: {  	[sflag:s0] =	ssyncadd.remote.s32 $0x1  }
0xbf: {  	_ =	sfence.sel $0xFFFF  }
0xc0: {  	[dreg:$0x0] =	wrdreg $0xFFFFFFFF;
	(pc) =	sbr.abs _section_cstart, $3  }
0xc1: {  	[dreg:$0x1] =	wrdreg $0xFFFFFFFF  }
0xc2: {  	_ =	task.clear_ibuf [dreg:s8], $0x2FFFF;
	_ =	strace $0x9FFFFFFF  }
0xc3: {  	(tm) =	ssettm $0x7FFFFFFF  }
tec
execute0_lowered:
.L_overlay_start_1:
0x0: {  	(tag) =	ssettag $0x1  }
0x1: {  	s0 =	srdreg.scid;
	s2 =	stileid.u32  }
0x2: {  	s1 =	sand.u32 $0x1, s0;
	s18 =	sshll.u32 s2, $0x1  }
0x3: {  	s0 =	sor.u32 s1, s18  }
0x4: {  	s4 =	smul.u32 $0x132400, s0;
	_ =	sdelay $0x1  }
0x5: {  	s3 =	rddreg [dreg:$0x0];
	s2 =	simm.s32 $0x0;
	s4 =	sshrl.u32 s4, $0x3  }
0x6: {  	[smem:$0x7FF] =	sst s2;
	s3 =	sadd.s32 s3, s4  }
0x7: {  	s5 =	rddreg [dreg:$0x1];
	_ =	strace $0x80000047;
	s4 =	sadd.s32 $0x12C00, s3  }
0x8: {  	s0 =	smul.u32 $0x15E000, s0;
	s19 =	sadd.s32 $0xD480, s3;
	[dreg:$0x3] =	wrdreg s4  }
0x9: {  	s20 =	sadd.s32 $0x7D00, s3;
	[dreg:$0x4] =	wrdreg s19  }
0xa: {  	s0 =	sshrl.u32 s0, $0x3;
	s21 =	sadd.s32 $0x8980, s3;
	[dreg:$0x5] =	wrdreg s20  }
0xb: {  	s31 =	sadd.s32 s5, s0;
	s22 =	sadd.s32 $0x2580, s3;
	[dreg:$0x6] =	wrdreg s21  }
0xc: {  	s0 =	sadd.s32 $0x5780, s31;
	[dreg:$0x7] =	wrdreg s22  }
0xd: {  	s23 =	sadd.s32 $0xAF00, s31;
	[dreg:$0x8] =	wrdreg s0  }
0xe: {  	s24 =	sadd.s32 $0x10680, s31;
	[dreg:$0x9] =	wrdreg s23  }
0xf: {  	s25 =	sadd.s32 $0x15E00, s31;
	[dreg:$0xa] =	wrdreg s24  }
0x10: {  	s26 =	sadd.s32 $0x1B580, s31;
	[dreg:$0xb] =	wrdreg s25  }
0x11: {  	s5 =	sadd.s32 $0x26480, s31;
	[dreg:$0xc] =	wrdreg s26  }
0x12: {  	s6 =	sadd.s32 $0xC80, s31;
	[dreg:$0xe] =	wrdreg s5  }
0x13: {  	s7 =	sadd.s32 $0x1900, s31;
	[dreg:$0xf] =	wrdreg s6  }
0x14: {  	s8 =	sadd.s32 $0x2580, s31;
	[dreg:$0x10] =	wrdreg s7  }
0x15: {  	s9 =	sadd.s32 $0x3200, s31;
	[dreg:$0x11] =	wrdreg s8  }
0x16: {  	s10 =	sadd.s32 $0x3200, s3;
	[dreg:$0x12] =	wrdreg s9  }
0x17: {  	s11 =	sadd.s32 $0x3E80, s3;
	[dreg:$0x13] =	wrdreg s10  }
0x18: {  	s12 =	sadd.s32 $0xE100, s3;
	[dreg:$0x14] =	wrdreg s11  }
0x19: {  	s13 =	sadd.s32 $0xED80, s3;
	[dreg:$0x15] =	wrdreg s12  }
0x1a: {  	s14 =	sadd.s32 $0x3E80, s31;
	[dreg:$0x16] =	wrdreg s13  }
0x1b: {  	s15 =	sadd.s32 $0x4B00, s31;
	[dreg:$0x17] =	wrdreg s14  }
0x1c: {  	s16 =	sadd.s32 $0x6400, s31;
	[dreg:$0x18] =	wrdreg s15  }
0x1d: {  	s17 =	sadd.s32 $0x7080, s31;
	[dreg:$0x19] =	wrdreg s16  }
0x1e: {  	s18 =	sadd.s32 $0x9600, s3;
	[dreg:$0x1a] =	wrdreg s17  }
0x1f: {  	s4 =	sadd.s32 $0x20D00, s31;
	[dreg:$0x1b] =	wrdreg s18  }
0x20: {  	s19 =	sadd.s32 $0xFA00, s3;
	[dreg:$0xd] =	wrdreg s4  }
0x21: {  	s20 =	sadd.s32 $0xA280, s3;
	[dreg:$0x1c] =	wrdreg s19  }
0x22: {  	s21 =	sadd.s32 $0x4B00, s3;
	[dreg:$0x1d] =	wrdreg s20  }
0x23: {  	s22 =	sadd.s32 $0x7D00, s31;
	[dreg:$0x1e] =	wrdreg s21  }
0x24: {  	s23 =	sadd.s32 $0x8980, s31;
	[dreg:$0x1f] =	wrdreg s22  }
0x25: {  	s24 =	sadd.s32 $0x9600, s31;
	[smem:$0x7C0] =	sst s23  }
0x26: {  	s25 =	sadd.s32 $0xA280, s31;
	[smem:$0x7C1] =	sst s24  }
0x27: {  	s26 =	sadd.s32 $0x13880, s3;
	[smem:$0x7C2] =	sst s25  }
0x28: {  	s5 =	sadd.s32 $0x19C80, s3;
	[smem:$0x7C3] =	sst s26  }
0x29: {  	s6 =	sadd.s32 $0x15180, s3;
	[smem:$0x7C5] =	sst s5  }
0x2a: {  	s7 =	sadd.s32 $0xBB80, s31;
	[smem:$0x7C6] =	sst s6  }
0x2b: {  	s8 =	sadd.s32 $0xC800, s31;
	[smem:$0x7C7] =	sst s7  }
0x2c: {  	s9 =	sadd.s32 $0xD480, s31;
	[smem:$0x7C8] =	sst s8  }
0x2d: {  	s10 =	sadd.s32 $0xE100, s31;
	[smem:$0x7C9] =	sst s9  }
0x2e: {  	s11 =	sadd.s32 $0x1A900, s3;
	[smem:$0x7CA] =	sst s10  }
0x2f: {  	s12 =	sadd.s32 $0x20080, s3;
	[smem:$0x7CB] =	sst s11  }
0x30: {  	s13 =	sadd.s32 $0x19000, s3;
	[smem:$0x7CC] =	sst s12  }
0x31: {  	s14 =	sadd.s32 $0x1E780, s3;
	[smem:$0x7CD] =	sst s13  }
0x32: {  	s15 =	sadd.s32 $0xED80, s31;
	[smem:$0x7CE] =	sst s14  }
0x33: {  	s16 =	sadd.s32 $0xFA00, s31;
	[smem:$0x7CF] =	sst s15  }
0x34: {  	s17 =	sadd.s32 $0x11300, s31;
	[smem:$0x7D0] =	sst s16  }
0x35: {  	s18 =	sadd.s32 $0x11F80, s31;
	[smem:$0x7D1] =	sst s17  }
0x36: {  	[smem:$0x7D2] =	sst s18  }
0x37: {  	s4 =	sadd.s32 $0x14500, s3;
	s0 =	rddreg [dreg:$0x3]  }
0x38: {  	s19 =	sadd.s32 $0x1F400, s3;
	[smem:$0x7C4] =	sst s4  }
0x39: {  	s20 =	sadd.s32 $0x23F00, s3;
	[smem:$0x7D3] =	sst s19  }
0x3a: {  	s21 =	sadd.s32 $0x24B80, s3;
	[smem:$0x7D4] =	sst s20  }
0x3b: {  	s22 =	sadd.s32 $0x25800, s3;
	[smem:$0x7D5] =	sst s21  }
0x3c: {  	s23 =	sadd.s32 $0x12C00, s31;
	[smem:$0x7D6] =	sst s22  }
0x3d: {  	s24 =	sadd.s32 $0x13880, s31;
	[smem:$0x7D7] =	sst s23  }
0x3e: {  	s25 =	sadd.s32 $0x14500, s31;
	[smem:$0x7D8] =	sst s24  }
0x3f: {  	s26 =	sadd.s32 $0x15180, s31;
	[smem:$0x7D9] =	sst s25  }
0x40: {  	s5 =	sadd.s32 $0x1DB00, s3;
	[smem:$0x7DA] =	sst s26  }
0x41: {  	s6 =	sadd.s32 $0x1CE80, s3;
	[smem:$0x7DC] =	sst s5  }
0x42: {  	s7 =	sadd.s32 $0x23280, s3;
	[smem:$0x7DD] =	sst s6  }
0x43: {  	s8 =	sadd.s32 $0x16A80, s31;
	[smem:$0x7DE] =	sst s7  }
0x44: {  	s9 =	sadd.s32 $0x17700, s31;
	[smem:$0x7DF] =	sst s8  }
0x45: {  	s10 =	sadd.s32 $0x18380, s31;
	[smem:$0x7E0] =	sst s9  }
0x46: {  	s11 =	sadd.s32 $0x19000, s31;
	[smem:$0x7E1] =	sst s10  }
0x47: {  	s12 =	sadd.s32 $0x22600, s3;
	[smem:$0x7E2] =	sst s11  }
0x48: {  	s13 =	sadd.s32 $0x21980, s3;
	[smem:$0x7E3] =	sst s12  }
0x49: {  	s14 =	sadd.s32 $0x17700, s3;
	[smem:$0x7E4] =	sst s13  }
0x4a: {  	s15 =	sadd.s32 $0x16A80, s3;
	[smem:$0x7E5] =	sst s14  }
0x4b: {  	s16 =	sadd.s32 $0x19C80, s31;
	[smem:$0x7E6] =	sst s15  }
0x4c: {  	s17 =	sadd.s32 $0x1A900, s31;
	[smem:$0x7E7] =	sst s16  }
0x4d: {  	s18 =	sadd.s32 $0x1C200, s31;
	[smem:$0x7E8] =	sst s17  }
0x4e: {  	s4 =	sadd.s32 $0x18380, s3;
	[smem:$0x7E9] =	sst s18  }
0x4f: {  	s19 =	sadd.s32 $0x1CE80, s31;
	[smem:$0x7DB] =	sst s4  }
0x50: {  	s20 =	sadd.s32 $0x1C200, s3;
	[smem:$0x7EA] =	sst s19  }
0x51: {  	s21 =	sadd.s32 $0x15E00, s3;
	[smem:$0x7EB] =	sst s20  }
0x52: {  	s22 =	sadd.s32 $0x1B580, s3;
	[smem:$0x7EC] =	sst s21  }
0x53: {  	s23 =	sadd.s32 $0x20D00, s3;
	[smem:$0x7ED] =	sst s22  }
0x54: {  	s24 =	sadd.s32 $0x1DB00, s31;
	[smem:$0x7EE] =	sst s23  }
0x55: {  	s25 =	sadd.s32 $0x1E780, s31;
	[smem:$0x7EF] =	sst s24  }
0x56: {  	s26 =	sadd.s32 $0x1F400, s31;
	[smem:$0x7F0] =	sst s25  }
0x57: {  	s5 =	sadd.s32 $0x11F80, s3;
	[smem:$0x7F1] =	sst s26  }
0x58: {  	s6 =	sadd.s32 $0x11300, s3;
	[smem:$0x7F3] =	sst s5  }
0x59: {  	s7 =	sadd.s32 $0xBB80, s3;
	[smem:$0x7F4] =	sst s6  }
0x5a: {  	s8 =	sadd.s32 $0x10680, s3;
	[smem:$0x7F5] =	sst s7  }
0x5b: {  	s30 =	simm.s32 $0x19000;
	s9 =	sadd.s32 $0x21980, s31;
	[smem:$0x7F6] =	sst s8  }
0x5c: {  	s29 =	simm.s32 $0x5;
	s10 =	sadd.s32 $0x22600, s31;
	[smem:$0x7F7] =	sst s9  }
0x5d: {  	p0 =	por $0x0, $0x0;
	s11 =	sadd.s32 $0x23280, s31;
	[smem:$0x7F8] =	sst s10  }
0x5e: {  	s1 =	ssub.s32 $0x2, s1;
	s12 =	sadd.s32 $0x23F00, s31;
	[smem:$0x7F9] =	sst s11  }
0x5f: {  	s28 =	sadd.s32 $0x7080, s3;
	s13 =	sadd.s32 $0xAF00, s3;
	[smem:$0x7FA] =	sst s12  }
0x60: {  	s14 =	sadd.s32 $0x5780, s3;
	s15 =	sshrl.u32 s1, $0x1;
	[smem:$0x7FB] =	sst s13  }
0x61: {  	s16 =	sadd.s32 $0xC800, s3;
	s18 =	sadd.s32 $0xC80, s3;
	[smem:$0x7FC] =	sst s14  }
0x62: {  	s4 =	sadd.s32 $0x20080, s31;
	s1 =	ssub.s32 s1, s15;
	[smem:$0x7FD] =	sst s16  }
0x63: {  	s26 =	sadd.s32 $0x24B80, s31;
	s25 =	sadd.s32 $0x25800, s31;
	s24 =	sadd.s32 $0x27100, s31  }
0x64: {  	s23 =	sadd.s32 $0x27D80, s31;
	s22 =	sadd.s32 $0x6400, s3;
	s20 =	sadd.s32 $0x1900, s3  }
0x65: {  	s12 =	sadd.s32 $0x28A00, s31;
	s9 =	sadd.s32 $0x29680, s31;
	s17 =	smax.u32 s1, $0x1  }
0x66: {  	s6 =	sadd.s32 $0x2A300, s31;
	s5 =	sadd.s32 $0x2AF80, s31;
	p1 =	sne.s32 s17, $0x1  }
.Ltmp0:
0x67: {  	s14 =	simm.s32 $0x6400;
	s11 =	simm.s32 $0xC800;
	(pc) =	sbr.rel @!p1 .LBB2_5-.Ltmp0, $4  }
0x68: {  	s7 =	simm.s32 $0x12C00;
	s21 =	simm.s32 $0x1;
	s19 =	simm.s32 $0x2  }
0x69: {  	s16 =	simm.s32 $0x3;
	s15 =	simm.s32 $0x7;
	s13 =	simm.s32 $0x8  }
0x6a: {  	s10 =	simm.s32 $0x9;
	s8 =	simm.s32 $0xA;
	[smem:$0x7F2] =	sst s4  }
0x6b: {  	s4 =	simm.s32 $0x6;
	s1 =	sadd.s32 $0xFFFFFFFF, s17;
	s17 =	simm.s32 $0x4  }
0x6c: {  	[smem:$0x7BE] =	sst s1  }
0x6d: {  	[tilespmem:s30], [sflag:$0x5] =	stream.linear.gather [hbm4b:s0+s2], $0x6400, $0x38;
	[tilespmem:$0x1F400] =	vst v63  }
0x6e: {  	s1 =	rddreg [dreg:$0x4]  }
0x6f: {  	[tilespmem:s2], [sflag:$0x1] =	stream.linear.gather [hbm4b:s1+s2], $0x6400, $0x38;
	[tilespmem:$0x1F400] =	vst v63  }
0x70: {  	s0 =	rddreg [dreg:$0x5]  }
0x71: {  	[tilespmem:s14], [sflag:$0x2] =	stream.linear.gather [hbm4b:s0+s2], $0x6400, $0x38;
	[tilespmem:$0x1F400] =	vst v63  }
0x72: {  	s1 =	rddreg [dreg:$0x6]  }
0x73: {  	[tilespmem:s11], [sflag:$0x3] =	stream.linear.gather [hbm4b:s1+s2], $0x6400, $0x38;
	[tilespmem:$0x1F400] =	vst v63  }
0x74: {  	s0 =	rddreg [dreg:$0x7]  }
0x75: {  	[tilespmem:s7], [sflag:$0x4] =	stream.linear.gather [hbm4b:s0+s2], $0x6400, $0x38;
	[tilespmem:$0x1F400] =	vst v63  }
0x76: {  	_ =	swait.ge [sflag:s29], $0x6400  }
0x77: {  	[sflag:s29] =	ssyncset.done $0x0  }
0x78: {  	[sflag:s29] =	ssyncadd.s32 $0xFFFF9C00  }
0x79: {  	[hbm4b:s31+s2] =	stream.linear.scatter [tilespmem:s30], [sflag:$0x6], $0x6400, $0x38;
	[tilespmem:$0x1F400] =	vst v63  }
0x7a: {  	s29 =	rddreg [dreg:$0x8]  }
0x7b: {  	[hbm4b:s29+s2] =	stream.linear.scatter [tilespmem:s30], [sflag:$0x6], $0x6400, $0x38;
	[tilespmem:$0x1F400] =	vst v63  }
0x7c: {  	s1 =	rddreg [dreg:$0x9]  }
0x7d: {  	[hbm4b:s1+s2] =	stream.linear.scatter [tilespmem:s30], [sflag:$0x6], $0x6400, $0x38;
	[tilespmem:$0x1F400] =	vst v63  }
0x7e: {  	s29 =	rddreg [dreg:$0xa]  }
0x7f: {  	[hbm4b:s29+s2] =	stream.linear.scatter [tilespmem:s30], [sflag:$0x6], $0x6400, $0x38;
	[tilespmem:$0x1F400] =	vst v63  }
0x80: {  	s1 =	rddreg [dreg:$0xb]  }
0x81: {  	[hbm4b:s1+s2] =	stream.linear.scatter [tilespmem:s30], [sflag:$0x6], $0x6400, $0x38;
	[tilespmem:$0x1F400] =	vst v63  }
0x82: {  	s29 =	rddreg [dreg:$0xc]  }
0x83: {  	[hbm4b:s29+s2] =	stream.linear.scatter [tilespmem:s30], [sflag:$0x6], $0x6400, $0x38;
	[tilespmem:$0x1F400] =	vst v63  }
0x84: {  	s1 =	rddreg [dreg:$0xd]  }
0x85: {  	[hbm4b:s1+s2] =	stream.linear.scatter [tilespmem:s30], [sflag:$0x6], $0x6400, $0x38;
	[tilespmem:$0x1F400] =	vst v63  }
0x86: {  	s29 =	rddreg [dreg:$0xe]  }
0x87: {  	[hbm4b:s29+s2] =	stream.linear.scatter [tilespmem:s30], [sflag:$0x6], $0x6400, $0x38;
	[tilespmem:$0x1F400] =	vst v63  }
0x88: {  	_ =	swait.ge [sflag:s21], $0x6400  }
0x89: {  	[sflag:s21] =	ssyncset.done $0x0  }
0x8a: {  	s1 =	rddreg [dreg:$0xf];
	[sflag:s21] =	ssyncadd.s32 $0xFFFF9C00  }
0x8b: {  	[hbm4b:s1+s2] =	stream.linear.scatter [tilespmem:s2], [sflag:$0x7], $0x6400, $0x38;
	[tilespmem:$0x1F400] =	vst v63  }
0x8c: {  	_ =	swait.ge [sflag:s19], $0x6400  }
0x8d: {  	[sflag:s19] =	ssyncset.done $0x0  }
0x8e: {  	s29 =	rddreg [dreg:$0x10];
	[sflag:s19] =	ssyncadd.s32 $0xFFFF9C00  }
0x8f: {  	[hbm4b:s29+s2] =	stream.linear.scatter [tilespmem:s14], [sflag:$0x8], $0x6400, $0x38;
	[tilespmem:$0x1F400] =	vst v63  }
0x90: {  	_ =	swait.ge [sflag:s16], $0x6400  }
0x91: {  	[sflag:s16] =	ssyncset.done $0x0  }
0x92: {  	s1 =	rddreg [dreg:$0x11];
	[sflag:s16] =	ssyncadd.s32 $0xFFFF9C00  }
0x93: {  	[hbm4b:s1+s2] =	stream.linear.scatter [tilespmem:s11], [sflag:$0x9], $0x6400, $0x38;
	[tilespmem:$0x1F400] =	vst v63  }
0x94: {  	_ =	swait.ge [sflag:s17], $0x6400  }
0x95: {  	[sflag:s17] =	ssyncset.done $0x0  }
0x96: {  	s29 =	rddreg [dreg:$0x12];
	[sflag:s17] =	ssyncadd.s32 $0xFFFF9C00  }
0x97: {  	[hbm4b:s29+s2] =	stream.linear.scatter [tilespmem:s7], [sflag:$0xA], $0x6400, $0x38;
	[tilespmem:$0x1F400] =	vst v63  }
0x98: {  	_ =	swait.ge [sflag:s15], $0x6400  }
0x99: {  	[sflag:s15] =	ssyncset.done $0x0  }
0x9a: {  	s1 =	rddreg [dreg:$0x13];
	[sflag:s15] =	ssyncadd.s32 $0xFFFF9C00  }
0x9b: {  	[tilespmem:s2], [sflag:$0x1] =	stream.linear.gather [hbm4b:s1+s2], $0x6400, $0x38;
	[tilespmem:$0x1F400] =	vst v63  }
0x9c: {  	_ =	swait.ge [sflag:s13], $0x6400  }
0x9d: {  	[sflag:s13] =	ssyncset.done $0x0  }
0x9e: {  	s29 =	rddreg [dreg:$0x14];
	[sflag:s13] =	ssyncadd.s32 $0xFFFF9C00  }
0x9f: {  	[tilespmem:s14], [sflag:$0x2] =	stream.linear.gather [hbm4b:s29+s2], $0x6400, $0x38;
	[tilespmem:$0x1F400] =	vst v63  }
0xa0: {  	_ =	swait.ge [sflag:s10], $0x6400  }
0xa1: {  	[sflag:s10] =	ssyncset.done $0x0  }
0xa2: {  	s1 =	rddreg [dreg:$0x15];
	[sflag:s10] =	ssyncadd.s32 $0xFFFF9C00  }
0xa3: {  	[tilespmem:s11], [sflag:$0x3] =	stream.linear.gather [hbm4b:s1+s2], $0x6400, $0x38;
	[tilespmem:$0x1F400] =	vst v63  }
0xa4: {  	_ =	swait.ge [sflag:s8], $0x6400  }
0xa5: {  	[sflag:s8] =	ssyncset.done $0x0  }
0xa6: {  	s29 =	rddreg [dreg:$0x16];
	[sflag:s8] =	ssyncadd.s32 $0xFFFF9C00  }
0xa7: {  	[tilespmem:s7], [sflag:$0x4] =	stream.linear.gather [hbm4b:s29+s2], $0x6400, $0x38;
	[tilespmem:$0x1F400] =	vst v63  }
0xa8: {  	_ =	swait.ge [sflag:s21], $0x6400  }
0xa9: {  	[sflag:s21] =	ssyncset.done $0x0  }
0xaa: {  	s1 =	rddreg [dreg:$0x17];
	[sflag:s21] =	ssyncadd.s32 $0xFFFF9C00  }
0xab: {  	[hbm4b:s1+s2] =	stream.linear.scatter [tilespmem:s2], [sflag:$0x7], $0x6400, $0x38;
	[tilespmem:$0x1F400] =	vst v63  }
0xac: {  	_ =	swait.ge [sflag:s19], $0x6400  }
0xad: {  	[sflag:s19] =	ssyncset.done $0x0  }
0xae: {  	s29 =	rddreg [dreg:$0x18];
	[sflag:s19] =	ssyncadd.s32 $0xFFFF9C00  }
0xaf: {  	[hbm4b:s29+s2] =	stream.linear.scatter [tilespmem:s14], [sflag:$0x8], $0x6400, $0x38;
	[tilespmem:$0x1F400] =	vst v63  }
0xb0: {  	_ =	swait.ge [sflag:s16], $0x6400  }
0xb1: {  	[sflag:s16] =	ssyncset.done $0x0  }
0xb2: {  	s1 =	rddreg [dreg:$0x19];
	[sflag:s16] =	ssyncadd.s32 $0xFFFF9C00  }
0xb3: {  	[hbm4b:s1+s2] =	stream.linear.scatter [tilespmem:s11], [sflag:$0x9], $0x6400, $0x38;
	[tilespmem:$0x1F400] =	vst v63  }
0xb4: {  	_ =	swait.ge [sflag:s17], $0x6400  }
0xb5: {  	[sflag:s17] =	ssyncset.done $0x0  }
0xb6: {  	s29 =	rddreg [dreg:$0x1a];
	[sflag:s17] =	ssyncadd.s32 $0xFFFF9C00  }
0xb7: {  	[hbm4b:s29+s2] =	stream.linear.scatter [tilespmem:s7], [sflag:$0xA], $0x6400, $0x38;
	[tilespmem:$0x1F400] =	vst v63  }
0xb8: {  	_ =	swait.ge [sflag:s15], $0x6400  }
0xb9: {  	[sflag:s15] =	ssyncset.done $0x0  }
0xba: {  	s1 =	rddreg [dreg:$0x1b];
	[sflag:s15] =	ssyncadd.s32 $0xFFFF9C00  }
0xbb: {  	[tilespmem:s2], [sflag:$0x1] =	stream.linear.gather [hbm4b:s1+s2], $0x6400, $0x38;
	[tilespmem:$0x1F400] =	vst v63  }
0xbc: {  	_ =	swait.ge [sflag:s13], $0x6400  }
0xbd: {  	[sflag:s13] =	ssyncset.done $0x0  }
0xbe: {  	s29 =	rddreg [dreg:$0x1c];
	[sflag:s13] =	ssyncadd.s32 $0xFFFF9C00  }
0xbf: {  	[tilespmem:s14], [sflag:$0x2] =	stream.linear.gather [hbm4b:s29+s2], $0x6400, $0x38;
	[tilespmem:$0x1F400] =	vst v63  }
0xc0: {  	_ =	swait.ge [sflag:s10], $0x6400  }
0xc1: {  	[sflag:s10] =	ssyncset.done $0x0  }
0xc2: {  	s1 =	rddreg [dreg:$0x1d];
	[sflag:s10] =	ssyncadd.s32 $0xFFFF9C00  }
0xc3: {  	[tilespmem:s11], [sflag:$0x3] =	stream.linear.gather [hbm4b:s1+s2], $0x6400, $0x38;
	[tilespmem:$0x1F400] =	vst v63  }
0xc4: {  	_ =	swait.ge [sflag:s8], $0x6400  }
0xc5: {  	[sflag:s8] =	ssyncset.done $0x0  }
0xc6: {  	s29 =	rddreg [dreg:$0x1e];
	[sflag:s8] =	ssyncadd.s32 $0xFFFF9C00  }
0xc7: {  	[tilespmem:s7], [sflag:$0x4] =	stream.linear.gather [hbm4b:s29+s2], $0x6400, $0x38;
	[tilespmem:$0x1F400] =	vst v63  }
0xc8: {  	_ =	swait.ge [sflag:s21], $0x6400  }
0xc9: {  	[sflag:s21] =	ssyncset.done $0x0  }
0xca: {  	s1 =	rddreg [dreg:$0x1f];
	[sflag:s21] =	ssyncadd.s32 $0xFFFF9C00  }
0xcb: {  	[hbm4b:s1+s2] =	stream.linear.scatter [tilespmem:s2], [sflag:$0x7], $0x6400, $0x38;
	[tilespmem:$0x1F400] =	vst v63  }
0xcc: {  	_ =	swait.ge [sflag:s19], $0x6400  }
0xcd: {  	s29 =	sld [smem:$0x7C0]  }
0xce: {  	[sflag:s19] =	ssyncset.done $0x0  }
0xcf: {  	[sflag:s19] =	ssyncadd.s32 $0xFFFF9C00  }
0xd0: {  	[hbm4b:s29+s2] =	stream.linear.scatter [tilespmem:s14], [sflag:$0x8], $0x6400, $0x38;
	[tilespmem:$0x1F400] =	vst v63  }
0xd1: {  	_ =	swait.ge [sflag:s16], $0x6400  }
0xd2: {  	s1 =	sld [smem:$0x7C1]  }
0xd3: {  	[sflag:s16] =	ssyncset.done $0x0  }
0xd4: {  	[sflag:s16] =	ssyncadd.s32 $0xFFFF9C00  }
0xd5: {  	[hbm4b:s1+s2] =	stream.linear.scatter [tilespmem:s11], [sflag:$0x9], $0x6400, $0x38;
	[tilespmem:$0x1F400] =	vst v63  }
0xd6: {  	_ =	swait.ge [sflag:s17], $0x6400  }
0xd7: {  	s29 =	sld [smem:$0x7C2]  }
0xd8: {  	[sflag:s17] =	ssyncset.done $0x0  }
0xd9: {  	[sflag:s17] =	ssyncadd.s32 $0xFFFF9C00  }
0xda: {  	[hbm4b:s29+s2] =	stream.linear.scatter [tilespmem:s7], [sflag:$0xA], $0x6400, $0x38;
	[tilespmem:$0x1F400] =	vst v63  }
0xdb: {  	_ =	swait.ge [sflag:s15], $0x6400  }
0xdc: {  	s1 =	sld [smem:$0x7C3]  }
0xdd: {  	[sflag:s15] =	ssyncset.done $0x0  }
0xde: {  	[sflag:s15] =	ssyncadd.s32 $0xFFFF9C00  }
0xdf: {  	[tilespmem:s2], [sflag:$0x1] =	stream.linear.gather [hbm4b:s1+s2], $0x6400, $0x38;
	[tilespmem:$0x1F400] =	vst v63  }
0xe0: {  	_ =	swait.ge [sflag:s13], $0x6400  }
0xe1: {  	s29 =	sld [smem:$0x7C4]  }
0xe2: {  	[sflag:s13] =	ssyncset.done $0x0  }
0xe3: {  	[sflag:s13] =	ssyncadd.s32 $0xFFFF9C00  }
0xe4: {  	[tilespmem:s14], [sflag:$0x2] =	stream.linear.gather [hbm4b:s29+s2], $0x6400, $0x38;
	[tilespmem:$0x1F400] =	vst v63  }
0xe5: {  	_ =	swait.ge [sflag:s10], $0x6400  }
0xe6: {  	s1 =	sld [smem:$0x7C5]  }
0xe7: {  	[sflag:s10] =	ssyncset.done $0x0  }
0xe8: {  	[sflag:s10] =	ssyncadd.s32 $0xFFFF9C00  }
0xe9: {  	[tilespmem:s11], [sflag:$0x3] =	stream.linear.gather [hbm4b:s1+s2], $0x6400, $0x38;
	[tilespmem:$0x1F400] =	vst v63  }
0xea: {  	_ =	swait.ge [sflag:s8], $0x6400  }
0xeb: {  	s29 =	sld [smem:$0x7C6]  }
0xec: {  	[sflag:s8] =	ssyncset.done $0x0  }
0xed: {  	[sflag:s8] =	ssyncadd.s32 $0xFFFF9C00  }
0xee: {  	[tilespmem:s7], [sflag:$0x4] =	stream.linear.gather [hbm4b:s29+s2], $0x6400, $0x38;
	[tilespmem:$0x1F400] =	vst v63  }
0xef: {  	_ =	swait.ge [sflag:s21], $0x6400  }
0xf0: {  	s1 =	sld [smem:$0x7C7]  }
0xf1: {  	[sflag:s21] =	ssyncset.done $0x0  }
0xf2: {  	[sflag:s21] =	ssyncadd.s32 $0xFFFF9C00  }
0xf3: {  	[hbm4b:s1+s2] =	stream.linear.scatter [tilespmem:s2], [sflag:$0x7], $0x6400, $0x38;
	[tilespmem:$0x1F400] =	vst v63  }
0xf4: {  	_ =	swait.ge [sflag:s19], $0x6400  }
0xf5: {  	s29 =	sld [smem:$0x7C8]  }
0xf6: {  	[sflag:s19] =	ssyncset.done $0x0  }
0xf7: {  	[sflag:s19] =	ssyncadd.s32 $0xFFFF9C00  }
0xf8: {  	[hbm4b:s29+s2] =	stream.linear.scatter [tilespmem:s14], [sflag:$0x8], $0x6400, $0x38;
	[tilespmem:$0x1F400] =	vst v63  }
0xf9: {  	_ =	swait.ge [sflag:s16], $0x6400  }
0xfa: {  	s1 =	sld [smem:$0x7C9]  }
0xfb: {  	[sflag:s16] =	ssyncset.done $0x0  }
0xfc: {  	[sflag:s16] =	ssyncadd.s32 $0xFFFF9C00  }
0xfd: {  	[hbm4b:s1+s2] =	stream.linear.scatter [tilespmem:s11], [sflag:$0x9], $0x6400, $0x38;
	[tilespmem:$0x1F400] =	vst v63  }
0xfe: {  	_ =	swait.ge [sflag:s17], $0x6400  }
0xff: {  	s29 =	sld [smem:$0x7CA]  }
0x100: {  	[sflag:s17] =	ssyncset.done $0x0  }
0x101: {  	[sflag:s17] =	ssyncadd.s32 $0xFFFF9C00  }
0x102: {  	[hbm4b:s29+s2] =	stream.linear.scatter [tilespmem:s7], [sflag:$0xA], $0x6400, $0x38;
	[tilespmem:$0x1F400] =	vst v63  }
0x103: {  	_ =	swait.ge [sflag:s15], $0x6400  }
0x104: {  	s1 =	sld [smem:$0x7CB]  }
0x105: {  	[sflag:s15] =	ssyncset.done $0x0  }
0x106: {  	[sflag:s15] =	ssyncadd.s32 $0xFFFF9C00  }
0x107: {  	[tilespmem:s2], [sflag:$0x1] =	stream.linear.gather [hbm4b:s1+s2], $0x6400, $0x38;
	[tilespmem:$0x1F400] =	vst v63  }
0x108: {  	_ =	swait.ge [sflag:s13], $0x6400  }
0x109: {  	s29 =	sld [smem:$0x7CC]  }
0x10a: {  	[sflag:s13] =	ssyncset.done $0x0  }
0x10b: {  	[sflag:s13] =	ssyncadd.s32 $0xFFFF9C00  }
0x10c: {  	[tilespmem:s14], [sflag:$0x2] =	stream.linear.gather [hbm4b:s29+s2], $0x6400, $0x38;
	[tilespmem:$0x1F400] =	vst v63  }
0x10d: {  	_ =	swait.ge [sflag:s10], $0x6400  }
0x10e: {  	s1 =	sld [smem:$0x7CD]  }
0x10f: {  	[sflag:s10] =	ssyncset.done $0x0  }
0x110: {  	[sflag:s10] =	ssyncadd.s32 $0xFFFF9C00  }
0x111: {  	[tilespmem:s11], [sflag:$0x3] =	stream.linear.gather [hbm4b:s1+s2], $0x6400, $0x38;
	[tilespmem:$0x1F400] =	vst v63  }
0x112: {  	_ =	swait.ge [sflag:s8], $0x6400  }
0x113: {  	s29 =	sld [smem:$0x7CE]  }
0x114: {  	[sflag:s8] =	ssyncset.done $0x0  }
0x115: {  	[sflag:s8] =	ssyncadd.s32 $0xFFFF9C00  }
0x116: {  	[tilespmem:s7], [sflag:$0x4] =	stream.linear.gather [hbm4b:s29+s2], $0x6400, $0x38;
	[tilespmem:$0x1F400] =	vst v63  }
0x117: {  	_ =	swait.ge [sflag:s21], $0x6400  }
0x118: {  	s1 =	sld [smem:$0x7CF]  }
0x119: {  	[sflag:s21] =	ssyncset.done $0x0  }
0x11a: {  	[sflag:s21] =	ssyncadd.s32 $0xFFFF9C00  }
0x11b: {  	[hbm4b:s1+s2] =	stream.linear.scatter [tilespmem:s2], [sflag:$0x7], $0x6400, $0x38;
	[tilespmem:$0x1F400] =	vst v63  }
0x11c: {  	_ =	swait.ge [sflag:s19], $0x6400  }
0x11d: {  	s29 =	sld [smem:$0x7D0]  }
0x11e: {  	[sflag:s19] =	ssyncset.done $0x0  }
0x11f: {  	[sflag:s19] =	ssyncadd.s32 $0xFFFF9C00  }
0x120: {  	[hbm4b:s29+s2] =	stream.linear.scatter [tilespmem:s14], [sflag:$0x8], $0x6400, $0x38;
	[tilespmem:$0x1F400] =	vst v63  }
0x121: {  	_ =	swait.ge [sflag:s16], $0x6400  }
0x122: {  	s1 =	sld [smem:$0x7D1]  }
0x123: {  	[sflag:s16] =	ssyncset.done $0x0  }
0x124: {  	[sflag:s16] =	ssyncadd.s32 $0xFFFF9C00  }
0x125: {  	[hbm4b:s1+s2] =	stream.linear.scatter [tilespmem:s11], [sflag:$0x9], $0x6400, $0x38;
	[tilespmem:$0x1F400] =	vst v63  }
0x126: {  	_ =	swait.ge [sflag:s17], $0x6400  }
0x127: {  	s29 =	sld [smem:$0x7D2]  }
0x128: {  	[sflag:s17] =	ssyncset.done $0x0  }
0x129: {  	[sflag:s17] =	ssyncadd.s32 $0xFFFF9C00  }
0x12a: {  	[hbm4b:s29+s2] =	stream.linear.scatter [tilespmem:s7], [sflag:$0xA], $0x6400, $0x38;
	[tilespmem:$0x1F400] =	vst v63  }
0x12b: {  	_ =	swait.ge [sflag:s15], $0x6400  }
0x12c: {  	s1 =	sld [smem:$0x7D3]  }
0x12d: {  	[sflag:s15] =	ssyncset.done $0x0  }
0x12e: {  	[sflag:s15] =	ssyncadd.s32 $0xFFFF9C00  }
0x12f: {  	[tilespmem:s2], [sflag:$0x1] =	stream.linear.gather [hbm4b:s1+s2], $0x6400, $0x38;
	[tilespmem:$0x1F400] =	vst v63  }
0x130: {  	_ =	swait.ge [sflag:s13], $0x6400  }
0x131: {  	s29 =	sld [smem:$0x7D4]  }
0x132: {  	[sflag:s13] =	ssyncset.done $0x0  }
0x133: {  	[sflag:s13] =	ssyncadd.s32 $0xFFFF9C00  }
0x134: {  	[tilespmem:s14], [sflag:$0x2] =	stream.linear.gather [hbm4b:s29+s2], $0x6400, $0x38;
	[tilespmem:$0x1F400] =	vst v63  }
0x135: {  	_ =	swait.ge [sflag:s10], $0x6400  }
0x136: {  	s1 =	sld [smem:$0x7D5]  }
0x137: {  	[sflag:s10] =	ssyncset.done $0x0  }
0x138: {  	[sflag:s10] =	ssyncadd.s32 $0xFFFF9C00  }
0x139: {  	[tilespmem:s11], [sflag:$0x3] =	stream.linear.gather [hbm4b:s1+s2], $0x6400, $0x38;
	[tilespmem:$0x1F400] =	vst v63  }
0x13a: {  	_ =	swait.ge [sflag:s8], $0x6400  }
0x13b: {  	s29 =	sld [smem:$0x7D6]  }
0x13c: {  	[sflag:s8] =	ssyncset.done $0x0  }
0x13d: {  	[sflag:s8] =	ssyncadd.s32 $0xFFFF9C00  }
0x13e: {  	[tilespmem:s7], [sflag:$0x4] =	stream.linear.gather [hbm4b:s29+s2], $0x6400, $0x38;
	[tilespmem:$0x1F400] =	vst v63  }
0x13f: {  	_ =	swait.ge [sflag:s21], $0x6400  }
0x140: {  	s1 =	sld [smem:$0x7D7]  }
0x141: {  	[sflag:s21] =	ssyncset.done $0x0  }
0x142: {  	[sflag:s21] =	ssyncadd.s32 $0xFFFF9C00  }
0x143: {  	[hbm4b:s1+s2] =	stream.linear.scatter [tilespmem:s2], [sflag:$0x7], $0x6400, $0x38;
	[tilespmem:$0x1F400] =	vst v63  }
0x144: {  	_ =	swait.ge [sflag:s19], $0x6400  }
0x145: {  	s29 =	sld [smem:$0x7D8]  }
0x146: {  	[sflag:s19] =	ssyncset.done $0x0  }
0x147: {  	[sflag:s19] =	ssyncadd.s32 $0xFFFF9C00  }
0x148: {  	[hbm4b:s29+s2] =	stream.linear.scatter [tilespmem:s14], [sflag:$0x8], $0x6400, $0x38;
	[tilespmem:$0x1F400] =	vst v63  }
0x149: {  	_ =	swait.ge [sflag:s16], $0x6400  }
0x14a: {  	s1 =	sld [smem:$0x7D9]  }
0x14b: {  	[sflag:s16] =	ssyncset.done $0x0  }
0x14c: {  	[sflag:s16] =	ssyncadd.s32 $0xFFFF9C00  }
0x14d: {  	[hbm4b:s1+s2] =	stream.linear.scatter [tilespmem:s11], [sflag:$0x9], $0x6400, $0x38;
	[tilespmem:$0x1F400] =	vst v63  }
0x14e: {  	_ =	swait.ge [sflag:s17], $0x6400  }
0x14f: {  	s29 =	sld [smem:$0x7DA]  }
0x150: {  	[sflag:s17] =	ssyncset.done $0x0  }
0x151: {  	[sflag:s17] =	ssyncadd.s32 $0xFFFF9C00  }
0x152: {  	[hbm4b:s29+s2] =	stream.linear.scatter [tilespmem:s7], [sflag:$0xA], $0x6400, $0x38;
	[tilespmem:$0x1F400] =	vst v63  }
0x153: {  	_ =	swait.ge [sflag:s15], $0x6400  }
0x154: {  	s1 =	sld [smem:$0x7DB]  }
0x155: {  	[sflag:s15] =	ssyncset.done $0x0  }
0x156: {  	[sflag:s15] =	ssyncadd.s32 $0xFFFF9C00  }
0x157: {  	[tilespmem:s2], [sflag:$0x1] =	stream.linear.gather [hbm4b:s1+s2], $0x6400, $0x38;
	[tilespmem:$0x1F400] =	vst v63  }
0x158: {  	_ =	swait.ge [sflag:s13], $0x6400  }
0x159: {  	s29 =	sld [smem:$0x7DC]  }
0x15a: {  	[sflag:s13] =	ssyncset.done $0x0  }
0x15b: {  	[sflag:s13] =	ssyncadd.s32 $0xFFFF9C00  }
0x15c: {  	[tilespmem:s14], [sflag:$0x2] =	stream.linear.gather [hbm4b:s29+s2], $0x6400, $0x38;
	[tilespmem:$0x1F400] =	vst v63  }
0x15d: {  	_ =	swait.ge [sflag:s10], $0x6400  }
0x15e: {  	s1 =	sld [smem:$0x7DD]  }
0x15f: {  	[sflag:s10] =	ssyncset.done $0x0  }
0x160: {  	[sflag:s10] =	ssyncadd.s32 $0xFFFF9C00  }
0x161: {  	[tilespmem:s11], [sflag:$0x3] =	stream.linear.gather [hbm4b:s1+s2], $0x6400, $0x38;
	[tilespmem:$0x1F400] =	vst v63  }
0x162: {  	_ =	swait.ge [sflag:s8], $0x6400  }
0x163: {  	s29 =	sld [smem:$0x7DE]  }
0x164: {  	[sflag:s8] =	ssyncset.done $0x0  }
0x165: {  	[sflag:s8] =	ssyncadd.s32 $0xFFFF9C00  }
0x166: {  	[tilespmem:s7], [sflag:$0x4] =	stream.linear.gather [hbm4b:s29+s2], $0x6400, $0x38;
	[tilespmem:$0x1F400] =	vst v63  }
0x167: {  	_ =	swait.ge [sflag:s21], $0x6400  }
0x168: {  	s1 =	sld [smem:$0x7DF]  }
0x169: {  	[sflag:s21] =	ssyncset.done $0x0  }
0x16a: {  	[sflag:s21] =	ssyncadd.s32 $0xFFFF9C00  }
0x16b: {  	[hbm4b:s1+s2] =	stream.linear.scatter [tilespmem:s2], [sflag:$0x7], $0x6400, $0x38;
	[tilespmem:$0x1F400] =	vst v63  }
0x16c: {  	_ =	swait.ge [sflag:s19], $0x6400  }
0x16d: {  	s29 =	sld [smem:$0x7E0]  }
0x16e: {  	[sflag:s19] =	ssyncset.done $0x0  }
0x16f: {  	[sflag:s19] =	ssyncadd.s32 $0xFFFF9C00  }
0x170: {  	[hbm4b:s29+s2] =	stream.linear.scatter [tilespmem:s14], [sflag:$0x8], $0x6400, $0x38;
	[tilespmem:$0x1F400] =	vst v63  }
0x171: {  	_ =	swait.ge [sflag:s16], $0x6400  }
0x172: {  	s1 =	sld [smem:$0x7E1]  }
0x173: {  	[sflag:s16] =	ssyncset.done $0x0  }
0x174: {  	[sflag:s16] =	ssyncadd.s32 $0xFFFF9C00  }
0x175: {  	[hbm4b:s1+s2] =	stream.linear.scatter [tilespmem:s11], [sflag:$0x9], $0x6400, $0x38;
	[tilespmem:$0x1F400] =	vst v63  }
0x176: {  	_ =	swait.ge [sflag:s17], $0x6400  }
0x177: {  	s29 =	sld [smem:$0x7E2]  }
0x178: {  	[sflag:s17] =	ssyncset.done $0x0  }
0x179: {  	[sflag:s17] =	ssyncadd.s32 $0xFFFF9C00  }
0x17a: {  	[hbm4b:s29+s2] =	stream.linear.scatter [tilespmem:s7], [sflag:$0xA], $0x6400, $0x38;
	[tilespmem:$0x1F400] =	vst v63  }
0x17b: {  	_ =	swait.ge [sflag:s15], $0x6400  }
0x17c: {  	s1 =	sld [smem:$0x7E3]  }
0x17d: {  	[sflag:s15] =	ssyncset.done $0x0  }
0x17e: {  	[sflag:s15] =	ssyncadd.s32 $0xFFFF9C00  }
0x17f: {  	[tilespmem:s2], [sflag:$0x1] =	stream.linear.gather [hbm4b:s1+s2], $0x6400, $0x38;
	[tilespmem:$0x1F400] =	vst v63  }
0x180: {  	_ =	swait.ge [sflag:s13], $0x6400  }
0x181: {  	s29 =	sld [smem:$0x7E4]  }
0x182: {  	[sflag:s13] =	ssyncset.done $0x0  }
0x183: {  	[sflag:s13] =	ssyncadd.s32 $0xFFFF9C00  }
0x184: {  	[tilespmem:s14], [sflag:$0x2] =	stream.linear.gather [hbm4b:s29+s2], $0x6400, $0x38;
	[tilespmem:$0x1F400] =	vst v63  }
0x185: {  	_ =	swait.ge [sflag:s10], $0x6400  }
0x186: {  	s1 =	sld [smem:$0x7E5]  }
0x187: {  	[sflag:s10] =	ssyncset.done $0x0  }
0x188: {  	[sflag:s10] =	ssyncadd.s32 $0xFFFF9C00  }
0x189: {  	[tilespmem:s11], [sflag:$0x3] =	stream.linear.gather [hbm4b:s1+s2], $0x6400, $0x38;
	[tilespmem:$0x1F400] =	vst v63  }
0x18a: {  	_ =	swait.ge [sflag:s8], $0x6400  }
0x18b: {  	s29 =	sld [smem:$0x7E6]  }
0x18c: {  	[sflag:s8] =	ssyncset.done $0x0  }
0x18d: {  	[sflag:s8] =	ssyncadd.s32 $0xFFFF9C00  }
0x18e: {  	[tilespmem:s7], [sflag:$0x4] =	stream.linear.gather [hbm4b:s29+s2], $0x6400, $0x38;
	[tilespmem:$0x1F400] =	vst v63  }
0x18f: {  	_ =	swait.ge [sflag:s21], $0x6400  }
0x190: {  	s1 =	sld [smem:$0x7E7]  }
0x191: {  	[sflag:s21] =	ssyncset.done $0x0  }
0x192: {  	[sflag:s21] =	ssyncadd.s32 $0xFFFF9C00  }
0x193: {  	[hbm4b:s1+s2] =	stream.linear.scatter [tilespmem:s2], [sflag:$0x7], $0x6400, $0x38;
	[tilespmem:$0x1F400] =	vst v63  }
0x194: {  	_ =	swait.ge [sflag:s19], $0x6400  }
0x195: {  	s29 =	sld [smem:$0x7E8]  }
0x196: {  	[sflag:s19] =	ssyncset.done $0x0  }
0x197: {  	[sflag:s19] =	ssyncadd.s32 $0xFFFF9C00  }
0x198: {  	[hbm4b:s29+s2] =	stream.linear.scatter [tilespmem:s14], [sflag:$0x8], $0x6400, $0x38;
	[tilespmem:$0x1F400] =	vst v63  }
0x199: {  	_ =	swait.ge [sflag:s16], $0x6400  }
0x19a: {  	s1 =	sld [smem:$0x7E9]  }
0x19b: {  	[sflag:s16] =	ssyncset.done $0x0  }
0x19c: {  	[sflag:s16] =	ssyncadd.s32 $0xFFFF9C00  }
0x19d: {  	[hbm4b:s1+s2] =	stream.linear.scatter [tilespmem:s11], [sflag:$0x9], $0x6400, $0x38;
	[tilespmem:$0x1F400] =	vst v63  }
0x19e: {  	_ =	swait.ge [sflag:s17], $0x6400  }
0x19f: {  	s29 =	sld [smem:$0x7EA]  }
0x1a0: {  	[sflag:s17] =	ssyncset.done $0x0  }
0x1a1: {  	[sflag:s17] =	ssyncadd.s32 $0xFFFF9C00  }
0x1a2: {  	[hbm4b:s29+s2] =	stream.linear.scatter [tilespmem:s7], [sflag:$0xA], $0x6400, $0x38;
	[tilespmem:$0x1F400] =	vst v63  }
0x1a3: {  	_ =	swait.ge [sflag:s15], $0x6400  }
0x1a4: {  	s1 =	sld [smem:$0x7EB]  }
0x1a5: {  	[sflag:s15] =	ssyncset.done $0x0  }
0x1a6: {  	[sflag:s15] =	ssyncadd.s32 $0xFFFF9C00  }
0x1a7: {  	[tilespmem:s2], [sflag:$0x1] =	stream.linear.gather [hbm4b:s1+s2], $0x6400, $0x38;
	[tilespmem:$0x1F400] =	vst v63  }
0x1a8: {  	_ =	swait.ge [sflag:s13], $0x6400  }
0x1a9: {  	s29 =	sld [smem:$0x7EC]  }
0x1aa: {  	[sflag:s13] =	ssyncset.done $0x0  }
0x1ab: {  	[sflag:s13] =	ssyncadd.s32 $0xFFFF9C00  }
0x1ac: {  	[tilespmem:s14], [sflag:$0x2] =	stream.linear.gather [hbm4b:s29+s2], $0x6400, $0x38;
	[tilespmem:$0x1F400] =	vst v63  }
0x1ad: {  	_ =	swait.ge [sflag:s10], $0x6400  }
0x1ae: {  	s1 =	sld [smem:$0x7ED]  }
0x1af: {  	[sflag:s10] =	ssyncset.done $0x0  }
0x1b0: {  	[sflag:s10] =	ssyncadd.s32 $0xFFFF9C00  }
0x1b1: {  	[tilespmem:s11], [sflag:$0x3] =	stream.linear.gather [hbm4b:s1+s2], $0x6400, $0x38;
	[tilespmem:$0x1F400] =	vst v63  }
0x1b2: {  	_ =	swait.ge [sflag:s8], $0x6400  }
0x1b3: {  	s29 =	sld [smem:$0x7EE]  }
0x1b4: {  	[sflag:s8] =	ssyncset.done $0x0  }
0x1b5: {  	[sflag:s8] =	ssyncadd.s32 $0xFFFF9C00  }
0x1b6: {  	[tilespmem:s7], [sflag:$0x4] =	stream.linear.gather [hbm4b:s29+s2], $0x6400, $0x38;
	[tilespmem:$0x1F400] =	vst v63  }
0x1b7: {  	_ =	swait.ge [sflag:s21], $0x6400  }
0x1b8: {  	s1 =	sld [smem:$0x7EF]  }
0x1b9: {  	[sflag:s21] =	ssyncset.done $0x0  }
0x1ba: {  	[sflag:s21] =	ssyncadd.s32 $0xFFFF9C00  }
0x1bb: {  	[hbm4b:s1+s2] =	stream.linear.scatter [tilespmem:s2], [sflag:$0x7], $0x6400, $0x38;
	[tilespmem:$0x1F400] =	vst v63  }
0x1bc: {  	_ =	swait.ge [sflag:s19], $0x6400  }
0x1bd: {  	s29 =	sld [smem:$0x7F0]  }
0x1be: {  	[sflag:s19] =	ssyncset.done $0x0  }
0x1bf: {  	[sflag:s19] =	ssyncadd.s32 $0xFFFF9C00  }
0x1c0: {  	[hbm4b:s29+s2] =	stream.linear.scatter [tilespmem:s14], [sflag:$0x8], $0x6400, $0x38;
	[tilespmem:$0x1F400] =	vst v63  }
0x1c1: {  	_ =	swait.ge [sflag:s16], $0x6400  }
0x1c2: {  	s1 =	sld [smem:$0x7F1]  }
0x1c3: {  	[sflag:s16] =	ssyncset.done $0x0  }
0x1c4: {  	[sflag:s16] =	ssyncadd.s32 $0xFFFF9C00  }
0x1c5: {  	[hbm4b:s1+s2] =	stream.linear.scatter [tilespmem:s11], [sflag:$0x9], $0x6400, $0x38;
	[tilespmem:$0x1F400] =	vst v63  }
0x1c6: {  	_ =	swait.ge [sflag:s17], $0x6400  }
0x1c7: {  	s29 =	sld [smem:$0x7F2]  }
0x1c8: {  	[sflag:s17] =	ssyncset.done $0x0  }
0x1c9: {  	[sflag:s17] =	ssyncadd.s32 $0xFFFF9C00  }
0x1ca: {  	[hbm4b:s29+s2] =	stream.linear.scatter [tilespmem:s7], [sflag:$0xA], $0x6400, $0x38;
	[tilespmem:$0x1F400] =	vst v63  }
0x1cb: {  	_ =	swait.ge [sflag:s15], $0x6400  }
0x1cc: {  	s1 =	sld [smem:$0x7F3]  }
0x1cd: {  	[sflag:s15] =	ssyncset.done $0x0  }
0x1ce: {  	[sflag:s15] =	ssyncadd.s32 $0xFFFF9C00  }
0x1cf: {  	[tilespmem:s2], [sflag:$0x1] =	stream.linear.gather [hbm4b:s1+s2], $0x6400, $0x38;
	[tilespmem:$0x1F400] =	vst v63  }
0x1d0: {  	_ =	swait.ge [sflag:s13], $0x6400  }
0x1d1: {  	s29 =	sld [smem:$0x7F4]  }
0x1d2: {  	[sflag:s13] =	ssyncset.done $0x0  }
0x1d3: {  	[sflag:s13] =	ssyncadd.s32 $0xFFFF9C00  }
0x1d4: {  	[tilespmem:s14], [sflag:$0x2] =	stream.linear.gather [hbm4b:s29+s2], $0x6400, $0x38;
	[tilespmem:$0x1F400] =	vst v63  }
0x1d5: {  	_ =	swait.ge [sflag:s10], $0x6400  }
0x1d6: {  	s1 =	sld [smem:$0x7F5]  }
0x1d7: {  	[sflag:s10] =	ssyncset.done $0x0  }
0x1d8: {  	[sflag:s10] =	ssyncadd.s32 $0xFFFF9C00  }
0x1d9: {  	[tilespmem:s11], [sflag:$0x3] =	stream.linear.gather [hbm4b:s1+s2], $0x6400, $0x38;
	[tilespmem:$0x1F400] =	vst v63  }
0x1da: {  	_ =	swait.ge [sflag:s8], $0x6400  }
0x1db: {  	s29 =	sld [smem:$0x7F6]  }
0x1dc: {  	[sflag:s8] =	ssyncset.done $0x0  }
0x1dd: {  	[sflag:s8] =	ssyncadd.s32 $0xFFFF9C00  }
0x1de: {  	[tilespmem:s7], [sflag:$0x4] =	stream.linear.gather [hbm4b:s29+s2], $0x6400, $0x38;
	[tilespmem:$0x1F400] =	vst v63  }
0x1df: {  	_ =	swait.ge [sflag:s21], $0x6400  }
0x1e0: {  	s1 =	sld [smem:$0x7F7]  }
0x1e1: {  	[sflag:s21] =	ssyncset.done $0x0  }
0x1e2: {  	[sflag:s21] =	ssyncadd.s32 $0xFFFF9C00  }
0x1e3: {  	[hbm4b:s1+s2] =	stream.linear.scatter [tilespmem:s2], [sflag:$0x7], $0x6400, $0x38;
	[tilespmem:$0x1F400] =	vst v63  }
0x1e4: {  	_ =	swait.ge [sflag:s19], $0x6400  }
0x1e5: {  	s29 =	sld [smem:$0x7F8]  }
0x1e6: {  	[sflag:s19] =	ssyncset.done $0x0  }
0x1e7: {  	[sflag:s19] =	ssyncadd.s32 $0xFFFF9C00  }
0x1e8: {  	[hbm4b:s29+s2] =	stream.linear.scatter [tilespmem:s14], [sflag:$0x8], $0x6400, $0x38;
	[tilespmem:$0x1F400] =	vst v63  }
0x1e9: {  	_ =	swait.ge [sflag:s16], $0x6400  }
0x1ea: {  	s1 =	sld [smem:$0x7F9]  }
0x1eb: {  	[sflag:s16] =	ssyncset.done $0x0  }
0x1ec: {  	[sflag:s16] =	ssyncadd.s32 $0xFFFF9C00  }
0x1ed: {  	[hbm4b:s1+s2] =	stream.linear.scatter [tilespmem:s11], [sflag:$0x9], $0x6400, $0x38;
	[tilespmem:$0x1F400] =	vst v63  }
0x1ee: {  	_ =	swait.ge [sflag:s17], $0x6400  }
0x1ef: {  	s29 =	sld [smem:$0x7FA]  }
0x1f0: {  	[sflag:s17] =	ssyncset.done $0x0  }
0x1f1: {  	[sflag:s17] =	ssyncadd.s32 $0xFFFF9C00  }
0x1f2: {  	[hbm4b:s29+s2] =	stream.linear.scatter [tilespmem:s7], [sflag:$0xA], $0x6400, $0x38;
	[tilespmem:$0x1F400] =	vst v63  }
0x1f3: {  	_ =	swait.ge [sflag:s15], $0x6400  }
0x1f4: {  	s1 =	sld [smem:$0x7FB]  }
0x1f5: {  	[sflag:s15] =	ssyncset.done $0x0  }
0x1f6: {  	[sflag:s15] =	ssyncadd.s32 $0xFFFF9C00  }
0x1f7: {  	[tilespmem:s2], [sflag:$0x1] =	stream.linear.gather [hbm4b:s1+s2], $0x6400, $0x38;
	[tilespmem:$0x1F400] =	vst v63  }
0x1f8: {  	_ =	swait.ge [sflag:s13], $0x6400  }
0x1f9: {  	s29 =	sld [smem:$0x7FC]  }
0x1fa: {  	[sflag:s13] =	ssyncset.done $0x0  }
0x1fb: {  	[sflag:s13] =	ssyncadd.s32 $0xFFFF9C00  }
0x1fc: {  	[tilespmem:s14], [sflag:$0x2] =	stream.linear.gather [hbm4b:s29+s2], $0x6400, $0x38;
	[tilespmem:$0x1F400] =	vst v63  }
0x1fd: {  	_ =	swait.ge [sflag:s10], $0x6400  }
0x1fe: {  	s1 =	sld [smem:$0x7FD]  }
0x1ff: {  	[sflag:s10] =	ssyncset.done $0x0  }
0x200: {  	[sflag:s10] =	ssyncadd.s32 $0xFFFF9C00  }
0x201: {  	[tilespmem:s11], [sflag:$0x3] =	stream.linear.gather [hbm4b:s1+s2], $0x6400, $0x38;
	[tilespmem:$0x1F400] =	vst v63  }
0x202: {  	_ =	swait.ge [sflag:s8], $0x6400  }
0x203: {  	[sflag:s8] =	ssyncset.done $0x0  }
0x204: {  	[sflag:s8] =	ssyncadd.s32 $0xFFFF9C00  }
0x205: {  	[tilespmem:s7], [sflag:$0x4] =	stream.linear.gather [hbm4b:s28+s2], $0x6400, $0x38;
	[tilespmem:$0x1F400] =	vst v63  }
0x206: {  	_ =	swait.ge [sflag:s21], $0x6400  }
0x207: {  	[sflag:s21] =	ssyncset.done $0x0  }
0x208: {  	[sflag:s21] =	ssyncadd.s32 $0xFFFF9C00  }
0x209: {  	[hbm4b:s26+s2] =	stream.linear.scatter [tilespmem:s2], [sflag:$0x7], $0x6400, $0x38;
	[tilespmem:$0x1F400] =	vst v63  }
0x20a: {  	_ =	swait.ge [sflag:s19], $0x6400  }
0x20b: {  	[sflag:s19] =	ssyncset.done $0x0  }
0x20c: {  	[sflag:s19] =	ssyncadd.s32 $0xFFFF9C00  }
0x20d: {  	[hbm4b:s25+s2] =	stream.linear.scatter [tilespmem:s14], [sflag:$0x8], $0x6400, $0x38;
	[tilespmem:$0x1F400] =	vst v63  }
0x20e: {  	_ =	swait.ge [sflag:s16], $0x6400  }
0x20f: {  	[sflag:s16] =	ssyncset.done $0x0  }
0x210: {  	[sflag:s16] =	ssyncadd.s32 $0xFFFF9C00  }
0x211: {  	[hbm4b:s24+s2] =	stream.linear.scatter [tilespmem:s11], [sflag:$0x9], $0x6400, $0x38;
	[tilespmem:$0x1F400] =	vst v63  }
0x212: {  	_ =	swait.ge [sflag:s17], $0x6400  }
0x213: {  	[sflag:s17] =	ssyncset.done $0x0  }
0x214: {  	[sflag:s17] =	ssyncadd.s32 $0xFFFF9C00  }
0x215: {  	[hbm4b:s23+s2] =	stream.linear.scatter [tilespmem:s7], [sflag:$0xA], $0x6400, $0x38;
	[tilespmem:$0x1F400] =	vst v63  }
0x216: {  	_ =	swait.ge [sflag:s15], $0x6400  }
0x217: {  	[sflag:s15] =	ssyncset.done $0x0  }
0x218: {  	[sflag:s15] =	ssyncadd.s32 $0xFFFF9C00  }
0x219: {  	[tilespmem:s2], [sflag:$0x1] =	stream.linear.gather [hbm4b:s22+s2], $0x6400, $0x38;
	[tilespmem:$0x1F400] =	vst v63  }
0x21a: {  	_ =	swait.ge [sflag:s13], $0x6400  }
0x21b: {  	[sflag:s13] =	ssyncset.done $0x0  }
0x21c: {  	[sflag:s13] =	ssyncadd.s32 $0xFFFF9C00  }
0x21d: {  	[tilespmem:s14], [sflag:$0x2] =	stream.linear.gather [hbm4b:s20+s2], $0x6400, $0x38;
	[tilespmem:$0x1F400] =	vst v63  }
0x21e: {  	_ =	swait.ge [sflag:s10], $0x6400  }
0x21f: {  	[sflag:s10] =	ssyncset.done $0x0  }
0x220: {  	[sflag:s10] =	ssyncadd.s32 $0xFFFF9C00  }
0x221: {  	[tilespmem:s11], [sflag:$0x3] =	stream.linear.gather [hbm4b:s18+s2], $0x6400, $0x38;
	[tilespmem:$0x1F400] =	vst v63  }
0x222: {  	_ =	swait.ge [sflag:s8], $0x6400  }
0x223: {  	[sflag:s8] =	ssyncset.done $0x0  }
0x224: {  	[sflag:s8] =	ssyncadd.s32 $0xFFFF9C00  }
0x225: {  	[tilespmem:s7], [sflag:$0x4] =	stream.linear.gather [hbm4b:s3+s2], $0x6400, $0x38;
	[tilespmem:$0x1F400] =	vst v63  }
0x226: {  	_ =	swait.ge [sflag:s21], $0x6400  }
0x227: {  	[sflag:s21] =	ssyncset.done $0x0  }
0x228: {  	[sflag:s21] =	ssyncadd.s32 $0xFFFF9C00  }
0x229: {  	[hbm4b:s12+s2] =	stream.linear.scatter [tilespmem:s2], [sflag:$0x7], $0x6400, $0x38;
	[tilespmem:$0x1F400] =	vst v63  }
0x22a: {  	_ =	swait.ge [sflag:s19], $0x6400  }
0x22b: {  	[sflag:s19] =	ssyncset.done $0x0  }
0x22c: {  	[sflag:s19] =	ssyncadd.s32 $0xFFFF9C00  }
0x22d: {  	[hbm4b:s9+s2] =	stream.linear.scatter [tilespmem:s14], [sflag:$0x8], $0x6400, $0x38;
	[tilespmem:$0x1F400] =	vst v63  }
0x22e: {  	_ =	swait.ge [sflag:s16], $0x6400  }
0x22f: {  	[sflag:s16] =	ssyncset.done $0x0  }
0x230: {  	[sflag:s16] =	ssyncadd.s32 $0xFFFF9C00  }
0x231: {  	[hbm4b:s6+s2] =	stream.linear.scatter [tilespmem:s11], [sflag:$0x9], $0x6400, $0x38;
	[tilespmem:$0x1F400] =	vst v63  }
0x232: {  	_ =	swait.ge [sflag:s17], $0x6400  }
0x233: {  	[sflag:s17] =	ssyncset.done $0x0  }
0x234: {  	[sflag:s17] =	ssyncadd.s32 $0xFFFF9C00  }
0x235: {  	[hbm4b:s5+s2] =	stream.linear.scatter [tilespmem:s7], [sflag:$0xA], $0x6400, $0x38;
	[tilespmem:$0x1F400] =	vst v63  }
0x236: {  	_ =	swait.ge [sflag:s15], $0x6400  }
0x237: {  	[sflag:s15] =	ssyncset.done $0x0  }
0x238: {  	[sflag:s15] =	ssyncadd.s32 $0xFFFF9C00  }
0x239: {  	_ =	swait.ge [sflag:s13], $0x6400  }
0x23a: {  	[sflag:s13] =	ssyncset.done $0x0  }
0x23b: {  	[sflag:s13] =	ssyncadd.s32 $0xFFFF9C00  }
0x23c: {  	_ =	swait.ge [sflag:s10], $0x6400  }
0x23d: {  	[sflag:s10] =	ssyncset.done $0x0  }
0x23e: {  	[sflag:s10] =	ssyncadd.s32 $0xFFFF9C00  }
0x23f: {  	_ =	swait.ge [sflag:s8], $0x6400  }
0x240: {  	[sflag:s8] =	ssyncset.done $0x0  }
0x241: {  	[sflag:s8] =	ssyncadd.s32 $0xFFFF9C00  }
0x242: {  	_ =	swait.ge [sflag:s4], $0x6400  }
0x243: {  	[sflag:s4] =	ssyncset.done $0x0  }
0x244: {  	[sflag:s4] =	ssyncadd.s32 $0xFFFF9C00  }
0x245: {  	_ =	swait.ge [sflag:s4], $0x6400  }
0x246: {  	[sflag:s4] =	ssyncset.done $0x0  }
0x247: {  	[sflag:s4] =	ssyncadd.s32 $0xFFFF9C00  }
0x248: {  	_ =	swait.ge [sflag:s4], $0x6400  }
0x249: {  	[sflag:s4] =	ssyncset.done $0x0  }
0x24a: {  	[sflag:s4] =	ssyncadd.s32 $0xFFFF9C00  }
0x24b: {  	_ =	swait.ge [sflag:s4], $0x6400  }
0x24c: {  	[sflag:s4] =	ssyncset.done $0x0  }
0x24d: {  	[sflag:s4] =	ssyncadd.s32 $0xFFFF9C00  }
0x24e: {  	_ =	swait.ge [sflag:s4], $0x6400  }
0x24f: {  	[sflag:s4] =	ssyncset.done $0x0  }
0x250: {  	[sflag:s4] =	ssyncadd.s32 $0xFFFF9C00  }
0x251: {  	_ =	swait.ge [sflag:s4], $0x6400  }
0x252: {  	[sflag:s4] =	ssyncset.done $0x0  }
0x253: {  	[sflag:s4] =	ssyncadd.s32 $0xFFFF9C00  }
0x254: {  	_ =	swait.ge [sflag:s4], $0x6400  }
0x255: {  	s29 =	sld [smem:$0x7BE];
	_ =	sdelay $0x2  }
0x256: {  	p1 =	sne.s32 s29, $0x1  }
.Ltmp1:
0x257: {  	[sflag:s4] =	ssyncset.done $0x0;
	(pc) =	sbr.rel @!p1 .LBB2_2-.Ltmp1, $4  }
0x258: {  	[sflag:s4] =	ssyncadd.s32 $0xFFFF9C00  }
0x259: {  	_ =	swait.ge [sflag:s4], $0x6400  }
0x25a: {  	p0 =	por $0x1, $0x1;
	s1 =	sadd.s32 $0xFFFFFFFF, s29;
	s0 =	rddreg [dreg:$0x3]  }
0x25b: {  	[sflag:s4] =	ssyncset.done $0x0;
	[smem:$0x7BF] =	sst s31;
	s31 =	simm.s32 $0x5  }
.LBB2_3:
0x25c: {  	[sflag:s4] =	ssyncadd.s32 $0xFFFF9C00;
	s29 =	smov.u32 s28;
	s28 =	smov.u32 s26  }
0x25d: {  	s26 =	smov.u32 s25;
	s25 =	smov.u32 s24;
	s24 =	smov.u32 s23  }
0x25e: {  	s23 =	smov.u32 s22;
	s22 =	smov.u32 s20;
	s20 =	smov.u32 s18  }
0x25f: {  	s18 =	smov.u32 s12;
	s12 =	smov.u32 s9;
	s9 =	smov.u32 s6  }
0x260: {  	[tilespmem:s30], [sflag:$0x5] =	stream.linear.gather [hbm4b:s0+s2], $0x6400, $0x38;
	[tilespmem:$0x1F400] =	vst v63  }
0x261: {  	s6 =	smov.u32 s5;
	s5 =	smov.u32 s3;
	s3 =	rddreg [dreg:$0x4]  }
0x262: {  	[tilespmem:s2], [sflag:$0x1] =	stream.linear.gather [hbm4b:s3+s2], $0x6400, $0x38;
	[tilespmem:$0x1F400] =	vst v63  }
0x263: {  	s0 =	rddreg [dreg:$0x5]  }
0x264: {  	[tilespmem:s14], [sflag:$0x2] =	stream.linear.gather [hbm4b:s0+s2], $0x6400, $0x38;
	[tilespmem:$0x1F400] =	vst v63  }
0x265: {  	s3 =	rddreg [dreg:$0x6]  }
0x266: {  	[tilespmem:s11], [sflag:$0x3] =	stream.linear.gather [hbm4b:s3+s2], $0x6400, $0x38;
	[tilespmem:$0x1F400] =	vst v63  }
0x267: {  	s0 =	rddreg [dreg:$0x7]  }
0x268: {  	[tilespmem:s7], [sflag:$0x4] =	stream.linear.gather [hbm4b:s0+s2], $0x6400, $0x38;
	[tilespmem:$0x1F400] =	vst v63  }
0x269: {  	_ =	swait.ge [sflag:s31], $0x6400  }
0x26a: {  	s3 =	sld [smem:$0x7BF]  }
0x26b: {  	[sflag:s31] =	ssyncset.done $0x0  }
0x26c: {  	[sflag:s31] =	ssyncadd.s32 $0xFFFF9C00  }
0x26d: {  	[hbm4b:s3+s2] =	stream.linear.scatter [tilespmem:s30], [sflag:$0x6], $0x6400, $0x38;
	[tilespmem:$0x1F400] =	vst v63  }
0x26e: {  	s0 =	rddreg [dreg:$0x8]  }
0x26f: {  	[hbm4b:s0+s2] =	stream.linear.scatter [tilespmem:s30], [sflag:$0x6], $0x6400, $0x38;
	[tilespmem:$0x1F400] =	vst v63  }
0x270: {  	s3 =	rddreg [dreg:$0x9]  }
0x271: {  	[hbm4b:s3+s2] =	stream.linear.scatter [tilespmem:s30], [sflag:$0x6], $0x6400, $0x38;
	[tilespmem:$0x1F400] =	vst v63  }
0x272: {  	s0 =	rddreg [dreg:$0xa]  }
0x273: {  	[hbm4b:s0+s2] =	stream.linear.scatter [tilespmem:s30], [sflag:$0x6], $0x6400, $0x38;
	[tilespmem:$0x1F400] =	vst v63  }
0x274: {  	s3 =	rddreg [dreg:$0xb]  }
0x275: {  	[hbm4b:s3+s2] =	stream.linear.scatter [tilespmem:s30], [sflag:$0x6], $0x6400, $0x38;
	[tilespmem:$0x1F400] =	vst v63  }
0x276: {  	s0 =	rddreg [dreg:$0xc]  }
0x277: {  	[hbm4b:s0+s2] =	stream.linear.scatter [tilespmem:s30], [sflag:$0x6], $0x6400, $0x38;
	[tilespmem:$0x1F400] =	vst v63  }
0x278: {  	s3 =	rddreg [dreg:$0xd]  }
0x279: {  	[hbm4b:s3+s2] =	stream.linear.scatter [tilespmem:s30], [sflag:$0x6], $0x6400, $0x38;
	[tilespmem:$0x1F400] =	vst v63  }
0x27a: {  	s0 =	rddreg [dreg:$0xe]  }
0x27b: {  	[hbm4b:s0+s2] =	stream.linear.scatter [tilespmem:s30], [sflag:$0x6], $0x6400, $0x38;
	[tilespmem:$0x1F400] =	vst v63  }
0x27c: {  	_ =	swait.ge [sflag:s21], $0x6400  }
0x27d: {  	[sflag:s21] =	ssyncset.done $0x0  }
0x27e: {  	s0 =	rddreg [dreg:$0xf];
	[sflag:s21] =	ssyncadd.s32 $0xFFFF9C00  }
0x27f: {  	[hbm4b:s0+s2] =	stream.linear.scatter [tilespmem:s2], [sflag:$0x7], $0x6400, $0x38;
	[tilespmem:$0x1F400] =	vst v63  }
0x280: {  	_ =	swait.ge [sflag:s19], $0x6400  }
0x281: {  	[sflag:s19] =	ssyncset.done $0x0  }
0x282: {  	s0 =	rddreg [dreg:$0x10];
	[sflag:s19] =	ssyncadd.s32 $0xFFFF9C00  }
0x283: {  	[hbm4b:s0+s2] =	stream.linear.scatter [tilespmem:s14], [sflag:$0x8], $0x6400, $0x38;
	[tilespmem:$0x1F400] =	vst v63  }
0x284: {  	_ =	swait.ge [sflag:s16], $0x6400  }
0x285: {  	[sflag:s16] =	ssyncset.done $0x0  }
0x286: {  	s0 =	rddreg [dreg:$0x11];
	[sflag:s16] =	ssyncadd.s32 $0xFFFF9C00  }
0x287: {  	[hbm4b:s0+s2] =	stream.linear.scatter [tilespmem:s11], [sflag:$0x9], $0x6400, $0x38;
	[tilespmem:$0x1F400] =	vst v63  }
0x288: {  	_ =	swait.ge [sflag:s17], $0x6400  }
0x289: {  	[sflag:s17] =	ssyncset.done $0x0  }
0x28a: {  	s0 =	rddreg [dreg:$0x12];
	[sflag:s17] =	ssyncadd.s32 $0xFFFF9C00  }
0x28b: {  	[hbm4b:s0+s2] =	stream.linear.scatter [tilespmem:s7], [sflag:$0xA], $0x6400, $0x38;
	[tilespmem:$0x1F400] =	vst v63  }
0x28c: {  	_ =	swait.ge [sflag:s15], $0x6400  }
0x28d: {  	[sflag:s15] =	ssyncset.done $0x0  }
0x28e: {  	s0 =	rddreg [dreg:$0x13];
	[sflag:s15] =	ssyncadd.s32 $0xFFFF9C00  }
0x28f: {  	[tilespmem:s2], [sflag:$0x1] =	stream.linear.gather [hbm4b:s0+s2], $0x6400, $0x38;
	[tilespmem:$0x1F400] =	vst v63  }
0x290: {  	_ =	swait.ge [sflag:s13], $0x6400  }
0x291: {  	[sflag:s13] =	ssyncset.done $0x0  }
0x292: {  	s0 =	rddreg [dreg:$0x14];
	[sflag:s13] =	ssyncadd.s32 $0xFFFF9C00  }
0x293: {  	[tilespmem:s14], [sflag:$0x2] =	stream.linear.gather [hbm4b:s0+s2], $0x6400, $0x38;
	[tilespmem:$0x1F400] =	vst v63  }
0x294: {  	_ =	swait.ge [sflag:s10], $0x6400  }
0x295: {  	[sflag:s10] =	ssyncset.done $0x0  }
0x296: {  	s0 =	rddreg [dreg:$0x15];
	[sflag:s10] =	ssyncadd.s32 $0xFFFF9C00  }
0x297: {  	[tilespmem:s11], [sflag:$0x3] =	stream.linear.gather [hbm4b:s0+s2], $0x6400, $0x38;
	[tilespmem:$0x1F400] =	vst v63  }
0x298: {  	_ =	swait.ge [sflag:s8], $0x6400  }
0x299: {  	[sflag:s8] =	ssyncset.done $0x0  }
0x29a: {  	s0 =	rddreg [dreg:$0x16];
	[sflag:s8] =	ssyncadd.s32 $0xFFFF9C00  }
0x29b: {  	[tilespmem:s7], [sflag:$0x4] =	stream.linear.gather [hbm4b:s0+s2], $0x6400, $0x38;
	[tilespmem:$0x1F400] =	vst v63  }
0x29c: {  	_ =	swait.ge [sflag:s21], $0x6400  }
0x29d: {  	[sflag:s21] =	ssyncset.done $0x0  }
0x29e: {  	s0 =	rddreg [dreg:$0x17];
	[sflag:s21] =	ssyncadd.s32 $0xFFFF9C00  }
0x29f: {  	[hbm4b:s0+s2] =	stream.linear.scatter [tilespmem:s2], [sflag:$0x7], $0x6400, $0x38;
	[tilespmem:$0x1F400] =	vst v63  }
0x2a0: {  	_ =	swait.ge [sflag:s19], $0x6400  }
0x2a1: {  	[sflag:s19] =	ssyncset.done $0x0  }
0x2a2: {  	s0 =	rddreg [dreg:$0x18];
	[sflag:s19] =	ssyncadd.s32 $0xFFFF9C00  }
0x2a3: {  	[hbm4b:s0+s2] =	stream.linear.scatter [tilespmem:s14], [sflag:$0x8], $0x6400, $0x38;
	[tilespmem:$0x1F400] =	vst v63  }
0x2a4: {  	_ =	swait.ge [sflag:s16], $0x6400  }
0x2a5: {  	[sflag:s16] =	ssyncset.done $0x0  }
0x2a6: {  	s0 =	rddreg [dreg:$0x19];
	[sflag:s16] =	ssyncadd.s32 $0xFFFF9C00  }
0x2a7: {  	[hbm4b:s0+s2] =	stream.linear.scatter [tilespmem:s11], [sflag:$0x9], $0x6400, $0x38;
	[tilespmem:$0x1F400] =	vst v63  }
0x2a8: {  	_ =	swait.ge [sflag:s17], $0x6400  }
0x2a9: {  	[sflag:s17] =	ssyncset.done $0x0  }
0x2aa: {  	s0 =	rddreg [dreg:$0x1a];
	[sflag:s17] =	ssyncadd.s32 $0xFFFF9C00  }
0x2ab: {  	[hbm4b:s0+s2] =	stream.linear.scatter [tilespmem:s7], [sflag:$0xA], $0x6400, $0x38;
	[tilespmem:$0x1F400] =	vst v63  }
0x2ac: {  	_ =	swait.ge [sflag:s15], $0x6400  }
0x2ad: {  	[sflag:s15] =	ssyncset.done $0x0  }
0x2ae: {  	s0 =	rddreg [dreg:$0x1b];
	[sflag:s15] =	ssyncadd.s32 $0xFFFF9C00  }
0x2af: {  	[tilespmem:s2], [sflag:$0x1] =	stream.linear.gather [hbm4b:s0+s2], $0x6400, $0x38;
	[tilespmem:$0x1F400] =	vst v63  }
0x2b0: {  	_ =	swait.ge [sflag:s13], $0x6400  }
0x2b1: {  	[sflag:s13] =	ssyncset.done $0x0  }
0x2b2: {  	s0 =	rddreg [dreg:$0x1c];
	[sflag:s13] =	ssyncadd.s32 $0xFFFF9C00  }
0x2b3: {  	[tilespmem:s14], [sflag:$0x2] =	stream.linear.gather [hbm4b:s0+s2], $0x6400, $0x38;
	[tilespmem:$0x1F400] =	vst v63  }
0x2b4: {  	_ =	swait.ge [sflag:s10], $0x6400  }
0x2b5: {  	[sflag:s10] =	ssyncset.done $0x0  }
0x2b6: {  	s0 =	rddreg [dreg:$0x1d];
	[sflag:s10] =	ssyncadd.s32 $0xFFFF9C00  }
0x2b7: {  	[tilespmem:s11], [sflag:$0x3] =	stream.linear.gather [hbm4b:s0+s2], $0x6400, $0x38;
	[tilespmem:$0x1F400] =	vst v63  }
0x2b8: {  	_ =	swait.ge [sflag:s8], $0x6400  }
0x2b9: {  	[sflag:s8] =	ssyncset.done $0x0  }
0x2ba: {  	s0 =	rddreg [dreg:$0x1e];
	[sflag:s8] =	ssyncadd.s32 $0xFFFF9C00  }
0x2bb: {  	[tilespmem:s7], [sflag:$0x4] =	stream.linear.gather [hbm4b:s0+s2], $0x6400, $0x38;
	[tilespmem:$0x1F400] =	vst v63  }
0x2bc: {  	_ =	swait.ge [sflag:s21], $0x6400  }
0x2bd: {  	[sflag:s21] =	ssyncset.done $0x0  }
0x2be: {  	s0 =	rddreg [dreg:$0x1f];
	[sflag:s21] =	ssyncadd.s32 $0xFFFF9C00  }
0x2bf: {  	[hbm4b:s0+s2] =	stream.linear.scatter [tilespmem:s2], [sflag:$0x7], $0x6400, $0x38;
	[tilespmem:$0x1F400] =	vst v63  }
0x2c0: {  	_ =	swait.ge [sflag:s19], $0x6400  }
0x2c1: {  	s0 =	sld [smem:$0x7C0]  }
0x2c2: {  	[sflag:s19] =	ssyncset.done $0x0  }
0x2c3: {  	[sflag:s19] =	ssyncadd.s32 $0xFFFF9C00  }
0x2c4: {  	[hbm4b:s0+s2] =	stream.linear.scatter [tilespmem:s14], [sflag:$0x8], $0x6400, $0x38;
	[tilespmem:$0x1F400] =	vst v63  }
0x2c5: {  	_ =	swait.ge [sflag:s16], $0x6400  }
0x2c6: {  	s0 =	sld [smem:$0x7C1]  }
0x2c7: {  	[sflag:s16] =	ssyncset.done $0x0  }
0x2c8: {  	[sflag:s16] =	ssyncadd.s32 $0xFFFF9C00  }
0x2c9: {  	[hbm4b:s0+s2] =	stream.linear.scatter [tilespmem:s11], [sflag:$0x9], $0x6400, $0x38;
	[tilespmem:$0x1F400] =	vst v63  }
0x2ca: {  	_ =	swait.ge [sflag:s17], $0x6400  }
0x2cb: {  	s0 =	sld [smem:$0x7C2]  }
0x2cc: {  	[sflag:s17] =	ssyncset.done $0x0  }
0x2cd: {  	[sflag:s17] =	ssyncadd.s32 $0xFFFF9C00  }
0x2ce: {  	[hbm4b:s0+s2] =	stream.linear.scatter [tilespmem:s7], [sflag:$0xA], $0x6400, $0x38;
	[tilespmem:$0x1F400] =	vst v63  }
0x2cf: {  	_ =	swait.ge [sflag:s15], $0x6400  }
0x2d0: {  	s0 =	sld [smem:$0x7C3]  }
0x2d1: {  	[sflag:s15] =	ssyncset.done $0x0  }
0x2d2: {  	[sflag:s15] =	ssyncadd.s32 $0xFFFF9C00  }
0x2d3: {  	[tilespmem:s2], [sflag:$0x1] =	stream.linear.gather [hbm4b:s0+s2], $0x6400, $0x38;
	[tilespmem:$0x1F400] =	vst v63  }
0x2d4: {  	_ =	swait.ge [sflag:s13], $0x6400  }
0x2d5: {  	s0 =	sld [smem:$0x7C4]  }
0x2d6: {  	[sflag:s13] =	ssyncset.done $0x0  }
0x2d7: {  	[sflag:s13] =	ssyncadd.s32 $0xFFFF9C00  }
0x2d8: {  	[tilespmem:s14], [sflag:$0x2] =	stream.linear.gather [hbm4b:s0+s2], $0x6400, $0x38;
	[tilespmem:$0x1F400] =	vst v63  }
0x2d9: {  	_ =	swait.ge [sflag:s10], $0x6400  }
0x2da: {  	s0 =	sld [smem:$0x7C5]  }
0x2db: {  	[sflag:s10] =	ssyncset.done $0x0  }
0x2dc: {  	[sflag:s10] =	ssyncadd.s32 $0xFFFF9C00  }
0x2dd: {  	[tilespmem:s11], [sflag:$0x3] =	stream.linear.gather [hbm4b:s0+s2], $0x6400, $0x38;
	[tilespmem:$0x1F400] =	vst v63  }
0x2de: {  	_ =	swait.ge [sflag:s8], $0x6400  }
0x2df: {  	s0 =	sld [smem:$0x7C6]  }
0x2e0: {  	[sflag:s8] =	ssyncset.done $0x0  }
0x2e1: {  	[sflag:s8] =	ssyncadd.s32 $0xFFFF9C00  }
0x2e2: {  	[tilespmem:s7], [sflag:$0x4] =	stream.linear.gather [hbm4b:s0+s2], $0x6400, $0x38;
	[tilespmem:$0x1F400] =	vst v63  }
0x2e3: {  	_ =	swait.ge [sflag:s21], $0x6400  }
0x2e4: {  	s0 =	sld [smem:$0x7C7]  }
0x2e5: {  	[sflag:s21] =	ssyncset.done $0x0  }
0x2e6: {  	[sflag:s21] =	ssyncadd.s32 $0xFFFF9C00  }
0x2e7: {  	[hbm4b:s0+s2] =	stream.linear.scatter [tilespmem:s2], [sflag:$0x7], $0x6400, $0x38;
	[tilespmem:$0x1F400] =	vst v63  }
0x2e8: {  	_ =	swait.ge [sflag:s19], $0x6400  }
0x2e9: {  	s0 =	sld [smem:$0x7C8]  }
0x2ea: {  	[sflag:s19] =	ssyncset.done $0x0  }
0x2eb: {  	[sflag:s19] =	ssyncadd.s32 $0xFFFF9C00  }
0x2ec: {  	[hbm4b:s0+s2] =	stream.linear.scatter [tilespmem:s14], [sflag:$0x8], $0x6400, $0x38;
	[tilespmem:$0x1F400] =	vst v63  }
0x2ed: {  	_ =	swait.ge [sflag:s16], $0x6400  }
0x2ee: {  	s0 =	sld [smem:$0x7C9]  }
0x2ef: {  	[sflag:s16] =	ssyncset.done $0x0  }
0x2f0: {  	[sflag:s16] =	ssyncadd.s32 $0xFFFF9C00  }
0x2f1: {  	[hbm4b:s0+s2] =	stream.linear.scatter [tilespmem:s11], [sflag:$0x9], $0x6400, $0x38;
	[tilespmem:$0x1F400] =	vst v63  }
0x2f2: {  	_ =	swait.ge [sflag:s17], $0x6400  }
0x2f3: {  	s0 =	sld [smem:$0x7CA]  }
0x2f4: {  	[sflag:s17] =	ssyncset.done $0x0  }
0x2f5: {  	[sflag:s17] =	ssyncadd.s32 $0xFFFF9C00  }
0x2f6: {  	[hbm4b:s0+s2] =	stream.linear.scatter [tilespmem:s7], [sflag:$0xA], $0x6400, $0x38;
	[tilespmem:$0x1F400] =	vst v63  }
0x2f7: {  	_ =	swait.ge [sflag:s15], $0x6400  }
0x2f8: {  	s0 =	sld [smem:$0x7CB]  }
0x2f9: {  	[sflag:s15] =	ssyncset.done $0x0  }
0x2fa: {  	[sflag:s15] =	ssyncadd.s32 $0xFFFF9C00  }
0x2fb: {  	[tilespmem:s2], [sflag:$0x1] =	stream.linear.gather [hbm4b:s0+s2], $0x6400, $0x38;
	[tilespmem:$0x1F400] =	vst v63  }
0x2fc: {  	_ =	swait.ge [sflag:s13], $0x6400  }
0x2fd: {  	s0 =	sld [smem:$0x7CC]  }
0x2fe: {  	[sflag:s13] =	ssyncset.done $0x0  }
0x2ff: {  	[sflag:s13] =	ssyncadd.s32 $0xFFFF9C00  }
0x300: {  	[tilespmem:s14], [sflag:$0x2] =	stream.linear.gather [hbm4b:s0+s2], $0x6400, $0x38;
	[tilespmem:$0x1F400] =	vst v63  }
0x301: {  	_ =	swait.ge [sflag:s10], $0x6400  }
0x302: {  	s0 =	sld [smem:$0x7CD]  }
0x303: {  	[sflag:s10] =	ssyncset.done $0x0  }
0x304: {  	[sflag:s10] =	ssyncadd.s32 $0xFFFF9C00  }
0x305: {  	[tilespmem:s11], [sflag:$0x3] =	stream.linear.gather [hbm4b:s0+s2], $0x6400, $0x38;
	[tilespmem:$0x1F400] =	vst v63  }
0x306: {  	_ =	swait.ge [sflag:s8], $0x6400  }
0x307: {  	s0 =	sld [smem:$0x7CE]  }
0x308: {  	[sflag:s8] =	ssyncset.done $0x0  }
0x309: {  	[sflag:s8] =	ssyncadd.s32 $0xFFFF9C00  }
0x30a: {  	[tilespmem:s7], [sflag:$0x4] =	stream.linear.gather [hbm4b:s0+s2], $0x6400, $0x38;
	[tilespmem:$0x1F400] =	vst v63  }
0x30b: {  	_ =	swait.ge [sflag:s21], $0x6400  }
0x30c: {  	s0 =	sld [smem:$0x7CF]  }
0x30d: {  	[sflag:s21] =	ssyncset.done $0x0  }
0x30e: {  	[sflag:s21] =	ssyncadd.s32 $0xFFFF9C00  }
0x30f: {  	[hbm4b:s0+s2] =	stream.linear.scatter [tilespmem:s2], [sflag:$0x7], $0x6400, $0x38;
	[tilespmem:$0x1F400] =	vst v63  }
0x310: {  	_ =	swait.ge [sflag:s19], $0x6400  }
0x311: {  	s0 =	sld [smem:$0x7D0]  }
0x312: {  	[sflag:s19] =	ssyncset.done $0x0  }
0x313: {  	[sflag:s19] =	ssyncadd.s32 $0xFFFF9C00  }
0x314: {  	[hbm4b:s0+s2] =	stream.linear.scatter [tilespmem:s14], [sflag:$0x8], $0x6400, $0x38;
	[tilespmem:$0x1F400] =	vst v63  }
0x315: {  	_ =	swait.ge [sflag:s16], $0x6400  }
0x316: {  	s0 =	sld [smem:$0x7D1]  }
0x317: {  	[sflag:s16] =	ssyncset.done $0x0  }
0x318: {  	[sflag:s16] =	ssyncadd.s32 $0xFFFF9C00  }
0x319: {  	[hbm4b:s0+s2] =	stream.linear.scatter [tilespmem:s11], [sflag:$0x9], $0x6400, $0x38;
	[tilespmem:$0x1F400] =	vst v63  }
0x31a: {  	_ =	swait.ge [sflag:s17], $0x6400  }
0x31b: {  	s0 =	sld [smem:$0x7D2]  }
0x31c: {  	[sflag:s17] =	ssyncset.done $0x0  }
0x31d: {  	[sflag:s17] =	ssyncadd.s32 $0xFFFF9C00  }
0x31e: {  	[hbm4b:s0+s2] =	stream.linear.scatter [tilespmem:s7], [sflag:$0xA], $0x6400, $0x38;
	[tilespmem:$0x1F400] =	vst v63  }
0x31f: {  	_ =	swait.ge [sflag:s15], $0x6400  }
0x320: {  	s0 =	sld [smem:$0x7D3]  }
0x321: {  	[sflag:s15] =	ssyncset.done $0x0  }
0x322: {  	[sflag:s15] =	ssyncadd.s32 $0xFFFF9C00  }
0x323: {  	[tilespmem:s2], [sflag:$0x1] =	stream.linear.gather [hbm4b:s0+s2], $0x6400, $0x38;
	[tilespmem:$0x1F400] =	vst v63  }
0x324: {  	_ =	swait.ge [sflag:s13], $0x6400  }
0x325: {  	s0 =	sld [smem:$0x7D4]  }
0x326: {  	[sflag:s13] =	ssyncset.done $0x0  }
0x327: {  	[sflag:s13] =	ssyncadd.s32 $0xFFFF9C00  }
0x328: {  	[tilespmem:s14], [sflag:$0x2] =	stream.linear.gather [hbm4b:s0+s2], $0x6400, $0x38;
	[tilespmem:$0x1F400] =	vst v63  }
0x329: {  	_ =	swait.ge [sflag:s10], $0x6400  }
0x32a: {  	s0 =	sld [smem:$0x7D5]  }
0x32b: {  	[sflag:s10] =	ssyncset.done $0x0  }
0x32c: {  	[sflag:s10] =	ssyncadd.s32 $0xFFFF9C00  }
0x32d: {  	[tilespmem:s11], [sflag:$0x3] =	stream.linear.gather [hbm4b:s0+s2], $0x6400, $0x38;
	[tilespmem:$0x1F400] =	vst v63  }
0x32e: {  	_ =	swait.ge [sflag:s8], $0x6400  }
0x32f: {  	s0 =	sld [smem:$0x7D6]  }
0x330: {  	[sflag:s8] =	ssyncset.done $0x0  }
0x331: {  	[sflag:s8] =	ssyncadd.s32 $0xFFFF9C00  }
0x332: {  	[tilespmem:s7], [sflag:$0x4] =	stream.linear.gather [hbm4b:s0+s2], $0x6400, $0x38;
	[tilespmem:$0x1F400] =	vst v63  }
0x333: {  	_ =	swait.ge [sflag:s21], $0x6400  }
0x334: {  	s0 =	sld [smem:$0x7D7]  }
0x335: {  	[sflag:s21] =	ssyncset.done $0x0  }
0x336: {  	[sflag:s21] =	ssyncadd.s32 $0xFFFF9C00  }
0x337: {  	[hbm4b:s0+s2] =	stream.linear.scatter [tilespmem:s2], [sflag:$0x7], $0x6400, $0x38;
	[tilespmem:$0x1F400] =	vst v63  }
0x338: {  	_ =	swait.ge [sflag:s19], $0x6400  }
0x339: {  	s0 =	sld [smem:$0x7D8]  }
0x33a: {  	[sflag:s19] =	ssyncset.done $0x0  }
0x33b: {  	[sflag:s19] =	ssyncadd.s32 $0xFFFF9C00  }
0x33c: {  	[hbm4b:s0+s2] =	stream.linear.scatter [tilespmem:s14], [sflag:$0x8], $0x6400, $0x38;
	[tilespmem:$0x1F400] =	vst v63  }
0x33d: {  	_ =	swait.ge [sflag:s16], $0x6400  }
0x33e: {  	s0 =	sld [smem:$0x7D9]  }
0x33f: {  	[sflag:s16] =	ssyncset.done $0x0  }
0x340: {  	[sflag:s16] =	ssyncadd.s32 $0xFFFF9C00  }
0x341: {  	[hbm4b:s0+s2] =	stream.linear.scatter [tilespmem:s11], [sflag:$0x9], $0x6400, $0x38;
	[tilespmem:$0x1F400] =	vst v63  }
0x342: {  	_ =	swait.ge [sflag:s17], $0x6400  }
0x343: {  	s0 =	sld [smem:$0x7DA]  }
0x344: {  	[sflag:s17] =	ssyncset.done $0x0  }
0x345: {  	[sflag:s17] =	ssyncadd.s32 $0xFFFF9C00  }
0x346: {  	[hbm4b:s0+s2] =	stream.linear.scatter [tilespmem:s7], [sflag:$0xA], $0x6400, $0x38;
	[tilespmem:$0x1F400] =	vst v63  }
0x347: {  	_ =	swait.ge [sflag:s15], $0x6400  }
0x348: {  	s0 =	sld [smem:$0x7DB]  }
0x349: {  	[sflag:s15] =	ssyncset.done $0x0  }
0x34a: {  	[sflag:s15] =	ssyncadd.s32 $0xFFFF9C00  }
0x34b: {  	[tilespmem:s2], [sflag:$0x1] =	stream.linear.gather [hbm4b:s0+s2], $0x6400, $0x38;
	[tilespmem:$0x1F400] =	vst v63  }
0x34c: {  	_ =	swait.ge [sflag:s13], $0x6400  }
0x34d: {  	s0 =	sld [smem:$0x7DC]  }
0x34e: {  	[sflag:s13] =	ssyncset.done $0x0  }
0x34f: {  	[sflag:s13] =	ssyncadd.s32 $0xFFFF9C00  }
0x350: {  	[tilespmem:s14], [sflag:$0x2] =	stream.linear.gather [hbm4b:s0+s2], $0x6400, $0x38;
	[tilespmem:$0x1F400] =	vst v63  }
0x351: {  	_ =	swait.ge [sflag:s10], $0x6400  }
0x352: {  	s0 =	sld [smem:$0x7DD]  }
0x353: {  	[sflag:s10] =	ssyncset.done $0x0  }
0x354: {  	[sflag:s10] =	ssyncadd.s32 $0xFFFF9C00  }
0x355: {  	[tilespmem:s11], [sflag:$0x3] =	stream.linear.gather [hbm4b:s0+s2], $0x6400, $0x38;
	[tilespmem:$0x1F400] =	vst v63  }
0x356: {  	_ =	swait.ge [sflag:s8], $0x6400  }
0x357: {  	s0 =	sld [smem:$0x7DE]  }
0x358: {  	[sflag:s8] =	ssyncset.done $0x0  }
0x359: {  	[sflag:s8] =	ssyncadd.s32 $0xFFFF9C00  }
0x35a: {  	[tilespmem:s7], [sflag:$0x4] =	stream.linear.gather [hbm4b:s0+s2], $0x6400, $0x38;
	[tilespmem:$0x1F400] =	vst v63  }
0x35b: {  	_ =	swait.ge [sflag:s21], $0x6400  }
0x35c: {  	s0 =	sld [smem:$0x7DF]  }
0x35d: {  	[sflag:s21] =	ssyncset.done $0x0  }
0x35e: {  	[sflag:s21] =	ssyncadd.s32 $0xFFFF9C00  }
0x35f: {  	[hbm4b:s0+s2] =	stream.linear.scatter [tilespmem:s2], [sflag:$0x7], $0x6400, $0x38;
	[tilespmem:$0x1F400] =	vst v63  }
0x360: {  	_ =	swait.ge [sflag:s19], $0x6400  }
0x361: {  	s0 =	sld [smem:$0x7E0]  }
0x362: {  	[sflag:s19] =	ssyncset.done $0x0  }
0x363: {  	[sflag:s19] =	ssyncadd.s32 $0xFFFF9C00  }
0x364: {  	[hbm4b:s0+s2] =	stream.linear.scatter [tilespmem:s14], [sflag:$0x8], $0x6400, $0x38;
	[tilespmem:$0x1F400] =	vst v63  }
0x365: {  	_ =	swait.ge [sflag:s16], $0x6400  }
0x366: {  	s0 =	sld [smem:$0x7E1]  }
0x367: {  	[sflag:s16] =	ssyncset.done $0x0  }
0x368: {  	[sflag:s16] =	ssyncadd.s32 $0xFFFF9C00  }
0x369: {  	[hbm4b:s0+s2] =	stream.linear.scatter [tilespmem:s11], [sflag:$0x9], $0x6400, $0x38;
	[tilespmem:$0x1F400] =	vst v63  }
0x36a: {  	_ =	swait.ge [sflag:s17], $0x6400  }
0x36b: {  	s0 =	sld [smem:$0x7E2]  }
0x36c: {  	[sflag:s17] =	ssyncset.done $0x0  }
0x36d: {  	[sflag:s17] =	ssyncadd.s32 $0xFFFF9C00  }
0x36e: {  	[hbm4b:s0+s2] =	stream.linear.scatter [tilespmem:s7], [sflag:$0xA], $0x6400, $0x38;
	[tilespmem:$0x1F400] =	vst v63  }
0x36f: {  	_ =	swait.ge [sflag:s15], $0x6400  }
0x370: {  	s0 =	sld [smem:$0x7E3]  }
0x371: {  	[sflag:s15] =	ssyncset.done $0x0  }
0x372: {  	[sflag:s15] =	ssyncadd.s32 $0xFFFF9C00  }
0x373: {  	[tilespmem:s2], [sflag:$0x1] =	stream.linear.gather [hbm4b:s0+s2], $0x6400, $0x38;
	[tilespmem:$0x1F400] =	vst v63  }
0x374: {  	_ =	swait.ge [sflag:s13], $0x6400  }
0x375: {  	s0 =	sld [smem:$0x7E4]  }
0x376: {  	[sflag:s13] =	ssyncset.done $0x0  }
0x377: {  	[sflag:s13] =	ssyncadd.s32 $0xFFFF9C00  }
0x378: {  	[tilespmem:s14], [sflag:$0x2] =	stream.linear.gather [hbm4b:s0+s2], $0x6400, $0x38;
	[tilespmem:$0x1F400] =	vst v63  }
0x379: {  	_ =	swait.ge [sflag:s10], $0x6400  }
0x37a: {  	s0 =	sld [smem:$0x7E5]  }
0x37b: {  	[sflag:s10] =	ssyncset.done $0x0  }
0x37c: {  	[sflag:s10] =	ssyncadd.s32 $0xFFFF9C00  }
0x37d: {  	[tilespmem:s11], [sflag:$0x3] =	stream.linear.gather [hbm4b:s0+s2], $0x6400, $0x38;
	[tilespmem:$0x1F400] =	vst v63  }
0x37e: {  	_ =	swait.ge [sflag:s8], $0x6400  }
0x37f: {  	s0 =	sld [smem:$0x7E6]  }
0x380: {  	[sflag:s8] =	ssyncset.done $0x0  }
0x381: {  	[sflag:s8] =	ssyncadd.s32 $0xFFFF9C00  }
0x382: {  	[tilespmem:s7], [sflag:$0x4] =	stream.linear.gather [hbm4b:s0+s2], $0x6400, $0x38;
	[tilespmem:$0x1F400] =	vst v63  }
0x383: {  	_ =	swait.ge [sflag:s21], $0x6400  }
0x384: {  	s0 =	sld [smem:$0x7E7]  }
0x385: {  	[sflag:s21] =	ssyncset.done $0x0  }
0x386: {  	[sflag:s21] =	ssyncadd.s32 $0xFFFF9C00  }
0x387: {  	[hbm4b:s0+s2] =	stream.linear.scatter [tilespmem:s2], [sflag:$0x7], $0x6400, $0x38;
	[tilespmem:$0x1F400] =	vst v63  }
0x388: {  	_ =	swait.ge [sflag:s19], $0x6400  }
0x389: {  	s0 =	sld [smem:$0x7E8]  }
0x38a: {  	[sflag:s19] =	ssyncset.done $0x0  }
0x38b: {  	[sflag:s19] =	ssyncadd.s32 $0xFFFF9C00  }
0x38c: {  	[hbm4b:s0+s2] =	stream.linear.scatter [tilespmem:s14], [sflag:$0x8], $0x6400, $0x38;
	[tilespmem:$0x1F400] =	vst v63  }
0x38d: {  	_ =	swait.ge [sflag:s16], $0x6400  }
0x38e: {  	s0 =	sld [smem:$0x7E9]  }
0x38f: {  	[sflag:s16] =	ssyncset.done $0x0  }
0x390: {  	[sflag:s16] =	ssyncadd.s32 $0xFFFF9C00  }
0x391: {  	[hbm4b:s0+s2] =	stream.linear.scatter [tilespmem:s11], [sflag:$0x9], $0x6400, $0x38;
	[tilespmem:$0x1F400] =	vst v63  }
0x392: {  	_ =	swait.ge [sflag:s17], $0x6400  }
0x393: {  	s0 =	sld [smem:$0x7EA]  }
0x394: {  	[sflag:s17] =	ssyncset.done $0x0  }
0x395: {  	[sflag:s17] =	ssyncadd.s32 $0xFFFF9C00  }
0x396: {  	[hbm4b:s0+s2] =	stream.linear.scatter [tilespmem:s7], [sflag:$0xA], $0x6400, $0x38;
	[tilespmem:$0x1F400] =	vst v63  }
0x397: {  	_ =	swait.ge [sflag:s15], $0x6400  }
0x398: {  	s0 =	sld [smem:$0x7EB]  }
0x399: {  	[sflag:s15] =	ssyncset.done $0x0  }
0x39a: {  	[sflag:s15] =	ssyncadd.s32 $0xFFFF9C00  }
0x39b: {  	[tilespmem:s2], [sflag:$0x1] =	stream.linear.gather [hbm4b:s0+s2], $0x6400, $0x38;
	[tilespmem:$0x1F400] =	vst v63  }
0x39c: {  	_ =	swait.ge [sflag:s13], $0x6400  }
0x39d: {  	s0 =	sld [smem:$0x7EC]  }
0x39e: {  	[sflag:s13] =	ssyncset.done $0x0  }
0x39f: {  	[sflag:s13] =	ssyncadd.s32 $0xFFFF9C00  }
0x3a0: {  	[tilespmem:s14], [sflag:$0x2] =	stream.linear.gather [hbm4b:s0+s2], $0x6400, $0x38;
	[tilespmem:$0x1F400] =	vst v63  }
0x3a1: {  	_ =	swait.ge [sflag:s10], $0x6400  }
0x3a2: {  	s0 =	sld [smem:$0x7ED]  }
0x3a3: {  	[sflag:s10] =	ssyncset.done $0x0  }
0x3a4: {  	[sflag:s10] =	ssyncadd.s32 $0xFFFF9C00  }
0x3a5: {  	[tilespmem:s11], [sflag:$0x3] =	stream.linear.gather [hbm4b:s0+s2], $0x6400, $0x38;
	[tilespmem:$0x1F400] =	vst v63  }
0x3a6: {  	_ =	swait.ge [sflag:s8], $0x6400  }
0x3a7: {  	s0 =	sld [smem:$0x7EE]  }
0x3a8: {  	[sflag:s8] =	ssyncset.done $0x0  }
0x3a9: {  	[sflag:s8] =	ssyncadd.s32 $0xFFFF9C00  }
0x3aa: {  	[tilespmem:s7], [sflag:$0x4] =	stream.linear.gather [hbm4b:s0+s2], $0x6400, $0x38;
	[tilespmem:$0x1F400] =	vst v63  }
0x3ab: {  	_ =	swait.ge [sflag:s21], $0x6400  }
0x3ac: {  	s0 =	sld [smem:$0x7EF]  }
0x3ad: {  	[sflag:s21] =	ssyncset.done $0x0  }
0x3ae: {  	[sflag:s21] =	ssyncadd.s32 $0xFFFF9C00  }
0x3af: {  	[hbm4b:s0+s2] =	stream.linear.scatter [tilespmem:s2], [sflag:$0x7], $0x6400, $0x38;
	[tilespmem:$0x1F400] =	vst v63  }
0x3b0: {  	_ =	swait.ge [sflag:s19], $0x6400  }
0x3b1: {  	s0 =	sld [smem:$0x7F0]  }
0x3b2: {  	[sflag:s19] =	ssyncset.done $0x0  }
0x3b3: {  	[sflag:s19] =	ssyncadd.s32 $0xFFFF9C00  }
0x3b4: {  	[hbm4b:s0+s2] =	stream.linear.scatter [tilespmem:s14], [sflag:$0x8], $0x6400, $0x38;
	[tilespmem:$0x1F400] =	vst v63  }
0x3b5: {  	_ =	swait.ge [sflag:s16], $0x6400  }
0x3b6: {  	s0 =	sld [smem:$0x7F1]  }
0x3b7: {  	[sflag:s16] =	ssyncset.done $0x0  }
0x3b8: {  	[sflag:s16] =	ssyncadd.s32 $0xFFFF9C00  }
0x3b9: {  	[hbm4b:s0+s2] =	stream.linear.scatter [tilespmem:s11], [sflag:$0x9], $0x6400, $0x38;
	[tilespmem:$0x1F400] =	vst v63  }
0x3ba: {  	_ =	swait.ge [sflag:s17], $0x6400  }
0x3bb: {  	s0 =	sld [smem:$0x7F2]  }
0x3bc: {  	[sflag:s17] =	ssyncset.done $0x0  }
0x3bd: {  	[sflag:s17] =	ssyncadd.s32 $0xFFFF9C00  }
0x3be: {  	[hbm4b:s0+s2] =	stream.linear.scatter [tilespmem:s7], [sflag:$0xA], $0x6400, $0x38;
	[tilespmem:$0x1F400] =	vst v63  }
0x3bf: {  	_ =	swait.ge [sflag:s15], $0x6400  }
0x3c0: {  	s0 =	sld [smem:$0x7F3]  }
0x3c1: {  	[sflag:s15] =	ssyncset.done $0x0  }
0x3c2: {  	[sflag:s15] =	ssyncadd.s32 $0xFFFF9C00  }
0x3c3: {  	[tilespmem:s2], [sflag:$0x1] =	stream.linear.gather [hbm4b:s0+s2], $0x6400, $0x38;
	[tilespmem:$0x1F400] =	vst v63  }
0x3c4: {  	_ =	swait.ge [sflag:s13], $0x6400  }
0x3c5: {  	s0 =	sld [smem:$0x7F4]  }
0x3c6: {  	[sflag:s13] =	ssyncset.done $0x0  }
0x3c7: {  	[sflag:s13] =	ssyncadd.s32 $0xFFFF9C00  }
0x3c8: {  	[tilespmem:s14], [sflag:$0x2] =	stream.linear.gather [hbm4b:s0+s2], $0x6400, $0x38;
	[tilespmem:$0x1F400] =	vst v63  }
0x3c9: {  	_ =	swait.ge [sflag:s10], $0x6400  }
0x3ca: {  	s0 =	sld [smem:$0x7F5]  }
0x3cb: {  	[sflag:s10] =	ssyncset.done $0x0  }
0x3cc: {  	[sflag:s10] =	ssyncadd.s32 $0xFFFF9C00  }
0x3cd: {  	[tilespmem:s11], [sflag:$0x3] =	stream.linear.gather [hbm4b:s0+s2], $0x6400, $0x38;
	[tilespmem:$0x1F400] =	vst v63  }
0x3ce: {  	_ =	swait.ge [sflag:s8], $0x6400  }
0x3cf: {  	s0 =	sld [smem:$0x7F6]  }
0x3d0: {  	[sflag:s8] =	ssyncset.done $0x0  }
0x3d1: {  	[sflag:s8] =	ssyncadd.s32 $0xFFFF9C00  }
0x3d2: {  	[tilespmem:s7], [sflag:$0x4] =	stream.linear.gather [hbm4b:s0+s2], $0x6400, $0x38;
	[tilespmem:$0x1F400] =	vst v63  }
0x3d3: {  	_ =	swait.ge [sflag:s21], $0x6400  }
0x3d4: {  	s0 =	sld [smem:$0x7F7]  }
0x3d5: {  	[sflag:s21] =	ssyncset.done $0x0  }
0x3d6: {  	[sflag:s21] =	ssyncadd.s32 $0xFFFF9C00  }
0x3d7: {  	[hbm4b:s0+s2] =	stream.linear.scatter [tilespmem:s2], [sflag:$0x7], $0x6400, $0x38;
	[tilespmem:$0x1F400] =	vst v63  }
0x3d8: {  	_ =	swait.ge [sflag:s19], $0x6400  }
0x3d9: {  	s0 =	sld [smem:$0x7F8]  }
0x3da: {  	[sflag:s19] =	ssyncset.done $0x0  }
0x3db: {  	[sflag:s19] =	ssyncadd.s32 $0xFFFF9C00  }
0x3dc: {  	[hbm4b:s0+s2] =	stream.linear.scatter [tilespmem:s14], [sflag:$0x8], $0x6400, $0x38;
	[tilespmem:$0x1F400] =	vst v63  }
0x3dd: {  	_ =	swait.ge [sflag:s16], $0x6400  }
0x3de: {  	s0 =	sld [smem:$0x7F9]  }
0x3df: {  	[sflag:s16] =	ssyncset.done $0x0  }
0x3e0: {  	[sflag:s16] =	ssyncadd.s32 $0xFFFF9C00  }
0x3e1: {  	[hbm4b:s0+s2] =	stream.linear.scatter [tilespmem:s11], [sflag:$0x9], $0x6400, $0x38;
	[tilespmem:$0x1F400] =	vst v63  }
0x3e2: {  	_ =	swait.ge [sflag:s17], $0x6400  }
0x3e3: {  	s0 =	sld [smem:$0x7FA]  }
0x3e4: {  	[sflag:s17] =	ssyncset.done $0x0  }
0x3e5: {  	[sflag:s17] =	ssyncadd.s32 $0xFFFF9C00  }
0x3e6: {  	[hbm4b:s0+s2] =	stream.linear.scatter [tilespmem:s7], [sflag:$0xA], $0x6400, $0x38;
	[tilespmem:$0x1F400] =	vst v63  }
0x3e7: {  	_ =	swait.ge [sflag:s15], $0x6400  }
0x3e8: {  	s0 =	sld [smem:$0x7FB]  }
0x3e9: {  	[sflag:s15] =	ssyncset.done $0x0  }
0x3ea: {  	[sflag:s15] =	ssyncadd.s32 $0xFFFF9C00  }
0x3eb: {  	[tilespmem:s2], [sflag:$0x1] =	stream.linear.gather [hbm4b:s0+s2], $0x6400, $0x38;
	[tilespmem:$0x1F400] =	vst v63  }
0x3ec: {  	_ =	swait.ge [sflag:s13], $0x6400  }
0x3ed: {  	s0 =	sld [smem:$0x7FC]  }
0x3ee: {  	[sflag:s13] =	ssyncset.done $0x0  }
0x3ef: {  	[sflag:s13] =	ssyncadd.s32 $0xFFFF9C00  }
0x3f0: {  	[tilespmem:s14], [sflag:$0x2] =	stream.linear.gather [hbm4b:s0+s2], $0x6400, $0x38;
	[tilespmem:$0x1F400] =	vst v63  }
0x3f1: {  	_ =	swait.ge [sflag:s10], $0x6400  }
0x3f2: {  	s0 =	sld [smem:$0x7FD]  }
0x3f3: {  	[sflag:s10] =	ssyncset.done $0x0  }
0x3f4: {  	[sflag:s10] =	ssyncadd.s32 $0xFFFF9C00  }
0x3f5: {  	[tilespmem:s11], [sflag:$0x3] =	stream.linear.gather [hbm4b:s0+s2], $0x6400, $0x38;
	[tilespmem:$0x1F400] =	vst v63  }
0x3f6: {  	s3 =	smov.u32 s5;
	s5 =	smov.u32 s6;
	_ =	swait.ge [sflag:s8], $0x6400  }
0x3f7: {  	s6 =	smov.u32 s9;
	s9 =	smov.u32 s12;
	[sflag:s8] =	ssyncset.done $0x0  }
0x3f8: {  	s12 =	smov.u32 s18;
	s18 =	smov.u32 s20;
	[sflag:s8] =	ssyncadd.s32 $0xFFFF9C00  }
0x3f9: {  	[tilespmem:s7], [sflag:$0x4] =	stream.linear.gather [hbm4b:s29+s2], $0x6400, $0x38;
	[tilespmem:$0x1F400] =	vst v63  }
0x3fa: {  	s20 =	smov.u32 s22;
	s22 =	smov.u32 s23;
	_ =	swait.ge [sflag:s21], $0x6400  }
0x3fb: {  	s23 =	smov.u32 s24;
	s24 =	smov.u32 s25;
	[sflag:s21] =	ssyncset.done $0x0  }
0x3fc: {  	s25 =	smov.u32 s26;
	s26 =	smov.u32 s28;
	[sflag:s21] =	ssyncadd.s32 $0xFFFF9C00  }
0x3fd: {  	[hbm4b:s26+s2] =	stream.linear.scatter [tilespmem:s2], [sflag:$0x7], $0x6400, $0x38;
	[tilespmem:$0x1F400] =	vst v63  }
0x3fe: {  	_ =	swait.ge [sflag:s19], $0x6400  }
0x3ff: {  	[sflag:s19] =	ssyncset.done $0x0  }
0x400: {  	[sflag:s19] =	ssyncadd.s32 $0xFFFF9C00  }
0x401: {  	[hbm4b:s25+s2] =	stream.linear.scatter [tilespmem:s14], [sflag:$0x8], $0x6400, $0x38;
	[tilespmem:$0x1F400] =	vst v63  }
0x402: {  	_ =	swait.ge [sflag:s16], $0x6400  }
0x403: {  	[sflag:s16] =	ssyncset.done $0x0  }
0x404: {  	[sflag:s16] =	ssyncadd.s32 $0xFFFF9C00  }
0x405: {  	[hbm4b:s24+s2] =	stream.linear.scatter [tilespmem:s11], [sflag:$0x9], $0x6400, $0x38;
	[tilespmem:$0x1F400] =	vst v63  }
0x406: {  	_ =	swait.ge [sflag:s17], $0x6400  }
0x407: {  	[sflag:s17] =	ssyncset.done $0x0  }
0x408: {  	[sflag:s17] =	ssyncadd.s32 $0xFFFF9C00  }
0x409: {  	[hbm4b:s23+s2] =	stream.linear.scatter [tilespmem:s7], [sflag:$0xA], $0x6400, $0x38;
	[tilespmem:$0x1F400] =	vst v63  }
0x40a: {  	_ =	swait.ge [sflag:s15], $0x6400  }
0x40b: {  	[sflag:s15] =	ssyncset.done $0x0  }
0x40c: {  	[sflag:s15] =	ssyncadd.s32 $0xFFFF9C00  }
0x40d: {  	[tilespmem:s2], [sflag:$0x1] =	stream.linear.gather [hbm4b:s22+s2], $0x6400, $0x38;
	[tilespmem:$0x1F400] =	vst v63  }
0x40e: {  	_ =	swait.ge [sflag:s13], $0x6400  }
0x40f: {  	[sflag:s13] =	ssyncset.done $0x0  }
0x410: {  	[sflag:s13] =	ssyncadd.s32 $0xFFFF9C00  }
0x411: {  	[tilespmem:s14], [sflag:$0x2] =	stream.linear.gather [hbm4b:s20+s2], $0x6400, $0x38;
	[tilespmem:$0x1F400] =	vst v63  }
0x412: {  	_ =	swait.ge [sflag:s10], $0x6400  }
0x413: {  	[sflag:s10] =	ssyncset.done $0x0  }
0x414: {  	[sflag:s10] =	ssyncadd.s32 $0xFFFF9C00  }
0x415: {  	[tilespmem:s11], [sflag:$0x3] =	stream.linear.gather [hbm4b:s18+s2], $0x6400, $0x38;
	[tilespmem:$0x1F400] =	vst v63  }
0x416: {  	_ =	swait.ge [sflag:s8], $0x6400  }
0x417: {  	[sflag:s8] =	ssyncset.done $0x0  }
0x418: {  	[sflag:s8] =	ssyncadd.s32 $0xFFFF9C00  }
0x419: {  	[tilespmem:s7], [sflag:$0x4] =	stream.linear.gather [hbm4b:s3+s2], $0x6400, $0x38;
	[tilespmem:$0x1F400] =	vst v63  }
0x41a: {  	_ =	swait.ge [sflag:s21], $0x6400  }
0x41b: {  	[sflag:s21] =	ssyncset.done $0x0  }
0x41c: {  	[sflag:s21] =	ssyncadd.s32 $0xFFFF9C00  }
0x41d: {  	[hbm4b:s12+s2] =	stream.linear.scatter [tilespmem:s2], [sflag:$0x7], $0x6400, $0x38;
	[tilespmem:$0x1F400] =	vst v63  }
0x41e: {  	_ =	swait.ge [sflag:s19], $0x6400  }
0x41f: {  	[sflag:s19] =	ssyncset.done $0x0  }
0x420: {  	[sflag:s19] =	ssyncadd.s32 $0xFFFF9C00  }
0x421: {  	[hbm4b:s9+s2] =	stream.linear.scatter [tilespmem:s14], [sflag:$0x8], $0x6400, $0x38;
	[tilespmem:$0x1F400] =	vst v63  }
0x422: {  	_ =	swait.ge [sflag:s16], $0x6400  }
0x423: {  	[sflag:s16] =	ssyncset.done $0x0  }
0x424: {  	[sflag:s16] =	ssyncadd.s32 $0xFFFF9C00  }
0x425: {  	[hbm4b:s6+s2] =	stream.linear.scatter [tilespmem:s11], [sflag:$0x9], $0x6400, $0x38;
	[tilespmem:$0x1F400] =	vst v63  }
0x426: {  	_ =	swait.ge [sflag:s17], $0x6400  }
0x427: {  	[sflag:s17] =	ssyncset.done $0x0  }
0x428: {  	[sflag:s17] =	ssyncadd.s32 $0xFFFF9C00  }
0x429: {  	[hbm4b:s5+s2] =	stream.linear.scatter [tilespmem:s7], [sflag:$0xA], $0x6400, $0x38;
	[tilespmem:$0x1F400] =	vst v63  }
0x42a: {  	_ =	swait.ge [sflag:s15], $0x6400  }
0x42b: {  	[sflag:s15] =	ssyncset.done $0x0  }
0x42c: {  	[sflag:s15] =	ssyncadd.s32 $0xFFFF9C00  }
0x42d: {  	_ =	swait.ge [sflag:s13], $0x6400  }
0x42e: {  	[sflag:s13] =	ssyncset.done $0x0  }
0x42f: {  	[sflag:s13] =	ssyncadd.s32 $0xFFFF9C00  }
0x430: {  	_ =	swait.ge [sflag:s10], $0x6400  }
0x431: {  	[sflag:s10] =	ssyncset.done $0x0  }
0x432: {  	[sflag:s10] =	ssyncadd.s32 $0xFFFF9C00  }
0x433: {  	_ =	swait.ge [sflag:s8], $0x6400  }
0x434: {  	[sflag:s8] =	ssyncset.done $0x0  }
0x435: {  	[sflag:s8] =	ssyncadd.s32 $0xFFFF9C00  }
0x436: {  	_ =	swait.ge [sflag:s4], $0x6400  }
0x437: {  	[sflag:s4] =	ssyncset.done $0x0  }
0x438: {  	[sflag:s4] =	ssyncadd.s32 $0xFFFF9C00  }
0x439: {  	_ =	swait.ge [sflag:s4], $0x6400  }
0x43a: {  	[sflag:s4] =	ssyncset.done $0x0  }
0x43b: {  	[sflag:s4] =	ssyncadd.s32 $0xFFFF9C00  }
0x43c: {  	_ =	swait.ge [sflag:s4], $0x6400  }
0x43d: {  	[sflag:s4] =	ssyncset.done $0x0  }
0x43e: {  	[sflag:s4] =	ssyncadd.s32 $0xFFFF9C00  }
0x43f: {  	_ =	swait.ge [sflag:s4], $0x6400  }
0x440: {  	[sflag:s4] =	ssyncset.done $0x0  }
0x441: {  	[sflag:s4] =	ssyncadd.s32 $0xFFFF9C00  }
0x442: {  	_ =	swait.ge [sflag:s4], $0x6400  }
0x443: {  	[sflag:s4] =	ssyncset.done $0x0  }
0x444: {  	[sflag:s4] =	ssyncadd.s32 $0xFFFF9C00  }
0x445: {  	_ =	swait.ge [sflag:s4], $0x6400  }
0x446: {  	[sflag:s4] =	ssyncset.done $0x0  }
0x447: {  	p1 =	sne.s32 s1, $0x1;
	[sflag:s4] =	ssyncadd.s32 $0xFFFF9C00  }
.Ltmp2:
0x448: {  	_ =	swait.ge [sflag:s4], $0x6400;
	(pc) =	sbr.rel @p1 .LBB2_3-.Ltmp2, $4  }
0x449: {  	[sflag:s4] =	ssyncset.done $0x0  }
0x44a: {  	[sflag:s4] =	ssyncadd.s32 $0xFFFF9C00  }
0x44b: {  	s1 =	sadd.s32 $0xFFFFFFFF, s1;
	_ =	swait.ge [sflag:s4], $0x6400  }
0x44c: {  	s28 =	smov.u32 s29;
	s0 =	rddreg [dreg:$0x3];
	[sflag:s4] =	ssyncset.done $0x0  }
0x44d: {  	s31 =	sld [smem:$0x7BF];
	s29 =	simm.s32 $0x5  }
.LBB2_5:
0x44e: {  	[sflag:s4] =	ssyncadd.s32 @p0 $0xFFFF9C00  }
0x44f: {  	[tilespmem:s30], [sflag:$0x5] =	stream.linear.gather [hbm4b:s0+s2], $0x6400, $0x38;
	[tilespmem:$0x1F400] =	vst v63  }
0x450: {  	s1 =	rddreg [dreg:$0x4]  }
0x451: {  	[tilespmem:s2], [sflag:$0x1] =	stream.linear.gather [hbm4b:s1+s2], $0x6400, $0x38;
	[tilespmem:$0x1F400] =	vst v63  }
0x452: {  	s0 =	rddreg [dreg:$0x5]  }
0x453: {  	[tilespmem:s14], [sflag:$0x2] =	stream.linear.gather [hbm4b:s0+s2], $0x6400, $0x38;
	[tilespmem:$0x1F400] =	vst v63  }
0x454: {  	s1 =	rddreg [dreg:$0x6]  }
0x455: {  	[tilespmem:s11], [sflag:$0x3] =	stream.linear.gather [hbm4b:s1+s2], $0x6400, $0x38;
	[tilespmem:$0x1F400] =	vst v63  }
0x456: {  	s0 =	rddreg [dreg:$0x7]  }
0x457: {  	[tilespmem:s7], [sflag:$0x4] =	stream.linear.gather [hbm4b:s0+s2], $0x6400, $0x38;
	[tilespmem:$0x1F400] =	vst v63  }
0x458: {  	_ =	swait.ge [sflag:s29], $0x6400  }
0x459: {  	[sflag:s29] =	ssyncset.done $0x0  }
0x45a: {  	[sflag:s29] =	ssyncadd.s32 $0xFFFF9C00  }
0x45b: {  	[hbm4b:s31+s2] =	stream.linear.scatter [tilespmem:s30], [sflag:$0x6], $0x6400, $0x38;
	[tilespmem:$0x1F400] =	vst v63  }
0x45c: {  	s1 =	rddreg [dreg:$0x8]  }
0x45d: {  	[hbm4b:s1+s2] =	stream.linear.scatter [tilespmem:s30], [sflag:$0x6], $0x6400, $0x38;
	[tilespmem:$0x1F400] =	vst v63  }
0x45e: {  	s29 =	rddreg [dreg:$0x9]  }
0x45f: {  	[hbm4b:s29+s2] =	stream.linear.scatter [tilespmem:s30], [sflag:$0x6], $0x6400, $0x38;
	[tilespmem:$0x1F400] =	vst v63  }
0x460: {  	s31 =	rddreg [dreg:$0xa]  }
0x461: {  	[hbm4b:s31+s2] =	stream.linear.scatter [tilespmem:s30], [sflag:$0x6], $0x6400, $0x38;
	[tilespmem:$0x1F400] =	vst v63  }
0x462: {  	s29 =	rddreg [dreg:$0xb]  }
0x463: {  	[hbm4b:s29+s2] =	stream.linear.scatter [tilespmem:s30], [sflag:$0x6], $0x6400, $0x38;
	[tilespmem:$0x1F400] =	vst v63  }
0x464: {  	s31 =	rddreg [dreg:$0xc]  }
0x465: {  	[hbm4b:s31+s2] =	stream.linear.scatter [tilespmem:s30], [sflag:$0x6], $0x6400, $0x38;
	[tilespmem:$0x1F400] =	vst v63  }
0x466: {  	s29 =	rddreg [dreg:$0xd]  }
0x467: {  	[hbm4b:s29+s2] =	stream.linear.scatter [tilespmem:s30], [sflag:$0x6], $0x6400, $0x38;
	[tilespmem:$0x1F400] =	vst v63  }
0x468: {  	s31 =	rddreg [dreg:$0xe]  }
0x469: {  	[hbm4b:s31+s2] =	stream.linear.scatter [tilespmem:s30], [sflag:$0x6], $0x6400, $0x38;
	[tilespmem:$0x1F400] =	vst v63  }
0x46a: {  	_ =	swait.ge [sflag:s21], $0x6400  }
0x46b: {  	[sflag:s21] =	ssyncset.done $0x0  }
0x46c: {  	s1 =	rddreg [dreg:$0xf];
	[sflag:s21] =	ssyncadd.s32 $0xFFFF9C00  }
0x46d: {  	[hbm4b:s1+s2] =	stream.linear.scatter [tilespmem:s2], [sflag:$0x7], $0x6400, $0x38;
	[tilespmem:$0x1F400] =	vst v63  }
0x46e: {  	_ =	swait.ge [sflag:s19], $0x6400  }
0x46f: {  	[sflag:s19] =	ssyncset.done $0x0  }
0x470: {  	s29 =	rddreg [dreg:$0x10];
	[sflag:s19] =	ssyncadd.s32 $0xFFFF9C00  }
0x471: {  	[hbm4b:s29+s2] =	stream.linear.scatter [tilespmem:s14], [sflag:$0x8], $0x6400, $0x38;
	[tilespmem:$0x1F400] =	vst v63  }
0x472: {  	_ =	swait.ge [sflag:s16], $0x6400  }
0x473: {  	[sflag:s16] =	ssyncset.done $0x0  }
0x474: {  	s30 =	rddreg [dreg:$0x11];
	[sflag:s16] =	ssyncadd.s32 $0xFFFF9C00  }
0x475: {  	[hbm4b:s30+s2] =	stream.linear.scatter [tilespmem:s11], [sflag:$0x9], $0x6400, $0x38;
	[tilespmem:$0x1F400] =	vst v63  }
0x476: {  	_ =	swait.ge [sflag:s17], $0x6400  }
0x477: {  	[sflag:s17] =	ssyncset.done $0x0  }
0x478: {  	s31 =	rddreg [dreg:$0x12];
	[sflag:s17] =	ssyncadd.s32 $0xFFFF9C00  }
0x479: {  	[hbm4b:s31+s2] =	stream.linear.scatter [tilespmem:s7], [sflag:$0xA], $0x6400, $0x38;
	[tilespmem:$0x1F400] =	vst v63  }
0x47a: {  	_ =	swait.ge [sflag:s15], $0x6400  }
0x47b: {  	[sflag:s15] =	ssyncset.done $0x0  }
0x47c: {  	s1 =	rddreg [dreg:$0x13];
	[sflag:s15] =	ssyncadd.s32 $0xFFFF9C00  }
0x47d: {  	[tilespmem:s2], [sflag:$0x1] =	stream.linear.gather [hbm4b:s1+s2], $0x6400, $0x38;
	[tilespmem:$0x1F400] =	vst v63  }
0x47e: {  	_ =	swait.ge [sflag:s13], $0x6400  }
0x47f: {  	[sflag:s13] =	ssyncset.done $0x0  }
0x480: {  	s29 =	rddreg [dreg:$0x14];
	[sflag:s13] =	ssyncadd.s32 $0xFFFF9C00  }
0x481: {  	[tilespmem:s14], [sflag:$0x2] =	stream.linear.gather [hbm4b:s29+s2], $0x6400, $0x38;
	[tilespmem:$0x1F400] =	vst v63  }
0x482: {  	_ =	swait.ge [sflag:s10], $0x6400  }
0x483: {  	[sflag:s10] =	ssyncset.done $0x0  }
0x484: {  	s30 =	rddreg [dreg:$0x15];
	[sflag:s10] =	ssyncadd.s32 $0xFFFF9C00  }
0x485: {  	[tilespmem:s11], [sflag:$0x3] =	stream.linear.gather [hbm4b:s30+s2], $0x6400, $0x38;
	[tilespmem:$0x1F400] =	vst v63  }
0x486: {  	_ =	swait.ge [sflag:s8], $0x6400  }
0x487: {  	[sflag:s8] =	ssyncset.done $0x0  }
0x488: {  	s31 =	rddreg [dreg:$0x16];
	[sflag:s8] =	ssyncadd.s32 $0xFFFF9C00  }
0x489: {  	[tilespmem:s7], [sflag:$0x4] =	stream.linear.gather [hbm4b:s31+s2], $0x6400, $0x38;
	[tilespmem:$0x1F400] =	vst v63  }
0x48a: {  	_ =	swait.ge [sflag:s21], $0x6400  }
0x48b: {  	[sflag:s21] =	ssyncset.done $0x0  }
0x48c: {  	s1 =	rddreg [dreg:$0x17];
	[sflag:s21] =	ssyncadd.s32 $0xFFFF9C00  }
0x48d: {  	[hbm4b:s1+s2] =	stream.linear.scatter [tilespmem:s2], [sflag:$0x7], $0x6400, $0x38;
	[tilespmem:$0x1F400] =	vst v63  }
0x48e: {  	_ =	swait.ge [sflag:s19], $0x6400  }
0x48f: {  	[sflag:s19] =	ssyncset.done $0x0  }
0x490: {  	s29 =	rddreg [dreg:$0x18];
	[sflag:s19] =	ssyncadd.s32 $0xFFFF9C00  }
0x491: {  	[hbm4b:s29+s2] =	stream.linear.scatter [tilespmem:s14], [sflag:$0x8], $0x6400, $0x38;
	[tilespmem:$0x1F400] =	vst v63  }
0x492: {  	_ =	swait.ge [sflag:s16], $0x6400  }
0x493: {  	[sflag:s16] =	ssyncset.done $0x0  }
0x494: {  	s30 =	rddreg [dreg:$0x19];
	[sflag:s16] =	ssyncadd.s32 $0xFFFF9C00  }
0x495: {  	[hbm4b:s30+s2] =	stream.linear.scatter [tilespmem:s11], [sflag:$0x9], $0x6400, $0x38;
	[tilespmem:$0x1F400] =	vst v63  }
0x496: {  	_ =	swait.ge [sflag:s17], $0x6400  }
0x497: {  	[sflag:s17] =	ssyncset.done $0x0  }
0x498: {  	s31 =	rddreg [dreg:$0x1a];
	[sflag:s17] =	ssyncadd.s32 $0xFFFF9C00  }
0x499: {  	[hbm4b:s31+s2] =	stream.linear.scatter [tilespmem:s7], [sflag:$0xA], $0x6400, $0x38;
	[tilespmem:$0x1F400] =	vst v63  }
0x49a: {  	_ =	swait.ge [sflag:s15], $0x6400  }
0x49b: {  	[sflag:s15] =	ssyncset.done $0x0  }
0x49c: {  	s1 =	rddreg [dreg:$0x1b];
	[sflag:s15] =	ssyncadd.s32 $0xFFFF9C00  }
0x49d: {  	[tilespmem:s2], [sflag:$0x1] =	stream.linear.gather [hbm4b:s1+s2], $0x6400, $0x38;
	[tilespmem:$0x1F400] =	vst v63  }
0x49e: {  	_ =	swait.ge [sflag:s13], $0x6400  }
0x49f: {  	[sflag:s13] =	ssyncset.done $0x0  }
0x4a0: {  	s29 =	rddreg [dreg:$0x1c];
	[sflag:s13] =	ssyncadd.s32 $0xFFFF9C00  }
0x4a1: {  	[tilespmem:s14], [sflag:$0x2] =	stream.linear.gather [hbm4b:s29+s2], $0x6400, $0x38;
	[tilespmem:$0x1F400] =	vst v63  }
0x4a2: {  	_ =	swait.ge [sflag:s10], $0x6400  }
0x4a3: {  	[sflag:s10] =	ssyncset.done $0x0  }
0x4a4: {  	s30 =	rddreg [dreg:$0x1d];
	[sflag:s10] =	ssyncadd.s32 $0xFFFF9C00  }
0x4a5: {  	[tilespmem:s11], [sflag:$0x3] =	stream.linear.gather [hbm4b:s30+s2], $0x6400, $0x38;
	[tilespmem:$0x1F400] =	vst v63  }
0x4a6: {  	_ =	swait.ge [sflag:s8], $0x6400  }
0x4a7: {  	[sflag:s8] =	ssyncset.done $0x0  }
0x4a8: {  	s31 =	rddreg [dreg:$0x1e];
	[sflag:s8] =	ssyncadd.s32 $0xFFFF9C00  }
0x4a9: {  	[tilespmem:s7], [sflag:$0x4] =	stream.linear.gather [hbm4b:s31+s2], $0x6400, $0x38;
	[tilespmem:$0x1F400] =	vst v63  }
0x4aa: {  	_ =	swait.ge [sflag:s21], $0x6400  }
0x4ab: {  	[sflag:s21] =	ssyncset.done $0x0  }
0x4ac: {  	s1 =	rddreg [dreg:$0x1f];
	[sflag:s21] =	ssyncadd.s32 $0xFFFF9C00  }
0x4ad: {  	[hbm4b:s1+s2] =	stream.linear.scatter [tilespmem:s2], [sflag:$0x7], $0x6400, $0x38;
	[tilespmem:$0x1F400] =	vst v63  }
0x4ae: {  	_ =	swait.ge [sflag:s19], $0x6400  }
0x4af: {  	s29 =	sld [smem:$0x7C0]  }
0x4b0: {  	[sflag:s19] =	ssyncset.done $0x0  }
0x4b1: {  	[sflag:s19] =	ssyncadd.s32 $0xFFFF9C00  }
0x4b2: {  	[hbm4b:s29+s2] =	stream.linear.scatter [tilespmem:s14], [sflag:$0x8], $0x6400, $0x38;
	[tilespmem:$0x1F400] =	vst v63  }
0x4b3: {  	_ =	swait.ge [sflag:s16], $0x6400  }
0x4b4: {  	s30 =	sld [smem:$0x7C1]  }
0x4b5: {  	[sflag:s16] =	ssyncset.done $0x0  }
0x4b6: {  	[sflag:s16] =	ssyncadd.s32 $0xFFFF9C00  }
0x4b7: {  	[hbm4b:s30+s2] =	stream.linear.scatter [tilespmem:s11], [sflag:$0x9], $0x6400, $0x38;
	[tilespmem:$0x1F400] =	vst v63  }
0x4b8: {  	_ =	swait.ge [sflag:s17], $0x6400  }
0x4b9: {  	s31 =	sld [smem:$0x7C2]  }
0x4ba: {  	[sflag:s17] =	ssyncset.done $0x0  }
0x4bb: {  	[sflag:s17] =	ssyncadd.s32 $0xFFFF9C00  }
0x4bc: {  	[hbm4b:s31+s2] =	stream.linear.scatter [tilespmem:s7], [sflag:$0xA], $0x6400, $0x38;
	[tilespmem:$0x1F400] =	vst v63  }
0x4bd: {  	_ =	swait.ge [sflag:s15], $0x6400  }
0x4be: {  	s1 =	sld [smem:$0x7C3]  }
0x4bf: {  	[sflag:s15] =	ssyncset.done $0x0  }
0x4c0: {  	[sflag:s15] =	ssyncadd.s32 $0xFFFF9C00  }
0x4c1: {  	[tilespmem:s2], [sflag:$0x1] =	stream.linear.gather [hbm4b:s1+s2], $0x6400, $0x38;
	[tilespmem:$0x1F400] =	vst v63  }
0x4c2: {  	_ =	swait.ge [sflag:s13], $0x6400  }
0x4c3: {  	s29 =	sld [smem:$0x7C4]  }
0x4c4: {  	[sflag:s13] =	ssyncset.done $0x0  }
0x4c5: {  	[sflag:s13] =	ssyncadd.s32 $0xFFFF9C00  }
0x4c6: {  	[tilespmem:s14], [sflag:$0x2] =	stream.linear.gather [hbm4b:s29+s2], $0x6400, $0x38;
	[tilespmem:$0x1F400] =	vst v63  }
0x4c7: {  	_ =	swait.ge [sflag:s10], $0x6400  }
0x4c8: {  	s30 =	sld [smem:$0x7C5]  }
0x4c9: {  	[sflag:s10] =	ssyncset.done $0x0  }
0x4ca: {  	[sflag:s10] =	ssyncadd.s32 $0xFFFF9C00  }
0x4cb: {  	[tilespmem:s11], [sflag:$0x3] =	stream.linear.gather [hbm4b:s30+s2], $0x6400, $0x38;
	[tilespmem:$0x1F400] =	vst v63  }
0x4cc: {  	_ =	swait.ge [sflag:s8], $0x6400  }
0x4cd: {  	s31 =	sld [smem:$0x7C6]  }
0x4ce: {  	[sflag:s8] =	ssyncset.done $0x0  }
0x4cf: {  	[sflag:s8] =	ssyncadd.s32 $0xFFFF9C00  }
0x4d0: {  	[tilespmem:s7], [sflag:$0x4] =	stream.linear.gather [hbm4b:s31+s2], $0x6400, $0x38;
	[tilespmem:$0x1F400] =	vst v63  }
0x4d1: {  	_ =	swait.ge [sflag:s21], $0x6400  }
0x4d2: {  	s1 =	sld [smem:$0x7C7]  }
0x4d3: {  	[sflag:s21] =	ssyncset.done $0x0  }
0x4d4: {  	[sflag:s21] =	ssyncadd.s32 $0xFFFF9C00  }
0x4d5: {  	[hbm4b:s1+s2] =	stream.linear.scatter [tilespmem:s2], [sflag:$0x7], $0x6400, $0x38;
	[tilespmem:$0x1F400] =	vst v63  }
0x4d6: {  	_ =	swait.ge [sflag:s19], $0x6400  }
0x4d7: {  	s29 =	sld [smem:$0x7C8]  }
0x4d8: {  	[sflag:s19] =	ssyncset.done $0x0  }
0x4d9: {  	[sflag:s19] =	ssyncadd.s32 $0xFFFF9C00  }
0x4da: {  	[hbm4b:s29+s2] =	stream.linear.scatter [tilespmem:s14], [sflag:$0x8], $0x6400, $0x38;
	[tilespmem:$0x1F400] =	vst v63  }
0x4db: {  	_ =	swait.ge [sflag:s16], $0x6400  }
0x4dc: {  	s30 =	sld [smem:$0x7C9]  }
0x4dd: {  	[sflag:s16] =	ssyncset.done $0x0  }
0x4de: {  	[sflag:s16] =	ssyncadd.s32 $0xFFFF9C00  }
0x4df: {  	[hbm4b:s30+s2] =	stream.linear.scatter [tilespmem:s11], [sflag:$0x9], $0x6400, $0x38;
	[tilespmem:$0x1F400] =	vst v63  }
0x4e0: {  	_ =	swait.ge [sflag:s17], $0x6400  }
0x4e1: {  	s31 =	sld [smem:$0x7CA]  }
0x4e2: {  	[sflag:s17] =	ssyncset.done $0x0  }
0x4e3: {  	[sflag:s17] =	ssyncadd.s32 $0xFFFF9C00  }
0x4e4: {  	[hbm4b:s31+s2] =	stream.linear.scatter [tilespmem:s7], [sflag:$0xA], $0x6400, $0x38;
	[tilespmem:$0x1F400] =	vst v63  }
0x4e5: {  	_ =	swait.ge [sflag:s15], $0x6400  }
0x4e6: {  	s1 =	sld [smem:$0x7CB]  }
0x4e7: {  	[sflag:s15] =	ssyncset.done $0x0  }
0x4e8: {  	[sflag:s15] =	ssyncadd.s32 $0xFFFF9C00  }
0x4e9: {  	[tilespmem:s2], [sflag:$0x1] =	stream.linear.gather [hbm4b:s1+s2], $0x6400, $0x38;
	[tilespmem:$0x1F400] =	vst v63  }
0x4ea: {  	_ =	swait.ge [sflag:s13], $0x6400  }
0x4eb: {  	s29 =	sld [smem:$0x7CC]  }
0x4ec: {  	[sflag:s13] =	ssyncset.done $0x0  }
0x4ed: {  	[sflag:s13] =	ssyncadd.s32 $0xFFFF9C00  }
0x4ee: {  	[tilespmem:s14], [sflag:$0x2] =	stream.linear.gather [hbm4b:s29+s2], $0x6400, $0x38;
	[tilespmem:$0x1F400] =	vst v63  }
0x4ef: {  	_ =	swait.ge [sflag:s10], $0x6400  }
0x4f0: {  	s30 =	sld [smem:$0x7CD]  }
0x4f1: {  	[sflag:s10] =	ssyncset.done $0x0  }
0x4f2: {  	[sflag:s10] =	ssyncadd.s32 $0xFFFF9C00  }
0x4f3: {  	[tilespmem:s11], [sflag:$0x3] =	stream.linear.gather [hbm4b:s30+s2], $0x6400, $0x38;
	[tilespmem:$0x1F400] =	vst v63  }
0x4f4: {  	_ =	swait.ge [sflag:s8], $0x6400  }
0x4f5: {  	s31 =	sld [smem:$0x7CE]  }
0x4f6: {  	[sflag:s8] =	ssyncset.done $0x0  }
0x4f7: {  	[sflag:s8] =	ssyncadd.s32 $0xFFFF9C00  }
0x4f8: {  	[tilespmem:s7], [sflag:$0x4] =	stream.linear.gather [hbm4b:s31+s2], $0x6400, $0x38;
	[tilespmem:$0x1F400] =	vst v63  }
0x4f9: {  	_ =	swait.ge [sflag:s21], $0x6400  }
0x4fa: {  	s1 =	sld [smem:$0x7CF]  }
0x4fb: {  	[sflag:s21] =	ssyncset.done $0x0  }
0x4fc: {  	[sflag:s21] =	ssyncadd.s32 $0xFFFF9C00  }
0x4fd: {  	[hbm4b:s1+s2] =	stream.linear.scatter [tilespmem:s2], [sflag:$0x7], $0x6400, $0x38;
	[tilespmem:$0x1F400] =	vst v63  }
0x4fe: {  	_ =	swait.ge [sflag:s19], $0x6400  }
0x4ff: {  	s29 =	sld [smem:$0x7D0]  }
0x500: {  	[sflag:s19] =	ssyncset.done $0x0  }
0x501: {  	[sflag:s19] =	ssyncadd.s32 $0xFFFF9C00  }
0x502: {  	[hbm4b:s29+s2] =	stream.linear.scatter [tilespmem:s14], [sflag:$0x8], $0x6400, $0x38;
	[tilespmem:$0x1F400] =	vst v63  }
0x503: {  	_ =	swait.ge [sflag:s16], $0x6400  }
0x504: {  	s30 =	sld [smem:$0x7D1]  }
0x505: {  	[sflag:s16] =	ssyncset.done $0x0  }
0x506: {  	[sflag:s16] =	ssyncadd.s32 $0xFFFF9C00  }
0x507: {  	[hbm4b:s30+s2] =	stream.linear.scatter [tilespmem:s11], [sflag:$0x9], $0x6400, $0x38;
	[tilespmem:$0x1F400] =	vst v63  }
0x508: {  	_ =	swait.ge [sflag:s17], $0x6400  }
0x509: {  	s31 =	sld [smem:$0x7D2]  }
0x50a: {  	[sflag:s17] =	ssyncset.done $0x0  }
0x50b: {  	[sflag:s17] =	ssyncadd.s32 $0xFFFF9C00  }
0x50c: {  	[hbm4b:s31+s2] =	stream.linear.scatter [tilespmem:s7], [sflag:$0xA], $0x6400, $0x38;
	[tilespmem:$0x1F400] =	vst v63  }
0x50d: {  	_ =	swait.ge [sflag:s15], $0x6400  }
0x50e: {  	s1 =	sld [smem:$0x7D3]  }
0x50f: {  	[sflag:s15] =	ssyncset.done $0x0  }
0x510: {  	[sflag:s15] =	ssyncadd.s32 $0xFFFF9C00  }
0x511: {  	[tilespmem:s2], [sflag:$0x1] =	stream.linear.gather [hbm4b:s1+s2], $0x6400, $0x38;
	[tilespmem:$0x1F400] =	vst v63  }
0x512: {  	_ =	swait.ge [sflag:s13], $0x6400  }
0x513: {  	s29 =	sld [smem:$0x7D4]  }
0x514: {  	[sflag:s13] =	ssyncset.done $0x0  }
0x515: {  	[sflag:s13] =	ssyncadd.s32 $0xFFFF9C00  }
0x516: {  	[tilespmem:s14], [sflag:$0x2] =	stream.linear.gather [hbm4b:s29+s2], $0x6400, $0x38;
	[tilespmem:$0x1F400] =	vst v63  }
0x517: {  	_ =	swait.ge [sflag:s10], $0x6400  }
0x518: {  	s30 =	sld [smem:$0x7D5]  }
0x519: {  	[sflag:s10] =	ssyncset.done $0x0  }
0x51a: {  	[sflag:s10] =	ssyncadd.s32 $0xFFFF9C00  }
0x51b: {  	[tilespmem:s11], [sflag:$0x3] =	stream.linear.gather [hbm4b:s30+s2], $0x6400, $0x38;
	[tilespmem:$0x1F400] =	vst v63  }
0x51c: {  	_ =	swait.ge [sflag:s8], $0x6400  }
0x51d: {  	s31 =	sld [smem:$0x7D6]  }
0x51e: {  	[sflag:s8] =	ssyncset.done $0x0  }
0x51f: {  	[sflag:s8] =	ssyncadd.s32 $0xFFFF9C00  }
0x520: {  	[tilespmem:s7], [sflag:$0x4] =	stream.linear.gather [hbm4b:s31+s2], $0x6400, $0x38;
	[tilespmem:$0x1F400] =	vst v63  }
0x521: {  	_ =	swait.ge [sflag:s21], $0x6400  }
0x522: {  	s1 =	sld [smem:$0x7D7]  }
0x523: {  	[sflag:s21] =	ssyncset.done $0x0  }
0x524: {  	[sflag:s21] =	ssyncadd.s32 $0xFFFF9C00  }
0x525: {  	[hbm4b:s1+s2] =	stream.linear.scatter [tilespmem:s2], [sflag:$0x7], $0x6400, $0x38;
	[tilespmem:$0x1F400] =	vst v63  }
0x526: {  	_ =	swait.ge [sflag:s19], $0x6400  }
0x527: {  	s29 =	sld [smem:$0x7D8]  }
0x528: {  	[sflag:s19] =	ssyncset.done $0x0  }
0x529: {  	[sflag:s19] =	ssyncadd.s32 $0xFFFF9C00  }
0x52a: {  	[hbm4b:s29+s2] =	stream.linear.scatter [tilespmem:s14], [sflag:$0x8], $0x6400, $0x38;
	[tilespmem:$0x1F400] =	vst v63  }
0x52b: {  	_ =	swait.ge [sflag:s16], $0x6400  }
0x52c: {  	s30 =	sld [smem:$0x7D9]  }
0x52d: {  	[sflag:s16] =	ssyncset.done $0x0  }
0x52e: {  	[sflag:s16] =	ssyncadd.s32 $0xFFFF9C00  }
0x52f: {  	[hbm4b:s30+s2] =	stream.linear.scatter [tilespmem:s11], [sflag:$0x9], $0x6400, $0x38;
	[tilespmem:$0x1F400] =	vst v63  }
0x530: {  	_ =	swait.ge [sflag:s17], $0x6400  }
0x531: {  	s31 =	sld [smem:$0x7DA]  }
0x532: {  	[sflag:s17] =	ssyncset.done $0x0  }
0x533: {  	[sflag:s17] =	ssyncadd.s32 $0xFFFF9C00  }
0x534: {  	[hbm4b:s31+s2] =	stream.linear.scatter [tilespmem:s7], [sflag:$0xA], $0x6400, $0x38;
	[tilespmem:$0x1F400] =	vst v63  }
0x535: {  	_ =	swait.ge [sflag:s15], $0x6400  }
0x536: {  	s1 =	sld [smem:$0x7DB]  }
0x537: {  	[sflag:s15] =	ssyncset.done $0x0  }
0x538: {  	[sflag:s15] =	ssyncadd.s32 $0xFFFF9C00  }
0x539: {  	[tilespmem:s2], [sflag:$0x1] =	stream.linear.gather [hbm4b:s1+s2], $0x6400, $0x38;
	[tilespmem:$0x1F400] =	vst v63  }
0x53a: {  	_ =	swait.ge [sflag:s13], $0x6400  }
0x53b: {  	s29 =	sld [smem:$0x7DC]  }
0x53c: {  	[sflag:s13] =	ssyncset.done $0x0  }
0x53d: {  	[sflag:s13] =	ssyncadd.s32 $0xFFFF9C00  }
0x53e: {  	[tilespmem:s14], [sflag:$0x2] =	stream.linear.gather [hbm4b:s29+s2], $0x6400, $0x38;
	[tilespmem:$0x1F400] =	vst v63  }
0x53f: {  	_ =	swait.ge [sflag:s10], $0x6400  }
0x540: {  	s30 =	sld [smem:$0x7DD]  }
0x541: {  	[sflag:s10] =	ssyncset.done $0x0  }
0x542: {  	[sflag:s10] =	ssyncadd.s32 $0xFFFF9C00  }
0x543: {  	[tilespmem:s11], [sflag:$0x3] =	stream.linear.gather [hbm4b:s30+s2], $0x6400, $0x38;
	[tilespmem:$0x1F400] =	vst v63  }
0x544: {  	_ =	swait.ge [sflag:s8], $0x6400  }
0x545: {  	s31 =	sld [smem:$0x7DE]  }
0x546: {  	[sflag:s8] =	ssyncset.done $0x0  }
0x547: {  	[sflag:s8] =	ssyncadd.s32 $0xFFFF9C00  }
0x548: {  	[tilespmem:s7], [sflag:$0x4] =	stream.linear.gather [hbm4b:s31+s2], $0x6400, $0x38;
	[tilespmem:$0x1F400] =	vst v63  }
0x549: {  	_ =	swait.ge [sflag:s21], $0x6400  }
0x54a: {  	s1 =	sld [smem:$0x7DF]  }
0x54b: {  	[sflag:s21] =	ssyncset.done $0x0  }
0x54c: {  	[sflag:s21] =	ssyncadd.s32 $0xFFFF9C00  }
0x54d: {  	[hbm4b:s1+s2] =	stream.linear.scatter [tilespmem:s2], [sflag:$0x7], $0x6400, $0x38;
	[tilespmem:$0x1F400] =	vst v63  }
0x54e: {  	_ =	swait.ge [sflag:s19], $0x6400  }
0x54f: {  	s29 =	sld [smem:$0x7E0]  }
0x550: {  	[sflag:s19] =	ssyncset.done $0x0  }
0x551: {  	[sflag:s19] =	ssyncadd.s32 $0xFFFF9C00  }
0x552: {  	[hbm4b:s29+s2] =	stream.linear.scatter [tilespmem:s14], [sflag:$0x8], $0x6400, $0x38;
	[tilespmem:$0x1F400] =	vst v63  }
0x553: {  	_ =	swait.ge [sflag:s16], $0x6400  }
0x554: {  	s30 =	sld [smem:$0x7E1]  }
0x555: {  	[sflag:s16] =	ssyncset.done $0x0  }
0x556: {  	[sflag:s16] =	ssyncadd.s32 $0xFFFF9C00  }
0x557: {  	[hbm4b:s30+s2] =	stream.linear.scatter [tilespmem:s11], [sflag:$0x9], $0x6400, $0x38;
	[tilespmem:$0x1F400] =	vst v63  }
0x558: {  	_ =	swait.ge [sflag:s17], $0x6400  }
0x559: {  	s31 =	sld [smem:$0x7E2]  }
0x55a: {  	[sflag:s17] =	ssyncset.done $0x0  }
0x55b: {  	[sflag:s17] =	ssyncadd.s32 $0xFFFF9C00  }
0x55c: {  	[hbm4b:s31+s2] =	stream.linear.scatter [tilespmem:s7], [sflag:$0xA], $0x6400, $0x38;
	[tilespmem:$0x1F400] =	vst v63  }
0x55d: {  	_ =	swait.ge [sflag:s15], $0x6400  }
0x55e: {  	s1 =	sld [smem:$0x7E3]  }
0x55f: {  	[sflag:s15] =	ssyncset.done $0x0  }
0x560: {  	[sflag:s15] =	ssyncadd.s32 $0xFFFF9C00  }
0x561: {  	[tilespmem:s2], [sflag:$0x1] =	stream.linear.gather [hbm4b:s1+s2], $0x6400, $0x38;
	[tilespmem:$0x1F400] =	vst v63  }
0x562: {  	_ =	swait.ge [sflag:s13], $0x6400  }
0x563: {  	s29 =	sld [smem:$0x7E4]  }
0x564: {  	[sflag:s13] =	ssyncset.done $0x0  }
0x565: {  	[sflag:s13] =	ssyncadd.s32 $0xFFFF9C00  }
0x566: {  	[tilespmem:s14], [sflag:$0x2] =	stream.linear.gather [hbm4b:s29+s2], $0x6400, $0x38;
	[tilespmem:$0x1F400] =	vst v63  }
0x567: {  	_ =	swait.ge [sflag:s10], $0x6400  }
0x568: {  	s30 =	sld [smem:$0x7E5]  }
0x569: {  	[sflag:s10] =	ssyncset.done $0x0  }
0x56a: {  	[sflag:s10] =	ssyncadd.s32 $0xFFFF9C00  }
0x56b: {  	[tilespmem:s11], [sflag:$0x3] =	stream.linear.gather [hbm4b:s30+s2], $0x6400, $0x38;
	[tilespmem:$0x1F400] =	vst v63  }
0x56c: {  	_ =	swait.ge [sflag:s8], $0x6400  }
0x56d: {  	s31 =	sld [smem:$0x7E6]  }
0x56e: {  	[sflag:s8] =	ssyncset.done $0x0  }
0x56f: {  	[sflag:s8] =	ssyncadd.s32 $0xFFFF9C00  }
0x570: {  	[tilespmem:s7], [sflag:$0x4] =	stream.linear.gather [hbm4b:s31+s2], $0x6400, $0x38;
	[tilespmem:$0x1F400] =	vst v63  }
0x571: {  	_ =	swait.ge [sflag:s21], $0x6400  }
0x572: {  	s1 =	sld [smem:$0x7E7]  }
0x573: {  	[sflag:s21] =	ssyncset.done $0x0  }
0x574: {  	[sflag:s21] =	ssyncadd.s32 $0xFFFF9C00  }
0x575: {  	[hbm4b:s1+s2] =	stream.linear.scatter [tilespmem:s2], [sflag:$0x7], $0x6400, $0x38;
	[tilespmem:$0x1F400] =	vst v63  }
0x576: {  	_ =	swait.ge [sflag:s19], $0x6400  }
0x577: {  	s29 =	sld [smem:$0x7E8]  }
0x578: {  	[sflag:s19] =	ssyncset.done $0x0  }
0x579: {  	[sflag:s19] =	ssyncadd.s32 $0xFFFF9C00  }
0x57a: {  	[hbm4b:s29+s2] =	stream.linear.scatter [tilespmem:s14], [sflag:$0x8], $0x6400, $0x38;
	[tilespmem:$0x1F400] =	vst v63  }
0x57b: {  	_ =	swait.ge [sflag:s16], $0x6400  }
0x57c: {  	s30 =	sld [smem:$0x7E9]  }
0x57d: {  	[sflag:s16] =	ssyncset.done $0x0  }
0x57e: {  	[sflag:s16] =	ssyncadd.s32 $0xFFFF9C00  }
0x57f: {  	[hbm4b:s30+s2] =	stream.linear.scatter [tilespmem:s11], [sflag:$0x9], $0x6400, $0x38;
	[tilespmem:$0x1F400] =	vst v63  }
0x580: {  	_ =	swait.ge [sflag:s17], $0x6400  }
0x581: {  	s31 =	sld [smem:$0x7EA]  }
0x582: {  	[sflag:s17] =	ssyncset.done $0x0  }
0x583: {  	[sflag:s17] =	ssyncadd.s32 $0xFFFF9C00  }
0x584: {  	[hbm4b:s31+s2] =	stream.linear.scatter [tilespmem:s7], [sflag:$0xA], $0x6400, $0x38;
	[tilespmem:$0x1F400] =	vst v63  }
0x585: {  	_ =	swait.ge [sflag:s15], $0x6400  }
0x586: {  	s1 =	sld [smem:$0x7EB]  }
0x587: {  	[sflag:s15] =	ssyncset.done $0x0  }
0x588: {  	[sflag:s15] =	ssyncadd.s32 $0xFFFF9C00  }
0x589: {  	[tilespmem:s2], [sflag:$0x1] =	stream.linear.gather [hbm4b:s1+s2], $0x6400, $0x38;
	[tilespmem:$0x1F400] =	vst v63  }
0x58a: {  	_ =	swait.ge [sflag:s13], $0x6400  }
0x58b: {  	s29 =	sld [smem:$0x7EC]  }
0x58c: {  	[sflag:s13] =	ssyncset.done $0x0  }
0x58d: {  	[sflag:s13] =	ssyncadd.s32 $0xFFFF9C00  }
0x58e: {  	[tilespmem:s14], [sflag:$0x2] =	stream.linear.gather [hbm4b:s29+s2], $0x6400, $0x38;
	[tilespmem:$0x1F400] =	vst v63  }
0x58f: {  	_ =	swait.ge [sflag:s10], $0x6400  }
0x590: {  	s30 =	sld [smem:$0x7ED]  }
0x591: {  	[sflag:s10] =	ssyncset.done $0x0  }
0x592: {  	[sflag:s10] =	ssyncadd.s32 $0xFFFF9C00  }
0x593: {  	[tilespmem:s11], [sflag:$0x3] =	stream.linear.gather [hbm4b:s30+s2], $0x6400, $0x38;
	[tilespmem:$0x1F400] =	vst v63  }
0x594: {  	_ =	swait.ge [sflag:s8], $0x6400  }
0x595: {  	s31 =	sld [smem:$0x7EE]  }
0x596: {  	[sflag:s8] =	ssyncset.done $0x0  }
0x597: {  	[sflag:s8] =	ssyncadd.s32 $0xFFFF9C00  }
0x598: {  	[tilespmem:s7], [sflag:$0x4] =	stream.linear.gather [hbm4b:s31+s2], $0x6400, $0x38;
	[tilespmem:$0x1F400] =	vst v63  }
0x599: {  	_ =	swait.ge [sflag:s21], $0x6400  }
0x59a: {  	s1 =	sld [smem:$0x7EF]  }
0x59b: {  	[sflag:s21] =	ssyncset.done $0x0  }
0x59c: {  	[sflag:s21] =	ssyncadd.s32 $0xFFFF9C00  }
0x59d: {  	[hbm4b:s1+s2] =	stream.linear.scatter [tilespmem:s2], [sflag:$0x7], $0x6400, $0x38;
	[tilespmem:$0x1F400] =	vst v63  }
0x59e: {  	_ =	swait.ge [sflag:s19], $0x6400  }
0x59f: {  	s29 =	sld [smem:$0x7F0]  }
0x5a0: {  	[sflag:s19] =	ssyncset.done $0x0  }
0x5a1: {  	[sflag:s19] =	ssyncadd.s32 $0xFFFF9C00  }
0x5a2: {  	[hbm4b:s29+s2] =	stream.linear.scatter [tilespmem:s14], [sflag:$0x8], $0x6400, $0x38;
	[tilespmem:$0x1F400] =	vst v63  }
0x5a3: {  	_ =	swait.ge [sflag:s16], $0x6400  }
0x5a4: {  	s30 =	sld [smem:$0x7F1]  }
0x5a5: {  	[sflag:s16] =	ssyncset.done $0x0  }
0x5a6: {  	[sflag:s16] =	ssyncadd.s32 $0xFFFF9C00  }
0x5a7: {  	[hbm4b:s30+s2] =	stream.linear.scatter [tilespmem:s11], [sflag:$0x9], $0x6400, $0x38;
	[tilespmem:$0x1F400] =	vst v63  }
0x5a8: {  	_ =	swait.ge [sflag:s17], $0x6400  }
0x5a9: {  	s31 =	sld [smem:$0x7F2]  }
0x5aa: {  	[sflag:s17] =	ssyncset.done $0x0  }
0x5ab: {  	[sflag:s17] =	ssyncadd.s32 $0xFFFF9C00  }
0x5ac: {  	[hbm4b:s31+s2] =	stream.linear.scatter [tilespmem:s7], [sflag:$0xA], $0x6400, $0x38;
	[tilespmem:$0x1F400] =	vst v63  }
0x5ad: {  	_ =	swait.ge [sflag:s15], $0x6400  }
0x5ae: {  	s1 =	sld [smem:$0x7F3]  }
0x5af: {  	[sflag:s15] =	ssyncset.done $0x0  }
0x5b0: {  	[sflag:s15] =	ssyncadd.s32 $0xFFFF9C00  }
0x5b1: {  	[tilespmem:s2], [sflag:$0x1] =	stream.linear.gather [hbm4b:s1+s2], $0x6400, $0x38;
	[tilespmem:$0x1F400] =	vst v63  }
0x5b2: {  	_ =	swait.ge [sflag:s13], $0x6400  }
0x5b3: {  	s29 =	sld [smem:$0x7F4]  }
0x5b4: {  	[sflag:s13] =	ssyncset.done $0x0  }
0x5b5: {  	[sflag:s13] =	ssyncadd.s32 $0xFFFF9C00  }
0x5b6: {  	[tilespmem:s14], [sflag:$0x2] =	stream.linear.gather [hbm4b:s29+s2], $0x6400, $0x38;
	[tilespmem:$0x1F400] =	vst v63  }
0x5b7: {  	_ =	swait.ge [sflag:s10], $0x6400  }
0x5b8: {  	s30 =	sld [smem:$0x7F5]  }
0x5b9: {  	[sflag:s10] =	ssyncset.done $0x0  }
0x5ba: {  	[sflag:s10] =	ssyncadd.s32 $0xFFFF9C00  }
0x5bb: {  	[tilespmem:s11], [sflag:$0x3] =	stream.linear.gather [hbm4b:s30+s2], $0x6400, $0x38;
	[tilespmem:$0x1F400] =	vst v63  }
0x5bc: {  	_ =	swait.ge [sflag:s8], $0x6400  }
0x5bd: {  	s31 =	sld [smem:$0x7F6]  }
0x5be: {  	[sflag:s8] =	ssyncset.done $0x0  }
0x5bf: {  	[sflag:s8] =	ssyncadd.s32 $0xFFFF9C00  }
0x5c0: {  	[tilespmem:s7], [sflag:$0x4] =	stream.linear.gather [hbm4b:s31+s2], $0x6400, $0x38;
	[tilespmem:$0x1F400] =	vst v63  }
0x5c1: {  	_ =	swait.ge [sflag:s21], $0x6400  }
0x5c2: {  	s1 =	sld [smem:$0x7F7]  }
0x5c3: {  	[sflag:s21] =	ssyncset.done $0x0  }
0x5c4: {  	[sflag:s21] =	ssyncadd.s32 $0xFFFF9C00  }
0x5c5: {  	[hbm4b:s1+s2] =	stream.linear.scatter [tilespmem:s2], [sflag:$0x7], $0x6400, $0x38;
	[tilespmem:$0x1F400] =	vst v63  }
0x5c6: {  	_ =	swait.ge [sflag:s19], $0x6400  }
0x5c7: {  	s29 =	sld [smem:$0x7F8]  }
0x5c8: {  	[sflag:s19] =	ssyncset.done $0x0  }
0x5c9: {  	[sflag:s19] =	ssyncadd.s32 $0xFFFF9C00  }
0x5ca: {  	[hbm4b:s29+s2] =	stream.linear.scatter [tilespmem:s14], [sflag:$0x8], $0x6400, $0x38;
	[tilespmem:$0x1F400] =	vst v63  }
0x5cb: {  	_ =	swait.ge [sflag:s16], $0x6400  }
0x5cc: {  	s30 =	sld [smem:$0x7F9]  }
0x5cd: {  	[sflag:s16] =	ssyncset.done $0x0  }
0x5ce: {  	[sflag:s16] =	ssyncadd.s32 $0xFFFF9C00  }
0x5cf: {  	[hbm4b:s30+s2] =	stream.linear.scatter [tilespmem:s11], [sflag:$0x9], $0x6400, $0x38;
	[tilespmem:$0x1F400] =	vst v63  }
0x5d0: {  	_ =	swait.ge [sflag:s17], $0x6400  }
0x5d1: {  	s31 =	sld [smem:$0x7FA]  }
0x5d2: {  	[sflag:s17] =	ssyncset.done $0x0  }
0x5d3: {  	[sflag:s17] =	ssyncadd.s32 $0xFFFF9C00  }
0x5d4: {  	[hbm4b:s31+s2] =	stream.linear.scatter [tilespmem:s7], [sflag:$0xA], $0x6400, $0x38;
	[tilespmem:$0x1F400] =	vst v63  }
0x5d5: {  	_ =	swait.ge [sflag:s15], $0x6400  }
0x5d6: {  	s1 =	sld [smem:$0x7FB]  }
0x5d7: {  	[sflag:s15] =	ssyncset.done $0x0  }
0x5d8: {  	[sflag:s15] =	ssyncadd.s32 $0xFFFF9C00  }
0x5d9: {  	[tilespmem:s2], [sflag:$0x1] =	stream.linear.gather [hbm4b:s1+s2], $0x6400, $0x38;
	[tilespmem:$0x1F400] =	vst v63  }
0x5da: {  	_ =	swait.ge [sflag:s13], $0x6400  }
0x5db: {  	s29 =	sld [smem:$0x7FC]  }
0x5dc: {  	[sflag:s13] =	ssyncset.done $0x0  }
0x5dd: {  	[sflag:s13] =	ssyncadd.s32 $0xFFFF9C00  }
0x5de: {  	[tilespmem:s14], [sflag:$0x2] =	stream.linear.gather [hbm4b:s29+s2], $0x6400, $0x38;
	[tilespmem:$0x1F400] =	vst v63  }
0x5df: {  	_ =	swait.ge [sflag:s10], $0x6400  }
0x5e0: {  	s30 =	sld [smem:$0x7FD]  }
0x5e1: {  	[sflag:s10] =	ssyncset.done $0x0  }
0x5e2: {  	[sflag:s10] =	ssyncadd.s32 $0xFFFF9C00  }
0x5e3: {  	[tilespmem:s11], [sflag:$0x3] =	stream.linear.gather [hbm4b:s30+s2], $0x6400, $0x38;
	[tilespmem:$0x1F400] =	vst v63  }
0x5e4: {  	_ =	swait.ge [sflag:s8], $0x6400  }
0x5e5: {  	[sflag:s8] =	ssyncset.done $0x0  }
0x5e6: {  	[sflag:s8] =	ssyncadd.s32 $0xFFFF9C00  }
0x5e7: {  	[tilespmem:s7], [sflag:$0x4] =	stream.linear.gather [hbm4b:s28+s2], $0x6400, $0x38;
	[tilespmem:$0x1F400] =	vst v63  }
0x5e8: {  	_ =	swait.ge [sflag:s21], $0x6400  }
0x5e9: {  	[sflag:s21] =	ssyncset.done $0x0  }
0x5ea: {  	[sflag:s21] =	ssyncadd.s32 $0xFFFF9C00  }
0x5eb: {  	[hbm4b:s26+s2] =	stream.linear.scatter [tilespmem:s2], [sflag:$0x7], $0x6400, $0x38;
	[tilespmem:$0x1F400] =	vst v63  }
0x5ec: {  	_ =	swait.ge [sflag:s19], $0x6400  }
0x5ed: {  	[sflag:s19] =	ssyncset.done $0x0  }
0x5ee: {  	[sflag:s19] =	ssyncadd.s32 $0xFFFF9C00  }
0x5ef: {  	[hbm4b:s25+s2] =	stream.linear.scatter [tilespmem:s14], [sflag:$0x8], $0x6400, $0x38;
	[tilespmem:$0x1F400] =	vst v63  }
0x5f0: {  	_ =	swait.ge [sflag:s16], $0x6400  }
0x5f1: {  	[sflag:s16] =	ssyncset.done $0x0  }
0x5f2: {  	[sflag:s16] =	ssyncadd.s32 $0xFFFF9C00  }
0x5f3: {  	[hbm4b:s24+s2] =	stream.linear.scatter [tilespmem:s11], [sflag:$0x9], $0x6400, $0x38;
	[tilespmem:$0x1F400] =	vst v63  }
0x5f4: {  	_ =	swait.ge [sflag:s17], $0x6400  }
0x5f5: {  	[sflag:s17] =	ssyncset.done $0x0  }
0x5f6: {  	[sflag:s17] =	ssyncadd.s32 $0xFFFF9C00  }
0x5f7: {  	[hbm4b:s23+s2] =	stream.linear.scatter [tilespmem:s7], [sflag:$0xA], $0x6400, $0x38;
	[tilespmem:$0x1F400] =	vst v63  }
0x5f8: {  	_ =	swait.ge [sflag:s15], $0x6400  }
0x5f9: {  	[sflag:s15] =	ssyncset.done $0x0  }
0x5fa: {  	[sflag:s15] =	ssyncadd.s32 $0xFFFF9C00  }
0x5fb: {  	[tilespmem:s2], [sflag:$0x1] =	stream.linear.gather [hbm4b:s22+s2], $0x6400, $0x38;
	[tilespmem:$0x1F400] =	vst v63  }
0x5fc: {  	_ =	swait.ge [sflag:s13], $0x6400  }
0x5fd: {  	[sflag:s13] =	ssyncset.done $0x0  }
0x5fe: {  	[sflag:s13] =	ssyncadd.s32 $0xFFFF9C00  }
0x5ff: {  	[tilespmem:s14], [sflag:$0x2] =	stream.linear.gather [hbm4b:s20+s2], $0x6400, $0x38;
	[tilespmem:$0x1F400] =	vst v63  }
0x600: {  	_ =	swait.ge [sflag:s10], $0x6400  }
0x601: {  	[sflag:s10] =	ssyncset.done $0x0  }
0x602: {  	[sflag:s10] =	ssyncadd.s32 $0xFFFF9C00  }
0x603: {  	[tilespmem:s11], [sflag:$0x3] =	stream.linear.gather [hbm4b:s18+s2], $0x6400, $0x38;
	[tilespmem:$0x1F400] =	vst v63  }
0x604: {  	_ =	swait.ge [sflag:s8], $0x6400  }
0x605: {  	[sflag:s8] =	ssyncset.done $0x0  }
0x606: {  	[sflag:s8] =	ssyncadd.s32 $0xFFFF9C00  }
0x607: {  	[tilespmem:s7], [sflag:$0x4] =	stream.linear.gather [hbm4b:s3+s2], $0x6400, $0x38;
	[tilespmem:$0x1F400] =	vst v63  }
0x608: {  	_ =	swait.ge [sflag:s21], $0x6400  }
0x609: {  	[sflag:s21] =	ssyncset.done $0x0  }
0x60a: {  	[sflag:s21] =	ssyncadd.s32 $0xFFFF9C00  }
0x60b: {  	[hbm4b:s12+s2] =	stream.linear.scatter [tilespmem:s2], [sflag:$0x7], $0x6400, $0x38;
	[tilespmem:$0x1F400] =	vst v63  }
0x60c: {  	_ =	swait.ge [sflag:s19], $0x6400  }
0x60d: {  	[sflag:s19] =	ssyncset.done $0x0  }
0x60e: {  	[sflag:s19] =	ssyncadd.s32 $0xFFFF9C00  }
0x60f: {  	[hbm4b:s9+s2] =	stream.linear.scatter [tilespmem:s14], [sflag:$0x8], $0x6400, $0x38;
	[tilespmem:$0x1F400] =	vst v63  }
0x610: {  	_ =	swait.ge [sflag:s16], $0x6400  }
0x611: {  	[sflag:s16] =	ssyncset.done $0x0  }
0x612: {  	[sflag:s16] =	ssyncadd.s32 $0xFFFF9C00  }
0x613: {  	[hbm4b:s6+s2] =	stream.linear.scatter [tilespmem:s11], [sflag:$0x9], $0x6400, $0x38;
	[tilespmem:$0x1F400] =	vst v63  }
0x614: {  	_ =	swait.ge [sflag:s17], $0x6400  }
0x615: {  	[sflag:s17] =	ssyncset.done $0x0  }
0x616: {  	[sflag:s17] =	ssyncadd.s32 $0xFFFF9C00  }
0x617: {  	[hbm4b:s5+s2] =	stream.linear.scatter [tilespmem:s7], [sflag:$0xA], $0x6400, $0x38;
	[tilespmem:$0x1F400] =	vst v63  }
0x618: {  	_ =	swait.ge [sflag:s15], $0x6400  }
0x619: {  	[sflag:s15] =	ssyncset.done $0x0  }
0x61a: {  	[sflag:s15] =	ssyncadd.s32 $0xFFFF9C00  }
0x61b: {  	_ =	swait.ge [sflag:s13], $0x6400  }
0x61c: {  	[sflag:s13] =	ssyncset.done $0x0  }
0x61d: {  	[sflag:s13] =	ssyncadd.s32 $0xFFFF9C00  }
0x61e: {  	_ =	swait.ge [sflag:s10], $0x6400  }
0x61f: {  	[sflag:s10] =	ssyncset.done $0x0  }
0x620: {  	[sflag:s10] =	ssyncadd.s32 $0xFFFF9C00  }
0x621: {  	_ =	swait.ge [sflag:s8], $0x6400  }
0x622: {  	[sflag:s8] =	ssyncset.done $0x0  }
0x623: {  	[sflag:s8] =	ssyncadd.s32 $0xFFFF9C00  }
0x624: {  	_ =	swait.ge [sflag:s4], $0x6400  }
0x625: {  	[sflag:s4] =	ssyncset.done $0x0  }
0x626: {  	[sflag:s4] =	ssyncadd.s32 $0xFFFF9C00  }
0x627: {  	_ =	swait.ge [sflag:s4], $0x6400  }
0x628: {  	[sflag:s4] =	ssyncset.done $0x0  }
0x629: {  	[sflag:s4] =	ssyncadd.s32 $0xFFFF9C00  }
0x62a: {  	_ =	swait.ge [sflag:s4], $0x6400  }
0x62b: {  	[sflag:s4] =	ssyncset.done $0x0  }
0x62c: {  	[sflag:s4] =	ssyncadd.s32 $0xFFFF9C00  }
0x62d: {  	_ =	swait.ge [sflag:s4], $0x6400  }
0x62e: {  	[sflag:s4] =	ssyncset.done $0x0  }
0x62f: {  	[sflag:s4] =	ssyncadd.s32 $0xFFFF9C00  }
0x630: {  	_ =	swait.ge [sflag:s4], $0x6400  }
0x631: {  	[sflag:s4] =	ssyncset.done $0x0  }
0x632: {  	[sflag:s4] =	ssyncadd.s32 $0xFFFF9C00  }
0x633: {  	_ =	swait.ge [sflag:s4], $0x6400  }
0x634: {  	[sflag:s4] =	ssyncset.done $0x0  }
0x635: {  	[sflag:s4] =	ssyncadd.s32 $0xFFFF9C00  }
0x636: {  	_ =	swait.ge [sflag:s4], $0x6400  }
0x637: {  	[sflag:s4] =	ssyncset.done $0x0  }
0x638: {  	[sflag:s4] =	ssyncadd.s32 $0xFFFF9C00  }
0x639: {  	_ =	swait.ge [sflag:s4], $0x6400  }
0x63a: {  	[sflag:s4] =	ssyncset.done $0x0  }
0x63b: {  	[sflag:s4] =	ssyncadd.s32 $0xFFFF9C00  }
0x63c: {  	_ =	sfence.sel $0x180000  }
0x63d: {  	[bflag:$0x0] =	sbarrier.arrive $0xFFFF  }
0x63e: {  	_ =	strace $0x90000047  }
0x63f: {  	s31 =	stileid.u32;
	[bflag:$0x2] =	sbarrier.arrive $0xFFFF  }
0x640: {  	p0 =	sne.s32 s31, $0x0;
	s0 =	rddreg [dreg:$0x2]  }
0x641: {  	s0 =	sadd.s32 @!p0 $0x100000, s0  }
0x642: {  	[sflag:s0] =	ssyncadd.tile.s32 @!p0 $0x1;
	_ =	shalt  }
.LBB2_2:
.Ltmp3:
0x643: {  	(pc) =	sbr.rel .LBB2_5-.Ltmp3, $2  }
0x644: {  	_ =	sdelay $0x2  }
0x645: {  	s31 =	sld [smem:$0x7BF];
	s29 =	simm.s32 $0x5  }
.Lfunc_end2:
_tile_overlayer_lowered:
.L_overlay_start_2:
0x646: {  	(tag) =	ssettag $0x2  }
0x647: {  	s0 =	rddreg [dreg:$0x0];
	s2 =	stileid.u32  }
0x648: {  	s1 =	rddreg [dreg:$0x1];
	p0 =	sne.s32 s2, $0x0  }
0x649: {  	s3 =	rddreg [dreg:$0x2];
	[bflag:$0x3] =	sbarrier.arrive $0xFFFF;
	s2 =	simm.s32 @!p0 $0x1C0B  }
0x64a: {  	[timem:s3], [sflag:s2] =	dma.local @!p0 [hbm:s0], s1  }
0x64b: {  	s0 =	simm.s32 @!p0 $0xB  }
0x64c: {  	_ =	swait.ge @!p0 [sflag:s0], s1  }
0x64d: {  	s1 =	ssub.s32 @!p0 $0x0, s1;
	[sflag:s0] =	ssyncset.done @!p0 $0x0  }
0x64e: {  	[sflag:s0] =	ssyncadd.s32 @!p0 s1  }
0x64f: {  	[bflag:$0x3] =	sbarrier.arrive $0xFFFF  }
0x650: {  	_ =	shalt  }

</sc_bundles>
